<compile_context>
chip_gen: v7x
topology: tpu7x:2x2x1
jax: 0.10.2.dev20260603
libtpu: 0.0.44.dev20260713+nightly
codegen_flags: <defaults>
</compile_context>

<pallas_src>
import jax
import jax.numpy as jnp
from jax import lax
from jax.experimental import pallas as pl
from jax.experimental.pallas import tpu as pltpu
from jax.experimental.pallas import tpu_sc as plsc

N = 10000
D = 256
E = 160000
NP = 10240
EP = 163840
NC, NS, LANES = 2, 16, 16
SENT = 20000
NW = NC * NS
WIN = NP // NW
CHN = EP // 1024
LISTN = 208
BIG = 1 << 30

_SC_MESH = plsc.VectorSubcoreMesh(
    core_axis_name="c", subcore_axis_name="s", num_cores=NC, num_subcores=NS)


def _bcast(vec, idx):
    return vec.at[jnp.full((LANES,), idx, jnp.int32)].get(
        mode="promise_in_bounds")


def _shuffle(vec, perm):
    return vec.at[perm].get(mode="promise_in_bounds")


def _lane_sum(vec):
    li = lax.iota(jnp.int32, LANES)
    t = vec
    for sh in (1, 2, 4, 8):
        t = t + _shuffle(t, li ^ sh)
    return t


def _lane_min(vec):
    li = lax.iota(jnp.int32, LANES)
    t = vec
    for sh in (1, 2, 4, 8):
        t = jnp.minimum(t, _shuffle(t, li ^ sh))
    return t



def _deg_body(dst_hbm, degb_hbm, didx_v, acc_v, ob_v):
    c = lax.axis_index("c")
    s = lax.axis_index("s")
    lo = (c * NS + s) * WIN
    li = lax.iota(jnp.int32, LANES)
    zero16 = jnp.zeros((LANES,), jnp.float32)

    def zacc(i, _):
        acc_v[pl.ds(i * LANES, LANES)] = zero16
        return 0
    lax.fori_loop(0, WIN // LANES, zacc, 0)

    def chunk(ch, _):
        pltpu.sync_copy(dst_hbm.at[ch], didx_v)

        def sub(g, _):
            vds, ms = [], []
            for q in range(4):
                vd = didx_v[g // 2, pl.ds((g % 2) * 64 + q * LANES, LANES)]
                vl = vd - lo
                vds.append(vl)
                ms.append((vl >= 0) & (vl < WIN))
            tot = (jnp.where(ms[0], 1, 0) + jnp.where(ms[1], 1, 0)
                   + jnp.where(ms[2], 1, 0) + jnp.where(ms[3], 1, 0))
            n = _lane_sum(tot)[0]

            @pl.when(n > 0)
            def _():
                encs = [jnp.where(ms[q], (vds[q] * 4 + q) * LANES + li, BIG)
                        for q in range(4)]

                def one(t, encs):
                    e0, e1, e2, e3 = encs
                    mn = _lane_min(jnp.minimum(jnp.minimum(e0, e1),
                                               jnp.minimum(e2, e3)))
                    dle = mn[0] // (4 * LANES)
                    base = (dle // LANES) * LANES
                    oh = jnp.where(li == jnp.full((LANES,), dle % LANES,
                                                  jnp.int32), 1.0, 0.0)
                    acc_v[pl.ds(base, LANES)] = acc_v[pl.ds(base, LANES)] + oh
                    return tuple(jnp.where(e == mn, BIG, e)
                                 for e in (e0, e1, e2, e3))
                lax.fori_loop(0, n, one, tuple(encs))
            return 0
        lax.fori_loop(0, 16, sub, 0)
        return 0
    lax.fori_loop(0, CHN, chunk, 0)

    def obuild(g, _):
        def orow(r, _):
            rr = g * 32 + r
            cv = acc_v[pl.ds((rr // LANES) * LANES, LANES)]
            sel = jnp.where(li == jnp.full((LANES,), rr % LANES, jnp.int32),
                            cv, 0.0)
            bc = _lane_sum(sel)

            def ocol(k, _):
                ob_v[r, pl.ds(k * LANES, LANES)] = bc
                return 0
            lax.fori_loop(0, D // LANES, ocol, 0)
            return 0
        lax.fori_loop(0, 32, orow, 0)
        pltpu.sync_copy(ob_v, degb_hbm.at[pl.ds(lo + g * 32, 32)])
        return 0
    lax.fori_loop(0, WIN // 32, obuild, 0)


_deg_call = pl.kernel(
    _deg_body,
    out_type=jax.ShapeDtypeStruct((NP, D), jnp.float32),
    mesh=_SC_MESH,
    scratch_types=[
        pltpu.VMEM((8, 128), jnp.int32),
        pltpu.VMEM((WIN,), jnp.float32),
        pltpu.VMEM((32, D), jnp.float32),
    ],
)


def _mm_body(x_ref, w_ref, degb_ref, hp_ref, disb_ref):
    deg = degb_ref[:, 0:1] + 1.0
    dis = lax.rsqrt(deg)
    h = jnp.dot(x_ref[...], w_ref[...], preferred_element_type=jnp.float32)
    hp_ref[...] = h * dis
    disb_ref[...] = jnp.broadcast_to(dis, (256, 256))


_mm_call = pl.pallas_call(
    _mm_body,
    grid=(NP // 256,),
    in_specs=[
        pl.BlockSpec((256, D), lambda i: (i, 0)),
        pl.BlockSpec((D, D), lambda i: (0, 0)),
        pl.BlockSpec((256, D), lambda i: (i, 0)),
    ],
    out_specs=[
        pl.BlockSpec((256, D), lambda i: (i, 0)),
        pl.BlockSpec((256, D), lambda i: (i, 0)),
    ],
    out_shape=[
        jax.ShapeDtypeStruct((NP, D), jnp.float32),
        jax.ShapeDtypeStruct((NP, D), jnp.float32),
    ],
)


def _scat_body(hp_hbm, src_hbm, dst_hbm, agg_hbm,
               sidx_v, didx_v, slist_v, dlist_v, rows_v, acc_v, sem):
    c = lax.axis_index("c")
    s = lax.axis_index("s")
    lo = (c * NS + s) * WIN
    li = lax.iota(jnp.int32, LANES)
    zero16 = jnp.zeros((LANES,), jnp.float32)

    def zacc(i, _):
        acc_v[i // (D // LANES),
              pl.ds((i % (D // LANES)) * LANES, LANES)] = zero16
        return 0
    lax.fori_loop(0, WIN * (D // LANES), zacc, 0)

    def zlist(i, _):
        slist_v[pl.ds(i * LANES, LANES)] = jnp.zeros((LANES,), jnp.int32)
        return 0
    lax.fori_loop(0, LISTN // LANES, zlist, 0)

    def accum(cnt):
        pltpu.async_copy(hp_hbm.at[slist_v.at[pl.ds(0, 128)]], rows_v,
                         sem).wait()

        def upd(e, _):
            dle = dlist_v[pl.ds(e, LANES)][0]
            for k in range(D // LANES):
                sl = pl.ds(k * LANES, LANES)
                acc_v[dle, sl] = acc_v[dle, sl] + rows_v[e, sl]
            return 0
        lax.fori_loop(0, cnt, upd, 0)

    def chunk(ch, p):
        pltpu.sync_copy(src_hbm.at[ch], sidx_v)
        pltpu.sync_copy(dst_hbm.at[ch], didx_v)

        def sub(g, p):
            vss, vds, ms = [], [], []
            for q in range(4):
                sl = pl.ds((g % 2) * 64 + q * LANES, LANES)
                vds.append(didx_v[g // 2, sl] - lo)
                vss.append(sidx_v[g // 2, sl])
                ms.append((vds[q] >= 0) & (vds[q] < WIN))
            tot = (jnp.where(ms[0], 1, 0) + jnp.where(ms[1], 1, 0)
                   + jnp.where(ms[2], 1, 0) + jnp.where(ms[3], 1, 0))
            n = _lane_sum(tot)[0]

            def matched(p):
                encs = [jnp.where(ms[q],
                                  ((vss[q] * 512 + vds[q]) * 4 + q) * LANES
                                  + li, BIG)
                        for q in range(4)]

                def one(t, carry):
                    pp, e0, e1, e2, e3 = carry
                    mn = _lane_min(jnp.minimum(jnp.minimum(e0, e1),
                                               jnp.minimum(e2, e3)))
                    v0 = mn[0] // (4 * LANES)
                    sv = v0 // 512
                    dl = v0 % 512
                    slist_v[pl.ds(pp, LANES)] = jnp.full((LANES,), sv,
                                                         jnp.int32)
                    dlist_v[pl.ds(pp, LANES)] = jnp.full((LANES,), dl,
                                                         jnp.int32)
                    return (pp + 1,) + tuple(jnp.where(e == mn, BIG, e)
                                             for e in (e0, e1, e2, e3))
                out = lax.fori_loop(0, n, one, (p,) + tuple(encs))
                return out[0]

            p = lax.cond(n > 0, matched, lambda q: q, p)

            def fire(q):
                accum(128)
                for t in range(4):
                    sv = slist_v[pl.ds(128 + t * LANES, LANES)]
                    dv = dlist_v[pl.ds(128 + t * LANES, LANES)]
                    slist_v[pl.ds(t * LANES, LANES)] = sv
                    dlist_v[pl.ds(t * LANES, LANES)] = dv
                return q - 128

            return lax.cond(p >= 128, fire, lambda q: q, p)
        return lax.fori_loop(0, 16, sub, p)
    p = lax.fori_loop(0, CHN, chunk, 0)
    accum(p)

    def drain(g, _):
        pltpu.sync_copy(acc_v.at[pl.ds(g * 32, 32)],
                        agg_hbm.at[pl.ds(lo + g * 32, 32)])
        return 0
    lax.fori_loop(0, WIN // 32, drain, 0)


_scat_call = pl.kernel(
    _scat_body,
    out_type=jax.ShapeDtypeStruct((NP, D), jnp.float32),
    mesh=_SC_MESH,
    scratch_types=[
        pltpu.VMEM((8, 128), jnp.int32),
        pltpu.VMEM((8, 128), jnp.int32),
        pltpu.VMEM((LISTN,), jnp.int32),
        pltpu.VMEM((LISTN,), jnp.int32),
        pltpu.VMEM((128, D), jnp.float32),
        pltpu.VMEM((WIN, D), jnp.float32),
        pltpu.SemaphoreType.DMA,
    ],
)


def _fin_body(agg_ref, hp_ref, disb_ref, b_ref, out_ref):
    out_ref[...] = (agg_ref[...] + hp_ref[...]) * disb_ref[...] + b_ref[...]


_fin_call = pl.pallas_call(
    _fin_body,
    grid=(NP // 256,),
    in_specs=[
        pl.BlockSpec((256, D), lambda i: (i, 0)),
        pl.BlockSpec((256, D), lambda i: (i, 0)),
        pl.BlockSpec((256, D), lambda i: (i, 0)),
        pl.BlockSpec((D,), lambda i: (0,)),
    ],
    out_specs=pl.BlockSpec((256, D), lambda i: (i, 0)),
    out_shape=jax.ShapeDtypeStruct((NP, D), jnp.float32),
)


def kernel(x, edge_index, W, b):
    src = edge_index[0].astype(jnp.int32)
    dst = edge_index[1].astype(jnp.int32)
    src_p = jnp.concatenate([src, jnp.zeros((EP - E,), jnp.int32)])
    dst_p = jnp.concatenate([dst, jnp.full((EP - E,), SENT, jnp.int32)])
    x_p = jnp.concatenate([x, jnp.zeros((NP - N, D), x.dtype)])

    degb = _deg_call(dst_p.reshape(CHN, 8, 128))
    hp, disb = _mm_call(x_p, W, degb)
    agg = _scat_call(hp,
                     src_p.reshape(CHN, 8, 128),
                     dst_p.reshape(CHN, 8, 128))
    out = _fin_call(agg, hp, disb, b)
    return out[:N], edge_index

# --- scband reference (transcript-rebuilt; emitter-appended) ---
"""Pipeline reference for scband-gcnlayer-35802847380151 (READ-ONLY COPY).

The authoritative reference and input builder live on the scoring server;
editing this copy changes nothing except your own understanding.
"""

import jax, jax.numpy as jnp
import numpy as np

N_NODES = 10000
N_EDGES = 160000
D_IN = 256
D_OUT = 256


def setup_inputs(seed: int = 0) -> dict:
    key = jax.random.key(seed)
    k1, k2, k3, k4 = jax.random.split(key, 4)
    x = jax.random.normal(k1, (N_NODES, D_IN), dtype=jnp.float32)
    edge_index = jax.random.randint(k2, (2, N_EDGES), 0, N_NODES, dtype=jnp.int64)
    # GCNConv learned parameters (glorot-style init for W, zeros for bias)
    limit = float(np.sqrt(6.0 / (D_IN + D_OUT)))
    W = jax.random.uniform(k3, (D_IN, D_OUT), dtype=jnp.float32, minval=-limit, maxval=limit)
    b = jnp.zeros((D_OUT,), dtype=jnp.float32)
    return {"x": x, "edge_index": edge_index, "W": W, "b": b}


def reference(x, edge_index, W, b):
    # Faithful GCNConv: add self-loops, symmetric normalization D^-1/2 (A+I) D^-1/2,
    # linear transform, message passing via scatter-add, then bias.
    N = x.shape[0]
    loop = jnp.arange(N, dtype=edge_index.dtype)
    src = jnp.concatenate([edge_index[0], loop])
    dst = jnp.concatenate([edge_index[1], loop])
    # degree computed on destination (col) nodes with unit edge weights
    ones = jnp.ones(src.shape[0], dtype=x.dtype)
    deg = jnp.zeros((N,), dtype=x.dtype).at[dst].add(ones)
    deg_inv_sqrt = jnp.where(deg > 0, deg ** -0.5, 0.0)
    norm = deg_inv_sqrt[src] * deg_inv_sqrt[dst]
    # linear transform first (default flow in GCNConv)
    h = x @ W
    # gather messages from source nodes, scale, scatter-add into destination nodes
    msg = h[src] * norm[:, None]
    out = jnp.zeros((N, W.shape[1]), dtype=x.dtype).at[dst].add(msg)
    out = out + b
    # original module returns Data(x=out, edge_index=edge_index); we return the tensors
    return out, edge_index

if __name__ == "__main__":
    import jax
    _d = setup_inputs()
    print(jax.jit(kernel)(*tuple(_d.values())))

</pallas_src>

<mosaic_0001>
#map = affine_map<(d0, d1) -> (0, 0, 0)>
#map1 = affine_map<(d0, d1) -> (0, 0)>
module attributes {stable_mosaic.version = 14 : i64} {
  func.func @_deg_body(%arg0: i32, %arg1: i32, %arg2: memref<160x8x128xi32, #tpu.memory_space<hbm>>, %arg3: memref<10240x256xf32, #tpu.memory_space<hbm>>, %arg4: memref<8x128xi32, #tpu.memory_space<vmem>>, %arg5: memref<320xf32, #tpu.memory_space<vmem>>, %arg6: memref<32x256xf32, #tpu.memory_space<vmem>>) attributes {dimension_semantics = [#tpu.dimension_semantics<core_parallel>, #tpu.dimension_semantics<subcore_parallel>], iteration_bounds = array<i64: 2, 16>, scalar_prefetch = 0 : i64, scratch_operands = 3 : i64, tpu.core_type = #tpu.core_type<sc_vector_subcore>, window_params = [{transform_indices = #map}, {transform_indices = #map1}]} {
    %mul3A = arith.constant 16 : i32
    %mul3A_0 = arith.muli %arg0, %mul3A : i32
    %add3A = arith.addi %mul3A_0, %arg1 : i32
    %mul3A_1 = arith.constant 320 : i32
    %mul3A_2 = arith.muli %add3A, %mul3A_1 : i32
    %iota3A = tpu.iota {dimensions = array<i32: 0>} : vector<16xi32>
    %broadcast_in_dim3A = arith.constant 0.000000e+00 : f32
    %broadcast_in_dim3A_3 = vector.broadcast %broadcast_in_dim3A : f32 to vector<16xf32>
    %scan3A = arith.constant 0 : i32
    %scan3A_4 = arith.constant 0 : i32
    %scan3A_5 = arith.constant 20 : i32
    %scan3A_6 = arith.addi %scan3A_4, %scan3A_5 : i32
    %scan3A_7 = arith.constant 1 : i32
    %scan3A_8 = scf.for %scan3A_24 = %scan3A_4 to %scan3A_6 step %scan3A_7 iter_args(%scan3A_25 = %scan3A) -> (i32)  : i32 {
      %mul3A_26 = arith.constant 16 : i32
      %mul3A_27 = arith.muli %scan3A_24, %mul3A_26 : i32
      %swap3A = arith.index_cast %mul3A_27 : i32 to index
      %swap3A_28 = tpu.vector_load %arg5[%swap3A] {strides = array<i32>} : memref<320xf32, #tpu.memory_space<vmem>>, vector<16xf32>,
      %swap3A_29 = vector.shape_cast %swap3A_28 : vector<16xf32> to vector<16xf32>
      %swap3A_30 = vector.shape_cast %broadcast_in_dim3A_3 : vector<16xf32> to vector<16xf32>
      tpu.vector_store %arg5[%swap3A], %swap3A_30 {strides = array<i32>} : memref<320xf32, #tpu.memory_space<vmem>>, vector<16xf32>,
      %scan3A_31 = arith.constant 0 : i32
      scf.yield %scan3A_31 : i32
    }
    %scan3A_9 = arith.constant 20 : i32
    %scan3A_10 = arith.constant 0 : i32
    %scan3A_11 = arith.constant 0 : i32
    %scan3A_12 = arith.constant 160 : i32
    %scan3A_13 = arith.addi %scan3A_11, %scan3A_12 : i32
    %scan3A_14 = arith.constant 1 : i32
    %scan3A_15 = scf.for %scan3A_24 = %scan3A_11 to %scan3A_13 step %scan3A_14 iter_args(%scan3A_25 = %scan3A_10) -> (i32)  : i32 {
      "tpu.region"() ({
        %run_scoped3A = tpu.sem_alloc : memref<!tpu.dma_semaphore, #tpu.memory_space<semaphore_mem>>
        %dma_start3A = arith.constant 0 : i32
        %dma_start3A_34 = arith.constant 0 : i32
        %dma_start3A_35 = tpu.memref_slice %arg2[%scan3A_24, %dma_start3A, %dma_start3A_34] : memref<160x8x128xi32, #tpu.memory_space<hbm>> -> memref<1x8x128xi32, #tpu.memory_space<hbm>>
        %dma_start3A_36 = tpu.memref_squeeze %dma_start3A_35 : memref<1x8x128xi32, #tpu.memory_space<hbm>> -> memref<8x128xi32, #tpu.memory_space<hbm>>
        %dma_start3A_37 = arith.constant 0 : i32
        %dma_start3A_38 = arith.constant 0 : i32
        %dma_start3A_39 = tpu.memref_slice %arg2[%scan3A_24, %dma_start3A_37, %dma_start3A_38] : memref<160x8x128xi32, #tpu.memory_space<hbm>> -> memref<1x8x128xi32, #tpu.memory_space<hbm>>
        %dma_start3A_40 = tpu.memref_squeeze %dma_start3A_39 : memref<1x8x128xi32, #tpu.memory_space<hbm>> -> memref<8x128xi32, #tpu.memory_space<hbm>>
        tpu.enqueue_dma source(%dma_start3A_40 : memref<8x128xi32, #tpu.memory_space<hbm>>) target(%arg4 : memref<8x128xi32, #tpu.memory_space<vmem>>) target_semaphore(%run_scoped3A : memref<!tpu.dma_semaphore, #tpu.memory_space<semaphore_mem>>)
        %dma_wait3A = arith.constant 0 : i32
        %dma_wait3A_41 = arith.constant 0 : i32
        %dma_wait3A_42 = tpu.memref_slice %arg2[%scan3A_24, %dma_wait3A, %dma_wait3A_41] : memref<160x8x128xi32, #tpu.memory_space<hbm>> -> memref<1x8x128xi32, #tpu.memory_space<hbm>>
        %dma_wait3A_43 = tpu.memref_squeeze %dma_wait3A_42 : memref<1x8x128xi32, #tpu.memory_space<hbm>> -> memref<8x128xi32, #tpu.memory_space<hbm>>
        %dma_wait3A_44 = arith.constant 0 : i32
        %dma_wait3A_45 = arith.constant 0 : i32
        %dma_wait3A_46 = tpu.memref_slice %arg2[%scan3A_24, %dma_wait3A_44, %dma_wait3A_45] : memref<160x8x128xi32, #tpu.memory_space<hbm>> -> memref<1x8x128xi32, #tpu.memory_space<hbm>>
        %dma_wait3A_47 = tpu.memref_squeeze %dma_wait3A_46 : memref<1x8x128xi32, #tpu.memory_space<hbm>> -> memref<8x128xi32, #tpu.memory_space<hbm>>
        tpu.wait_dma2 semaphore(%run_scoped3A : memref<!tpu.dma_semaphore, #tpu.memory_space<semaphore_mem>>) src(%dma_wait3A_47 : memref<8x128xi32, #tpu.memory_space<hbm>>) dst(%arg4 : memref<8x128xi32, #tpu.memory_space<vmem>>)
        tpu.yield
      }) : () -> ()
      %scan3A_26 = arith.constant 0 : i32
      %scan3A_27 = arith.constant 0 : i32
      %scan3A_28 = arith.constant 16 : i32
      %scan3A_29 = arith.addi %scan3A_27, %scan3A_28 : i32
      %scan3A_30 = arith.constant 1 : i32
      %scan3A_31 = scf.for %scan3A_34 = %scan3A_27 to %scan3A_29 step %scan3A_30 iter_args(%scan3A_35 = %scan3A_26) -> (i32)  : i32 {
        %jit3A = arith.constant 2 : i32
        %div3A = arith.divsi %scan3A_34, %jit3A : i32
        %sign3A = arith.constant 0 : i32
        %sign3A_36 = arith.cmpi sgt, %scan3A_34, %sign3A : i32
        %sign3A_37 = arith.extui %sign3A_36 : i1 to i32
        %sign3A_38 = arith.constant 0 : i32
        %sign3A_39 = arith.cmpi slt, %scan3A_34, %sign3A_38 : i32
        %sign3A_40 = arith.extui %sign3A_39 : i1 to i32
        %sign3A_41 = arith.subi %sign3A_37, %sign3A_40 : i32
        %sign3A_42 = arith.constant 0 : i32
        %sign3A_43 = arith.cmpi sgt, %jit3A, %sign3A_42 : i32
        %sign3A_44 = arith.extui %sign3A_43 : i1 to i32
        %sign3A_45 = arith.constant 0 : i32
        %sign3A_46 = arith.cmpi slt, %jit3A, %sign3A_45 : i32
        %sign3A_47 = arith.extui %sign3A_46 : i1 to i32
        %sign3A_48 = arith.subi %sign3A_44, %sign3A_47 : i32
        %ne3A = arith.cmpi ne, %sign3A_41, %sign3A_48 : i32
        %rem3A = arith.remsi %scan3A_34, %jit3A : i32
        %ne3A_49 = arith.constant 0 : i32
        %ne3A_50 = arith.cmpi ne, %rem3A, %ne3A_49 : i32
        %and3A = arith.andi %ne3A, %ne3A_50 : i1
        %sub3A = arith.constant 1 : i32
        %sub3A_51 = arith.subi %div3A, %sub3A : i32
        %select_n3A = arith.select %and3A, %sub3A_51, %div3A : i32
        %jit3A_52 = arith.constant 2 : i32
        %eq3A = arith.constant 0 : i32
        %eq3A_53 = arith.cmpi eq, %jit3A_52, %eq3A : i32
        %jit3A_54 = arith.constant 1 : i32
        %select_n3A_55 = arith.select %eq3A_53, %jit3A_54, %jit3A_52 : i32
        %rem3A_56 = arith.remsi %scan3A_34, %select_n3A_55 : i32
        %ne3A_57 = arith.constant 0 : i32
        %ne3A_58 = arith.cmpi ne, %rem3A_56, %ne3A_57 : i32
        %lt3A = arith.constant 0 : i32
        %lt3A_59 = arith.cmpi slt, %rem3A_56, %lt3A : i32
        %lt3A_60 = arith.constant 0 : i32
        %lt3A_61 = arith.cmpi slt, %select_n3A_55, %lt3A_60 : i32
        %ne3A_62 = arith.xori %lt3A_59, %lt3A_61 : i1
        %and3A_63 = arith.andi %ne3A_62, %ne3A_58 : i1
        %add3A_64 = arith.addi %rem3A_56, %select_n3A_55 : i32
        %select_n3A_65 = arith.select %and3A_63, %add3A_64, %rem3A_56 : i32
        %mul3A_66 = arith.constant 64 : i32
        %mul3A_67 = arith.muli %select_n3A_65, %mul3A_66 : i32
        %add3A_68 = arith.constant 0 : i32
        %add3A_69 = arith.addi %mul3A_67, %add3A_68 : i32
        %get3A = arith.index_cast %select_n3A : i32 to index
        %get3A_70 = arith.index_cast %add3A_69 : i32 to index
        %get3A_71 = tpu.vector_load %arg4[%get3A, %get3A_70] {strides = array<i32>} : memref<8x128xi32, #tpu.memory_space<vmem>>, vector<1x16xi32>,
        %get3A_72 = vector.shape_cast %get3A_71 : vector<1x16xi32> to vector<16xi32>
        %sub3A_73 = vector.broadcast %mul3A_2 : i32 to vector<16xi32>
        %sub3A_74 = arith.subi %get3A_72, %sub3A_73 : vector<16xi32>
        %ge3A = arith.constant 0 : i32
        %ge3A_75 = vector.broadcast %ge3A : i32 to vector<16xi32>
        %ge3A_76 = arith.cmpi sge, %sub3A_74, %ge3A_75 : vector<16xi32>
        %lt3A_77 = arith.constant 320 : i32
        %lt3A_78 = vector.broadcast %lt3A_77 : i32 to vector<16xi32>
        %lt3A_79 = arith.cmpi slt, %sub3A_74, %lt3A_78 : vector<16xi32>
        %and3A_80 = arith.andi %ge3A_76, %lt3A_79 : vector<16xi1>
        %jit3A_81 = arith.constant 2 : i32
        %div3A_82 = arith.divsi %scan3A_34, %jit3A_81 : i32
        %sign3A_83 = arith.constant 0 : i32
        %sign3A_84 = arith.cmpi sgt, %scan3A_34, %sign3A_83 : i32
        %sign3A_85 = arith.extui %sign3A_84 : i1 to i32
        %sign3A_86 = arith.constant 0 : i32
        %sign3A_87 = arith.cmpi slt, %scan3A_34, %sign3A_86 : i32
        %sign3A_88 = arith.extui %sign3A_87 : i1 to i32
        %sign3A_89 = arith.subi %sign3A_85, %sign3A_88 : i32
        %sign3A_90 = arith.constant 0 : i32
        %sign3A_91 = arith.cmpi sgt, %jit3A_81, %sign3A_90 : i32
        %sign3A_92 = arith.extui %sign3A_91 : i1 to i32
        %sign3A_93 = arith.constant 0 : i32
        %sign3A_94 = arith.cmpi slt, %jit3A_81, %sign3A_93 : i32
        %sign3A_95 = arith.extui %sign3A_94 : i1 to i32
        %sign3A_96 = arith.subi %sign3A_92, %sign3A_95 : i32
        %ne3A_97 = arith.cmpi ne, %sign3A_89, %sign3A_96 : i32
        %rem3A_98 = arith.remsi %scan3A_34, %jit3A_81 : i32
        %ne3A_99 = arith.constant 0 : i32
        %ne3A_100 = arith.cmpi ne, %rem3A_98, %ne3A_99 : i32
        %and3A_101 = arith.andi %ne3A_97, %ne3A_100 : i1
        %sub3A_102 = arith.constant 1 : i32
        %sub3A_103 = arith.subi %div3A_82, %sub3A_102 : i32
        %select_n3A_104 = arith.select %and3A_101, %sub3A_103, %div3A_82 : i32
        %jit3A_105 = arith.constant 2 : i32
        %eq3A_106 = arith.constant 0 : i32
        %eq3A_107 = arith.cmpi eq, %jit3A_105, %eq3A_106 : i32
        %jit3A_108 = arith.constant 1 : i32
        %select_n3A_109 = arith.select %eq3A_107, %jit3A_108, %jit3A_105 : i32
        %rem3A_110 = arith.remsi %scan3A_34, %select_n3A_109 : i32
        %ne3A_111 = arith.constant 0 : i32
        %ne3A_112 = arith.cmpi ne, %rem3A_110, %ne3A_111 : i32
        %lt3A_113 = arith.constant 0 : i32
        %lt3A_114 = arith.cmpi slt, %rem3A_110, %lt3A_113 : i32
        %lt3A_115 = arith.constant 0 : i32
        %lt3A_116 = arith.cmpi slt, %select_n3A_109, %lt3A_115 : i32
        %ne3A_117 = arith.xori %lt3A_114, %lt3A_116 : i1
        %and3A_118 = arith.andi %ne3A_117, %ne3A_112 : i1
        %add3A_119 = arith.addi %rem3A_110, %select_n3A_109 : i32
        %select_n3A_120 = arith.select %and3A_118, %add3A_119, %rem3A_110 : i32
        %mul3A_121 = arith.constant 64 : i32
        %mul3A_122 = arith.muli %select_n3A_120, %mul3A_121 : i32
        %add3A_123 = arith.constant 16 : i32
        %add3A_124 = arith.addi %mul3A_122, %add3A_123 : i32
        %get3A_125 = arith.index_cast %select_n3A_104 : i32 to index
        %get3A_126 = arith.index_cast %add3A_124 : i32 to index
        %get3A_127 = tpu.vector_load %arg4[%get3A_125, %get3A_126] {strides = array<i32>} : memref<8x128xi32, #tpu.memory_space<vmem>>, vector<1x16xi32>,
        %get3A_128 = vector.shape_cast %get3A_127 : vector<1x16xi32> to vector<16xi32>
        %sub3A_129 = vector.broadcast %mul3A_2 : i32 to vector<16xi32>
        %sub3A_130 = arith.subi %get3A_128, %sub3A_129 : vector<16xi32>
        %ge3A_131 = arith.constant 0 : i32
        %ge3A_132 = vector.broadcast %ge3A_131 : i32 to vector<16xi32>
        %ge3A_133 = arith.cmpi sge, %sub3A_130, %ge3A_132 : vector<16xi32>
        %lt3A_134 = arith.constant 320 : i32
        %lt3A_135 = vector.broadcast %lt3A_134 : i32 to vector<16xi32>
        %lt3A_136 = arith.cmpi slt, %sub3A_130, %lt3A_135 : vector<16xi32>
        %and3A_137 = arith.andi %ge3A_133, %lt3A_136 : vector<16xi1>
        %jit3A_138 = arith.constant 2 : i32
        %div3A_139 = arith.divsi %scan3A_34, %jit3A_138 : i32
        %sign3A_140 = arith.constant 0 : i32
        %sign3A_141 = arith.cmpi sgt, %scan3A_34, %sign3A_140 : i32
        %sign3A_142 = arith.extui %sign3A_141 : i1 to i32
        %sign3A_143 = arith.constant 0 : i32
        %sign3A_144 = arith.cmpi slt, %scan3A_34, %sign3A_143 : i32
        %sign3A_145 = arith.extui %sign3A_144 : i1 to i32
        %sign3A_146 = arith.subi %sign3A_142, %sign3A_145 : i32
        %sign3A_147 = arith.constant 0 : i32
        %sign3A_148 = arith.cmpi sgt, %jit3A_138, %sign3A_147 : i32
        %sign3A_149 = arith.extui %sign3A_148 : i1 to i32
        %sign3A_150 = arith.constant 0 : i32
        %sign3A_151 = arith.cmpi slt, %jit3A_138, %sign3A_150 : i32
        %sign3A_152 = arith.extui %sign3A_151 : i1 to i32
        %sign3A_153 = arith.subi %sign3A_149, %sign3A_152 : i32
        %ne3A_154 = arith.cmpi ne, %sign3A_146, %sign3A_153 : i32
        %rem3A_155 = arith.remsi %scan3A_34, %jit3A_138 : i32
        %ne3A_156 = arith.constant 0 : i32
        %ne3A_157 = arith.cmpi ne, %rem3A_155, %ne3A_156 : i32
        %and3A_158 = arith.andi %ne3A_154, %ne3A_157 : i1
        %sub3A_159 = arith.constant 1 : i32
        %sub3A_160 = arith.subi %div3A_139, %sub3A_159 : i32
        %select_n3A_161 = arith.select %and3A_158, %sub3A_160, %div3A_139 : i32
        %jit3A_162 = arith.constant 2 : i32
        %eq3A_163 = arith.constant 0 : i32
        %eq3A_164 = arith.cmpi eq, %jit3A_162, %eq3A_163 : i32
        %jit3A_165 = arith.constant 1 : i32
        %select_n3A_166 = arith.select %eq3A_164, %jit3A_165, %jit3A_162 : i32
        %rem3A_167 = arith.remsi %scan3A_34, %select_n3A_166 : i32
        %ne3A_168 = arith.constant 0 : i32
        %ne3A_169 = arith.cmpi ne, %rem3A_167, %ne3A_168 : i32
        %lt3A_170 = arith.constant 0 : i32
        %lt3A_171 = arith.cmpi slt, %rem3A_167, %lt3A_170 : i32
        %lt3A_172 = arith.constant 0 : i32
        %lt3A_173 = arith.cmpi slt, %select_n3A_166, %lt3A_172 : i32
        %ne3A_174 = arith.xori %lt3A_171, %lt3A_173 : i1
        %and3A_175 = arith.andi %ne3A_174, %ne3A_169 : i1
        %add3A_176 = arith.addi %rem3A_167, %select_n3A_166 : i32
        %select_n3A_177 = arith.select %and3A_175, %add3A_176, %rem3A_167 : i32
        %mul3A_178 = arith.constant 64 : i32
        %mul3A_179 = arith.muli %select_n3A_177, %mul3A_178 : i32
        %add3A_180 = arith.constant 32 : i32
        %add3A_181 = arith.addi %mul3A_179, %add3A_180 : i32
        %get3A_182 = arith.index_cast %select_n3A_161 : i32 to index
        %get3A_183 = arith.index_cast %add3A_181 : i32 to index
        %get3A_184 = tpu.vector_load %arg4[%get3A_182, %get3A_183] {strides = array<i32>} : memref<8x128xi32, #tpu.memory_space<vmem>>, vector<1x16xi32>,
        %get3A_185 = vector.shape_cast %get3A_184 : vector<1x16xi32> to vector<16xi32>
        %sub3A_186 = vector.broadcast %mul3A_2 : i32 to vector<16xi32>
        %sub3A_187 = arith.subi %get3A_185, %sub3A_186 : vector<16xi32>
        %ge3A_188 = arith.constant 0 : i32
        %ge3A_189 = vector.broadcast %ge3A_188 : i32 to vector<16xi32>
        %ge3A_190 = arith.cmpi sge, %sub3A_187, %ge3A_189 : vector<16xi32>
        %lt3A_191 = arith.constant 320 : i32
        %lt3A_192 = vector.broadcast %lt3A_191 : i32 to vector<16xi32>
        %lt3A_193 = arith.cmpi slt, %sub3A_187, %lt3A_192 : vector<16xi32>
        %and3A_194 = arith.andi %ge3A_190, %lt3A_193 : vector<16xi1>
        %jit3A_195 = arith.constant 2 : i32
        %div3A_196 = arith.divsi %scan3A_34, %jit3A_195 : i32
        %sign3A_197 = arith.constant 0 : i32
        %sign3A_198 = arith.cmpi sgt, %scan3A_34, %sign3A_197 : i32
        %sign3A_199 = arith.extui %sign3A_198 : i1 to i32
        %sign3A_200 = arith.constant 0 : i32
        %sign3A_201 = arith.cmpi slt, %scan3A_34, %sign3A_200 : i32
        %sign3A_202 = arith.extui %sign3A_201 : i1 to i32
        %sign3A_203 = arith.subi %sign3A_199, %sign3A_202 : i32
        %sign3A_204 = arith.constant 0 : i32
        %sign3A_205 = arith.cmpi sgt, %jit3A_195, %sign3A_204 : i32
        %sign3A_206 = arith.extui %sign3A_205 : i1 to i32
        %sign3A_207 = arith.constant 0 : i32
        %sign3A_208 = arith.cmpi slt, %jit3A_195, %sign3A_207 : i32
        %sign3A_209 = arith.extui %sign3A_208 : i1 to i32
        %sign3A_210 = arith.subi %sign3A_206, %sign3A_209 : i32
        %ne3A_211 = arith.cmpi ne, %sign3A_203, %sign3A_210 : i32
        %rem3A_212 = arith.remsi %scan3A_34, %jit3A_195 : i32
        %ne3A_213 = arith.constant 0 : i32
        %ne3A_214 = arith.cmpi ne, %rem3A_212, %ne3A_213 : i32
        %and3A_215 = arith.andi %ne3A_211, %ne3A_214 : i1
        %sub3A_216 = arith.constant 1 : i32
        %sub3A_217 = arith.subi %div3A_196, %sub3A_216 : i32
        %select_n3A_218 = arith.select %and3A_215, %sub3A_217, %div3A_196 : i32
        %jit3A_219 = arith.constant 2 : i32
        %eq3A_220 = arith.constant 0 : i32
        %eq3A_221 = arith.cmpi eq, %jit3A_219, %eq3A_220 : i32
        %jit3A_222 = arith.constant 1 : i32
        %select_n3A_223 = arith.select %eq3A_221, %jit3A_222, %jit3A_219 : i32
        %rem3A_224 = arith.remsi %scan3A_34, %select_n3A_223 : i32
        %ne3A_225 = arith.constant 0 : i32
        %ne3A_226 = arith.cmpi ne, %rem3A_224, %ne3A_225 : i32
        %lt3A_227 = arith.constant 0 : i32
        %lt3A_228 = arith.cmpi slt, %rem3A_224, %lt3A_227 : i32
        %lt3A_229 = arith.constant 0 : i32
        %lt3A_230 = arith.cmpi slt, %select_n3A_223, %lt3A_229 : i32
        %ne3A_231 = arith.xori %lt3A_228, %lt3A_230 : i1
        %and3A_232 = arith.andi %ne3A_231, %ne3A_226 : i1
        %add3A_233 = arith.addi %rem3A_224, %select_n3A_223 : i32
        %select_n3A_234 = arith.select %and3A_232, %add3A_233, %rem3A_224 : i32
        %mul3A_235 = arith.constant 64 : i32
        %mul3A_236 = arith.muli %select_n3A_234, %mul3A_235 : i32
        %add3A_237 = arith.constant 48 : i32
        %add3A_238 = arith.addi %mul3A_236, %add3A_237 : i32
        %get3A_239 = arith.index_cast %select_n3A_218 : i32 to index
        %get3A_240 = arith.index_cast %add3A_238 : i32 to index
        %get3A_241 = tpu.vector_load %arg4[%get3A_239, %get3A_240] {strides = array<i32>} : memref<8x128xi32, #tpu.memory_space<vmem>>, vector<1x16xi32>,
        %get3A_242 = vector.shape_cast %get3A_241 : vector<1x16xi32> to vector<16xi32>
        %sub3A_243 = vector.broadcast %mul3A_2 : i32 to vector<16xi32>
        %sub3A_244 = arith.subi %get3A_242, %sub3A_243 : vector<16xi32>
        %ge3A_245 = arith.constant 0 : i32
        %ge3A_246 = vector.broadcast %ge3A_245 : i32 to vector<16xi32>
        %ge3A_247 = arith.cmpi sge, %sub3A_244, %ge3A_246 : vector<16xi32>
        %lt3A_248 = arith.constant 320 : i32
        %lt3A_249 = vector.broadcast %lt3A_248 : i32 to vector<16xi32>
        %lt3A_250 = arith.cmpi slt, %sub3A_244, %lt3A_249 : vector<16xi32>
        %and3A_251 = arith.andi %ge3A_247, %lt3A_250 : vector<16xi1>
        %jit3A_252 = arith.constant 1 : i32
        %jit3A_253 = arith.constant 0 : i32
        %broadcast_in_dim3A_254 = vector.broadcast %jit3A_252 : i32 to vector<16xi32>
        %broadcast_in_dim3A_255 = vector.broadcast %jit3A_253 : i32 to vector<16xi32>
        %select_n3A_256 = arith.select %and3A_80, %broadcast_in_dim3A_254, %broadcast_in_dim3A_255 : vector<16xi1>, vector<16xi32>
        %jit3A_257 = arith.constant 1 : i32
        %jit3A_258 = arith.constant 0 : i32
        %broadcast_in_dim3A_259 = vector.broadcast %jit3A_257 : i32 to vector<16xi32>
        %broadcast_in_dim3A_260 = vector.broadcast %jit3A_258 : i32 to vector<16xi32>
        %select_n3A_261 = arith.select %and3A_137, %broadcast_in_dim3A_259, %broadcast_in_dim3A_260 : vector<16xi1>, vector<16xi32>
        %add3A_262 = arith.addi %select_n3A_256, %select_n3A_261 : vector<16xi32>
        %jit3A_263 = arith.constant 1 : i32
        %jit3A_264 = arith.constant 0 : i32
        %broadcast_in_dim3A_265 = vector.broadcast %jit3A_263 : i32 to vector<16xi32>
        %broadcast_in_dim3A_266 = vector.broadcast %jit3A_264 : i32 to vector<16xi32>
        %select_n3A_267 = arith.select %and3A_194, %broadcast_in_dim3A_265, %broadcast_in_dim3A_266 : vector<16xi1>, vector<16xi32>
        %add3A_268 = arith.addi %add3A_262, %select_n3A_267 : vector<16xi32>
        %jit3A_269 = arith.constant 1 : i32
        %jit3A_270 = arith.constant 0 : i32
        %broadcast_in_dim3A_271 = vector.broadcast %jit3A_269 : i32 to vector<16xi32>
        %broadcast_in_dim3A_272 = vector.broadcast %jit3A_270 : i32 to vector<16xi32>
        %select_n3A_273 = arith.select %and3A_251, %broadcast_in_dim3A_271, %broadcast_in_dim3A_272 : vector<16xi1>, vector<16xi32>
        %add3A_274 = arith.addi %add3A_268, %select_n3A_273 : vector<16xi32>
        %iota3A_275 = tpu.iota {dimensions = array<i32: 0>} : vector<16xi32>
        %xor3A = arith.constant 1 : i32
        %xor3A_276 = vector.broadcast %xor3A : i32 to vector<16xi32>
        %xor3A_277 = arith.xori %iota3A_275, %xor3A_276 : vector<16xi32>
        %lt3A_278 = arith.constant 0 : i32
        %lt3A_279 = vector.broadcast %lt3A_278 : i32 to vector<16xi32>
        %lt3A_280 = arith.cmpi slt, %xor3A_277, %lt3A_279 : vector<16xi32>
        %add3A_281 = arith.constant 16 : i32
        %add3A_282 = vector.broadcast %add3A_281 : i32 to vector<16xi32>
        %add3A_283 = arith.addi %xor3A_277, %add3A_282 : vector<16xi32>
        %select_n3A_284 = arith.select %lt3A_280, %add3A_283, %xor3A_277 : vector<16xi1>, vector<16xi32>
        %broadcast_in_dim3A_285 = vector.shape_cast %select_n3A_284 : vector<16xi32> to vector<16x1xi32>
        %gather3A = vector.shape_cast %broadcast_in_dim3A_285 : vector<16x1xi32> to vector<16xi32>
        %gather3A_286 = tpu.dynamic_gather %add3A_274[%gather3A] in [0] : vector<16xi32>, vector<16xi32> -> vector<16xi32>
        %add3A_287 = arith.addi %add3A_274, %gather3A_286 : vector<16xi32>
        %xor3A_288 = arith.constant 2 : i32
        %xor3A_289 = vector.broadcast %xor3A_288 : i32 to vector<16xi32>
        %xor3A_290 = arith.xori %iota3A_275, %xor3A_289 : vector<16xi32>
        %lt3A_291 = arith.constant 0 : i32
        %lt3A_292 = vector.broadcast %lt3A_291 : i32 to vector<16xi32>
        %lt3A_293 = arith.cmpi slt, %xor3A_290, %lt3A_292 : vector<16xi32>
        %add3A_294 = arith.constant 16 : i32
        %add3A_295 = vector.broadcast %add3A_294 : i32 to vector<16xi32>
        %add3A_296 = arith.addi %xor3A_290, %add3A_295 : vector<16xi32>
        %select_n3A_297 = arith.select %lt3A_293, %add3A_296, %xor3A_290 : vector<16xi1>, vector<16xi32>
        %broadcast_in_dim3A_298 = vector.shape_cast %select_n3A_297 : vector<16xi32> to vector<16x1xi32>
        %gather3A_299 = vector.shape_cast %broadcast_in_dim3A_298 : vector<16x1xi32> to vector<16xi32>
        %gather3A_300 = tpu.dynamic_gather %add3A_287[%gather3A_299] in [0] : vector<16xi32>, vector<16xi32> -> vector<16xi32>
        %add3A_301 = arith.addi %add3A_287, %gather3A_300 : vector<16xi32>
        %xor3A_302 = arith.constant 4 : i32
        %xor3A_303 = vector.broadcast %xor3A_302 : i32 to vector<16xi32>
        %xor3A_304 = arith.xori %iota3A_275, %xor3A_303 : vector<16xi32>
        %lt3A_305 = arith.constant 0 : i32
        %lt3A_306 = vector.broadcast %lt3A_305 : i32 to vector<16xi32>
        %lt3A_307 = arith.cmpi slt, %xor3A_304, %lt3A_306 : vector<16xi32>
        %add3A_308 = arith.constant 16 : i32
        %add3A_309 = vector.broadcast %add3A_308 : i32 to vector<16xi32>
        %add3A_310 = arith.addi %xor3A_304, %add3A_309 : vector<16xi32>
        %select_n3A_311 = arith.select %lt3A_307, %add3A_310, %xor3A_304 : vector<16xi1>, vector<16xi32>
        %broadcast_in_dim3A_312 = vector.shape_cast %select_n3A_311 : vector<16xi32> to vector<16x1xi32>
        %gather3A_313 = vector.shape_cast %broadcast_in_dim3A_312 : vector<16x1xi32> to vector<16xi32>
        %gather3A_314 = tpu.dynamic_gather %add3A_301[%gather3A_313] in [0] : vector<16xi32>, vector<16xi32> -> vector<16xi32>
        %add3A_315 = arith.addi %add3A_301, %gather3A_314 : vector<16xi32>
        %xor3A_316 = arith.constant 8 : i32
        %xor3A_317 = vector.broadcast %xor3A_316 : i32 to vector<16xi32>
        %xor3A_318 = arith.xori %iota3A_275, %xor3A_317 : vector<16xi32>
        %lt3A_319 = arith.constant 0 : i32
        %lt3A_320 = vector.broadcast %lt3A_319 : i32 to vector<16xi32>
        %lt3A_321 = arith.cmpi slt, %xor3A_318, %lt3A_320 : vector<16xi32>
        %add3A_322 = arith.constant 16 : i32
        %add3A_323 = vector.broadcast %add3A_322 : i32 to vector<16xi32>
        %add3A_324 = arith.addi %xor3A_318, %add3A_323 : vector<16xi32>
        %select_n3A_325 = arith.select %lt3A_321, %add3A_324, %xor3A_318 : vector<16xi1>, vector<16xi32>
        %broadcast_in_dim3A_326 = vector.shape_cast %select_n3A_325 : vector<16xi32> to vector<16x1xi32>
        %gather3A_327 = vector.shape_cast %broadcast_in_dim3A_326 : vector<16x1xi32> to vector<16xi32>
        %gather3A_328 = tpu.dynamic_gather %add3A_315[%gather3A_327] in [0] : vector<16xi32>, vector<16xi32> -> vector<16xi32>
        %add3A_329 = arith.addi %add3A_315, %gather3A_328 : vector<16xi32>
        %slice3A = vector.extract_strided_slice %add3A_329 {offsets = [0], sizes = [1], strides = [1]} : vector<16xi32> to vector<1xi32>
        %squeeze3A = vector.extract %slice3A[0] : i32 from vector<1xi32>
        %gt3A = arith.constant 0 : i32
        %gt3A_330 = arith.cmpi sgt, %squeeze3A, %gt3A : i32
        %convert_element_type3A = arith.extui %gt3A_330 : i1 to i32
        %cond3A = arith.constant 0 : i32
        %cond3A_331 = arith.cmpi ne, %convert_element_type3A, %cond3A : i32
        scf.if %cond3A_331 {
          %mul3A_333 = arith.constant 4 : i32
          %mul3A_334 = vector.broadcast %mul3A_333 : i32 to vector<16xi32>
          %mul3A_335 = arith.muli %sub3A_74, %mul3A_334 : vector<16xi32>
          %add3A_336 = arith.constant 0 : i32
          %add3A_337 = vector.broadcast %add3A_336 : i32 to vector<16xi32>
          %add3A_338 = arith.addi %mul3A_335, %add3A_337 : vector<16xi32>
          %mul3A_339 = arith.constant 16 : i32
          %mul3A_340 = vector.broadcast %mul3A_339 : i32 to vector<16xi32>
          %mul3A_341 = arith.muli %add3A_338, %mul3A_340 : vector<16xi32>
          %add3A_342 = arith.addi %mul3A_341, %iota3A : vector<16xi32>
          %jit3A_343 = arith.constant 1073741824 : i32
          %broadcast_in_dim3A_344 = vector.broadcast %jit3A_343 : i32 to vector<16xi32>
          %select_n3A_345 = arith.select %and3A_80, %add3A_342, %broadcast_in_dim3A_344 : vector<16xi1>, vector<16xi32>
          %mul3A_346 = arith.constant 4 : i32
          %mul3A_347 = vector.broadcast %mul3A_346 : i32 to vector<16xi32>
          %mul3A_348 = arith.muli %sub3A_130, %mul3A_347 : vector<16xi32>
          %add3A_349 = arith.constant 1 : i32
          %add3A_350 = vector.broadcast %add3A_349 : i32 to vector<16xi32>
          %add3A_351 = arith.addi %mul3A_348, %add3A_350 : vector<16xi32>
          %mul3A_352 = arith.constant 16 : i32
          %mul3A_353 = vector.broadcast %mul3A_352 : i32 to vector<16xi32>
          %mul3A_354 = arith.muli %add3A_351, %mul3A_353 : vector<16xi32>
          %add3A_355 = arith.addi %mul3A_354, %iota3A : vector<16xi32>
          %jit3A_356 = arith.constant 1073741824 : i32
          %broadcast_in_dim3A_357 = vector.broadcast %jit3A_356 : i32 to vector<16xi32>
          %select_n3A_358 = arith.select %and3A_137, %add3A_355, %broadcast_in_dim3A_357 : vector<16xi1>, vector<16xi32>
          %mul3A_359 = arith.constant 4 : i32
          %mul3A_360 = vector.broadcast %mul3A_359 : i32 to vector<16xi32>
          %mul3A_361 = arith.muli %sub3A_187, %mul3A_360 : vector<16xi32>
          %add3A_362 = arith.constant 2 : i32
          %add3A_363 = vector.broadcast %add3A_362 : i32 to vector<16xi32>
          %add3A_364 = arith.addi %mul3A_361, %add3A_363 : vector<16xi32>
          %mul3A_365 = arith.constant 16 : i32
          %mul3A_366 = vector.broadcast %mul3A_365 : i32 to vector<16xi32>
          %mul3A_367 = arith.muli %add3A_364, %mul3A_366 : vector<16xi32>
          %add3A_368 = arith.addi %mul3A_367, %iota3A : vector<16xi32>
          %jit3A_369 = arith.constant 1073741824 : i32
          %broadcast_in_dim3A_370 = vector.broadcast %jit3A_369 : i32 to vector<16xi32>
          %select_n3A_371 = arith.select %and3A_194, %add3A_368, %broadcast_in_dim3A_370 : vector<16xi1>, vector<16xi32>
          %mul3A_372 = arith.constant 4 : i32
          %mul3A_373 = vector.broadcast %mul3A_372 : i32 to vector<16xi32>
          %mul3A_374 = arith.muli %sub3A_244, %mul3A_373 : vector<16xi32>
          %add3A_375 = arith.constant 3 : i32
          %add3A_376 = vector.broadcast %add3A_375 : i32 to vector<16xi32>
          %add3A_377 = arith.addi %mul3A_374, %add3A_376 : vector<16xi32>
          %mul3A_378 = arith.constant 16 : i32
          %mul3A_379 = vector.broadcast %mul3A_378 : i32 to vector<16xi32>
          %mul3A_380 = arith.muli %add3A_377, %mul3A_379 : vector<16xi32>
          %add3A_381 = arith.addi %mul3A_380, %iota3A : vector<16xi32>
          %jit3A_382 = arith.constant 1073741824 : i32
          %broadcast_in_dim3A_383 = vector.broadcast %jit3A_382 : i32 to vector<16xi32>
          %select_n3A_384 = arith.select %and3A_251, %add3A_381, %broadcast_in_dim3A_383 : vector<16xi1>, vector<16xi32>
          %while3A = arith.constant 0 : i32
          %while3A_385 = arith.subi %squeeze3A, %while3A : i32
          %while3A_386 = arith.addi %while3A, %while3A_385 : i32
          %while3A_387 = arith.constant 1 : i32
          %while3A_388 = arith.divsi %while3A_385, %while3A_387 : i32
          %while3A_389 = arith.muli %while3A_388, %while3A_387 : i32
          %while3A_390 = arith.addi %while3A, %while3A_389 : i32
          %while3A_391 = arith.constant 1 : i32
          %while3A_392:4 = scf.for %while3A_395 = %while3A to %while3A_390 step %while3A_391 iter_args(%while3A_396 = %select_n3A_345, %while3A_397 = %select_n3A_358, %while3A_398 = %select_n3A_371, %while3A_399 = %select_n3A_384) -> (vector<16xi32>, vector<16xi32>, vector<16xi32>, vector<16xi32>)  : i32 {
            %min3A = arith.minsi %while3A_396, %while3A_397 : vector<16xi32>
            %min3A_400 = arith.minsi %while3A_398, %while3A_399 : vector<16xi32>
            %min3A_401 = arith.minsi %min3A, %min3A_400 : vector<16xi32>
            %iota3A_402 = tpu.iota {dimensions = array<i32: 0>} : vector<16xi32>
            %xor3A_403 = arith.constant 1 : i32
            %xor3A_404 = vector.broadcast %xor3A_403 : i32 to vector<16xi32>
            %xor3A_405 = arith.xori %iota3A_402, %xor3A_404 : vector<16xi32>
            %lt3A_406 = arith.constant 0 : i32
            %lt3A_407 = vector.broadcast %lt3A_406 : i32 to vector<16xi32>
            %lt3A_408 = arith.cmpi slt, %xor3A_405, %lt3A_407 : vector<16xi32>
            %add3A_409 = arith.constant 16 : i32
            %add3A_410 = vector.broadcast %add3A_409 : i32 to vector<16xi32>
            %add3A_411 = arith.addi %xor3A_405, %add3A_410 : vector<16xi32>
            %select_n3A_412 = arith.select %lt3A_408, %add3A_411, %xor3A_405 : vector<16xi1>, vector<16xi32>
            %broadcast_in_dim3A_413 = vector.shape_cast %select_n3A_412 : vector<16xi32> to vector<16x1xi32>
            %gather3A_414 = vector.shape_cast %broadcast_in_dim3A_413 : vector<16x1xi32> to vector<16xi32>
            %gather3A_415 = tpu.dynamic_gather %min3A_401[%gather3A_414] in [0] : vector<16xi32>, vector<16xi32> -> vector<16xi32>
            %min3A_416 = arith.minsi %min3A_401, %gather3A_415 : vector<16xi32>
            %xor3A_417 = arith.constant 2 : i32
            %xor3A_418 = vector.broadcast %xor3A_417 : i32 to vector<16xi32>
            %xor3A_419 = arith.xori %iota3A_402, %xor3A_418 : vector<16xi32>
            %lt3A_420 = arith.constant 0 : i32
            %lt3A_421 = vector.broadcast %lt3A_420 : i32 to vector<16xi32>
            %lt3A_422 = arith.cmpi slt, %xor3A_419, %lt3A_421 : vector<16xi32>
            %add3A_423 = arith.constant 16 : i32
            %add3A_424 = vector.broadcast %add3A_423 : i32 to vector<16xi32>
            %add3A_425 = arith.addi %xor3A_419, %add3A_424 : vector<16xi32>
            %select_n3A_426 = arith.select %lt3A_422, %add3A_425, %xor3A_419 : vector<16xi1>, vector<16xi32>
            %broadcast_in_dim3A_427 = vector.shape_cast %select_n3A_426 : vector<16xi32> to vector<16x1xi32>
            %gather3A_428 = vector.shape_cast %broadcast_in_dim3A_427 : vector<16x1xi32> to vector<16xi32>
            %gather3A_429 = tpu.dynamic_gather %min3A_416[%gather3A_428] in [0] : vector<16xi32>, vector<16xi32> -> vector<16xi32>
            %min3A_430 = arith.minsi %min3A_416, %gather3A_429 : vector<16xi32>
            %xor3A_431 = arith.constant 4 : i32
            %xor3A_432 = vector.broadcast %xor3A_431 : i32 to vector<16xi32>
            %xor3A_433 = arith.xori %iota3A_402, %xor3A_432 : vector<16xi32>
            %lt3A_434 = arith.constant 0 : i32
            %lt3A_435 = vector.broadcast %lt3A_434 : i32 to vector<16xi32>
            %lt3A_436 = arith.cmpi slt, %xor3A_433, %lt3A_435 : vector<16xi32>
            %add3A_437 = arith.constant 16 : i32
            %add3A_438 = vector.broadcast %add3A_437 : i32 to vector<16xi32>
            %add3A_439 = arith.addi %xor3A_433, %add3A_438 : vector<16xi32>
            %select_n3A_440 = arith.select %lt3A_436, %add3A_439, %xor3A_433 : vector<16xi1>, vector<16xi32>
            %broadcast_in_dim3A_441 = vector.shape_cast %select_n3A_440 : vector<16xi32> to vector<16x1xi32>
            %gather3A_442 = vector.shape_cast %broadcast_in_dim3A_441 : vector<16x1xi32> to vector<16xi32>
            %gather3A_443 = tpu.dynamic_gather %min3A_430[%gather3A_442] in [0] : vector<16xi32>, vector<16xi32> -> vector<16xi32>
            %min3A_444 = arith.minsi %min3A_430, %gather3A_443 : vector<16xi32>
            %xor3A_445 = arith.constant 8 : i32
            %xor3A_446 = vector.broadcast %xor3A_445 : i32 to vector<16xi32>
            %xor3A_447 = arith.xori %iota3A_402, %xor3A_446 : vector<16xi32>
            %lt3A_448 = arith.constant 0 : i32
            %lt3A_449 = vector.broadcast %lt3A_448 : i32 to vector<16xi32>
            %lt3A_450 = arith.cmpi slt, %xor3A_447, %lt3A_449 : vector<16xi32>
            %add3A_451 = arith.constant 16 : i32
            %add3A_452 = vector.broadcast %add3A_451 : i32 to vector<16xi32>
            %add3A_453 = arith.addi %xor3A_447, %add3A_452 : vector<16xi32>
            %select_n3A_454 = arith.select %lt3A_450, %add3A_453, %xor3A_447 : vector<16xi1>, vector<16xi32>
            %broadcast_in_dim3A_455 = vector.shape_cast %select_n3A_454 : vector<16xi32> to vector<16x1xi32>
            %gather3A_456 = vector.shape_cast %broadcast_in_dim3A_455 : vector<16x1xi32> to vector<16xi32>
            %gather3A_457 = tpu.dynamic_gather %min3A_444[%gather3A_456] in [0] : vector<16xi32>, vector<16xi32> -> vector<16xi32>
            %min3A_458 = arith.minsi %min3A_444, %gather3A_457 : vector<16xi32>
            %slice3A_459 = vector.extract_strided_slice %min3A_458 {offsets = [0], sizes = [1], strides = [1]} : vector<16xi32> to vector<1xi32>
            %squeeze3A_460 = vector.extract %slice3A_459[0] : i32 from vector<1xi32>
            %jit3A_461 = arith.constant 64 : i32
            %div3A_462 = arith.divsi %squeeze3A_460, %jit3A_461 : i32
            %sign3A_463 = arith.constant 0 : i32
            %sign3A_464 = arith.cmpi sgt, %squeeze3A_460, %sign3A_463 : i32
            %sign3A_465 = arith.extui %sign3A_464 : i1 to i32
            %sign3A_466 = arith.constant 0 : i32
            %sign3A_467 = arith.cmpi slt, %squeeze3A_460, %sign3A_466 : i32
            %sign3A_468 = arith.extui %sign3A_467 : i1 to i32
            %sign3A_469 = arith.subi %sign3A_465, %sign3A_468 : i32
            %sign3A_470 = arith.constant 0 : i32
            %sign3A_471 = arith.cmpi sgt, %jit3A_461, %sign3A_470 : i32
            %sign3A_472 = arith.extui %sign3A_471 : i1 to i32
            %sign3A_473 = arith.constant 0 : i32
            %sign3A_474 = arith.cmpi slt, %jit3A_461, %sign3A_473 : i32
            %sign3A_475 = arith.extui %sign3A_474 : i1 to i32
            %sign3A_476 = arith.subi %sign3A_472, %sign3A_475 : i32
            %ne3A_477 = arith.cmpi ne, %sign3A_469, %sign3A_476 : i32
            %rem3A_478 = arith.remsi %squeeze3A_460, %jit3A_461 : i32
            %ne3A_479 = arith.constant 0 : i32
            %ne3A_480 = arith.cmpi ne, %rem3A_478, %ne3A_479 : i32
            %and3A_481 = arith.andi %ne3A_477, %ne3A_480 : i1
            %sub3A_482 = arith.constant 1 : i32
            %sub3A_483 = arith.subi %div3A_462, %sub3A_482 : i32
            %select_n3A_484 = arith.select %and3A_481, %sub3A_483, %div3A_462 : i32
            %jit3A_485 = arith.constant 16 : i32
            %div3A_486 = arith.divsi %select_n3A_484, %jit3A_485 : i32
            %sign3A_487 = arith.constant 0 : i32
            %sign3A_488 = arith.cmpi sgt, %select_n3A_484, %sign3A_487 : i32
            %sign3A_489 = arith.extui %sign3A_488 : i1 to i32
            %sign3A_490 = arith.constant 0 : i32
            %sign3A_491 = arith.cmpi slt, %select_n3A_484, %sign3A_490 : i32
            %sign3A_492 = arith.extui %sign3A_491 : i1 to i32
            %sign3A_493 = arith.subi %sign3A_489, %sign3A_492 : i32
            %sign3A_494 = arith.constant 0 : i32
            %sign3A_495 = arith.cmpi sgt, %jit3A_485, %sign3A_494 : i32
            %sign3A_496 = arith.extui %sign3A_495 : i1 to i32
            %sign3A_497 = arith.constant 0 : i32
            %sign3A_498 = arith.cmpi slt, %jit3A_485, %sign3A_497 : i32
            %sign3A_499 = arith.extui %sign3A_498 : i1 to i32
            %sign3A_500 = arith.subi %sign3A_496, %sign3A_499 : i32
            %ne3A_501 = arith.cmpi ne, %sign3A_493, %sign3A_500 : i32
            %rem3A_502 = arith.remsi %select_n3A_484, %jit3A_485 : i32
            %ne3A_503 = arith.constant 0 : i32
            %ne3A_504 = arith.cmpi ne, %rem3A_502, %ne3A_503 : i32
            %and3A_505 = arith.andi %ne3A_501, %ne3A_504 : i1
            %sub3A_506 = arith.constant 1 : i32
            %sub3A_507 = arith.subi %div3A_486, %sub3A_506 : i32
            %select_n3A_508 = arith.select %and3A_505, %sub3A_507, %div3A_486 : i32
            %mul3A_509 = arith.constant 16 : i32
            %mul3A_510 = arith.muli %select_n3A_508, %mul3A_509 : i32
            %jit3A_511 = arith.constant 16 : i32
            %eq3A_512 = arith.constant 0 : i32
            %eq3A_513 = arith.cmpi eq, %jit3A_511, %eq3A_512 : i32
            %jit3A_514 = arith.constant 1 : i32
            %select_n3A_515 = arith.select %eq3A_513, %jit3A_514, %jit3A_511 : i32
            %rem3A_516 = arith.remsi %select_n3A_484, %select_n3A_515 : i32
            %ne3A_517 = arith.constant 0 : i32
            %ne3A_518 = arith.cmpi ne, %rem3A_516, %ne3A_517 : i32
            %lt3A_519 = arith.constant 0 : i32
            %lt3A_520 = arith.cmpi slt, %rem3A_516, %lt3A_519 : i32
            %lt3A_521 = arith.constant 0 : i32
            %lt3A_522 = arith.cmpi slt, %select_n3A_515, %lt3A_521 : i32
            %ne3A_523 = arith.xori %lt3A_520, %lt3A_522 : i1
            %and3A_524 = arith.andi %ne3A_523, %ne3A_518 : i1
            %add3A_525 = arith.addi %rem3A_516, %select_n3A_515 : i32
            %select_n3A_526 = arith.select %and3A_524, %add3A_525, %rem3A_516 : i32
            %broadcast_in_dim3A_527 = vector.broadcast %select_n3A_526 : i32 to vector<16xi32>
            %eq3A_528 = arith.cmpi eq, %iota3A, %broadcast_in_dim3A_527 : vector<16xi32>
            %jit3A_529 = arith.constant 1.000000e+00 : f32
            %jit3A_530 = arith.constant 0.000000e+00 : f32
            %broadcast_in_dim3A_531 = vector.broadcast %jit3A_529 : f32 to vector<16xf32>
            %broadcast_in_dim3A_532 = vector.broadcast %jit3A_530 : f32 to vector<16xf32>
            %select_n3A_533 = arith.select %eq3A_528, %broadcast_in_dim3A_531, %broadcast_in_dim3A_532 : vector<16xi1>, vector<16xf32>
            %get3A_534 = arith.index_cast %mul3A_510 : i32 to index
            %get3A_535 = tpu.vector_load %arg5[%get3A_534] {strides = array<i32>} : memref<320xf32, #tpu.memory_space<vmem>>, vector<16xf32>,
            %get3A_536 = vector.shape_cast %get3A_535 : vector<16xf32> to vector<16xf32>
            %add3A_537 = arith.addf %get3A_536, %select_n3A_533 : vector<16xf32>
            %swap3A = arith.index_cast %mul3A_510 : i32 to index
            %swap3A_538 = tpu.vector_load %arg5[%swap3A] {strides = array<i32>} : memref<320xf32, #tpu.memory_space<vmem>>, vector<16xf32>,
            %swap3A_539 = vector.shape_cast %swap3A_538 : vector<16xf32> to vector<16xf32>
            %swap3A_540 = vector.shape_cast %add3A_537 : vector<16xf32> to vector<16xf32>
            tpu.vector_store %arg5[%swap3A], %swap3A_540 {strides = array<i32>} : memref<320xf32, #tpu.memory_space<vmem>>, vector<16xf32>,
            %eq3A_541 = arith.cmpi eq, %while3A_396, %min3A_458 : vector<16xi32>
            %jit3A_542 = arith.constant 1073741824 : i32
            %broadcast_in_dim3A_543 = vector.broadcast %jit3A_542 : i32 to vector<16xi32>
            %select_n3A_544 = arith.select %eq3A_541, %broadcast_in_dim3A_543, %while3A_396 : vector<16xi1>, vector<16xi32>
            %eq3A_545 = arith.cmpi eq, %while3A_397, %min3A_458 : vector<16xi32>
            %jit3A_546 = arith.constant 1073741824 : i32
            %broadcast_in_dim3A_547 = vector.broadcast %jit3A_546 : i32 to vector<16xi32>
            %select_n3A_548 = arith.select %eq3A_545, %broadcast_in_dim3A_547, %while3A_397 : vector<16xi1>, vector<16xi32>
            %eq3A_549 = arith.cmpi eq, %while3A_398, %min3A_458 : vector<16xi32>
            %jit3A_550 = arith.constant 1073741824 : i32
            %broadcast_in_dim3A_551 = vector.broadcast %jit3A_550 : i32 to vector<16xi32>
            %select_n3A_552 = arith.select %eq3A_549, %broadcast_in_dim3A_551, %while3A_398 : vector<16xi1>, vector<16xi32>
            %eq3A_553 = arith.cmpi eq, %while3A_399, %min3A_458 : vector<16xi32>
            %jit3A_554 = arith.constant 1073741824 : i32
            %broadcast_in_dim3A_555 = vector.broadcast %jit3A_554 : i32 to vector<16xi32>
            %select_n3A_556 = arith.select %eq3A_553, %broadcast_in_dim3A_555, %while3A_399 : vector<16xi1>, vector<16xi32>
            scf.yield %select_n3A_544, %select_n3A_548, %select_n3A_552, %select_n3A_556 : vector<16xi32>, vector<16xi32>, vector<16xi32>, vector<16xi32>
          }
          %while3A_393 = arith.constant 1 : i32
          %while3A_394:4 = scf.for %while3A_395 = %while3A_390 to %while3A_386 step %while3A_393 iter_args(%while3A_396 = %while3A_392#0, %while3A_397 = %while3A_392#1, %while3A_398 = %while3A_392#2, %while3A_399 = %while3A_392#3) -> (vector<16xi32>, vector<16xi32>, vector<16xi32>, vector<16xi32>)  : i32 {
            %min3A = arith.minsi %while3A_396, %while3A_397 : vector<16xi32>
            %min3A_400 = arith.minsi %while3A_398, %while3A_399 : vector<16xi32>
            %min3A_401 = arith.minsi %min3A, %min3A_400 : vector<16xi32>
            %iota3A_402 = tpu.iota {dimensions = array<i32: 0>} : vector<16xi32>
            %xor3A_403 = arith.constant 1 : i32
            %xor3A_404 = vector.broadcast %xor3A_403 : i32 to vector<16xi32>
            %xor3A_405 = arith.xori %iota3A_402, %xor3A_404 : vector<16xi32>
            %lt3A_406 = arith.constant 0 : i32
            %lt3A_407 = vector.broadcast %lt3A_406 : i32 to vector<16xi32>
            %lt3A_408 = arith.cmpi slt, %xor3A_405, %lt3A_407 : vector<16xi32>
            %add3A_409 = arith.constant 16 : i32
            %add3A_410 = vector.broadcast %add3A_409 : i32 to vector<16xi32>
            %add3A_411 = arith.addi %xor3A_405, %add3A_410 : vector<16xi32>
            %select_n3A_412 = arith.select %lt3A_408, %add3A_411, %xor3A_405 : vector<16xi1>, vector<16xi32>
            %broadcast_in_dim3A_413 = vector.shape_cast %select_n3A_412 : vector<16xi32> to vector<16x1xi32>
            %gather3A_414 = vector.shape_cast %broadcast_in_dim3A_413 : vector<16x1xi32> to vector<16xi32>
            %gather3A_415 = tpu.dynamic_gather %min3A_401[%gather3A_414] in [0] : vector<16xi32>, vector<16xi32> -> vector<16xi32>
            %min3A_416 = arith.minsi %min3A_401, %gather3A_415 : vector<16xi32>
            %xor3A_417 = arith.constant 2 : i32
            %xor3A_418 = vector.broadcast %xor3A_417 : i32 to vector<16xi32>
            %xor3A_419 = arith.xori %iota3A_402, %xor3A_418 : vector<16xi32>
            %lt3A_420 = arith.constant 0 : i32
            %lt3A_421 = vector.broadcast %lt3A_420 : i32 to vector<16xi32>
            %lt3A_422 = arith.cmpi slt, %xor3A_419, %lt3A_421 : vector<16xi32>
            %add3A_423 = arith.constant 16 : i32
            %add3A_424 = vector.broadcast %add3A_423 : i32 to vector<16xi32>
            %add3A_425 = arith.addi %xor3A_419, %add3A_424 : vector<16xi32>
            %select_n3A_426 = arith.select %lt3A_422, %add3A_425, %xor3A_419 : vector<16xi1>, vector<16xi32>
            %broadcast_in_dim3A_427 = vector.shape_cast %select_n3A_426 : vector<16xi32> to vector<16x1xi32>
            %gather3A_428 = vector.shape_cast %broadcast_in_dim3A_427 : vector<16x1xi32> to vector<16xi32>
            %gather3A_429 = tpu.dynamic_gather %min3A_416[%gather3A_428] in [0] : vector<16xi32>, vector<16xi32> -> vector<16xi32>
            %min3A_430 = arith.minsi %min3A_416, %gather3A_429 : vector<16xi32>
            %xor3A_431 = arith.constant 4 : i32
            %xor3A_432 = vector.broadcast %xor3A_431 : i32 to vector<16xi32>
            %xor3A_433 = arith.xori %iota3A_402, %xor3A_432 : vector<16xi32>
            %lt3A_434 = arith.constant 0 : i32
            %lt3A_435 = vector.broadcast %lt3A_434 : i32 to vector<16xi32>
            %lt3A_436 = arith.cmpi slt, %xor3A_433, %lt3A_435 : vector<16xi32>
            %add3A_437 = arith.constant 16 : i32
            %add3A_438 = vector.broadcast %add3A_437 : i32 to vector<16xi32>
            %add3A_439 = arith.addi %xor3A_433, %add3A_438 : vector<16xi32>
            %select_n3A_440 = arith.select %lt3A_436, %add3A_439, %xor3A_433 : vector<16xi1>, vector<16xi32>
            %broadcast_in_dim3A_441 = vector.shape_cast %select_n3A_440 : vector<16xi32> to vector<16x1xi32>
            %gather3A_442 = vector.shape_cast %broadcast_in_dim3A_441 : vector<16x1xi32> to vector<16xi32>
            %gather3A_443 = tpu.dynamic_gather %min3A_430[%gather3A_442] in [0] : vector<16xi32>, vector<16xi32> -> vector<16xi32>
            %min3A_444 = arith.minsi %min3A_430, %gather3A_443 : vector<16xi32>
            %xor3A_445 = arith.constant 8 : i32
            %xor3A_446 = vector.broadcast %xor3A_445 : i32 to vector<16xi32>
            %xor3A_447 = arith.xori %iota3A_402, %xor3A_446 : vector<16xi32>
            %lt3A_448 = arith.constant 0 : i32
            %lt3A_449 = vector.broadcast %lt3A_448 : i32 to vector<16xi32>
            %lt3A_450 = arith.cmpi slt, %xor3A_447, %lt3A_449 : vector<16xi32>
            %add3A_451 = arith.constant 16 : i32
            %add3A_452 = vector.broadcast %add3A_451 : i32 to vector<16xi32>
            %add3A_453 = arith.addi %xor3A_447, %add3A_452 : vector<16xi32>
            %select_n3A_454 = arith.select %lt3A_450, %add3A_453, %xor3A_447 : vector<16xi1>, vector<16xi32>
            %broadcast_in_dim3A_455 = vector.shape_cast %select_n3A_454 : vector<16xi32> to vector<16x1xi32>
            %gather3A_456 = vector.shape_cast %broadcast_in_dim3A_455 : vector<16x1xi32> to vector<16xi32>
            %gather3A_457 = tpu.dynamic_gather %min3A_444[%gather3A_456] in [0] : vector<16xi32>, vector<16xi32> -> vector<16xi32>
            %min3A_458 = arith.minsi %min3A_444, %gather3A_457 : vector<16xi32>
            %slice3A_459 = vector.extract_strided_slice %min3A_458 {offsets = [0], sizes = [1], strides = [1]} : vector<16xi32> to vector<1xi32>
            %squeeze3A_460 = vector.extract %slice3A_459[0] : i32 from vector<1xi32>
            %jit3A_461 = arith.constant 64 : i32
            %div3A_462 = arith.divsi %squeeze3A_460, %jit3A_461 : i32
            %sign3A_463 = arith.constant 0 : i32
            %sign3A_464 = arith.cmpi sgt, %squeeze3A_460, %sign3A_463 : i32
            %sign3A_465 = arith.extui %sign3A_464 : i1 to i32
            %sign3A_466 = arith.constant 0 : i32
            %sign3A_467 = arith.cmpi slt, %squeeze3A_460, %sign3A_466 : i32
            %sign3A_468 = arith.extui %sign3A_467 : i1 to i32
            %sign3A_469 = arith.subi %sign3A_465, %sign3A_468 : i32
            %sign3A_470 = arith.constant 0 : i32
            %sign3A_471 = arith.cmpi sgt, %jit3A_461, %sign3A_470 : i32
            %sign3A_472 = arith.extui %sign3A_471 : i1 to i32
            %sign3A_473 = arith.constant 0 : i32
            %sign3A_474 = arith.cmpi slt, %jit3A_461, %sign3A_473 : i32
            %sign3A_475 = arith.extui %sign3A_474 : i1 to i32
            %sign3A_476 = arith.subi %sign3A_472, %sign3A_475 : i32
            %ne3A_477 = arith.cmpi ne, %sign3A_469, %sign3A_476 : i32
            %rem3A_478 = arith.remsi %squeeze3A_460, %jit3A_461 : i32
            %ne3A_479 = arith.constant 0 : i32
            %ne3A_480 = arith.cmpi ne, %rem3A_478, %ne3A_479 : i32
            %and3A_481 = arith.andi %ne3A_477, %ne3A_480 : i1
            %sub3A_482 = arith.constant 1 : i32
            %sub3A_483 = arith.subi %div3A_462, %sub3A_482 : i32
            %select_n3A_484 = arith.select %and3A_481, %sub3A_483, %div3A_462 : i32
            %jit3A_485 = arith.constant 16 : i32
            %div3A_486 = arith.divsi %select_n3A_484, %jit3A_485 : i32
            %sign3A_487 = arith.constant 0 : i32
            %sign3A_488 = arith.cmpi sgt, %select_n3A_484, %sign3A_487 : i32
            %sign3A_489 = arith.extui %sign3A_488 : i1 to i32
            %sign3A_490 = arith.constant 0 : i32
            %sign3A_491 = arith.cmpi slt, %select_n3A_484, %sign3A_490 : i32
            %sign3A_492 = arith.extui %sign3A_491 : i1 to i32
            %sign3A_493 = arith.subi %sign3A_489, %sign3A_492 : i32
            %sign3A_494 = arith.constant 0 : i32
            %sign3A_495 = arith.cmpi sgt, %jit3A_485, %sign3A_494 : i32
            %sign3A_496 = arith.extui %sign3A_495 : i1 to i32
            %sign3A_497 = arith.constant 0 : i32
            %sign3A_498 = arith.cmpi slt, %jit3A_485, %sign3A_497 : i32
            %sign3A_499 = arith.extui %sign3A_498 : i1 to i32
            %sign3A_500 = arith.subi %sign3A_496, %sign3A_499 : i32
            %ne3A_501 = arith.cmpi ne, %sign3A_493, %sign3A_500 : i32
            %rem3A_502 = arith.remsi %select_n3A_484, %jit3A_485 : i32
            %ne3A_503 = arith.constant 0 : i32
            %ne3A_504 = arith.cmpi ne, %rem3A_502, %ne3A_503 : i32
            %and3A_505 = arith.andi %ne3A_501, %ne3A_504 : i1
            %sub3A_506 = arith.constant 1 : i32
            %sub3A_507 = arith.subi %div3A_486, %sub3A_506 : i32
            %select_n3A_508 = arith.select %and3A_505, %sub3A_507, %div3A_486 : i32
            %mul3A_509 = arith.constant 16 : i32
            %mul3A_510 = arith.muli %select_n3A_508, %mul3A_509 : i32
            %jit3A_511 = arith.constant 16 : i32
            %eq3A_512 = arith.constant 0 : i32
            %eq3A_513 = arith.cmpi eq, %jit3A_511, %eq3A_512 : i32
            %jit3A_514 = arith.constant 1 : i32
            %select_n3A_515 = arith.select %eq3A_513, %jit3A_514, %jit3A_511 : i32
            %rem3A_516 = arith.remsi %select_n3A_484, %select_n3A_515 : i32
            %ne3A_517 = arith.constant 0 : i32
            %ne3A_518 = arith.cmpi ne, %rem3A_516, %ne3A_517 : i32
            %lt3A_519 = arith.constant 0 : i32
            %lt3A_520 = arith.cmpi slt, %rem3A_516, %lt3A_519 : i32
            %lt3A_521 = arith.constant 0 : i32
            %lt3A_522 = arith.cmpi slt, %select_n3A_515, %lt3A_521 : i32
            %ne3A_523 = arith.xori %lt3A_520, %lt3A_522 : i1
            %and3A_524 = arith.andi %ne3A_523, %ne3A_518 : i1
            %add3A_525 = arith.addi %rem3A_516, %select_n3A_515 : i32
            %select_n3A_526 = arith.select %and3A_524, %add3A_525, %rem3A_516 : i32
            %broadcast_in_dim3A_527 = vector.broadcast %select_n3A_526 : i32 to vector<16xi32>
            %eq3A_528 = arith.cmpi eq, %iota3A, %broadcast_in_dim3A_527 : vector<16xi32>
            %jit3A_529 = arith.constant 1.000000e+00 : f32
            %jit3A_530 = arith.constant 0.000000e+00 : f32
            %broadcast_in_dim3A_531 = vector.broadcast %jit3A_529 : f32 to vector<16xf32>
            %broadcast_in_dim3A_532 = vector.broadcast %jit3A_530 : f32 to vector<16xf32>
            %select_n3A_533 = arith.select %eq3A_528, %broadcast_in_dim3A_531, %broadcast_in_dim3A_532 : vector<16xi1>, vector<16xf32>
            %get3A_534 = arith.index_cast %mul3A_510 : i32 to index
            %get3A_535 = tpu.vector_load %arg5[%get3A_534] {strides = array<i32>} : memref<320xf32, #tpu.memory_space<vmem>>, vector<16xf32>,
            %get3A_536 = vector.shape_cast %get3A_535 : vector<16xf32> to vector<16xf32>
            %add3A_537 = arith.addf %get3A_536, %select_n3A_533 : vector<16xf32>
            %swap3A = arith.index_cast %mul3A_510 : i32 to index
            %swap3A_538 = tpu.vector_load %arg5[%swap3A] {strides = array<i32>} : memref<320xf32, #tpu.memory_space<vmem>>, vector<16xf32>,
            %swap3A_539 = vector.shape_cast %swap3A_538 : vector<16xf32> to vector<16xf32>
            %swap3A_540 = vector.shape_cast %add3A_537 : vector<16xf32> to vector<16xf32>
            tpu.vector_store %arg5[%swap3A], %swap3A_540 {strides = array<i32>} : memref<320xf32, #tpu.memory_space<vmem>>, vector<16xf32>,
            %eq3A_541 = arith.cmpi eq, %while3A_396, %min3A_458 : vector<16xi32>
            %jit3A_542 = arith.constant 1073741824 : i32
            %broadcast_in_dim3A_543 = vector.broadcast %jit3A_542 : i32 to vector<16xi32>
            %select_n3A_544 = arith.select %eq3A_541, %broadcast_in_dim3A_543, %while3A_396 : vector<16xi1>, vector<16xi32>
            %eq3A_545 = arith.cmpi eq, %while3A_397, %min3A_458 : vector<16xi32>
            %jit3A_546 = arith.constant 1073741824 : i32
            %broadcast_in_dim3A_547 = vector.broadcast %jit3A_546 : i32 to vector<16xi32>
            %select_n3A_548 = arith.select %eq3A_545, %broadcast_in_dim3A_547, %while3A_397 : vector<16xi1>, vector<16xi32>
            %eq3A_549 = arith.cmpi eq, %while3A_398, %min3A_458 : vector<16xi32>
            %jit3A_550 = arith.constant 1073741824 : i32
            %broadcast_in_dim3A_551 = vector.broadcast %jit3A_550 : i32 to vector<16xi32>
            %select_n3A_552 = arith.select %eq3A_549, %broadcast_in_dim3A_551, %while3A_398 : vector<16xi1>, vector<16xi32>
            %eq3A_553 = arith.cmpi eq, %while3A_399, %min3A_458 : vector<16xi32>
            %jit3A_554 = arith.constant 1073741824 : i32
            %broadcast_in_dim3A_555 = vector.broadcast %jit3A_554 : i32 to vector<16xi32>
            %select_n3A_556 = arith.select %eq3A_553, %broadcast_in_dim3A_555, %while3A_399 : vector<16xi1>, vector<16xi32>
            scf.yield %select_n3A_544, %select_n3A_548, %select_n3A_552, %select_n3A_556 : vector<16xi32>, vector<16xi32>, vector<16xi32>, vector<16xi32>
          }
        } else {
        }
        %scan3A_332 = arith.constant 0 : i32
        scf.yield %scan3A_332 : i32
      }
      %scan3A_32 = arith.constant 16 : i32
      %scan3A_33 = arith.constant 0 : i32
      scf.yield %scan3A_33 : i32
    }
    %scan3A_16 = arith.constant 160 : i32
    %scan3A_17 = arith.constant 0 : i32
    %scan3A_18 = arith.constant 0 : i32
    %scan3A_19 = arith.constant 10 : i32
    %scan3A_20 = arith.addi %scan3A_18, %scan3A_19 : i32
    %scan3A_21 = arith.constant 1 : i32
    %scan3A_22 = scf.for %scan3A_24 = %scan3A_18 to %scan3A_20 step %scan3A_21 iter_args(%scan3A_25 = %scan3A_17) -> (i32)  : i32 {
      %scan3A_26 = arith.constant 0 : i32
      %scan3A_27 = arith.constant 0 : i32
      %scan3A_28 = arith.constant 32 : i32
      %scan3A_29 = arith.addi %scan3A_27, %scan3A_28 : i32
      %scan3A_30 = arith.constant 1 : i32
      %scan3A_31 = scf.for %scan3A_37 = %scan3A_27 to %scan3A_29 step %scan3A_30 iter_args(%scan3A_38 = %scan3A_26) -> (i32)  : i32 {
        %mul3A_39 = arith.constant 32 : i32
        %mul3A_40 = arith.muli %scan3A_24, %mul3A_39 : i32
        %add3A_41 = arith.addi %mul3A_40, %scan3A_37 : i32
        %jit3A = arith.constant 16 : i32
        %div3A = arith.divsi %add3A_41, %jit3A : i32
        %sign3A = arith.constant 0 : i32
        %sign3A_42 = arith.cmpi sgt, %add3A_41, %sign3A : i32
        %sign3A_43 = arith.extui %sign3A_42 : i1 to i32
        %sign3A_44 = arith.constant 0 : i32
        %sign3A_45 = arith.cmpi slt, %add3A_41, %sign3A_44 : i32
        %sign3A_46 = arith.extui %sign3A_45 : i1 to i32
        %sign3A_47 = arith.subi %sign3A_43, %sign3A_46 : i32
        %sign3A_48 = arith.constant 0 : i32
        %sign3A_49 = arith.cmpi sgt, %jit3A, %sign3A_48 : i32
        %sign3A_50 = arith.extui %sign3A_49 : i1 to i32
        %sign3A_51 = arith.constant 0 : i32
        %sign3A_52 = arith.cmpi slt, %jit3A, %sign3A_51 : i32
        %sign3A_53 = arith.extui %sign3A_52 : i1 to i32
        %sign3A_54 = arith.subi %sign3A_50, %sign3A_53 : i32
        %ne3A = arith.cmpi ne, %sign3A_47, %sign3A_54 : i32
        %rem3A = arith.remsi %add3A_41, %jit3A : i32
        %ne3A_55 = arith.constant 0 : i32
        %ne3A_56 = arith.cmpi ne, %rem3A, %ne3A_55 : i32
        %and3A = arith.andi %ne3A, %ne3A_56 : i1
        %sub3A = arith.constant 1 : i32
        %sub3A_57 = arith.subi %div3A, %sub3A : i32
        %select_n3A = arith.select %and3A, %sub3A_57, %div3A : i32
        %mul3A_58 = arith.constant 16 : i32
        %mul3A_59 = arith.muli %select_n3A, %mul3A_58 : i32
        %get3A = arith.index_cast %mul3A_59 : i32 to index
        %get3A_60 = tpu.vector_load %arg5[%get3A] {strides = array<i32>} : memref<320xf32, #tpu.memory_space<vmem>>, vector<16xf32>,
        %get3A_61 = vector.shape_cast %get3A_60 : vector<16xf32> to vector<16xf32>
        %jit3A_62 = arith.constant 16 : i32
        %eq3A = arith.constant 0 : i32
        %eq3A_63 = arith.cmpi eq, %jit3A_62, %eq3A : i32
        %jit3A_64 = arith.constant 1 : i32
        %select_n3A_65 = arith.select %eq3A_63, %jit3A_64, %jit3A_62 : i32
        %rem3A_66 = arith.remsi %add3A_41, %select_n3A_65 : i32
        %ne3A_67 = arith.constant 0 : i32
        %ne3A_68 = arith.cmpi ne, %rem3A_66, %ne3A_67 : i32
        %lt3A = arith.constant 0 : i32
        %lt3A_69 = arith.cmpi slt, %rem3A_66, %lt3A : i32
        %lt3A_70 = arith.constant 0 : i32
        %lt3A_71 = arith.cmpi slt, %select_n3A_65, %lt3A_70 : i32
        %ne3A_72 = arith.xori %lt3A_69, %lt3A_71 : i1
        %and3A_73 = arith.andi %ne3A_72, %ne3A_68 : i1
        %add3A_74 = arith.addi %rem3A_66, %select_n3A_65 : i32
        %select_n3A_75 = arith.select %and3A_73, %add3A_74, %rem3A_66 : i32
        %broadcast_in_dim3A_76 = vector.broadcast %select_n3A_75 : i32 to vector<16xi32>
        %eq3A_77 = arith.cmpi eq, %iota3A, %broadcast_in_dim3A_76 : vector<16xi32>
        %jit3A_78 = arith.constant 0.000000e+00 : f32
        %broadcast_in_dim3A_79 = vector.broadcast %jit3A_78 : f32 to vector<16xf32>
        %select_n3A_80 = arith.select %eq3A_77, %get3A_61, %broadcast_in_dim3A_79 : vector<16xi1>, vector<16xf32>
        %iota3A_81 = tpu.iota {dimensions = array<i32: 0>} : vector<16xi32>
        %xor3A = arith.constant 1 : i32
        %xor3A_82 = vector.broadcast %xor3A : i32 to vector<16xi32>
        %xor3A_83 = arith.xori %iota3A_81, %xor3A_82 : vector<16xi32>
        %lt3A_84 = arith.constant 0 : i32
        %lt3A_85 = vector.broadcast %lt3A_84 : i32 to vector<16xi32>
        %lt3A_86 = arith.cmpi slt, %xor3A_83, %lt3A_85 : vector<16xi32>
        %add3A_87 = arith.constant 16 : i32
        %add3A_88 = vector.broadcast %add3A_87 : i32 to vector<16xi32>
        %add3A_89 = arith.addi %xor3A_83, %add3A_88 : vector<16xi32>
        %select_n3A_90 = arith.select %lt3A_86, %add3A_89, %xor3A_83 : vector<16xi1>, vector<16xi32>
        %broadcast_in_dim3A_91 = vector.shape_cast %select_n3A_90 : vector<16xi32> to vector<16x1xi32>
        %gather3A = vector.shape_cast %broadcast_in_dim3A_91 : vector<16x1xi32> to vector<16xi32>
        %gather3A_92 = tpu.dynamic_gather %select_n3A_80[%gather3A] in [0] : vector<16xf32>, vector<16xi32> -> vector<16xf32>
        %add3A_93 = arith.addf %select_n3A_80, %gather3A_92 : vector<16xf32>
        %xor3A_94 = arith.constant 2 : i32
        %xor3A_95 = vector.broadcast %xor3A_94 : i32 to vector<16xi32>
        %xor3A_96 = arith.xori %iota3A_81, %xor3A_95 : vector<16xi32>
        %lt3A_97 = arith.constant 0 : i32
        %lt3A_98 = vector.broadcast %lt3A_97 : i32 to vector<16xi32>
        %lt3A_99 = arith.cmpi slt, %xor3A_96, %lt3A_98 : vector<16xi32>
        %add3A_100 = arith.constant 16 : i32
        %add3A_101 = vector.broadcast %add3A_100 : i32 to vector<16xi32>
        %add3A_102 = arith.addi %xor3A_96, %add3A_101 : vector<16xi32>
        %select_n3A_103 = arith.select %lt3A_99, %add3A_102, %xor3A_96 : vector<16xi1>, vector<16xi32>
        %broadcast_in_dim3A_104 = vector.shape_cast %select_n3A_103 : vector<16xi32> to vector<16x1xi32>
        %gather3A_105 = vector.shape_cast %broadcast_in_dim3A_104 : vector<16x1xi32> to vector<16xi32>
        %gather3A_106 = tpu.dynamic_gather %add3A_93[%gather3A_105] in [0] : vector<16xf32>, vector<16xi32> -> vector<16xf32>
        %add3A_107 = arith.addf %add3A_93, %gather3A_106 : vector<16xf32>
        %xor3A_108 = arith.constant 4 : i32
        %xor3A_109 = vector.broadcast %xor3A_108 : i32 to vector<16xi32>
        %xor3A_110 = arith.xori %iota3A_81, %xor3A_109 : vector<16xi32>
        %lt3A_111 = arith.constant 0 : i32
        %lt3A_112 = vector.broadcast %lt3A_111 : i32 to vector<16xi32>
        %lt3A_113 = arith.cmpi slt, %xor3A_110, %lt3A_112 : vector<16xi32>
        %add3A_114 = arith.constant 16 : i32
        %add3A_115 = vector.broadcast %add3A_114 : i32 to vector<16xi32>
        %add3A_116 = arith.addi %xor3A_110, %add3A_115 : vector<16xi32>
        %select_n3A_117 = arith.select %lt3A_113, %add3A_116, %xor3A_110 : vector<16xi1>, vector<16xi32>
        %broadcast_in_dim3A_118 = vector.shape_cast %select_n3A_117 : vector<16xi32> to vector<16x1xi32>
        %gather3A_119 = vector.shape_cast %broadcast_in_dim3A_118 : vector<16x1xi32> to vector<16xi32>
        %gather3A_120 = tpu.dynamic_gather %add3A_107[%gather3A_119] in [0] : vector<16xf32>, vector<16xi32> -> vector<16xf32>
        %add3A_121 = arith.addf %add3A_107, %gather3A_120 : vector<16xf32>
        %xor3A_122 = arith.constant 8 : i32
        %xor3A_123 = vector.broadcast %xor3A_122 : i32 to vector<16xi32>
        %xor3A_124 = arith.xori %iota3A_81, %xor3A_123 : vector<16xi32>
        %lt3A_125 = arith.constant 0 : i32
        %lt3A_126 = vector.broadcast %lt3A_125 : i32 to vector<16xi32>
        %lt3A_127 = arith.cmpi slt, %xor3A_124, %lt3A_126 : vector<16xi32>
        %add3A_128 = arith.constant 16 : i32
        %add3A_129 = vector.broadcast %add3A_128 : i32 to vector<16xi32>
        %add3A_130 = arith.addi %xor3A_124, %add3A_129 : vector<16xi32>
        %select_n3A_131 = arith.select %lt3A_127, %add3A_130, %xor3A_124 : vector<16xi1>, vector<16xi32>
        %broadcast_in_dim3A_132 = vector.shape_cast %select_n3A_131 : vector<16xi32> to vector<16x1xi32>
        %gather3A_133 = vector.shape_cast %broadcast_in_dim3A_132 : vector<16x1xi32> to vector<16xi32>
        %gather3A_134 = tpu.dynamic_gather %add3A_121[%gather3A_133] in [0] : vector<16xf32>, vector<16xi32> -> vector<16xf32>
        %add3A_135 = arith.addf %add3A_121, %gather3A_134 : vector<16xf32>
        %scan3A_136 = arith.constant 0 : i32
        %scan3A_137 = arith.constant 0 : i32
        %scan3A_138 = arith.constant 16 : i32
        %scan3A_139 = arith.addi %scan3A_137, %scan3A_138 : i32
        %scan3A_140 = arith.constant 1 : i32
        %scan3A_141 = scf.for %scan3A_144 = %scan3A_137 to %scan3A_139 step %scan3A_140 iter_args(%scan3A_145 = %scan3A_136) -> (i32)  : i32 {
          %mul3A_146 = arith.constant 16 : i32
          %mul3A_147 = arith.muli %scan3A_144, %mul3A_146 : i32
          %swap3A = arith.index_cast %scan3A_37 : i32 to index
          %swap3A_148 = arith.index_cast %mul3A_147 : i32 to index
          %swap3A_149 = tpu.vector_load %arg6[%swap3A, %swap3A_148] {strides = array<i32>} : memref<32x256xf32, #tpu.memory_space<vmem>>, vector<1x16xf32>,
          %swap3A_150 = vector.shape_cast %swap3A_149 : vector<1x16xf32> to vector<16xf32>
          %swap3A_151 = vector.shape_cast %add3A_135 : vector<16xf32> to vector<1x16xf32>
          tpu.vector_store %arg6[%swap3A, %swap3A_148], %swap3A_151 {strides = array<i32>} : memref<32x256xf32, #tpu.memory_space<vmem>>, vector<1x16xf32>,
          %scan3A_152 = arith.constant 0 : i32
          scf.yield %scan3A_152 : i32
        }
        %scan3A_142 = arith.constant 16 : i32
        %scan3A_143 = arith.constant 0 : i32
        scf.yield %scan3A_143 : i32
      }
      %scan3A_32 = arith.constant 32 : i32
      %mul3A_33 = arith.constant 32 : i32
      %mul3A_34 = arith.muli %scan3A_24, %mul3A_33 : i32
      %add3A_35 = arith.addi %mul3A_2, %mul3A_34 : i32
      "tpu.region"() ({
        %run_scoped3A = tpu.sem_alloc : memref<!tpu.dma_semaphore, #tpu.memory_space<semaphore_mem>>
        %dma_start3A = arith.constant 0 : i32
        %dma_start3A_37 = tpu.memref_slice %arg3[%add3A_35, %dma_start3A] : memref<10240x256xf32, #tpu.memory_space<hbm>> -> memref<32x256xf32, #tpu.memory_space<hbm>>
        %dma_start3A_38 = arith.constant 0 : i32
        %dma_start3A_39 = tpu.memref_slice %arg3[%add3A_35, %dma_start3A_38] : memref<10240x256xf32, #tpu.memory_space<hbm>> -> memref<32x256xf32, #tpu.memory_space<hbm>>
        tpu.enqueue_dma source(%arg6 : memref<32x256xf32, #tpu.memory_space<vmem>>) target(%dma_start3A_39 : memref<32x256xf32, #tpu.memory_space<hbm>>) target_semaphore(%run_scoped3A : memref<!tpu.dma_semaphore, #tpu.memory_space<semaphore_mem>>)
        %dma_wait3A = arith.constant 0 : i32
        %dma_wait3A_40 = tpu.memref_slice %arg3[%add3A_35, %dma_wait3A] : memref<10240x256xf32, #tpu.memory_space<hbm>> -> memref<32x256xf32, #tpu.memory_space<hbm>>
        %dma_wait3A_41 = arith.constant 0 : i32
        %dma_wait3A_42 = tpu.memref_slice %arg3[%add3A_35, %dma_wait3A_41] : memref<10240x256xf32, #tpu.memory_space<hbm>> -> memref<32x256xf32, #tpu.memory_space<hbm>>
        tpu.wait_dma2 semaphore(%run_scoped3A : memref<!tpu.dma_semaphore, #tpu.memory_space<semaphore_mem>>) src(%arg6 : memref<32x256xf32, #tpu.memory_space<vmem>>) dst(%dma_wait3A_42 : memref<32x256xf32, #tpu.memory_space<hbm>>)
        tpu.yield
      }) : () -> ()
      %scan3A_36 = arith.constant 0 : i32
      scf.yield %scan3A_36 : i32
    }
    %scan3A_23 = arith.constant 10 : i32
    return
  }
}

#map = affine_map<(d0, d1) -> (0, 0)>
#map1 = affine_map<(d0, d1) -> (0, 0, 0)>
module attributes {stable_mosaic.version = 14 : i64} {
  func.func @_scat_body(%arg0: i32, %arg1: i32, %arg2: memref<10240x256xf32, #tpu.memory_space<hbm>>, %arg3: memref<160x8x128xi32, #tpu.memory_space<hbm>>, %arg4: memref<160x8x128xi32, #tpu.memory_space<hbm>>, %arg5: memref<10240x256xf32, #tpu.memory_space<hbm>>, %arg6: memref<8x128xi32, #tpu.memory_space<vmem>>, %arg7: memref<8x128xi32, #tpu.memory_space<vmem>>, %arg8: memref<208xi32, #tpu.memory_space<vmem>>, %arg9: memref<208xi32, #tpu.memory_space<vmem>>, %arg10: memref<128x256xf32, #tpu.memory_space<vmem>>, %arg11: memref<320x256xf32, #tpu.memory_space<vmem>>, %arg12: memref<!tpu.dma_semaphore, #tpu.memory_space<semaphore_mem>>) attributes {dimension_semantics = [#tpu.dimension_semantics<core_parallel>, #tpu.dimension_semantics<subcore_parallel>], iteration_bounds = array<i64: 2, 16>, scalar_prefetch = 0 : i64, scratch_operands = 7 : i64, tpu.core_type = #tpu.core_type<sc_vector_subcore>, window_params = [{transform_indices = #map}, {transform_indices = #map1}, {transform_indices = #map1}, {transform_indices = #map}]} {
    %mul3A = arith.constant 16 : i32
    %mul3A_0 = arith.muli %arg0, %mul3A : i32
    %add3A = arith.addi %mul3A_0, %arg1 : i32
    %mul3A_1 = arith.constant 320 : i32
    %mul3A_2 = arith.muli %add3A, %mul3A_1 : i32
    %iota3A = tpu.iota {dimensions = array<i32: 0>} : vector<16xi32>
    %broadcast_in_dim3A = arith.constant 0.000000e+00 : f32
    %broadcast_in_dim3A_3 = vector.broadcast %broadcast_in_dim3A : f32 to vector<16xf32>
    %scan3A = arith.constant 0 : i32
    %scan3A_4 = arith.constant 0 : i32
    %scan3A_5 = arith.constant 5120 : i32
    %scan3A_6 = arith.addi %scan3A_4, %scan3A_5 : i32
    %scan3A_7 = arith.constant 1 : i32
    %scan3A_8 = scf.for %scan3A_50 = %scan3A_4 to %scan3A_6 step %scan3A_7 iter_args(%scan3A_51 = %scan3A) -> (i32)  : i32 {
      %jit3A = arith.constant 16 : i32
      %div3A = arith.divsi %scan3A_50, %jit3A : i32
      %sign3A = arith.constant 0 : i32
      %sign3A_52 = arith.cmpi sgt, %scan3A_50, %sign3A : i32
      %sign3A_53 = arith.extui %sign3A_52 : i1 to i32
      %sign3A_54 = arith.constant 0 : i32
      %sign3A_55 = arith.cmpi slt, %scan3A_50, %sign3A_54 : i32
      %sign3A_56 = arith.extui %sign3A_55 : i1 to i32
      %sign3A_57 = arith.subi %sign3A_53, %sign3A_56 : i32
      %sign3A_58 = arith.constant 0 : i32
      %sign3A_59 = arith.cmpi sgt, %jit3A, %sign3A_58 : i32
      %sign3A_60 = arith.extui %sign3A_59 : i1 to i32
      %sign3A_61 = arith.constant 0 : i32
      %sign3A_62 = arith.cmpi slt, %jit3A, %sign3A_61 : i32
      %sign3A_63 = arith.extui %sign3A_62 : i1 to i32
      %sign3A_64 = arith.subi %sign3A_60, %sign3A_63 : i32
      %ne3A = arith.cmpi ne, %sign3A_57, %sign3A_64 : i32
      %rem3A = arith.remsi %scan3A_50, %jit3A : i32
      %ne3A_65 = arith.constant 0 : i32
      %ne3A_66 = arith.cmpi ne, %rem3A, %ne3A_65 : i32
      %and3A = arith.andi %ne3A, %ne3A_66 : i1
      %sub3A = arith.constant 1 : i32
      %sub3A_67 = arith.subi %div3A, %sub3A : i32
      %select_n3A = arith.select %and3A, %sub3A_67, %div3A : i32
      %jit3A_68 = arith.constant 16 : i32
      %eq3A = arith.constant 0 : i32
      %eq3A_69 = arith.cmpi eq, %jit3A_68, %eq3A : i32
      %jit3A_70 = arith.constant 1 : i32
      %select_n3A_71 = arith.select %eq3A_69, %jit3A_70, %jit3A_68 : i32
      %rem3A_72 = arith.remsi %scan3A_50, %select_n3A_71 : i32
      %ne3A_73 = arith.constant 0 : i32
      %ne3A_74 = arith.cmpi ne, %rem3A_72, %ne3A_73 : i32
      %lt3A = arith.constant 0 : i32
      %lt3A_75 = arith.cmpi slt, %rem3A_72, %lt3A : i32
      %lt3A_76 = arith.constant 0 : i32
      %lt3A_77 = arith.cmpi slt, %select_n3A_71, %lt3A_76 : i32
      %ne3A_78 = arith.xori %lt3A_75, %lt3A_77 : i1
      %and3A_79 = arith.andi %ne3A_78, %ne3A_74 : i1
      %add3A_80 = arith.addi %rem3A_72, %select_n3A_71 : i32
      %select_n3A_81 = arith.select %and3A_79, %add3A_80, %rem3A_72 : i32
      %mul3A_82 = arith.constant 16 : i32
      %mul3A_83 = arith.muli %select_n3A_81, %mul3A_82 : i32
      %swap3A = arith.index_cast %select_n3A : i32 to index
      %swap3A_84 = arith.index_cast %mul3A_83 : i32 to index
      %swap3A_85 = tpu.vector_load %arg11[%swap3A, %swap3A_84] {strides = array<i32>} : memref<320x256xf32, #tpu.memory_space<vmem>>, vector<1x16xf32>,
      %swap3A_86 = vector.shape_cast %swap3A_85 : vector<1x16xf32> to vector<16xf32>
      %swap3A_87 = vector.shape_cast %broadcast_in_dim3A_3 : vector<16xf32> to vector<1x16xf32>
      tpu.vector_store %arg11[%swap3A, %swap3A_84], %swap3A_87 {strides = array<i32>} : memref<320x256xf32, #tpu.memory_space<vmem>>, vector<1x16xf32>,
      %scan3A_88 = arith.constant 0 : i32
      scf.yield %scan3A_88 : i32
    }
    %scan3A_9 = arith.constant 5120 : i32
    %scan3A_10 = arith.constant 0 : i32
    %scan3A_11 = arith.constant 0 : i32
    %scan3A_12 = arith.constant 13 : i32
    %scan3A_13 = arith.addi %scan3A_11, %scan3A_12 : i32
    %scan3A_14 = arith.constant 1 : i32
    %scan3A_15 = scf.for %scan3A_50 = %scan3A_11 to %scan3A_13 step %scan3A_14 iter_args(%scan3A_51 = %scan3A_10) -> (i32)  : i32 {
      %broadcast_in_dim3A_52 = arith.constant 0 : i32
      %broadcast_in_dim3A_53 = vector.broadcast %broadcast_in_dim3A_52 : i32 to vector<16xi32>
      %mul3A_54 = arith.constant 16 : i32
      %mul3A_55 = arith.muli %scan3A_50, %mul3A_54 : i32
      %swap3A = arith.index_cast %mul3A_55 : i32 to index
      %swap3A_56 = tpu.vector_load %arg8[%swap3A] {strides = array<i32>} : memref<208xi32, #tpu.memory_space<vmem>>, vector<16xi32>,
      %swap3A_57 = vector.shape_cast %swap3A_56 : vector<16xi32> to vector<16xi32>
      %swap3A_58 = vector.shape_cast %broadcast_in_dim3A_53 : vector<16xi32> to vector<16xi32>
      tpu.vector_store %arg8[%swap3A], %swap3A_58 {strides = array<i32>} : memref<208xi32, #tpu.memory_space<vmem>>, vector<16xi32>,
      %scan3A_59 = arith.constant 0 : i32
      scf.yield %scan3A_59 : i32
    }
    %scan3A_16 = arith.constant 13 : i32
    %scan3A_17 = arith.constant 0 : i32
    %scan3A_18 = arith.constant 0 : i32
    %scan3A_19 = arith.constant 160 : i32
    %scan3A_20 = arith.addi %scan3A_18, %scan3A_19 : i32
    %scan3A_21 = arith.constant 1 : i32
    %scan3A_22 = scf.for %scan3A_50 = %scan3A_18 to %scan3A_20 step %scan3A_21 iter_args(%scan3A_51 = %scan3A_17) -> (i32)  : i32 {
      "tpu.region"() ({
        %run_scoped3A = tpu.sem_alloc : memref<!tpu.dma_semaphore, #tpu.memory_space<semaphore_mem>>
        %dma_start3A_58 = arith.constant 0 : i32
        %dma_start3A_59 = arith.constant 0 : i32
        %dma_start3A_60 = tpu.memref_slice %arg3[%scan3A_50, %dma_start3A_58, %dma_start3A_59] : memref<160x8x128xi32, #tpu.memory_space<hbm>> -> memref<1x8x128xi32, #tpu.memory_space<hbm>>
        %dma_start3A_61 = tpu.memref_squeeze %dma_start3A_60 : memref<1x8x128xi32, #tpu.memory_space<hbm>> -> memref<8x128xi32, #tpu.memory_space<hbm>>
        %dma_start3A_62 = arith.constant 0 : i32
        %dma_start3A_63 = arith.constant 0 : i32
        %dma_start3A_64 = tpu.memref_slice %arg3[%scan3A_50, %dma_start3A_62, %dma_start3A_63] : memref<160x8x128xi32, #tpu.memory_space<hbm>> -> memref<1x8x128xi32, #tpu.memory_space<hbm>>
        %dma_start3A_65 = tpu.memref_squeeze %dma_start3A_64 : memref<1x8x128xi32, #tpu.memory_space<hbm>> -> memref<8x128xi32, #tpu.memory_space<hbm>>
        tpu.enqueue_dma source(%dma_start3A_65 : memref<8x128xi32, #tpu.memory_space<hbm>>) target(%arg6 : memref<8x128xi32, #tpu.memory_space<vmem>>) target_semaphore(%run_scoped3A : memref<!tpu.dma_semaphore, #tpu.memory_space<semaphore_mem>>)
        %dma_wait3A_66 = arith.constant 0 : i32
        %dma_wait3A_67 = arith.constant 0 : i32
        %dma_wait3A_68 = tpu.memref_slice %arg3[%scan3A_50, %dma_wait3A_66, %dma_wait3A_67] : memref<160x8x128xi32, #tpu.memory_space<hbm>> -> memref<1x8x128xi32, #tpu.memory_space<hbm>>
        %dma_wait3A_69 = tpu.memref_squeeze %dma_wait3A_68 : memref<1x8x128xi32, #tpu.memory_space<hbm>> -> memref<8x128xi32, #tpu.memory_space<hbm>>
        %dma_wait3A_70 = arith.constant 0 : i32
        %dma_wait3A_71 = arith.constant 0 : i32
        %dma_wait3A_72 = tpu.memref_slice %arg3[%scan3A_50, %dma_wait3A_70, %dma_wait3A_71] : memref<160x8x128xi32, #tpu.memory_space<hbm>> -> memref<1x8x128xi32, #tpu.memory_space<hbm>>
        %dma_wait3A_73 = tpu.memref_squeeze %dma_wait3A_72 : memref<1x8x128xi32, #tpu.memory_space<hbm>> -> memref<8x128xi32, #tpu.memory_space<hbm>>
        tpu.wait_dma2 semaphore(%run_scoped3A : memref<!tpu.dma_semaphore, #tpu.memory_space<semaphore_mem>>) src(%dma_wait3A_73 : memref<8x128xi32, #tpu.memory_space<hbm>>) dst(%arg6 : memref<8x128xi32, #tpu.memory_space<vmem>>)
        tpu.yield
      }) : () -> ()
      "tpu.region"() ({
        %run_scoped3A = tpu.sem_alloc : memref<!tpu.dma_semaphore, #tpu.memory_space<semaphore_mem>>
        %dma_start3A_58 = arith.constant 0 : i32
        %dma_start3A_59 = arith.constant 0 : i32
        %dma_start3A_60 = tpu.memref_slice %arg4[%scan3A_50, %dma_start3A_58, %dma_start3A_59] : memref<160x8x128xi32, #tpu.memory_space<hbm>> -> memref<1x8x128xi32, #tpu.memory_space<hbm>>
        %dma_start3A_61 = tpu.memref_squeeze %dma_start3A_60 : memref<1x8x128xi32, #tpu.memory_space<hbm>> -> memref<8x128xi32, #tpu.memory_space<hbm>>
        %dma_start3A_62 = arith.constant 0 : i32
        %dma_start3A_63 = arith.constant 0 : i32
        %dma_start3A_64 = tpu.memref_slice %arg4[%scan3A_50, %dma_start3A_62, %dma_start3A_63] : memref<160x8x128xi32, #tpu.memory_space<hbm>> -> memref<1x8x128xi32, #tpu.memory_space<hbm>>
        %dma_start3A_65 = tpu.memref_squeeze %dma_start3A_64 : memref<1x8x128xi32, #tpu.memory_space<hbm>> -> memref<8x128xi32, #tpu.memory_space<hbm>>
        tpu.enqueue_dma source(%dma_start3A_65 : memref<8x128xi32, #tpu.memory_space<hbm>>) target(%arg7 : memref<8x128xi32, #tpu.memory_space<vmem>>) target_semaphore(%run_scoped3A : memref<!tpu.dma_semaphore, #tpu.memory_space<semaphore_mem>>)
        %dma_wait3A_66 = arith.constant 0 : i32
        %dma_wait3A_67 = arith.constant 0 : i32
        %dma_wait3A_68 = tpu.memref_slice %arg4[%scan3A_50, %dma_wait3A_66, %dma_wait3A_67] : memref<160x8x128xi32, #tpu.memory_space<hbm>> -> memref<1x8x128xi32, #tpu.memory_space<hbm>>
        %dma_wait3A_69 = tpu.memref_squeeze %dma_wait3A_68 : memref<1x8x128xi32, #tpu.memory_space<hbm>> -> memref<8x128xi32, #tpu.memory_space<hbm>>
        %dma_wait3A_70 = arith.constant 0 : i32
        %dma_wait3A_71 = arith.constant 0 : i32
        %dma_wait3A_72 = tpu.memref_slice %arg4[%scan3A_50, %dma_wait3A_70, %dma_wait3A_71] : memref<160x8x128xi32, #tpu.memory_space<hbm>> -> memref<1x8x128xi32, #tpu.memory_space<hbm>>
        %dma_wait3A_73 = tpu.memref_squeeze %dma_wait3A_72 : memref<1x8x128xi32, #tpu.memory_space<hbm>> -> memref<8x128xi32, #tpu.memory_space<hbm>>
        tpu.wait_dma2 semaphore(%run_scoped3A : memref<!tpu.dma_semaphore, #tpu.memory_space<semaphore_mem>>) src(%dma_wait3A_73 : memref<8x128xi32, #tpu.memory_space<hbm>>) dst(%arg7 : memref<8x128xi32, #tpu.memory_space<vmem>>)
        tpu.yield
      }) : () -> ()
      %scan3A_52 = arith.constant 0 : i32
      %scan3A_53 = arith.constant 16 : i32
      %scan3A_54 = arith.addi %scan3A_52, %scan3A_53 : i32
      %scan3A_55 = arith.constant 1 : i32
      %scan3A_56 = scf.for %scan3A_58 = %scan3A_52 to %scan3A_54 step %scan3A_55 iter_args(%scan3A_59 = %scan3A_51) -> (i32)  : i32 {
        %jit3A = arith.constant 2 : i32
        %eq3A = arith.constant 0 : i32
        %eq3A_60 = arith.cmpi eq, %jit3A, %eq3A : i32
        %jit3A_61 = arith.constant 1 : i32
        %select_n3A = arith.select %eq3A_60, %jit3A_61, %jit3A : i32
        %rem3A = arith.remsi %scan3A_58, %select_n3A : i32
        %ne3A = arith.constant 0 : i32
        %ne3A_62 = arith.cmpi ne, %rem3A, %ne3A : i32
        %lt3A = arith.constant 0 : i32
        %lt3A_63 = arith.cmpi slt, %rem3A, %lt3A : i32
        %lt3A_64 = arith.constant 0 : i32
        %lt3A_65 = arith.cmpi slt, %select_n3A, %lt3A_64 : i32
        %ne3A_66 = arith.xori %lt3A_63, %lt3A_65 : i1
        %and3A = arith.andi %ne3A_66, %ne3A_62 : i1
        %add3A_67 = arith.addi %rem3A, %select_n3A : i32
        %select_n3A_68 = arith.select %and3A, %add3A_67, %rem3A : i32
        %mul3A_69 = arith.constant 64 : i32
        %mul3A_70 = arith.muli %select_n3A_68, %mul3A_69 : i32
        %add3A_71 = arith.constant 0 : i32
        %add3A_72 = arith.addi %mul3A_70, %add3A_71 : i32
        %jit3A_73 = arith.constant 2 : i32
        %div3A = arith.divsi %scan3A_58, %jit3A_73 : i32
        %sign3A = arith.constant 0 : i32
        %sign3A_74 = arith.cmpi sgt, %scan3A_58, %sign3A : i32
        %sign3A_75 = arith.extui %sign3A_74 : i1 to i32
        %sign3A_76 = arith.constant 0 : i32
        %sign3A_77 = arith.cmpi slt, %scan3A_58, %sign3A_76 : i32
        %sign3A_78 = arith.extui %sign3A_77 : i1 to i32
        %sign3A_79 = arith.subi %sign3A_75, %sign3A_78 : i32
        %sign3A_80 = arith.constant 0 : i32
        %sign3A_81 = arith.cmpi sgt, %jit3A_73, %sign3A_80 : i32
        %sign3A_82 = arith.extui %sign3A_81 : i1 to i32
        %sign3A_83 = arith.constant 0 : i32
        %sign3A_84 = arith.cmpi slt, %jit3A_73, %sign3A_83 : i32
        %sign3A_85 = arith.extui %sign3A_84 : i1 to i32
        %sign3A_86 = arith.subi %sign3A_82, %sign3A_85 : i32
        %ne3A_87 = arith.cmpi ne, %sign3A_79, %sign3A_86 : i32
        %rem3A_88 = arith.remsi %scan3A_58, %jit3A_73 : i32
        %ne3A_89 = arith.constant 0 : i32
        %ne3A_90 = arith.cmpi ne, %rem3A_88, %ne3A_89 : i32
        %and3A_91 = arith.andi %ne3A_87, %ne3A_90 : i1
        %sub3A = arith.constant 1 : i32
        %sub3A_92 = arith.subi %div3A, %sub3A : i32
        %select_n3A_93 = arith.select %and3A_91, %sub3A_92, %div3A : i32
        %get3A = arith.index_cast %select_n3A_93 : i32 to index
        %get3A_94 = arith.index_cast %add3A_72 : i32 to index
        %get3A_95 = tpu.vector_load %arg7[%get3A, %get3A_94] {strides = array<i32>} : memref<8x128xi32, #tpu.memory_space<vmem>>, vector<1x16xi32>,
        %get3A_96 = vector.shape_cast %get3A_95 : vector<1x16xi32> to vector<16xi32>
        %sub3A_97 = vector.broadcast %mul3A_2 : i32 to vector<16xi32>
        %sub3A_98 = arith.subi %get3A_96, %sub3A_97 : vector<16xi32>
        %jit3A_99 = arith.constant 2 : i32
        %div3A_100 = arith.divsi %scan3A_58, %jit3A_99 : i32
        %sign3A_101 = arith.constant 0 : i32
        %sign3A_102 = arith.cmpi sgt, %scan3A_58, %sign3A_101 : i32
        %sign3A_103 = arith.extui %sign3A_102 : i1 to i32
        %sign3A_104 = arith.constant 0 : i32
        %sign3A_105 = arith.cmpi slt, %scan3A_58, %sign3A_104 : i32
        %sign3A_106 = arith.extui %sign3A_105 : i1 to i32
        %sign3A_107 = arith.subi %sign3A_103, %sign3A_106 : i32
        %sign3A_108 = arith.constant 0 : i32
        %sign3A_109 = arith.cmpi sgt, %jit3A_99, %sign3A_108 : i32
        %sign3A_110 = arith.extui %sign3A_109 : i1 to i32
        %sign3A_111 = arith.constant 0 : i32
        %sign3A_112 = arith.cmpi slt, %jit3A_99, %sign3A_111 : i32
        %sign3A_113 = arith.extui %sign3A_112 : i1 to i32
        %sign3A_114 = arith.subi %sign3A_110, %sign3A_113 : i32
        %ne3A_115 = arith.cmpi ne, %sign3A_107, %sign3A_114 : i32
        %rem3A_116 = arith.remsi %scan3A_58, %jit3A_99 : i32
        %ne3A_117 = arith.constant 0 : i32
        %ne3A_118 = arith.cmpi ne, %rem3A_116, %ne3A_117 : i32
        %and3A_119 = arith.andi %ne3A_115, %ne3A_118 : i1
        %sub3A_120 = arith.constant 1 : i32
        %sub3A_121 = arith.subi %div3A_100, %sub3A_120 : i32
        %select_n3A_122 = arith.select %and3A_119, %sub3A_121, %div3A_100 : i32
        %get3A_123 = arith.index_cast %select_n3A_122 : i32 to index
        %get3A_124 = arith.index_cast %add3A_72 : i32 to index
        %get3A_125 = tpu.vector_load %arg6[%get3A_123, %get3A_124] {strides = array<i32>} : memref<8x128xi32, #tpu.memory_space<vmem>>, vector<1x16xi32>,
        %get3A_126 = vector.shape_cast %get3A_125 : vector<1x16xi32> to vector<16xi32>
        %ge3A = arith.constant 0 : i32
        %ge3A_127 = vector.broadcast %ge3A : i32 to vector<16xi32>
        %ge3A_128 = arith.cmpi sge, %sub3A_98, %ge3A_127 : vector<16xi32>
        %lt3A_129 = arith.constant 320 : i32
        %lt3A_130 = vector.broadcast %lt3A_129 : i32 to vector<16xi32>
        %lt3A_131 = arith.cmpi slt, %sub3A_98, %lt3A_130 : vector<16xi32>
        %and3A_132 = arith.andi %ge3A_128, %lt3A_131 : vector<16xi1>
        %jit3A_133 = arith.constant 2 : i32
        %eq3A_134 = arith.constant 0 : i32
        %eq3A_135 = arith.cmpi eq, %jit3A_133, %eq3A_134 : i32
        %jit3A_136 = arith.constant 1 : i32
        %select_n3A_137 = arith.select %eq3A_135, %jit3A_136, %jit3A_133 : i32
        %rem3A_138 = arith.remsi %scan3A_58, %select_n3A_137 : i32
        %ne3A_139 = arith.constant 0 : i32
        %ne3A_140 = arith.cmpi ne, %rem3A_138, %ne3A_139 : i32
        %lt3A_141 = arith.constant 0 : i32
        %lt3A_142 = arith.cmpi slt, %rem3A_138, %lt3A_141 : i32
        %lt3A_143 = arith.constant 0 : i32
        %lt3A_144 = arith.cmpi slt, %select_n3A_137, %lt3A_143 : i32
        %ne3A_145 = arith.xori %lt3A_142, %lt3A_144 : i1
        %and3A_146 = arith.andi %ne3A_145, %ne3A_140 : i1
        %add3A_147 = arith.addi %rem3A_138, %select_n3A_137 : i32
        %select_n3A_148 = arith.select %and3A_146, %add3A_147, %rem3A_138 : i32
        %mul3A_149 = arith.constant 64 : i32
        %mul3A_150 = arith.muli %select_n3A_148, %mul3A_149 : i32
        %add3A_151 = arith.constant 16 : i32
        %add3A_152 = arith.addi %mul3A_150, %add3A_151 : i32
        %jit3A_153 = arith.constant 2 : i32
        %div3A_154 = arith.divsi %scan3A_58, %jit3A_153 : i32
        %sign3A_155 = arith.constant 0 : i32
        %sign3A_156 = arith.cmpi sgt, %scan3A_58, %sign3A_155 : i32
        %sign3A_157 = arith.extui %sign3A_156 : i1 to i32
        %sign3A_158 = arith.constant 0 : i32
        %sign3A_159 = arith.cmpi slt, %scan3A_58, %sign3A_158 : i32
        %sign3A_160 = arith.extui %sign3A_159 : i1 to i32
        %sign3A_161 = arith.subi %sign3A_157, %sign3A_160 : i32
        %sign3A_162 = arith.constant 0 : i32
        %sign3A_163 = arith.cmpi sgt, %jit3A_153, %sign3A_162 : i32
        %sign3A_164 = arith.extui %sign3A_163 : i1 to i32
        %sign3A_165 = arith.constant 0 : i32
        %sign3A_166 = arith.cmpi slt, %jit3A_153, %sign3A_165 : i32
        %sign3A_167 = arith.extui %sign3A_166 : i1 to i32
        %sign3A_168 = arith.subi %sign3A_164, %sign3A_167 : i32
        %ne3A_169 = arith.cmpi ne, %sign3A_161, %sign3A_168 : i32
        %rem3A_170 = arith.remsi %scan3A_58, %jit3A_153 : i32
        %ne3A_171 = arith.constant 0 : i32
        %ne3A_172 = arith.cmpi ne, %rem3A_170, %ne3A_171 : i32
        %and3A_173 = arith.andi %ne3A_169, %ne3A_172 : i1
        %sub3A_174 = arith.constant 1 : i32
        %sub3A_175 = arith.subi %div3A_154, %sub3A_174 : i32
        %select_n3A_176 = arith.select %and3A_173, %sub3A_175, %div3A_154 : i32
        %get3A_177 = arith.index_cast %select_n3A_176 : i32 to index
        %get3A_178 = arith.index_cast %add3A_152 : i32 to index
        %get3A_179 = tpu.vector_load %arg7[%get3A_177, %get3A_178] {strides = array<i32>} : memref<8x128xi32, #tpu.memory_space<vmem>>, vector<1x16xi32>,
        %get3A_180 = vector.shape_cast %get3A_179 : vector<1x16xi32> to vector<16xi32>
        %sub3A_181 = vector.broadcast %mul3A_2 : i32 to vector<16xi32>
        %sub3A_182 = arith.subi %get3A_180, %sub3A_181 : vector<16xi32>
        %jit3A_183 = arith.constant 2 : i32
        %div3A_184 = arith.divsi %scan3A_58, %jit3A_183 : i32
        %sign3A_185 = arith.constant 0 : i32
        %sign3A_186 = arith.cmpi sgt, %scan3A_58, %sign3A_185 : i32
        %sign3A_187 = arith.extui %sign3A_186 : i1 to i32
        %sign3A_188 = arith.constant 0 : i32
        %sign3A_189 = arith.cmpi slt, %scan3A_58, %sign3A_188 : i32
        %sign3A_190 = arith.extui %sign3A_189 : i1 to i32
        %sign3A_191 = arith.subi %sign3A_187, %sign3A_190 : i32
        %sign3A_192 = arith.constant 0 : i32
        %sign3A_193 = arith.cmpi sgt, %jit3A_183, %sign3A_192 : i32
        %sign3A_194 = arith.extui %sign3A_193 : i1 to i32
        %sign3A_195 = arith.constant 0 : i32
        %sign3A_196 = arith.cmpi slt, %jit3A_183, %sign3A_195 : i32
        %sign3A_197 = arith.extui %sign3A_196 : i1 to i32
        %sign3A_198 = arith.subi %sign3A_194, %sign3A_197 : i32
        %ne3A_199 = arith.cmpi ne, %sign3A_191, %sign3A_198 : i32
        %rem3A_200 = arith.remsi %scan3A_58, %jit3A_183 : i32
        %ne3A_201 = arith.constant 0 : i32
        %ne3A_202 = arith.cmpi ne, %rem3A_200, %ne3A_201 : i32
        %and3A_203 = arith.andi %ne3A_199, %ne3A_202 : i1
        %sub3A_204 = arith.constant 1 : i32
        %sub3A_205 = arith.subi %div3A_184, %sub3A_204 : i32
        %select_n3A_206 = arith.select %and3A_203, %sub3A_205, %div3A_184 : i32
        %get3A_207 = arith.index_cast %select_n3A_206 : i32 to index
        %get3A_208 = arith.index_cast %add3A_152 : i32 to index
        %get3A_209 = tpu.vector_load %arg6[%get3A_207, %get3A_208] {strides = array<i32>} : memref<8x128xi32, #tpu.memory_space<vmem>>, vector<1x16xi32>,
        %get3A_210 = vector.shape_cast %get3A_209 : vector<1x16xi32> to vector<16xi32>
        %ge3A_211 = arith.constant 0 : i32
        %ge3A_212 = vector.broadcast %ge3A_211 : i32 to vector<16xi32>
        %ge3A_213 = arith.cmpi sge, %sub3A_182, %ge3A_212 : vector<16xi32>
        %lt3A_214 = arith.constant 320 : i32
        %lt3A_215 = vector.broadcast %lt3A_214 : i32 to vector<16xi32>
        %lt3A_216 = arith.cmpi slt, %sub3A_182, %lt3A_215 : vector<16xi32>
        %and3A_217 = arith.andi %ge3A_213, %lt3A_216 : vector<16xi1>
        %jit3A_218 = arith.constant 2 : i32
        %eq3A_219 = arith.constant 0 : i32
        %eq3A_220 = arith.cmpi eq, %jit3A_218, %eq3A_219 : i32
        %jit3A_221 = arith.constant 1 : i32
        %select_n3A_222 = arith.select %eq3A_220, %jit3A_221, %jit3A_218 : i32
        %rem3A_223 = arith.remsi %scan3A_58, %select_n3A_222 : i32
        %ne3A_224 = arith.constant 0 : i32
        %ne3A_225 = arith.cmpi ne, %rem3A_223, %ne3A_224 : i32
        %lt3A_226 = arith.constant 0 : i32
        %lt3A_227 = arith.cmpi slt, %rem3A_223, %lt3A_226 : i32
        %lt3A_228 = arith.constant 0 : i32
        %lt3A_229 = arith.cmpi slt, %select_n3A_222, %lt3A_228 : i32
        %ne3A_230 = arith.xori %lt3A_227, %lt3A_229 : i1
        %and3A_231 = arith.andi %ne3A_230, %ne3A_225 : i1
        %add3A_232 = arith.addi %rem3A_223, %select_n3A_222 : i32
        %select_n3A_233 = arith.select %and3A_231, %add3A_232, %rem3A_223 : i32
        %mul3A_234 = arith.constant 64 : i32
        %mul3A_235 = arith.muli %select_n3A_233, %mul3A_234 : i32
        %add3A_236 = arith.constant 32 : i32
        %add3A_237 = arith.addi %mul3A_235, %add3A_236 : i32
        %jit3A_238 = arith.constant 2 : i32
        %div3A_239 = arith.divsi %scan3A_58, %jit3A_238 : i32
        %sign3A_240 = arith.constant 0 : i32
        %sign3A_241 = arith.cmpi sgt, %scan3A_58, %sign3A_240 : i32
        %sign3A_242 = arith.extui %sign3A_241 : i1 to i32
        %sign3A_243 = arith.constant 0 : i32
        %sign3A_244 = arith.cmpi slt, %scan3A_58, %sign3A_243 : i32
        %sign3A_245 = arith.extui %sign3A_244 : i1 to i32
        %sign3A_246 = arith.subi %sign3A_242, %sign3A_245 : i32
        %sign3A_247 = arith.constant 0 : i32
        %sign3A_248 = arith.cmpi sgt, %jit3A_238, %sign3A_247 : i32
        %sign3A_249 = arith.extui %sign3A_248 : i1 to i32
        %sign3A_250 = arith.constant 0 : i32
        %sign3A_251 = arith.cmpi slt, %jit3A_238, %sign3A_250 : i32
        %sign3A_252 = arith.extui %sign3A_251 : i1 to i32
        %sign3A_253 = arith.subi %sign3A_249, %sign3A_252 : i32
        %ne3A_254 = arith.cmpi ne, %sign3A_246, %sign3A_253 : i32
        %rem3A_255 = arith.remsi %scan3A_58, %jit3A_238 : i32
        %ne3A_256 = arith.constant 0 : i32
        %ne3A_257 = arith.cmpi ne, %rem3A_255, %ne3A_256 : i32
        %and3A_258 = arith.andi %ne3A_254, %ne3A_257 : i1
        %sub3A_259 = arith.constant 1 : i32
        %sub3A_260 = arith.subi %div3A_239, %sub3A_259 : i32
        %select_n3A_261 = arith.select %and3A_258, %sub3A_260, %div3A_239 : i32
        %get3A_262 = arith.index_cast %select_n3A_261 : i32 to index
        %get3A_263 = arith.index_cast %add3A_237 : i32 to index
        %get3A_264 = tpu.vector_load %arg7[%get3A_262, %get3A_263] {strides = array<i32>} : memref<8x128xi32, #tpu.memory_space<vmem>>, vector<1x16xi32>,
        %get3A_265 = vector.shape_cast %get3A_264 : vector<1x16xi32> to vector<16xi32>
        %sub3A_266 = vector.broadcast %mul3A_2 : i32 to vector<16xi32>
        %sub3A_267 = arith.subi %get3A_265, %sub3A_266 : vector<16xi32>
        %jit3A_268 = arith.constant 2 : i32
        %div3A_269 = arith.divsi %scan3A_58, %jit3A_268 : i32
        %sign3A_270 = arith.constant 0 : i32
        %sign3A_271 = arith.cmpi sgt, %scan3A_58, %sign3A_270 : i32
        %sign3A_272 = arith.extui %sign3A_271 : i1 to i32
        %sign3A_273 = arith.constant 0 : i32
        %sign3A_274 = arith.cmpi slt, %scan3A_58, %sign3A_273 : i32
        %sign3A_275 = arith.extui %sign3A_274 : i1 to i32
        %sign3A_276 = arith.subi %sign3A_272, %sign3A_275 : i32
        %sign3A_277 = arith.constant 0 : i32
        %sign3A_278 = arith.cmpi sgt, %jit3A_268, %sign3A_277 : i32
        %sign3A_279 = arith.extui %sign3A_278 : i1 to i32
        %sign3A_280 = arith.constant 0 : i32
        %sign3A_281 = arith.cmpi slt, %jit3A_268, %sign3A_280 : i32
        %sign3A_282 = arith.extui %sign3A_281 : i1 to i32
        %sign3A_283 = arith.subi %sign3A_279, %sign3A_282 : i32
        %ne3A_284 = arith.cmpi ne, %sign3A_276, %sign3A_283 : i32
        %rem3A_285 = arith.remsi %scan3A_58, %jit3A_268 : i32
        %ne3A_286 = arith.constant 0 : i32
        %ne3A_287 = arith.cmpi ne, %rem3A_285, %ne3A_286 : i32
        %and3A_288 = arith.andi %ne3A_284, %ne3A_287 : i1
        %sub3A_289 = arith.constant 1 : i32
        %sub3A_290 = arith.subi %div3A_269, %sub3A_289 : i32
        %select_n3A_291 = arith.select %and3A_288, %sub3A_290, %div3A_269 : i32
        %get3A_292 = arith.index_cast %select_n3A_291 : i32 to index
        %get3A_293 = arith.index_cast %add3A_237 : i32 to index
        %get3A_294 = tpu.vector_load %arg6[%get3A_292, %get3A_293] {strides = array<i32>} : memref<8x128xi32, #tpu.memory_space<vmem>>, vector<1x16xi32>,
        %get3A_295 = vector.shape_cast %get3A_294 : vector<1x16xi32> to vector<16xi32>
        %ge3A_296 = arith.constant 0 : i32
        %ge3A_297 = vector.broadcast %ge3A_296 : i32 to vector<16xi32>
        %ge3A_298 = arith.cmpi sge, %sub3A_267, %ge3A_297 : vector<16xi32>
        %lt3A_299 = arith.constant 320 : i32
        %lt3A_300 = vector.broadcast %lt3A_299 : i32 to vector<16xi32>
        %lt3A_301 = arith.cmpi slt, %sub3A_267, %lt3A_300 : vector<16xi32>
        %and3A_302 = arith.andi %ge3A_298, %lt3A_301 : vector<16xi1>
        %jit3A_303 = arith.constant 2 : i32
        %eq3A_304 = arith.constant 0 : i32
        %eq3A_305 = arith.cmpi eq, %jit3A_303, %eq3A_304 : i32
        %jit3A_306 = arith.constant 1 : i32
        %select_n3A_307 = arith.select %eq3A_305, %jit3A_306, %jit3A_303 : i32
        %rem3A_308 = arith.remsi %scan3A_58, %select_n3A_307 : i32
        %ne3A_309 = arith.constant 0 : i32
        %ne3A_310 = arith.cmpi ne, %rem3A_308, %ne3A_309 : i32
        %lt3A_311 = arith.constant 0 : i32
        %lt3A_312 = arith.cmpi slt, %rem3A_308, %lt3A_311 : i32
        %lt3A_313 = arith.constant 0 : i32
        %lt3A_314 = arith.cmpi slt, %select_n3A_307, %lt3A_313 : i32
        %ne3A_315 = arith.xori %lt3A_312, %lt3A_314 : i1
        %and3A_316 = arith.andi %ne3A_315, %ne3A_310 : i1
        %add3A_317 = arith.addi %rem3A_308, %select_n3A_307 : i32
        %select_n3A_318 = arith.select %and3A_316, %add3A_317, %rem3A_308 : i32
        %mul3A_319 = arith.constant 64 : i32
        %mul3A_320 = arith.muli %select_n3A_318, %mul3A_319 : i32
        %add3A_321 = arith.constant 48 : i32
        %add3A_322 = arith.addi %mul3A_320, %add3A_321 : i32
        %jit3A_323 = arith.constant 2 : i32
        %div3A_324 = arith.divsi %scan3A_58, %jit3A_323 : i32
        %sign3A_325 = arith.constant 0 : i32
        %sign3A_326 = arith.cmpi sgt, %scan3A_58, %sign3A_325 : i32
        %sign3A_327 = arith.extui %sign3A_326 : i1 to i32
        %sign3A_328 = arith.constant 0 : i32
        %sign3A_329 = arith.cmpi slt, %scan3A_58, %sign3A_328 : i32
        %sign3A_330 = arith.extui %sign3A_329 : i1 to i32
        %sign3A_331 = arith.subi %sign3A_327, %sign3A_330 : i32
        %sign3A_332 = arith.constant 0 : i32
        %sign3A_333 = arith.cmpi sgt, %jit3A_323, %sign3A_332 : i32
        %sign3A_334 = arith.extui %sign3A_333 : i1 to i32
        %sign3A_335 = arith.constant 0 : i32
        %sign3A_336 = arith.cmpi slt, %jit3A_323, %sign3A_335 : i32
        %sign3A_337 = arith.extui %sign3A_336 : i1 to i32
        %sign3A_338 = arith.subi %sign3A_334, %sign3A_337 : i32
        %ne3A_339 = arith.cmpi ne, %sign3A_331, %sign3A_338 : i32
        %rem3A_340 = arith.remsi %scan3A_58, %jit3A_323 : i32
        %ne3A_341 = arith.constant 0 : i32
        %ne3A_342 = arith.cmpi ne, %rem3A_340, %ne3A_341 : i32
        %and3A_343 = arith.andi %ne3A_339, %ne3A_342 : i1
        %sub3A_344 = arith.constant 1 : i32
        %sub3A_345 = arith.subi %div3A_324, %sub3A_344 : i32
        %select_n3A_346 = arith.select %and3A_343, %sub3A_345, %div3A_324 : i32
        %get3A_347 = arith.index_cast %select_n3A_346 : i32 to index
        %get3A_348 = arith.index_cast %add3A_322 : i32 to index
        %get3A_349 = tpu.vector_load %arg7[%get3A_347, %get3A_348] {strides = array<i32>} : memref<8x128xi32, #tpu.memory_space<vmem>>, vector<1x16xi32>,
        %get3A_350 = vector.shape_cast %get3A_349 : vector<1x16xi32> to vector<16xi32>
        %sub3A_351 = vector.broadcast %mul3A_2 : i32 to vector<16xi32>
        %sub3A_352 = arith.subi %get3A_350, %sub3A_351 : vector<16xi32>
        %jit3A_353 = arith.constant 2 : i32
        %div3A_354 = arith.divsi %scan3A_58, %jit3A_353 : i32
        %sign3A_355 = arith.constant 0 : i32
        %sign3A_356 = arith.cmpi sgt, %scan3A_58, %sign3A_355 : i32
        %sign3A_357 = arith.extui %sign3A_356 : i1 to i32
        %sign3A_358 = arith.constant 0 : i32
        %sign3A_359 = arith.cmpi slt, %scan3A_58, %sign3A_358 : i32
        %sign3A_360 = arith.extui %sign3A_359 : i1 to i32
        %sign3A_361 = arith.subi %sign3A_357, %sign3A_360 : i32
        %sign3A_362 = arith.constant 0 : i32
        %sign3A_363 = arith.cmpi sgt, %jit3A_353, %sign3A_362 : i32
        %sign3A_364 = arith.extui %sign3A_363 : i1 to i32
        %sign3A_365 = arith.constant 0 : i32
        %sign3A_366 = arith.cmpi slt, %jit3A_353, %sign3A_365 : i32
        %sign3A_367 = arith.extui %sign3A_366 : i1 to i32
        %sign3A_368 = arith.subi %sign3A_364, %sign3A_367 : i32
        %ne3A_369 = arith.cmpi ne, %sign3A_361, %sign3A_368 : i32
        %rem3A_370 = arith.remsi %scan3A_58, %jit3A_353 : i32
        %ne3A_371 = arith.constant 0 : i32
        %ne3A_372 = arith.cmpi ne, %rem3A_370, %ne3A_371 : i32
        %and3A_373 = arith.andi %ne3A_369, %ne3A_372 : i1
        %sub3A_374 = arith.constant 1 : i32
        %sub3A_375 = arith.subi %div3A_354, %sub3A_374 : i32
        %select_n3A_376 = arith.select %and3A_373, %sub3A_375, %div3A_354 : i32
        %get3A_377 = arith.index_cast %select_n3A_376 : i32 to index
        %get3A_378 = arith.index_cast %add3A_322 : i32 to index
        %get3A_379 = tpu.vector_load %arg6[%get3A_377, %get3A_378] {strides = array<i32>} : memref<8x128xi32, #tpu.memory_space<vmem>>, vector<1x16xi32>,
        %get3A_380 = vector.shape_cast %get3A_379 : vector<1x16xi32> to vector<16xi32>
        %ge3A_381 = arith.constant 0 : i32
        %ge3A_382 = vector.broadcast %ge3A_381 : i32 to vector<16xi32>
        %ge3A_383 = arith.cmpi sge, %sub3A_352, %ge3A_382 : vector<16xi32>
        %lt3A_384 = arith.constant 320 : i32
        %lt3A_385 = vector.broadcast %lt3A_384 : i32 to vector<16xi32>
        %lt3A_386 = arith.cmpi slt, %sub3A_352, %lt3A_385 : vector<16xi32>
        %and3A_387 = arith.andi %ge3A_383, %lt3A_386 : vector<16xi1>
        %jit3A_388 = arith.constant 1 : i32
        %jit3A_389 = arith.constant 0 : i32
        %broadcast_in_dim3A_390 = vector.broadcast %jit3A_388 : i32 to vector<16xi32>
        %broadcast_in_dim3A_391 = vector.broadcast %jit3A_389 : i32 to vector<16xi32>
        %select_n3A_392 = arith.select %and3A_132, %broadcast_in_dim3A_390, %broadcast_in_dim3A_391 : vector<16xi1>, vector<16xi32>
        %jit3A_393 = arith.constant 1 : i32
        %jit3A_394 = arith.constant 0 : i32
        %broadcast_in_dim3A_395 = vector.broadcast %jit3A_393 : i32 to vector<16xi32>
        %broadcast_in_dim3A_396 = vector.broadcast %jit3A_394 : i32 to vector<16xi32>
        %select_n3A_397 = arith.select %and3A_217, %broadcast_in_dim3A_395, %broadcast_in_dim3A_396 : vector<16xi1>, vector<16xi32>
        %add3A_398 = arith.addi %select_n3A_392, %select_n3A_397 : vector<16xi32>
        %jit3A_399 = arith.constant 1 : i32
        %jit3A_400 = arith.constant 0 : i32
        %broadcast_in_dim3A_401 = vector.broadcast %jit3A_399 : i32 to vector<16xi32>
        %broadcast_in_dim3A_402 = vector.broadcast %jit3A_400 : i32 to vector<16xi32>
        %select_n3A_403 = arith.select %and3A_302, %broadcast_in_dim3A_401, %broadcast_in_dim3A_402 : vector<16xi1>, vector<16xi32>
        %add3A_404 = arith.addi %add3A_398, %select_n3A_403 : vector<16xi32>
        %jit3A_405 = arith.constant 1 : i32
        %jit3A_406 = arith.constant 0 : i32
        %broadcast_in_dim3A_407 = vector.broadcast %jit3A_405 : i32 to vector<16xi32>
        %broadcast_in_dim3A_408 = vector.broadcast %jit3A_406 : i32 to vector<16xi32>
        %select_n3A_409 = arith.select %and3A_387, %broadcast_in_dim3A_407, %broadcast_in_dim3A_408 : vector<16xi1>, vector<16xi32>
        %add3A_410 = arith.addi %add3A_404, %select_n3A_409 : vector<16xi32>
        %iota3A_411 = tpu.iota {dimensions = array<i32: 0>} : vector<16xi32>
        %xor3A = arith.constant 1 : i32
        %xor3A_412 = vector.broadcast %xor3A : i32 to vector<16xi32>
        %xor3A_413 = arith.xori %iota3A_411, %xor3A_412 : vector<16xi32>
        %lt3A_414 = arith.constant 0 : i32
        %lt3A_415 = vector.broadcast %lt3A_414 : i32 to vector<16xi32>
        %lt3A_416 = arith.cmpi slt, %xor3A_413, %lt3A_415 : vector<16xi32>
        %add3A_417 = arith.constant 16 : i32
        %add3A_418 = vector.broadcast %add3A_417 : i32 to vector<16xi32>
        %add3A_419 = arith.addi %xor3A_413, %add3A_418 : vector<16xi32>
        %select_n3A_420 = arith.select %lt3A_416, %add3A_419, %xor3A_413 : vector<16xi1>, vector<16xi32>
        %broadcast_in_dim3A_421 = vector.shape_cast %select_n3A_420 : vector<16xi32> to vector<16x1xi32>
        %gather3A = vector.shape_cast %broadcast_in_dim3A_421 : vector<16x1xi32> to vector<16xi32>
        %gather3A_422 = tpu.dynamic_gather %add3A_410[%gather3A] in [0] : vector<16xi32>, vector<16xi32> -> vector<16xi32>
        %add3A_423 = arith.addi %add3A_410, %gather3A_422 : vector<16xi32>
        %xor3A_424 = arith.constant 2 : i32
        %xor3A_425 = vector.broadcast %xor3A_424 : i32 to vector<16xi32>
        %xor3A_426 = arith.xori %iota3A_411, %xor3A_425 : vector<16xi32>
        %lt3A_427 = arith.constant 0 : i32
        %lt3A_428 = vector.broadcast %lt3A_427 : i32 to vector<16xi32>
        %lt3A_429 = arith.cmpi slt, %xor3A_426, %lt3A_428 : vector<16xi32>
        %add3A_430 = arith.constant 16 : i32
        %add3A_431 = vector.broadcast %add3A_430 : i32 to vector<16xi32>
        %add3A_432 = arith.addi %xor3A_426, %add3A_431 : vector<16xi32>
        %select_n3A_433 = arith.select %lt3A_429, %add3A_432, %xor3A_426 : vector<16xi1>, vector<16xi32>
        %broadcast_in_dim3A_434 = vector.shape_cast %select_n3A_433 : vector<16xi32> to vector<16x1xi32>
        %gather3A_435 = vector.shape_cast %broadcast_in_dim3A_434 : vector<16x1xi32> to vector<16xi32>
        %gather3A_436 = tpu.dynamic_gather %add3A_423[%gather3A_435] in [0] : vector<16xi32>, vector<16xi32> -> vector<16xi32>
        %add3A_437 = arith.addi %add3A_423, %gather3A_436 : vector<16xi32>
        %xor3A_438 = arith.constant 4 : i32
        %xor3A_439 = vector.broadcast %xor3A_438 : i32 to vector<16xi32>
        %xor3A_440 = arith.xori %iota3A_411, %xor3A_439 : vector<16xi32>
        %lt3A_441 = arith.constant 0 : i32
        %lt3A_442 = vector.broadcast %lt3A_441 : i32 to vector<16xi32>
        %lt3A_443 = arith.cmpi slt, %xor3A_440, %lt3A_442 : vector<16xi32>
        %add3A_444 = arith.constant 16 : i32
        %add3A_445 = vector.broadcast %add3A_444 : i32 to vector<16xi32>
        %add3A_446 = arith.addi %xor3A_440, %add3A_445 : vector<16xi32>
        %select_n3A_447 = arith.select %lt3A_443, %add3A_446, %xor3A_440 : vector<16xi1>, vector<16xi32>
        %broadcast_in_dim3A_448 = vector.shape_cast %select_n3A_447 : vector<16xi32> to vector<16x1xi32>
        %gather3A_449 = vector.shape_cast %broadcast_in_dim3A_448 : vector<16x1xi32> to vector<16xi32>
        %gather3A_450 = tpu.dynamic_gather %add3A_437[%gather3A_449] in [0] : vector<16xi32>, vector<16xi32> -> vector<16xi32>
        %add3A_451 = arith.addi %add3A_437, %gather3A_450 : vector<16xi32>
        %xor3A_452 = arith.constant 8 : i32
        %xor3A_453 = vector.broadcast %xor3A_452 : i32 to vector<16xi32>
        %xor3A_454 = arith.xori %iota3A_411, %xor3A_453 : vector<16xi32>
        %lt3A_455 = arith.constant 0 : i32
        %lt3A_456 = vector.broadcast %lt3A_455 : i32 to vector<16xi32>
        %lt3A_457 = arith.cmpi slt, %xor3A_454, %lt3A_456 : vector<16xi32>
        %add3A_458 = arith.constant 16 : i32
        %add3A_459 = vector.broadcast %add3A_458 : i32 to vector<16xi32>
        %add3A_460 = arith.addi %xor3A_454, %add3A_459 : vector<16xi32>
        %select_n3A_461 = arith.select %lt3A_457, %add3A_460, %xor3A_454 : vector<16xi1>, vector<16xi32>
        %broadcast_in_dim3A_462 = vector.shape_cast %select_n3A_461 : vector<16xi32> to vector<16x1xi32>
        %gather3A_463 = vector.shape_cast %broadcast_in_dim3A_462 : vector<16x1xi32> to vector<16xi32>
        %gather3A_464 = tpu.dynamic_gather %add3A_451[%gather3A_463] in [0] : vector<16xi32>, vector<16xi32> -> vector<16xi32>
        %add3A_465 = arith.addi %add3A_451, %gather3A_464 : vector<16xi32>
        %slice3A = vector.extract_strided_slice %add3A_465 {offsets = [0], sizes = [1], strides = [1]} : vector<16xi32> to vector<1xi32>
        %squeeze3A = vector.extract %slice3A[0] : i32 from vector<1xi32>
        %gt3A = arith.constant 0 : i32
        %gt3A_466 = arith.cmpi sgt, %squeeze3A, %gt3A : i32
        %convert_element_type3A = arith.extui %gt3A_466 : i1 to i32
        %cond3A = arith.constant 0 : i32
        %cond3A_467 = arith.cmpi ne, %convert_element_type3A, %cond3A : i32
        %cond3A_468 = scf.if %cond3A_467 -> (i32) {
          %mul3A_475 = arith.constant 512 : i32
          %mul3A_476 = vector.broadcast %mul3A_475 : i32 to vector<16xi32>
          %mul3A_477 = arith.muli %get3A_126, %mul3A_476 : vector<16xi32>
          %add3A_478 = arith.addi %mul3A_477, %sub3A_98 : vector<16xi32>
          %mul3A_479 = arith.constant 4 : i32
          %mul3A_480 = vector.broadcast %mul3A_479 : i32 to vector<16xi32>
          %mul3A_481 = arith.muli %add3A_478, %mul3A_480 : vector<16xi32>
          %add3A_482 = arith.constant 0 : i32
          %add3A_483 = vector.broadcast %add3A_482 : i32 to vector<16xi32>
          %add3A_484 = arith.addi %mul3A_481, %add3A_483 : vector<16xi32>
          %mul3A_485 = arith.constant 16 : i32
          %mul3A_486 = vector.broadcast %mul3A_485 : i32 to vector<16xi32>
          %mul3A_487 = arith.muli %add3A_484, %mul3A_486 : vector<16xi32>
          %add3A_488 = arith.addi %mul3A_487, %iota3A : vector<16xi32>
          %jit3A_489 = arith.constant 1073741824 : i32
          %broadcast_in_dim3A_490 = vector.broadcast %jit3A_489 : i32 to vector<16xi32>
          %select_n3A_491 = arith.select %and3A_132, %add3A_488, %broadcast_in_dim3A_490 : vector<16xi1>, vector<16xi32>
          %mul3A_492 = arith.constant 512 : i32
          %mul3A_493 = vector.broadcast %mul3A_492 : i32 to vector<16xi32>
          %mul3A_494 = arith.muli %get3A_210, %mul3A_493 : vector<16xi32>
          %add3A_495 = arith.addi %mul3A_494, %sub3A_182 : vector<16xi32>
          %mul3A_496 = arith.constant 4 : i32
          %mul3A_497 = vector.broadcast %mul3A_496 : i32 to vector<16xi32>
          %mul3A_498 = arith.muli %add3A_495, %mul3A_497 : vector<16xi32>
          %add3A_499 = arith.constant 1 : i32
          %add3A_500 = vector.broadcast %add3A_499 : i32 to vector<16xi32>
          %add3A_501 = arith.addi %mul3A_498, %add3A_500 : vector<16xi32>
          %mul3A_502 = arith.constant 16 : i32
          %mul3A_503 = vector.broadcast %mul3A_502 : i32 to vector<16xi32>
          %mul3A_504 = arith.muli %add3A_501, %mul3A_503 : vector<16xi32>
          %add3A_505 = arith.addi %mul3A_504, %iota3A : vector<16xi32>
          %jit3A_506 = arith.constant 1073741824 : i32
          %broadcast_in_dim3A_507 = vector.broadcast %jit3A_506 : i32 to vector<16xi32>
          %select_n3A_508 = arith.select %and3A_217, %add3A_505, %broadcast_in_dim3A_507 : vector<16xi1>, vector<16xi32>
          %mul3A_509 = arith.constant 512 : i32
          %mul3A_510 = vector.broadcast %mul3A_509 : i32 to vector<16xi32>
          %mul3A_511 = arith.muli %get3A_295, %mul3A_510 : vector<16xi32>
          %add3A_512 = arith.addi %mul3A_511, %sub3A_267 : vector<16xi32>
          %mul3A_513 = arith.constant 4 : i32
          %mul3A_514 = vector.broadcast %mul3A_513 : i32 to vector<16xi32>
          %mul3A_515 = arith.muli %add3A_512, %mul3A_514 : vector<16xi32>
          %add3A_516 = arith.constant 2 : i32
          %add3A_517 = vector.broadcast %add3A_516 : i32 to vector<16xi32>
          %add3A_518 = arith.addi %mul3A_515, %add3A_517 : vector<16xi32>
          %mul3A_519 = arith.constant 16 : i32
          %mul3A_520 = vector.broadcast %mul3A_519 : i32 to vector<16xi32>
          %mul3A_521 = arith.muli %add3A_518, %mul3A_520 : vector<16xi32>
          %add3A_522 = arith.addi %mul3A_521, %iota3A : vector<16xi32>
          %jit3A_523 = arith.constant 1073741824 : i32
          %broadcast_in_dim3A_524 = vector.broadcast %jit3A_523 : i32 to vector<16xi32>
          %select_n3A_525 = arith.select %and3A_302, %add3A_522, %broadcast_in_dim3A_524 : vector<16xi1>, vector<16xi32>
          %mul3A_526 = arith.constant 512 : i32
          %mul3A_527 = vector.broadcast %mul3A_526 : i32 to vector<16xi32>
          %mul3A_528 = arith.muli %get3A_380, %mul3A_527 : vector<16xi32>
          %add3A_529 = arith.addi %mul3A_528, %sub3A_352 : vector<16xi32>
          %mul3A_530 = arith.constant 4 : i32
          %mul3A_531 = vector.broadcast %mul3A_530 : i32 to vector<16xi32>
          %mul3A_532 = arith.muli %add3A_529, %mul3A_531 : vector<16xi32>
          %add3A_533 = arith.constant 3 : i32
          %add3A_534 = vector.broadcast %add3A_533 : i32 to vector<16xi32>
          %add3A_535 = arith.addi %mul3A_532, %add3A_534 : vector<16xi32>
          %mul3A_536 = arith.constant 16 : i32
          %mul3A_537 = vector.broadcast %mul3A_536 : i32 to vector<16xi32>
          %mul3A_538 = arith.muli %add3A_535, %mul3A_537 : vector<16xi32>
          %add3A_539 = arith.addi %mul3A_538, %iota3A : vector<16xi32>
          %jit3A_540 = arith.constant 1073741824 : i32
          %broadcast_in_dim3A_541 = vector.broadcast %jit3A_540 : i32 to vector<16xi32>
          %select_n3A_542 = arith.select %and3A_387, %add3A_539, %broadcast_in_dim3A_541 : vector<16xi1>, vector<16xi32>
          %while3A_543 = arith.constant 0 : i32
          %while3A_544 = arith.subi %squeeze3A, %while3A_543 : i32
          %while3A_545 = arith.addi %while3A_543, %while3A_544 : i32
          %while3A_546 = arith.constant 1 : i32
          %while3A_547 = arith.divsi %while3A_544, %while3A_546 : i32
          %while3A_548 = arith.muli %while3A_547, %while3A_546 : i32
          %while3A_549 = arith.addi %while3A_543, %while3A_548 : i32
          %while3A_550 = arith.constant 1 : i32
          %while3A_551:5 = scf.for %while3A_554 = %while3A_543 to %while3A_549 step %while3A_550 iter_args(%while3A_555 = %scan3A_59, %while3A_556 = %select_n3A_491, %while3A_557 = %select_n3A_508, %while3A_558 = %select_n3A_525, %while3A_559 = %select_n3A_542) -> (i32, vector<16xi32>, vector<16xi32>, vector<16xi32>, vector<16xi32>)  : i32 {
            %min3A = arith.minsi %while3A_556, %while3A_557 : vector<16xi32>
            %min3A_560 = arith.minsi %while3A_558, %while3A_559 : vector<16xi32>
            %min3A_561 = arith.minsi %min3A, %min3A_560 : vector<16xi32>
            %iota3A_562 = tpu.iota {dimensions = array<i32: 0>} : vector<16xi32>
            %xor3A_563 = arith.constant 1 : i32
            %xor3A_564 = vector.broadcast %xor3A_563 : i32 to vector<16xi32>
            %xor3A_565 = arith.xori %iota3A_562, %xor3A_564 : vector<16xi32>
            %lt3A_566 = arith.constant 0 : i32
            %lt3A_567 = vector.broadcast %lt3A_566 : i32 to vector<16xi32>
            %lt3A_568 = arith.cmpi slt, %xor3A_565, %lt3A_567 : vector<16xi32>
            %add3A_569 = arith.constant 16 : i32
            %add3A_570 = vector.broadcast %add3A_569 : i32 to vector<16xi32>
            %add3A_571 = arith.addi %xor3A_565, %add3A_570 : vector<16xi32>
            %select_n3A_572 = arith.select %lt3A_568, %add3A_571, %xor3A_565 : vector<16xi1>, vector<16xi32>
            %broadcast_in_dim3A_573 = vector.shape_cast %select_n3A_572 : vector<16xi32> to vector<16x1xi32>
            %gather3A_574 = vector.shape_cast %broadcast_in_dim3A_573 : vector<16x1xi32> to vector<16xi32>
            %gather3A_575 = tpu.dynamic_gather %min3A_561[%gather3A_574] in [0] : vector<16xi32>, vector<16xi32> -> vector<16xi32>
            %min3A_576 = arith.minsi %min3A_561, %gather3A_575 : vector<16xi32>
            %xor3A_577 = arith.constant 2 : i32
            %xor3A_578 = vector.broadcast %xor3A_577 : i32 to vector<16xi32>
            %xor3A_579 = arith.xori %iota3A_562, %xor3A_578 : vector<16xi32>
            %lt3A_580 = arith.constant 0 : i32
            %lt3A_581 = vector.broadcast %lt3A_580 : i32 to vector<16xi32>
            %lt3A_582 = arith.cmpi slt, %xor3A_579, %lt3A_581 : vector<16xi32>
            %add3A_583 = arith.constant 16 : i32
            %add3A_584 = vector.broadcast %add3A_583 : i32 to vector<16xi32>
            %add3A_585 = arith.addi %xor3A_579, %add3A_584 : vector<16xi32>
            %select_n3A_586 = arith.select %lt3A_582, %add3A_585, %xor3A_579 : vector<16xi1>, vector<16xi32>
            %broadcast_in_dim3A_587 = vector.shape_cast %select_n3A_586 : vector<16xi32> to vector<16x1xi32>
            %gather3A_588 = vector.shape_cast %broadcast_in_dim3A_587 : vector<16x1xi32> to vector<16xi32>
            %gather3A_589 = tpu.dynamic_gather %min3A_576[%gather3A_588] in [0] : vector<16xi32>, vector<16xi32> -> vector<16xi32>
            %min3A_590 = arith.minsi %min3A_576, %gather3A_589 : vector<16xi32>
            %xor3A_591 = arith.constant 4 : i32
            %xor3A_592 = vector.broadcast %xor3A_591 : i32 to vector<16xi32>
            %xor3A_593 = arith.xori %iota3A_562, %xor3A_592 : vector<16xi32>
            %lt3A_594 = arith.constant 0 : i32
            %lt3A_595 = vector.broadcast %lt3A_594 : i32 to vector<16xi32>
            %lt3A_596 = arith.cmpi slt, %xor3A_593, %lt3A_595 : vector<16xi32>
            %add3A_597 = arith.constant 16 : i32
            %add3A_598 = vector.broadcast %add3A_597 : i32 to vector<16xi32>
            %add3A_599 = arith.addi %xor3A_593, %add3A_598 : vector<16xi32>
            %select_n3A_600 = arith.select %lt3A_596, %add3A_599, %xor3A_593 : vector<16xi1>, vector<16xi32>
            %broadcast_in_dim3A_601 = vector.shape_cast %select_n3A_600 : vector<16xi32> to vector<16x1xi32>
            %gather3A_602 = vector.shape_cast %broadcast_in_dim3A_601 : vector<16x1xi32> to vector<16xi32>
            %gather3A_603 = tpu.dynamic_gather %min3A_590[%gather3A_602] in [0] : vector<16xi32>, vector<16xi32> -> vector<16xi32>
            %min3A_604 = arith.minsi %min3A_590, %gather3A_603 : vector<16xi32>
            %xor3A_605 = arith.constant 8 : i32
            %xor3A_606 = vector.broadcast %xor3A_605 : i32 to vector<16xi32>
            %xor3A_607 = arith.xori %iota3A_562, %xor3A_606 : vector<16xi32>
            %lt3A_608 = arith.constant 0 : i32
            %lt3A_609 = vector.broadcast %lt3A_608 : i32 to vector<16xi32>
            %lt3A_610 = arith.cmpi slt, %xor3A_607, %lt3A_609 : vector<16xi32>
            %add3A_611 = arith.constant 16 : i32
            %add3A_612 = vector.broadcast %add3A_611 : i32 to vector<16xi32>
            %add3A_613 = arith.addi %xor3A_607, %add3A_612 : vector<16xi32>
            %select_n3A_614 = arith.select %lt3A_610, %add3A_613, %xor3A_607 : vector<16xi1>, vector<16xi32>
            %broadcast_in_dim3A_615 = vector.shape_cast %select_n3A_614 : vector<16xi32> to vector<16x1xi32>
            %gather3A_616 = vector.shape_cast %broadcast_in_dim3A_615 : vector<16x1xi32> to vector<16xi32>
            %gather3A_617 = tpu.dynamic_gather %min3A_604[%gather3A_616] in [0] : vector<16xi32>, vector<16xi32> -> vector<16xi32>
            %min3A_618 = arith.minsi %min3A_604, %gather3A_617 : vector<16xi32>
            %slice3A_619 = vector.extract_strided_slice %min3A_618 {offsets = [0], sizes = [1], strides = [1]} : vector<16xi32> to vector<1xi32>
            %squeeze3A_620 = vector.extract %slice3A_619[0] : i32 from vector<1xi32>
            %jit3A_621 = arith.constant 64 : i32
            %div3A_622 = arith.divsi %squeeze3A_620, %jit3A_621 : i32
            %sign3A_623 = arith.constant 0 : i32
            %sign3A_624 = arith.cmpi sgt, %squeeze3A_620, %sign3A_623 : i32
            %sign3A_625 = arith.extui %sign3A_624 : i1 to i32
            %sign3A_626 = arith.constant 0 : i32
            %sign3A_627 = arith.cmpi slt, %squeeze3A_620, %sign3A_626 : i32
            %sign3A_628 = arith.extui %sign3A_627 : i1 to i32
            %sign3A_629 = arith.subi %sign3A_625, %sign3A_628 : i32
            %sign3A_630 = arith.constant 0 : i32
            %sign3A_631 = arith.cmpi sgt, %jit3A_621, %sign3A_630 : i32
            %sign3A_632 = arith.extui %sign3A_631 : i1 to i32
            %sign3A_633 = arith.constant 0 : i32
            %sign3A_634 = arith.cmpi slt, %jit3A_621, %sign3A_633 : i32
            %sign3A_635 = arith.extui %sign3A_634 : i1 to i32
            %sign3A_636 = arith.subi %sign3A_632, %sign3A_635 : i32
            %ne3A_637 = arith.cmpi ne, %sign3A_629, %sign3A_636 : i32
            %rem3A_638 = arith.remsi %squeeze3A_620, %jit3A_621 : i32
            %ne3A_639 = arith.constant 0 : i32
            %ne3A_640 = arith.cmpi ne, %rem3A_638, %ne3A_639 : i32
            %and3A_641 = arith.andi %ne3A_637, %ne3A_640 : i1
            %sub3A_642 = arith.constant 1 : i32
            %sub3A_643 = arith.subi %div3A_622, %sub3A_642 : i32
            %select_n3A_644 = arith.select %and3A_641, %sub3A_643, %div3A_622 : i32
            %jit3A_645 = arith.constant 512 : i32
            %div3A_646 = arith.divsi %select_n3A_644, %jit3A_645 : i32
            %sign3A_647 = arith.constant 0 : i32
            %sign3A_648 = arith.cmpi sgt, %select_n3A_644, %sign3A_647 : i32
            %sign3A_649 = arith.extui %sign3A_648 : i1 to i32
            %sign3A_650 = arith.constant 0 : i32
            %sign3A_651 = arith.cmpi slt, %select_n3A_644, %sign3A_650 : i32
            %sign3A_652 = arith.extui %sign3A_651 : i1 to i32
            %sign3A_653 = arith.subi %sign3A_649, %sign3A_652 : i32
            %sign3A_654 = arith.constant 0 : i32
            %sign3A_655 = arith.cmpi sgt, %jit3A_645, %sign3A_654 : i32
            %sign3A_656 = arith.extui %sign3A_655 : i1 to i32
            %sign3A_657 = arith.constant 0 : i32
            %sign3A_658 = arith.cmpi slt, %jit3A_645, %sign3A_657 : i32
            %sign3A_659 = arith.extui %sign3A_658 : i1 to i32
            %sign3A_660 = arith.subi %sign3A_656, %sign3A_659 : i32
            %ne3A_661 = arith.cmpi ne, %sign3A_653, %sign3A_660 : i32
            %rem3A_662 = arith.remsi %select_n3A_644, %jit3A_645 : i32
            %ne3A_663 = arith.constant 0 : i32
            %ne3A_664 = arith.cmpi ne, %rem3A_662, %ne3A_663 : i32
            %and3A_665 = arith.andi %ne3A_661, %ne3A_664 : i1
            %sub3A_666 = arith.constant 1 : i32
            %sub3A_667 = arith.subi %div3A_646, %sub3A_666 : i32
            %select_n3A_668 = arith.select %and3A_665, %sub3A_667, %div3A_646 : i32
            %jit3A_669 = arith.constant 512 : i32
            %eq3A_670 = arith.constant 0 : i32
            %eq3A_671 = arith.cmpi eq, %jit3A_669, %eq3A_670 : i32
            %jit3A_672 = arith.constant 1 : i32
            %select_n3A_673 = arith.select %eq3A_671, %jit3A_672, %jit3A_669 : i32
            %rem3A_674 = arith.remsi %select_n3A_644, %select_n3A_673 : i32
            %ne3A_675 = arith.constant 0 : i32
            %ne3A_676 = arith.cmpi ne, %rem3A_674, %ne3A_675 : i32
            %lt3A_677 = arith.constant 0 : i32
            %lt3A_678 = arith.cmpi slt, %rem3A_674, %lt3A_677 : i32
            %lt3A_679 = arith.constant 0 : i32
            %lt3A_680 = arith.cmpi slt, %select_n3A_673, %lt3A_679 : i32
            %ne3A_681 = arith.xori %lt3A_678, %lt3A_680 : i1
            %and3A_682 = arith.andi %ne3A_681, %ne3A_676 : i1
            %add3A_683 = arith.addi %rem3A_674, %select_n3A_673 : i32
            %select_n3A_684 = arith.select %and3A_682, %add3A_683, %rem3A_674 : i32
            %broadcast_in_dim3A_685 = vector.broadcast %select_n3A_668 : i32 to vector<16xi32>
            %swap3A = arith.index_cast %while3A_555 : i32 to index
            %swap3A_686 = tpu.vector_load %arg8[%swap3A] {strides = array<i32>} : memref<208xi32, #tpu.memory_space<vmem>>, vector<16xi32>,
            %swap3A_687 = vector.shape_cast %swap3A_686 : vector<16xi32> to vector<16xi32>
            %swap3A_688 = vector.shape_cast %broadcast_in_dim3A_685 : vector<16xi32> to vector<16xi32>
            tpu.vector_store %arg8[%swap3A], %swap3A_688 {strides = array<i32>} : memref<208xi32, #tpu.memory_space<vmem>>, vector<16xi32>,
            %broadcast_in_dim3A_689 = vector.broadcast %select_n3A_684 : i32 to vector<16xi32>
            %swap3A_690 = arith.index_cast %while3A_555 : i32 to index
            %swap3A_691 = tpu.vector_load %arg9[%swap3A_690] {strides = array<i32>} : memref<208xi32, #tpu.memory_space<vmem>>, vector<16xi32>,
            %swap3A_692 = vector.shape_cast %swap3A_691 : vector<16xi32> to vector<16xi32>
            %swap3A_693 = vector.shape_cast %broadcast_in_dim3A_689 : vector<16xi32> to vector<16xi32>
            tpu.vector_store %arg9[%swap3A_690], %swap3A_693 {strides = array<i32>} : memref<208xi32, #tpu.memory_space<vmem>>, vector<16xi32>,
            %add3A_694 = arith.constant 1 : i32
            %add3A_695 = arith.addi %while3A_555, %add3A_694 : i32
            %eq3A_696 = arith.cmpi eq, %while3A_556, %min3A_618 : vector<16xi32>
            %jit3A_697 = arith.constant 1073741824 : i32
            %broadcast_in_dim3A_698 = vector.broadcast %jit3A_697 : i32 to vector<16xi32>
            %select_n3A_699 = arith.select %eq3A_696, %broadcast_in_dim3A_698, %while3A_556 : vector<16xi1>, vector<16xi32>
            %eq3A_700 = arith.cmpi eq, %while3A_557, %min3A_618 : vector<16xi32>
            %jit3A_701 = arith.constant 1073741824 : i32
            %broadcast_in_dim3A_702 = vector.broadcast %jit3A_701 : i32 to vector<16xi32>
            %select_n3A_703 = arith.select %eq3A_700, %broadcast_in_dim3A_702, %while3A_557 : vector<16xi1>, vector<16xi32>
            %eq3A_704 = arith.cmpi eq, %while3A_558, %min3A_618 : vector<16xi32>
            %jit3A_705 = arith.constant 1073741824 : i32
            %broadcast_in_dim3A_706 = vector.broadcast %jit3A_705 : i32 to vector<16xi32>
            %select_n3A_707 = arith.select %eq3A_704, %broadcast_in_dim3A_706, %while3A_558 : vector<16xi1>, vector<16xi32>
            %eq3A_708 = arith.cmpi eq, %while3A_559, %min3A_618 : vector<16xi32>
            %jit3A_709 = arith.constant 1073741824 : i32
            %broadcast_in_dim3A_710 = vector.broadcast %jit3A_709 : i32 to vector<16xi32>
            %select_n3A_711 = arith.select %eq3A_708, %broadcast_in_dim3A_710, %while3A_559 : vector<16xi1>, vector<16xi32>
            scf.yield %add3A_695, %select_n3A_699, %select_n3A_703, %select_n3A_707, %select_n3A_711 : i32, vector<16xi32>, vector<16xi32>, vector<16xi32>, vector<16xi32>
          }
          %while3A_552 = arith.constant 1 : i32
          %while3A_553:5 = scf.for %while3A_554 = %while3A_549 to %while3A_545 step %while3A_552 iter_args(%while3A_555 = %while3A_551#0, %while3A_556 = %while3A_551#1, %while3A_557 = %while3A_551#2, %while3A_558 = %while3A_551#3, %while3A_559 = %while3A_551#4) -> (i32, vector<16xi32>, vector<16xi32>, vector<16xi32>, vector<16xi32>)  : i32 {
            %min3A = arith.minsi %while3A_556, %while3A_557 : vector<16xi32>
            %min3A_560 = arith.minsi %while3A_558, %while3A_559 : vector<16xi32>
            %min3A_561 = arith.minsi %min3A, %min3A_560 : vector<16xi32>
            %iota3A_562 = tpu.iota {dimensions = array<i32: 0>} : vector<16xi32>
            %xor3A_563 = arith.constant 1 : i32
            %xor3A_564 = vector.broadcast %xor3A_563 : i32 to vector<16xi32>
            %xor3A_565 = arith.xori %iota3A_562, %xor3A_564 : vector<16xi32>
            %lt3A_566 = arith.constant 0 : i32
            %lt3A_567 = vector.broadcast %lt3A_566 : i32 to vector<16xi32>
            %lt3A_568 = arith.cmpi slt, %xor3A_565, %lt3A_567 : vector<16xi32>
            %add3A_569 = arith.constant 16 : i32
            %add3A_570 = vector.broadcast %add3A_569 : i32 to vector<16xi32>
            %add3A_571 = arith.addi %xor3A_565, %add3A_570 : vector<16xi32>
            %select_n3A_572 = arith.select %lt3A_568, %add3A_571, %xor3A_565 : vector<16xi1>, vector<16xi32>
            %broadcast_in_dim3A_573 = vector.shape_cast %select_n3A_572 : vector<16xi32> to vector<16x1xi32>
            %gather3A_574 = vector.shape_cast %broadcast_in_dim3A_573 : vector<16x1xi32> to vector<16xi32>
            %gather3A_575 = tpu.dynamic_gather %min3A_561[%gather3A_574] in [0] : vector<16xi32>, vector<16xi32> -> vector<16xi32>
            %min3A_576 = arith.minsi %min3A_561, %gather3A_575 : vector<16xi32>
            %xor3A_577 = arith.constant 2 : i32
            %xor3A_578 = vector.broadcast %xor3A_577 : i32 to vector<16xi32>
            %xor3A_579 = arith.xori %iota3A_562, %xor3A_578 : vector<16xi32>
            %lt3A_580 = arith.constant 0 : i32
            %lt3A_581 = vector.broadcast %lt3A_580 : i32 to vector<16xi32>
            %lt3A_582 = arith.cmpi slt, %xor3A_579, %lt3A_581 : vector<16xi32>
            %add3A_583 = arith.constant 16 : i32
            %add3A_584 = vector.broadcast %add3A_583 : i32 to vector<16xi32>
            %add3A_585 = arith.addi %xor3A_579, %add3A_584 : vector<16xi32>
            %select_n3A_586 = arith.select %lt3A_582, %add3A_585, %xor3A_579 : vector<16xi1>, vector<16xi32>
            %broadcast_in_dim3A_587 = vector.shape_cast %select_n3A_586 : vector<16xi32> to vector<16x1xi32>
            %gather3A_588 = vector.shape_cast %broadcast_in_dim3A_587 : vector<16x1xi32> to vector<16xi32>
            %gather3A_589 = tpu.dynamic_gather %min3A_576[%gather3A_588] in [0] : vector<16xi32>, vector<16xi32> -> vector<16xi32>
            %min3A_590 = arith.minsi %min3A_576, %gather3A_589 : vector<16xi32>
            %xor3A_591 = arith.constant 4 : i32
            %xor3A_592 = vector.broadcast %xor3A_591 : i32 to vector<16xi32>
            %xor3A_593 = arith.xori %iota3A_562, %xor3A_592 : vector<16xi32>
            %lt3A_594 = arith.constant 0 : i32
            %lt3A_595 = vector.broadcast %lt3A_594 : i32 to vector<16xi32>
            %lt3A_596 = arith.cmpi slt, %xor3A_593, %lt3A_595 : vector<16xi32>
            %add3A_597 = arith.constant 16 : i32
            %add3A_598 = vector.broadcast %add3A_597 : i32 to vector<16xi32>
            %add3A_599 = arith.addi %xor3A_593, %add3A_598 : vector<16xi32>
            %select_n3A_600 = arith.select %lt3A_596, %add3A_599, %xor3A_593 : vector<16xi1>, vector<16xi32>
            %broadcast_in_dim3A_601 = vector.shape_cast %select_n3A_600 : vector<16xi32> to vector<16x1xi32>
            %gather3A_602 = vector.shape_cast %broadcast_in_dim3A_601 : vector<16x1xi32> to vector<16xi32>
            %gather3A_603 = tpu.dynamic_gather %min3A_590[%gather3A_602] in [0] : vector<16xi32>, vector<16xi32> -> vector<16xi32>
            %min3A_604 = arith.minsi %min3A_590, %gather3A_603 : vector<16xi32>
            %xor3A_605 = arith.constant 8 : i32
            %xor3A_606 = vector.broadcast %xor3A_605 : i32 to vector<16xi32>
            %xor3A_607 = arith.xori %iota3A_562, %xor3A_606 : vector<16xi32>
            %lt3A_608 = arith.constant 0 : i32
            %lt3A_609 = vector.broadcast %lt3A_608 : i32 to vector<16xi32>
            %lt3A_610 = arith.cmpi slt, %xor3A_607, %lt3A_609 : vector<16xi32>
            %add3A_611 = arith.constant 16 : i32
            %add3A_612 = vector.broadcast %add3A_611 : i32 to vector<16xi32>
            %add3A_613 = arith.addi %xor3A_607, %add3A_612 : vector<16xi32>
            %select_n3A_614 = arith.select %lt3A_610, %add3A_613, %xor3A_607 : vector<16xi1>, vector<16xi32>
            %broadcast_in_dim3A_615 = vector.shape_cast %select_n3A_614 : vector<16xi32> to vector<16x1xi32>
            %gather3A_616 = vector.shape_cast %broadcast_in_dim3A_615 : vector<16x1xi32> to vector<16xi32>
            %gather3A_617 = tpu.dynamic_gather %min3A_604[%gather3A_616] in [0] : vector<16xi32>, vector<16xi32> -> vector<16xi32>
            %min3A_618 = arith.minsi %min3A_604, %gather3A_617 : vector<16xi32>
            %slice3A_619 = vector.extract_strided_slice %min3A_618 {offsets = [0], sizes = [1], strides = [1]} : vector<16xi32> to vector<1xi32>
            %squeeze3A_620 = vector.extract %slice3A_619[0] : i32 from vector<1xi32>
            %jit3A_621 = arith.constant 64 : i32
            %div3A_622 = arith.divsi %squeeze3A_620, %jit3A_621 : i32
            %sign3A_623 = arith.constant 0 : i32
            %sign3A_624 = arith.cmpi sgt, %squeeze3A_620, %sign3A_623 : i32
            %sign3A_625 = arith.extui %sign3A_624 : i1 to i32
            %sign3A_626 = arith.constant 0 : i32
            %sign3A_627 = arith.cmpi slt, %squeeze3A_620, %sign3A_626 : i32
            %sign3A_628 = arith.extui %sign3A_627 : i1 to i32
            %sign3A_629 = arith.subi %sign3A_625, %sign3A_628 : i32
            %sign3A_630 = arith.constant 0 : i32
            %sign3A_631 = arith.cmpi sgt, %jit3A_621, %sign3A_630 : i32
            %sign3A_632 = arith.extui %sign3A_631 : i1 to i32
            %sign3A_633 = arith.constant 0 : i32
            %sign3A_634 = arith.cmpi slt, %jit3A_621, %sign3A_633 : i32
            %sign3A_635 = arith.extui %sign3A_634 : i1 to i32
            %sign3A_636 = arith.subi %sign3A_632, %sign3A_635 : i32
            %ne3A_637 = arith.cmpi ne, %sign3A_629, %sign3A_636 : i32
            %rem3A_638 = arith.remsi %squeeze3A_620, %jit3A_621 : i32
            %ne3A_639 = arith.constant 0 : i32
            %ne3A_640 = arith.cmpi ne, %rem3A_638, %ne3A_639 : i32
            %and3A_641 = arith.andi %ne3A_637, %ne3A_640 : i1
            %sub3A_642 = arith.constant 1 : i32
            %sub3A_643 = arith.subi %div3A_622, %sub3A_642 : i32
            %select_n3A_644 = arith.select %and3A_641, %sub3A_643, %div3A_622 : i32
            %jit3A_645 = arith.constant 512 : i32
            %div3A_646 = arith.divsi %select_n3A_644, %jit3A_645 : i32
            %sign3A_647 = arith.constant 0 : i32
            %sign3A_648 = arith.cmpi sgt, %select_n3A_644, %sign3A_647 : i32
            %sign3A_649 = arith.extui %sign3A_648 : i1 to i32
            %sign3A_650 = arith.constant 0 : i32
            %sign3A_651 = arith.cmpi slt, %select_n3A_644, %sign3A_650 : i32
            %sign3A_652 = arith.extui %sign3A_651 : i1 to i32
            %sign3A_653 = arith.subi %sign3A_649, %sign3A_652 : i32
            %sign3A_654 = arith.constant 0 : i32
            %sign3A_655 = arith.cmpi sgt, %jit3A_645, %sign3A_654 : i32
            %sign3A_656 = arith.extui %sign3A_655 : i1 to i32
            %sign3A_657 = arith.constant 0 : i32
            %sign3A_658 = arith.cmpi slt, %jit3A_645, %sign3A_657 : i32
            %sign3A_659 = arith.extui %sign3A_658 : i1 to i32
            %sign3A_660 = arith.subi %sign3A_656, %sign3A_659 : i32
            %ne3A_661 = arith.cmpi ne, %sign3A_653, %sign3A_660 : i32
            %rem3A_662 = arith.remsi %select_n3A_644, %jit3A_645 : i32
            %ne3A_663 = arith.constant 0 : i32
            %ne3A_664 = arith.cmpi ne, %rem3A_662, %ne3A_663 : i32
            %and3A_665 = arith.andi %ne3A_661, %ne3A_664 : i1
            %sub3A_666 = arith.constant 1 : i32
            %sub3A_667 = arith.subi %div3A_646, %sub3A_666 : i32
            %select_n3A_668 = arith.select %and3A_665, %sub3A_667, %div3A_646 : i32
            %jit3A_669 = arith.constant 512 : i32
            %eq3A_670 = arith.constant 0 : i32
            %eq3A_671 = arith.cmpi eq, %jit3A_669, %eq3A_670 : i32
            %jit3A_672 = arith.constant 1 : i32
            %select_n3A_673 = arith.select %eq3A_671, %jit3A_672, %jit3A_669 : i32
            %rem3A_674 = arith.remsi %select_n3A_644, %select_n3A_673 : i32
            %ne3A_675 = arith.constant 0 : i32
            %ne3A_676 = arith.cmpi ne, %rem3A_674, %ne3A_675 : i32
            %lt3A_677 = arith.constant 0 : i32
            %lt3A_678 = arith.cmpi slt, %rem3A_674, %lt3A_677 : i32
            %lt3A_679 = arith.constant 0 : i32
            %lt3A_680 = arith.cmpi slt, %select_n3A_673, %lt3A_679 : i32
            %ne3A_681 = arith.xori %lt3A_678, %lt3A_680 : i1
            %and3A_682 = arith.andi %ne3A_681, %ne3A_676 : i1
            %add3A_683 = arith.addi %rem3A_674, %select_n3A_673 : i32
            %select_n3A_684 = arith.select %and3A_682, %add3A_683, %rem3A_674 : i32
            %broadcast_in_dim3A_685 = vector.broadcast %select_n3A_668 : i32 to vector<16xi32>
            %swap3A = arith.index_cast %while3A_555 : i32 to index
            %swap3A_686 = tpu.vector_load %arg8[%swap3A] {strides = array<i32>} : memref<208xi32, #tpu.memory_space<vmem>>, vector<16xi32>,
            %swap3A_687 = vector.shape_cast %swap3A_686 : vector<16xi32> to vector<16xi32>
            %swap3A_688 = vector.shape_cast %broadcast_in_dim3A_685 : vector<16xi32> to vector<16xi32>
            tpu.vector_store %arg8[%swap3A], %swap3A_688 {strides = array<i32>} : memref<208xi32, #tpu.memory_space<vmem>>, vector<16xi32>,
            %broadcast_in_dim3A_689 = vector.broadcast %select_n3A_684 : i32 to vector<16xi32>
            %swap3A_690 = arith.index_cast %while3A_555 : i32 to index
            %swap3A_691 = tpu.vector_load %arg9[%swap3A_690] {strides = array<i32>} : memref<208xi32, #tpu.memory_space<vmem>>, vector<16xi32>,
            %swap3A_692 = vector.shape_cast %swap3A_691 : vector<16xi32> to vector<16xi32>
            %swap3A_693 = vector.shape_cast %broadcast_in_dim3A_689 : vector<16xi32> to vector<16xi32>
            tpu.vector_store %arg9[%swap3A_690], %swap3A_693 {strides = array<i32>} : memref<208xi32, #tpu.memory_space<vmem>>, vector<16xi32>,
            %add3A_694 = arith.constant 1 : i32
            %add3A_695 = arith.addi %while3A_555, %add3A_694 : i32
            %eq3A_696 = arith.cmpi eq, %while3A_556, %min3A_618 : vector<16xi32>
            %jit3A_697 = arith.constant 1073741824 : i32
            %broadcast_in_dim3A_698 = vector.broadcast %jit3A_697 : i32 to vector<16xi32>
            %select_n3A_699 = arith.select %eq3A_696, %broadcast_in_dim3A_698, %while3A_556 : vector<16xi1>, vector<16xi32>
            %eq3A_700 = arith.cmpi eq, %while3A_557, %min3A_618 : vector<16xi32>
            %jit3A_701 = arith.constant 1073741824 : i32
            %broadcast_in_dim3A_702 = vector.broadcast %jit3A_701 : i32 to vector<16xi32>
            %select_n3A_703 = arith.select %eq3A_700, %broadcast_in_dim3A_702, %while3A_557 : vector<16xi1>, vector<16xi32>
            %eq3A_704 = arith.cmpi eq, %while3A_558, %min3A_618 : vector<16xi32>
            %jit3A_705 = arith.constant 1073741824 : i32
            %broadcast_in_dim3A_706 = vector.broadcast %jit3A_705 : i32 to vector<16xi32>
            %select_n3A_707 = arith.select %eq3A_704, %broadcast_in_dim3A_706, %while3A_558 : vector<16xi1>, vector<16xi32>
            %eq3A_708 = arith.cmpi eq, %while3A_559, %min3A_618 : vector<16xi32>
            %jit3A_709 = arith.constant 1073741824 : i32
            %broadcast_in_dim3A_710 = vector.broadcast %jit3A_709 : i32 to vector<16xi32>
            %select_n3A_711 = arith.select %eq3A_708, %broadcast_in_dim3A_710, %while3A_559 : vector<16xi1>, vector<16xi32>
            scf.yield %add3A_695, %select_n3A_699, %select_n3A_703, %select_n3A_707, %select_n3A_711 : i32, vector<16xi32>, vector<16xi32>, vector<16xi32>, vector<16xi32>
          }
          scf.yield %while3A_553#0 : i32
        } else {
          scf.yield %scan3A_59 : i32
        }
        %ge3A_469 = arith.constant 128 : i32
        %ge3A_470 = arith.cmpi sge, %cond3A_468, %ge3A_469 : i32
        %convert_element_type3A_471 = arith.extui %ge3A_470 : i1 to i32
        %cond3A_472 = arith.constant 0 : i32
        %cond3A_473 = arith.cmpi ne, %convert_element_type3A_471, %cond3A_472 : i32
        %cond3A_474 = scf.if %cond3A_473 -> (i32) {
          %dma_start3A_475 = arith.constant 0 : i32
          %dma_start3A_476 = tpu.memref_slice %arg8[%dma_start3A_475] : memref<208xi32, #tpu.memory_space<vmem>> -> memref<128xi32, #tpu.memory_space<vmem>>
          %dma_start3A_477 = arith.constant 0 : i32
          %dma_start3A_478 = arith.constant 0 : i32
          %dma_start3A_479 = tpu.memref_slice %arg2[%dma_start3A_477, %dma_start3A_478] : memref<10240x256xf32, #tpu.memory_space<hbm>> -> memref<10240x256xf32, #tpu.memory_space<hbm>>
          tpu.enqueue_indirect_dma source(%dma_start3A_479 : memref<10240x256xf32, #tpu.memory_space<hbm>>) target(%arg10 : memref<128x256xf32, #tpu.memory_space<vmem>>) offsets(%dma_start3A_476 : memref<128xi32, #tpu.memory_space<vmem>>) semaphore(%arg12 : memref<!tpu.dma_semaphore, #tpu.memory_space<semaphore_mem>>)
          %dma_wait3A_480 = arith.constant 0 : i32
          %dma_wait3A_481 = tpu.memref_slice %arg8[%dma_wait3A_480] : memref<208xi32, #tpu.memory_space<vmem>> -> memref<128xi32, #tpu.memory_space<vmem>>
          %dma_wait3A_482 = arith.constant 0 : i32
          %dma_wait3A_483 = arith.constant 0 : i32
          %dma_wait3A_484 = tpu.memref_slice %arg2[%dma_wait3A_482, %dma_wait3A_483] : memref<10240x256xf32, #tpu.memory_space<hbm>> -> memref<10240x256xf32, #tpu.memory_space<hbm>>
          tpu.wait_indirect_dma semaphore(%arg12 : memref<!tpu.dma_semaphore, #tpu.memory_space<semaphore_mem>>) src(%dma_wait3A_484 : memref<10240x256xf32, #tpu.memory_space<hbm>>) dst(%arg10 : memref<128x256xf32, #tpu.memory_space<vmem>>)
          %scan3A_485 = arith.constant 0 : i32
          %scan3A_486 = arith.constant 0 : i32
          %scan3A_487 = arith.constant 128 : i32
          %scan3A_488 = arith.addi %scan3A_486, %scan3A_487 : i32
          %scan3A_489 = arith.constant 1 : i32
          %scan3A_490 = scf.for %scan3A_549 = %scan3A_486 to %scan3A_488 step %scan3A_489 iter_args(%scan3A_550 = %scan3A_485) -> (i32)  : i32 {
            %get3A_551 = arith.index_cast %scan3A_549 : i32 to index
            %get3A_552 = tpu.vector_load %arg9[%get3A_551] {strides = array<i32>} : memref<208xi32, #tpu.memory_space<vmem>>, vector<16xi32>,
            %get3A_553 = vector.shape_cast %get3A_552 : vector<16xi32> to vector<16xi32>
            %slice3A_554 = vector.extract_strided_slice %get3A_553 {offsets = [0], sizes = [1], strides = [1]} : vector<16xi32> to vector<1xi32>
            %squeeze3A_555 = vector.extract %slice3A_554[0] : i32 from vector<1xi32>
            %get3A_556 = arith.index_cast %squeeze3A_555 : i32 to index
            %get3A_557 = arith.constant 0 : index
            %get3A_558 = tpu.vector_load %arg11[%get3A_556, %get3A_557] {strides = array<i32>} : memref<320x256xf32, #tpu.memory_space<vmem>>, vector<1x16xf32>,
            %get3A_559 = vector.shape_cast %get3A_558 : vector<1x16xf32> to vector<16xf32>
            %get3A_560 = arith.index_cast %scan3A_549 : i32 to index
            %get3A_561 = arith.constant 0 : index
            %get3A_562 = tpu.vector_load %arg10[%get3A_560, %get3A_561] {strides = array<i32>} : memref<128x256xf32, #tpu.memory_space<vmem>>, vector<1x16xf32>,
            %get3A_563 = vector.shape_cast %get3A_562 : vector<1x16xf32> to vector<16xf32>
            %add3A_564 = arith.addf %get3A_559, %get3A_563 : vector<16xf32>
            %swap3A_565 = arith.index_cast %squeeze3A_555 : i32 to index
            %swap3A_566 = arith.constant 0 : index
            %swap3A_567 = tpu.vector_load %arg11[%swap3A_565, %swap3A_566] {strides = array<i32>} : memref<320x256xf32, #tpu.memory_space<vmem>>, vector<1x16xf32>,
            %swap3A_568 = vector.shape_cast %swap3A_567 : vector<1x16xf32> to vector<16xf32>
            %swap3A_569 = vector.shape_cast %add3A_564 : vector<16xf32> to vector<1x16xf32>
            tpu.vector_store %arg11[%swap3A_565, %swap3A_566], %swap3A_569 {strides = array<i32>} : memref<320x256xf32, #tpu.memory_space<vmem>>, vector<1x16xf32>,
            %get3A_570 = arith.index_cast %squeeze3A_555 : i32 to index
            %get3A_571 = arith.constant 16 : index
            %get3A_572 = tpu.vector_load %arg11[%get3A_570, %get3A_571] {strides = array<i32>} : memref<320x256xf32, #tpu.memory_space<vmem>>, vector<1x16xf32>,
            %get3A_573 = vector.shape_cast %get3A_572 : vector<1x16xf32> to vector<16xf32>
            %get3A_574 = arith.index_cast %scan3A_549 : i32 to index
            %get3A_575 = arith.constant 16 : index
            %get3A_576 = tpu.vector_load %arg10[%get3A_574, %get3A_575] {strides = array<i32>} : memref<128x256xf32, #tpu.memory_space<vmem>>, vector<1x16xf32>,
            %get3A_577 = vector.shape_cast %get3A_576 : vector<1x16xf32> to vector<16xf32>
            %add3A_578 = arith.addf %get3A_573, %get3A_577 : vector<16xf32>
            %swap3A_579 = arith.index_cast %squeeze3A_555 : i32 to index
            %swap3A_580 = arith.constant 16 : index
            %swap3A_581 = tpu.vector_load %arg11[%swap3A_579, %swap3A_580] {strides = array<i32>} : memref<320x256xf32, #tpu.memory_space<vmem>>, vector<1x16xf32>,
            %swap3A_582 = vector.shape_cast %swap3A_581 : vector<1x16xf32> to vector<16xf32>
            %swap3A_583 = vector.shape_cast %add3A_578 : vector<16xf32> to vector<1x16xf32>
            tpu.vector_store %arg11[%swap3A_579, %swap3A_580], %swap3A_583 {strides = array<i32>} : memref<320x256xf32, #tpu.memory_space<vmem>>, vector<1x16xf32>,
            %get3A_584 = arith.index_cast %squeeze3A_555 : i32 to index
            %get3A_585 = arith.constant 32 : index
            %get3A_586 = tpu.vector_load %arg11[%get3A_584, %get3A_585] {strides = array<i32>} : memref<320x256xf32, #tpu.memory_space<vmem>>, vector<1x16xf32>,
            %get3A_587 = vector.shape_cast %get3A_586 : vector<1x16xf32> to vector<16xf32>
            %get3A_588 = arith.index_cast %scan3A_549 : i32 to index
            %get3A_589 = arith.constant 32 : index
            %get3A_590 = tpu.vector_load %arg10[%get3A_588, %get3A_589] {strides = array<i32>} : memref<128x256xf32, #tpu.memory_space<vmem>>, vector<1x16xf32>,
            %get3A_591 = vector.shape_cast %get3A_590 : vector<1x16xf32> to vector<16xf32>
            %add3A_592 = arith.addf %get3A_587, %get3A_591 : vector<16xf32>
            %swap3A_593 = arith.index_cast %squeeze3A_555 : i32 to index
            %swap3A_594 = arith.constant 32 : index
            %swap3A_595 = tpu.vector_load %arg11[%swap3A_593, %swap3A_594] {strides = array<i32>} : memref<320x256xf32, #tpu.memory_space<vmem>>, vector<1x16xf32>,
            %swap3A_596 = vector.shape_cast %swap3A_595 : vector<1x16xf32> to vector<16xf32>
            %swap3A_597 = vector.shape_cast %add3A_592 : vector<16xf32> to vector<1x16xf32>
            tpu.vector_store %arg11[%swap3A_593, %swap3A_594], %swap3A_597 {strides = array<i32>} : memref<320x256xf32, #tpu.memory_space<vmem>>, vector<1x16xf32>,
            %get3A_598 = arith.index_cast %squeeze3A_555 : i32 to index
            %get3A_599 = arith.constant 48 : index
            %get3A_600 = tpu.vector_load %arg11[%get3A_598, %get3A_599] {strides = array<i32>} : memref<320x256xf32, #tpu.memory_space<vmem>>, vector<1x16xf32>,
            %get3A_601 = vector.shape_cast %get3A_600 : vector<1x16xf32> to vector<16xf32>
            %get3A_602 = arith.index_cast %scan3A_549 : i32 to index
            %get3A_603 = arith.constant 48 : index
            %get3A_604 = tpu.vector_load %arg10[%get3A_602, %get3A_603] {strides = array<i32>} : memref<128x256xf32, #tpu.memory_space<vmem>>, vector<1x16xf32>,
            %get3A_605 = vector.shape_cast %get3A_604 : vector<1x16xf32> to vector<16xf32>
            %add3A_606 = arith.addf %get3A_601, %get3A_605 : vector<16xf32>
            %swap3A_607 = arith.index_cast %squeeze3A_555 : i32 to index
            %swap3A_608 = arith.constant 48 : index
            %swap3A_609 = tpu.vector_load %arg11[%swap3A_607, %swap3A_608] {strides = array<i32>} : memref<320x256xf32, #tpu.memory_space<vmem>>, vector<1x16xf32>,
            %swap3A_610 = vector.shape_cast %swap3A_609 : vector<1x16xf32> to vector<16xf32>
            %swap3A_611 = vector.shape_cast %add3A_606 : vector<16xf32> to vector<1x16xf32>
            tpu.vector_store %arg11[%swap3A_607, %swap3A_608], %swap3A_611 {strides = array<i32>} : memref<320x256xf32, #tpu.memory_space<vmem>>, vector<1x16xf32>,
            %get3A_612 = arith.index_cast %squeeze3A_555 : i32 to index
            %get3A_613 = arith.constant 64 : index
            %get3A_614 = tpu.vector_load %arg11[%get3A_612, %get3A_613] {strides = array<i32>} : memref<320x256xf32, #tpu.memory_space<vmem>>, vector<1x16xf32>,
            %get3A_615 = vector.shape_cast %get3A_614 : vector<1x16xf32> to vector<16xf32>
            %get3A_616 = arith.index_cast %scan3A_549 : i32 to index
            %get3A_617 = arith.constant 64 : index
            %get3A_618 = tpu.vector_load %arg10[%get3A_616, %get3A_617] {strides = array<i32>} : memref<128x256xf32, #tpu.memory_space<vmem>>, vector<1x16xf32>,
            %get3A_619 = vector.shape_cast %get3A_618 : vector<1x16xf32> to vector<16xf32>
            %add3A_620 = arith.addf %get3A_615, %get3A_619 : vector<16xf32>
            %swap3A_621 = arith.index_cast %squeeze3A_555 : i32 to index
            %swap3A_622 = arith.constant 64 : index
            %swap3A_623 = tpu.vector_load %arg11[%swap3A_621, %swap3A_622] {strides = array<i32>} : memref<320x256xf32, #tpu.memory_space<vmem>>, vector<1x16xf32>,
            %swap3A_624 = vector.shape_cast %swap3A_623 : vector<1x16xf32> to vector<16xf32>
            %swap3A_625 = vector.shape_cast %add3A_620 : vector<16xf32> to vector<1x16xf32>
            tpu.vector_store %arg11[%swap3A_621, %swap3A_622], %swap3A_625 {strides = array<i32>} : memref<320x256xf32, #tpu.memory_space<vmem>>, vector<1x16xf32>,
            %get3A_626 = arith.index_cast %squeeze3A_555 : i32 to index
            %get3A_627 = arith.constant 80 : index
            %get3A_628 = tpu.vector_load %arg11[%get3A_626, %get3A_627] {strides = array<i32>} : memref<320x256xf32, #tpu.memory_space<vmem>>, vector<1x16xf32>,
            %get3A_629 = vector.shape_cast %get3A_628 : vector<1x16xf32> to vector<16xf32>
            %get3A_630 = arith.index_cast %scan3A_549 : i32 to index
            %get3A_631 = arith.constant 80 : index
            %get3A_632 = tpu.vector_load %arg10[%get3A_630, %get3A_631] {strides = array<i32>} : memref<128x256xf32, #tpu.memory_space<vmem>>, vector<1x16xf32>,
            %get3A_633 = vector.shape_cast %get3A_632 : vector<1x16xf32> to vector<16xf32>
            %add3A_634 = arith.addf %get3A_629, %get3A_633 : vector<16xf32>
            %swap3A_635 = arith.index_cast %squeeze3A_555 : i32 to index
            %swap3A_636 = arith.constant 80 : index
            %swap3A_637 = tpu.vector_load %arg11[%swap3A_635, %swap3A_636] {strides = array<i32>} : memref<320x256xf32, #tpu.memory_space<vmem>>, vector<1x16xf32>,
            %swap3A_638 = vector.shape_cast %swap3A_637 : vector<1x16xf32> to vector<16xf32>
            %swap3A_639 = vector.shape_cast %add3A_634 : vector<16xf32> to vector<1x16xf32>
            tpu.vector_store %arg11[%swap3A_635, %swap3A_636], %swap3A_639 {strides = array<i32>} : memref<320x256xf32, #tpu.memory_space<vmem>>, vector<1x16xf32>,
            %get3A_640 = arith.index_cast %squeeze3A_555 : i32 to index
            %get3A_641 = arith.constant 96 : index
            %get3A_642 = tpu.vector_load %arg11[%get3A_640, %get3A_641] {strides = array<i32>} : memref<320x256xf32, #tpu.memory_space<vmem>>, vector<1x16xf32>,
            %get3A_643 = vector.shape_cast %get3A_642 : vector<1x16xf32> to vector<16xf32>
            %get3A_644 = arith.index_cast %scan3A_549 : i32 to index
            %get3A_645 = arith.constant 96 : index
            %get3A_646 = tpu.vector_load %arg10[%get3A_644, %get3A_645] {strides = array<i32>} : memref<128x256xf32, #tpu.memory_space<vmem>>, vector<1x16xf32>,
            %get3A_647 = vector.shape_cast %get3A_646 : vector<1x16xf32> to vector<16xf32>
            %add3A_648 = arith.addf %get3A_643, %get3A_647 : vector<16xf32>
            %swap3A_649 = arith.index_cast %squeeze3A_555 : i32 to index
            %swap3A_650 = arith.constant 96 : index
            %swap3A_651 = tpu.vector_load %arg11[%swap3A_649, %swap3A_650] {strides = array<i32>} : memref<320x256xf32, #tpu.memory_space<vmem>>, vector<1x16xf32>,
            %swap3A_652 = vector.shape_cast %swap3A_651 : vector<1x16xf32> to vector<16xf32>
            %swap3A_653 = vector.shape_cast %add3A_648 : vector<16xf32> to vector<1x16xf32>
            tpu.vector_store %arg11[%swap3A_649, %swap3A_650], %swap3A_653 {strides = array<i32>} : memref<320x256xf32, #tpu.memory_space<vmem>>, vector<1x16xf32>,
            %get3A_654 = arith.index_cast %squeeze3A_555 : i32 to index
            %get3A_655 = arith.constant 112 : index
            %get3A_656 = tpu.vector_load %arg11[%get3A_654, %get3A_655] {strides = array<i32>} : memref<320x256xf32, #tpu.memory_space<vmem>>, vector<1x16xf32>,
            %get3A_657 = vector.shape_cast %get3A_656 : vector<1x16xf32> to vector<16xf32>
            %get3A_658 = arith.index_cast %scan3A_549 : i32 to index
            %get3A_659 = arith.constant 112 : index
            %get3A_660 = tpu.vector_load %arg10[%get3A_658, %get3A_659] {strides = array<i32>} : memref<128x256xf32, #tpu.memory_space<vmem>>, vector<1x16xf32>,
            %get3A_661 = vector.shape_cast %get3A_660 : vector<1x16xf32> to vector<16xf32>
            %add3A_662 = arith.addf %get3A_657, %get3A_661 : vector<16xf32>
            %swap3A_663 = arith.index_cast %squeeze3A_555 : i32 to index
            %swap3A_664 = arith.constant 112 : index
            %swap3A_665 = tpu.vector_load %arg11[%swap3A_663, %swap3A_664] {strides = array<i32>} : memref<320x256xf32, #tpu.memory_space<vmem>>, vector<1x16xf32>,
            %swap3A_666 = vector.shape_cast %swap3A_665 : vector<1x16xf32> to vector<16xf32>
            %swap3A_667 = vector.shape_cast %add3A_662 : vector<16xf32> to vector<1x16xf32>
            tpu.vector_store %arg11[%swap3A_663, %swap3A_664], %swap3A_667 {strides = array<i32>} : memref<320x256xf32, #tpu.memory_space<vmem>>, vector<1x16xf32>,
            %get3A_668 = arith.index_cast %squeeze3A_555 : i32 to index
            %get3A_669 = arith.constant 128 : index
            %get3A_670 = tpu.vector_load %arg11[%get3A_668, %get3A_669] {strides = array<i32>} : memref<320x256xf32, #tpu.memory_space<vmem>>, vector<1x16xf32>,
            %get3A_671 = vector.shape_cast %get3A_670 : vector<1x16xf32> to vector<16xf32>
            %get3A_672 = arith.index_cast %scan3A_549 : i32 to index
            %get3A_673 = arith.constant 128 : index
            %get3A_674 = tpu.vector_load %arg10[%get3A_672, %get3A_673] {strides = array<i32>} : memref<128x256xf32, #tpu.memory_space<vmem>>, vector<1x16xf32>,
            %get3A_675 = vector.shape_cast %get3A_674 : vector<1x16xf32> to vector<16xf32>
            %add3A_676 = arith.addf %get3A_671, %get3A_675 : vector<16xf32>
            %swap3A_677 = arith.index_cast %squeeze3A_555 : i32 to index
            %swap3A_678 = arith.constant 128 : index
            %swap3A_679 = tpu.vector_load %arg11[%swap3A_677, %swap3A_678] {strides = array<i32>} : memref<320x256xf32, #tpu.memory_space<vmem>>, vector<1x16xf32>,
            %swap3A_680 = vector.shape_cast %swap3A_679 : vector<1x16xf32> to vector<16xf32>
            %swap3A_681 = vector.shape_cast %add3A_676 : vector<16xf32> to vector<1x16xf32>
            tpu.vector_store %arg11[%swap3A_677, %swap3A_678], %swap3A_681 {strides = array<i32>} : memref<320x256xf32, #tpu.memory_space<vmem>>, vector<1x16xf32>,
            %get3A_682 = arith.index_cast %squeeze3A_555 : i32 to index
            %get3A_683 = arith.constant 144 : index
            %get3A_684 = tpu.vector_load %arg11[%get3A_682, %get3A_683] {strides = array<i32>} : memref<320x256xf32, #tpu.memory_space<vmem>>, vector<1x16xf32>,
            %get3A_685 = vector.shape_cast %get3A_684 : vector<1x16xf32> to vector<16xf32>
            %get3A_686 = arith.index_cast %scan3A_549 : i32 to index
            %get3A_687 = arith.constant 144 : index
            %get3A_688 = tpu.vector_load %arg10[%get3A_686, %get3A_687] {strides = array<i32>} : memref<128x256xf32, #tpu.memory_space<vmem>>, vector<1x16xf32>,
            %get3A_689 = vector.shape_cast %get3A_688 : vector<1x16xf32> to vector<16xf32>
            %add3A_690 = arith.addf %get3A_685, %get3A_689 : vector<16xf32>
            %swap3A_691 = arith.index_cast %squeeze3A_555 : i32 to index
            %swap3A_692 = arith.constant 144 : index
            %swap3A_693 = tpu.vector_load %arg11[%swap3A_691, %swap3A_692] {strides = array<i32>} : memref<320x256xf32, #tpu.memory_space<vmem>>, vector<1x16xf32>,
            %swap3A_694 = vector.shape_cast %swap3A_693 : vector<1x16xf32> to vector<16xf32>
            %swap3A_695 = vector.shape_cast %add3A_690 : vector<16xf32> to vector<1x16xf32>
            tpu.vector_store %arg11[%swap3A_691, %swap3A_692], %swap3A_695 {strides = array<i32>} : memref<320x256xf32, #tpu.memory_space<vmem>>, vector<1x16xf32>,
            %get3A_696 = arith.index_cast %squeeze3A_555 : i32 to index
            %get3A_697 = arith.constant 160 : index
            %get3A_698 = tpu.vector_load %arg11[%get3A_696, %get3A_697] {strides = array<i32>} : memref<320x256xf32, #tpu.memory_space<vmem>>, vector<1x16xf32>,
            %get3A_699 = vector.shape_cast %get3A_698 : vector<1x16xf32> to vector<16xf32>
            %get3A_700 = arith.index_cast %scan3A_549 : i32 to index
            %get3A_701 = arith.constant 160 : index
            %get3A_702 = tpu.vector_load %arg10[%get3A_700, %get3A_701] {strides = array<i32>} : memref<128x256xf32, #tpu.memory_space<vmem>>, vector<1x16xf32>,
            %get3A_703 = vector.shape_cast %get3A_702 : vector<1x16xf32> to vector<16xf32>
            %add3A_704 = arith.addf %get3A_699, %get3A_703 : vector<16xf32>
            %swap3A_705 = arith.index_cast %squeeze3A_555 : i32 to index
            %swap3A_706 = arith.constant 160 : index
            %swap3A_707 = tpu.vector_load %arg11[%swap3A_705, %swap3A_706] {strides = array<i32>} : memref<320x256xf32, #tpu.memory_space<vmem>>, vector<1x16xf32>,
            %swap3A_708 = vector.shape_cast %swap3A_707 : vector<1x16xf32> to vector<16xf32>
            %swap3A_709 = vector.shape_cast %add3A_704 : vector<16xf32> to vector<1x16xf32>
            tpu.vector_store %arg11[%swap3A_705, %swap3A_706], %swap3A_709 {strides = array<i32>} : memref<320x256xf32, #tpu.memory_space<vmem>>, vector<1x16xf32>,
            %get3A_710 = arith.index_cast %squeeze3A_555 : i32 to index
            %get3A_711 = arith.constant 176 : index
            %get3A_712 = tpu.vector_load %arg11[%get3A_710, %get3A_711] {strides = array<i32>} : memref<320x256xf32, #tpu.memory_space<vmem>>, vector<1x16xf32>,
            %get3A_713 = vector.shape_cast %get3A_712 : vector<1x16xf32> to vector<16xf32>
            %get3A_714 = arith.index_cast %scan3A_549 : i32 to index
            %get3A_715 = arith.constant 176 : index
            %get3A_716 = tpu.vector_load %arg10[%get3A_714, %get3A_715] {strides = array<i32>} : memref<128x256xf32, #tpu.memory_space<vmem>>, vector<1x16xf32>,
            %get3A_717 = vector.shape_cast %get3A_716 : vector<1x16xf32> to vector<16xf32>
            %add3A_718 = arith.addf %get3A_713, %get3A_717 : vector<16xf32>
            %swap3A_719 = arith.index_cast %squeeze3A_555 : i32 to index
            %swap3A_720 = arith.constant 176 : index
            %swap3A_721 = tpu.vector_load %arg11[%swap3A_719, %swap3A_720] {strides = array<i32>} : memref<320x256xf32, #tpu.memory_space<vmem>>, vector<1x16xf32>,
            %swap3A_722 = vector.shape_cast %swap3A_721 : vector<1x16xf32> to vector<16xf32>
            %swap3A_723 = vector.shape_cast %add3A_718 : vector<16xf32> to vector<1x16xf32>
            tpu.vector_store %arg11[%swap3A_719, %swap3A_720], %swap3A_723 {strides = array<i32>} : memref<320x256xf32, #tpu.memory_space<vmem>>, vector<1x16xf32>,
            %get3A_724 = arith.index_cast %squeeze3A_555 : i32 to index
            %get3A_725 = arith.constant 192 : index
            %get3A_726 = tpu.vector_load %arg11[%get3A_724, %get3A_725] {strides = array<i32>} : memref<320x256xf32, #tpu.memory_space<vmem>>, vector<1x16xf32>,
            %get3A_727 = vector.shape_cast %get3A_726 : vector<1x16xf32> to vector<16xf32>
            %get3A_728 = arith.index_cast %scan3A_549 : i32 to index
            %get3A_729 = arith.constant 192 : index
            %get3A_730 = tpu.vector_load %arg10[%get3A_728, %get3A_729] {strides = array<i32>} : memref<128x256xf32, #tpu.memory_space<vmem>>, vector<1x16xf32>,
            %get3A_731 = vector.shape_cast %get3A_730 : vector<1x16xf32> to vector<16xf32>
            %add3A_732 = arith.addf %get3A_727, %get3A_731 : vector<16xf32>
            %swap3A_733 = arith.index_cast %squeeze3A_555 : i32 to index
            %swap3A_734 = arith.constant 192 : index
            %swap3A_735 = tpu.vector_load %arg11[%swap3A_733, %swap3A_734] {strides = array<i32>} : memref<320x256xf32, #tpu.memory_space<vmem>>, vector<1x16xf32>,
            %swap3A_736 = vector.shape_cast %swap3A_735 : vector<1x16xf32> to vector<16xf32>
            %swap3A_737 = vector.shape_cast %add3A_732 : vector<16xf32> to vector<1x16xf32>
            tpu.vector_store %arg11[%swap3A_733, %swap3A_734], %swap3A_737 {strides = array<i32>} : memref<320x256xf32, #tpu.memory_space<vmem>>, vector<1x16xf32>,
            %get3A_738 = arith.index_cast %squeeze3A_555 : i32 to index
            %get3A_739 = arith.constant 208 : index
            %get3A_740 = tpu.vector_load %arg11[%get3A_738, %get3A_739] {strides = array<i32>} : memref<320x256xf32, #tpu.memory_space<vmem>>, vector<1x16xf32>,
            %get3A_741 = vector.shape_cast %get3A_740 : vector<1x16xf32> to vector<16xf32>
            %get3A_742 = arith.index_cast %scan3A_549 : i32 to index
            %get3A_743 = arith.constant 208 : index
            %get3A_744 = tpu.vector_load %arg10[%get3A_742, %get3A_743] {strides = array<i32>} : memref<128x256xf32, #tpu.memory_space<vmem>>, vector<1x16xf32>,
            %get3A_745 = vector.shape_cast %get3A_744 : vector<1x16xf32> to vector<16xf32>
            %add3A_746 = arith.addf %get3A_741, %get3A_745 : vector<16xf32>
            %swap3A_747 = arith.index_cast %squeeze3A_555 : i32 to index
            %swap3A_748 = arith.constant 208 : index
            %swap3A_749 = tpu.vector_load %arg11[%swap3A_747, %swap3A_748] {strides = array<i32>} : memref<320x256xf32, #tpu.memory_space<vmem>>, vector<1x16xf32>,
            %swap3A_750 = vector.shape_cast %swap3A_749 : vector<1x16xf32> to vector<16xf32>
            %swap3A_751 = vector.shape_cast %add3A_746 : vector<16xf32> to vector<1x16xf32>
            tpu.vector_store %arg11[%swap3A_747, %swap3A_748], %swap3A_751 {strides = array<i32>} : memref<320x256xf32, #tpu.memory_space<vmem>>, vector<1x16xf32>,
            %get3A_752 = arith.index_cast %squeeze3A_555 : i32 to index
            %get3A_753 = arith.constant 224 : index
            %get3A_754 = tpu.vector_load %arg11[%get3A_752, %get3A_753] {strides = array<i32>} : memref<320x256xf32, #tpu.memory_space<vmem>>, vector<1x16xf32>,
            %get3A_755 = vector.shape_cast %get3A_754 : vector<1x16xf32> to vector<16xf32>
            %get3A_756 = arith.index_cast %scan3A_549 : i32 to index
            %get3A_757 = arith.constant 224 : index
            %get3A_758 = tpu.vector_load %arg10[%get3A_756, %get3A_757] {strides = array<i32>} : memref<128x256xf32, #tpu.memory_space<vmem>>, vector<1x16xf32>,
            %get3A_759 = vector.shape_cast %get3A_758 : vector<1x16xf32> to vector<16xf32>
            %add3A_760 = arith.addf %get3A_755, %get3A_759 : vector<16xf32>
            %swap3A_761 = arith.index_cast %squeeze3A_555 : i32 to index
            %swap3A_762 = arith.constant 224 : index
            %swap3A_763 = tpu.vector_load %arg11[%swap3A_761, %swap3A_762] {strides = array<i32>} : memref<320x256xf32, #tpu.memory_space<vmem>>, vector<1x16xf32>,
            %swap3A_764 = vector.shape_cast %swap3A_763 : vector<1x16xf32> to vector<16xf32>
            %swap3A_765 = vector.shape_cast %add3A_760 : vector<16xf32> to vector<1x16xf32>
            tpu.vector_store %arg11[%swap3A_761, %swap3A_762], %swap3A_765 {strides = array<i32>} : memref<320x256xf32, #tpu.memory_space<vmem>>, vector<1x16xf32>,
            %get3A_766 = arith.index_cast %squeeze3A_555 : i32 to index
            %get3A_767 = arith.constant 240 : index
            %get3A_768 = tpu.vector_load %arg11[%get3A_766, %get3A_767] {strides = array<i32>} : memref<320x256xf32, #tpu.memory_space<vmem>>, vector<1x16xf32>,
            %get3A_769 = vector.shape_cast %get3A_768 : vector<1x16xf32> to vector<16xf32>
            %get3A_770 = arith.index_cast %scan3A_549 : i32 to index
            %get3A_771 = arith.constant 240 : index
            %get3A_772 = tpu.vector_load %arg10[%get3A_770, %get3A_771] {strides = array<i32>} : memref<128x256xf32, #tpu.memory_space<vmem>>, vector<1x16xf32>,
            %get3A_773 = vector.shape_cast %get3A_772 : vector<1x16xf32> to vector<16xf32>
            %add3A_774 = arith.addf %get3A_769, %get3A_773 : vector<16xf32>
            %swap3A_775 = arith.index_cast %squeeze3A_555 : i32 to index
            %swap3A_776 = arith.constant 240 : index
            %swap3A_777 = tpu.vector_load %arg11[%swap3A_775, %swap3A_776] {strides = array<i32>} : memref<320x256xf32, #tpu.memory_space<vmem>>, vector<1x16xf32>,
            %swap3A_778 = vector.shape_cast %swap3A_777 : vector<1x16xf32> to vector<16xf32>
            %swap3A_779 = vector.shape_cast %add3A_774 : vector<16xf32> to vector<1x16xf32>
            tpu.vector_store %arg11[%swap3A_775, %swap3A_776], %swap3A_779 {strides = array<i32>} : memref<320x256xf32, #tpu.memory_space<vmem>>, vector<1x16xf32>,
            %scan3A_780 = arith.constant 0 : i32
            scf.yield %scan3A_780 : i32
          }
          %scan3A_491 = arith.constant 128 : i32
          %get3A_492 = arith.constant 128 : index
          %get3A_493 = tpu.vector_load %arg8[%get3A_492] {strides = array<i32>} : memref<208xi32, #tpu.memory_space<vmem>>, vector<16xi32>,
          %get3A_494 = vector.shape_cast %get3A_493 : vector<16xi32> to vector<16xi32>
          %get3A_495 = arith.constant 128 : index
          %get3A_496 = tpu.vector_load %arg9[%get3A_495] {strides = array<i32>} : memref<208xi32, #tpu.memory_space<vmem>>, vector<16xi32>,
          %get3A_497 = vector.shape_cast %get3A_496 : vector<16xi32> to vector<16xi32>
          %swap3A = arith.constant 0 : index
          %swap3A_498 = tpu.vector_load %arg8[%swap3A] {strides = array<i32>} : memref<208xi32, #tpu.memory_space<vmem>>, vector<16xi32>,
          %swap3A_499 = vector.shape_cast %swap3A_498 : vector<16xi32> to vector<16xi32>
          %swap3A_500 = vector.shape_cast %get3A_494 : vector<16xi32> to vector<16xi32>
          tpu.vector_store %arg8[%swap3A], %swap3A_500 {strides = array<i32>} : memref<208xi32, #tpu.memory_space<vmem>>, vector<16xi32>,
          %swap3A_501 = arith.constant 0 : index
          %swap3A_502 = tpu.vector_load %arg9[%swap3A_501] {strides = array<i32>} : memref<208xi32, #tpu.memory_space<vmem>>, vector<16xi32>,
          %swap3A_503 = vector.shape_cast %swap3A_502 : vector<16xi32> to vector<16xi32>
          %swap3A_504 = vector.shape_cast %get3A_497 : vector<16xi32> to vector<16xi32>
          tpu.vector_store %arg9[%swap3A_501], %swap3A_504 {strides = array<i32>} : memref<208xi32, #tpu.memory_space<vmem>>, vector<16xi32>,
          %get3A_505 = arith.constant 144 : index
          %get3A_506 = tpu.vector_load %arg8[%get3A_505] {strides = array<i32>} : memref<208xi32, #tpu.memory_space<vmem>>, vector<16xi32>,
          %get3A_507 = vector.shape_cast %get3A_506 : vector<16xi32> to vector<16xi32>
          %get3A_508 = arith.constant 144 : index
          %get3A_509 = tpu.vector_load %arg9[%get3A_508] {strides = array<i32>} : memref<208xi32, #tpu.memory_space<vmem>>, vector<16xi32>,
          %get3A_510 = vector.shape_cast %get3A_509 : vector<16xi32> to vector<16xi32>
          %swap3A_511 = arith.constant 16 : index
          %swap3A_512 = tpu.vector_load %arg8[%swap3A_511] {strides = array<i32>} : memref<208xi32, #tpu.memory_space<vmem>>, vector<16xi32>,
          %swap3A_513 = vector.shape_cast %swap3A_512 : vector<16xi32> to vector<16xi32>
          %swap3A_514 = vector.shape_cast %get3A_507 : vector<16xi32> to vector<16xi32>
          tpu.vector_store %arg8[%swap3A_511], %swap3A_514 {strides = array<i32>} : memref<208xi32, #tpu.memory_space<vmem>>, vector<16xi32>,
          %swap3A_515 = arith.constant 16 : index
          %swap3A_516 = tpu.vector_load %arg9[%swap3A_515] {strides = array<i32>} : memref<208xi32, #tpu.memory_space<vmem>>, vector<16xi32>,
          %swap3A_517 = vector.shape_cast %swap3A_516 : vector<16xi32> to vector<16xi32>
          %swap3A_518 = vector.shape_cast %get3A_510 : vector<16xi32> to vector<16xi32>
          tpu.vector_store %arg9[%swap3A_515], %swap3A_518 {strides = array<i32>} : memref<208xi32, #tpu.memory_space<vmem>>, vector<16xi32>,
          %get3A_519 = arith.constant 160 : index
          %get3A_520 = tpu.vector_load %arg8[%get3A_519] {strides = array<i32>} : memref<208xi32, #tpu.memory_space<vmem>>, vector<16xi32>,
          %get3A_521 = vector.shape_cast %get3A_520 : vector<16xi32> to vector<16xi32>
          %get3A_522 = arith.constant 160 : index
          %get3A_523 = tpu.vector_load %arg9[%get3A_522] {strides = array<i32>} : memref<208xi32, #tpu.memory_space<vmem>>, vector<16xi32>,
          %get3A_524 = vector.shape_cast %get3A_523 : vector<16xi32> to vector<16xi32>
          %swap3A_525 = arith.constant 32 : index
          %swap3A_526 = tpu.vector_load %arg8[%swap3A_525] {strides = array<i32>} : memref<208xi32, #tpu.memory_space<vmem>>, vector<16xi32>,
          %swap3A_527 = vector.shape_cast %swap3A_526 : vector<16xi32> to vector<16xi32>
          %swap3A_528 = vector.shape_cast %get3A_521 : vector<16xi32> to vector<16xi32>
          tpu.vector_store %arg8[%swap3A_525], %swap3A_528 {strides = array<i32>} : memref<208xi32, #tpu.memory_space<vmem>>, vector<16xi32>,
          %swap3A_529 = arith.constant 32 : index
          %swap3A_530 = tpu.vector_load %arg9[%swap3A_529] {strides = array<i32>} : memref<208xi32, #tpu.memory_space<vmem>>, vector<16xi32>,
          %swap3A_531 = vector.shape_cast %swap3A_530 : vector<16xi32> to vector<16xi32>
          %swap3A_532 = vector.shape_cast %get3A_524 : vector<16xi32> to vector<16xi32>
          tpu.vector_store %arg9[%swap3A_529], %swap3A_532 {strides = array<i32>} : memref<208xi32, #tpu.memory_space<vmem>>, vector<16xi32>,
          %get3A_533 = arith.constant 176 : index
          %get3A_534 = tpu.vector_load %arg8[%get3A_533] {strides = array<i32>} : memref<208xi32, #tpu.memory_space<vmem>>, vector<16xi32>,
          %get3A_535 = vector.shape_cast %get3A_534 : vector<16xi32> to vector<16xi32>
          %get3A_536 = arith.constant 176 : index
          %get3A_537 = tpu.vector_load %arg9[%get3A_536] {strides = array<i32>} : memref<208xi32, #tpu.memory_space<vmem>>, vector<16xi32>,
          %get3A_538 = vector.shape_cast %get3A_537 : vector<16xi32> to vector<16xi32>
          %swap3A_539 = arith.constant 48 : index
          %swap3A_540 = tpu.vector_load %arg8[%swap3A_539] {strides = array<i32>} : memref<208xi32, #tpu.memory_space<vmem>>, vector<16xi32>,
          %swap3A_541 = vector.shape_cast %swap3A_540 : vector<16xi32> to vector<16xi32>
          %swap3A_542 = vector.shape_cast %get3A_535 : vector<16xi32> to vector<16xi32>
          tpu.vector_store %arg8[%swap3A_539], %swap3A_542 {strides = array<i32>} : memref<208xi32, #tpu.memory_space<vmem>>, vector<16xi32>,
          %swap3A_543 = arith.constant 48 : index
          %swap3A_544 = tpu.vector_load %arg9[%swap3A_543] {strides = array<i32>} : memref<208xi32, #tpu.memory_space<vmem>>, vector<16xi32>,
          %swap3A_545 = vector.shape_cast %swap3A_544 : vector<16xi32> to vector<16xi32>
          %swap3A_546 = vector.shape_cast %get3A_538 : vector<16xi32> to vector<16xi32>
          tpu.vector_store %arg9[%swap3A_543], %swap3A_546 {strides = array<i32>} : memref<208xi32, #tpu.memory_space<vmem>>, vector<16xi32>,
          %sub3A_547 = arith.constant 128 : i32
          %sub3A_548 = arith.subi %cond3A_468, %sub3A_547 : i32
          scf.yield %sub3A_548 : i32
        } else {
          scf.yield %cond3A_468 : i32
        }
        scf.yield %cond3A_474 : i32
      }
      %scan3A_57 = arith.constant 16 : i32
      scf.yield %scan3A_56 : i32
    }
    %scan3A_23 = arith.constant 160 : i32
    %dma_start3A = arith.constant 0 : i32
    %dma_start3A_24 = tpu.memref_slice %arg8[%dma_start3A] : memref<208xi32, #tpu.memory_space<vmem>> -> memref<128xi32, #tpu.memory_space<vmem>>
    %dma_start3A_25 = arith.constant 0 : i32
    %dma_start3A_26 = arith.constant 0 : i32
    %dma_start3A_27 = tpu.memref_slice %arg2[%dma_start3A_25, %dma_start3A_26] : memref<10240x256xf32, #tpu.memory_space<hbm>> -> memref<10240x256xf32, #tpu.memory_space<hbm>>
    tpu.enqueue_indirect_dma source(%dma_start3A_27 : memref<10240x256xf32, #tpu.memory_space<hbm>>) target(%arg10 : memref<128x256xf32, #tpu.memory_space<vmem>>) offsets(%dma_start3A_24 : memref<128xi32, #tpu.memory_space<vmem>>) semaphore(%arg12 : memref<!tpu.dma_semaphore, #tpu.memory_space<semaphore_mem>>)
    %dma_wait3A = arith.constant 0 : i32
    %dma_wait3A_28 = tpu.memref_slice %arg8[%dma_wait3A] : memref<208xi32, #tpu.memory_space<vmem>> -> memref<128xi32, #tpu.memory_space<vmem>>
    %dma_wait3A_29 = arith.constant 0 : i32
    %dma_wait3A_30 = arith.constant 0 : i32
    %dma_wait3A_31 = tpu.memref_slice %arg2[%dma_wait3A_29, %dma_wait3A_30] : memref<10240x256xf32, #tpu.memory_space<hbm>> -> memref<10240x256xf32, #tpu.memory_space<hbm>>
    tpu.wait_indirect_dma semaphore(%arg12 : memref<!tpu.dma_semaphore, #tpu.memory_space<semaphore_mem>>) src(%dma_wait3A_31 : memref<10240x256xf32, #tpu.memory_space<hbm>>) dst(%arg10 : memref<128x256xf32, #tpu.memory_space<vmem>>)
    %while3A = arith.constant 0 : i32
    %while3A_32 = arith.constant 0 : i32
    %while3A_33 = arith.subi %scan3A_22, %while3A : i32
    %while3A_34 = arith.addi %while3A, %while3A_33 : i32
    %while3A_35 = arith.constant 1 : i32
    %while3A_36 = arith.divsi %while3A_33, %while3A_35 : i32
    %while3A_37 = arith.muli %while3A_36, %while3A_35 : i32
    %while3A_38 = arith.addi %while3A, %while3A_37 : i32
    %while3A_39 = arith.constant 1 : i32
    %while3A_40 = scf.for %while3A_50 = %while3A to %while3A_38 step %while3A_39 iter_args(%while3A_51 = %while3A_32) -> (i32)  : i32 {
      %get3A = arith.index_cast %while3A_50 : i32 to index
      %get3A_52 = tpu.vector_load %arg9[%get3A] {strides = array<i32>} : memref<208xi32, #tpu.memory_space<vmem>>, vector<16xi32>,
      %get3A_53 = vector.shape_cast %get3A_52 : vector<16xi32> to vector<16xi32>
      %slice3A = vector.extract_strided_slice %get3A_53 {offsets = [0], sizes = [1], strides = [1]} : vector<16xi32> to vector<1xi32>
      %squeeze3A = vector.extract %slice3A[0] : i32 from vector<1xi32>
      %get3A_54 = arith.index_cast %squeeze3A : i32 to index
      %get3A_55 = arith.constant 0 : index
      %get3A_56 = tpu.vector_load %arg11[%get3A_54, %get3A_55] {strides = array<i32>} : memref<320x256xf32, #tpu.memory_space<vmem>>, vector<1x16xf32>,
      %get3A_57 = vector.shape_cast %get3A_56 : vector<1x16xf32> to vector<16xf32>
      %get3A_58 = arith.index_cast %while3A_50 : i32 to index
      %get3A_59 = arith.constant 0 : index
      %get3A_60 = tpu.vector_load %arg10[%get3A_58, %get3A_59] {strides = array<i32>} : memref<128x256xf32, #tpu.memory_space<vmem>>, vector<1x16xf32>,
      %get3A_61 = vector.shape_cast %get3A_60 : vector<1x16xf32> to vector<16xf32>
      %add3A_62 = arith.addf %get3A_57, %get3A_61 : vector<16xf32>
      %swap3A = arith.index_cast %squeeze3A : i32 to index
      %swap3A_63 = arith.constant 0 : index
      %swap3A_64 = tpu.vector_load %arg11[%swap3A, %swap3A_63] {strides = array<i32>} : memref<320x256xf32, #tpu.memory_space<vmem>>, vector<1x16xf32>,
      %swap3A_65 = vector.shape_cast %swap3A_64 : vector<1x16xf32> to vector<16xf32>
      %swap3A_66 = vector.shape_cast %add3A_62 : vector<16xf32> to vector<1x16xf32>
      tpu.vector_store %arg11[%swap3A, %swap3A_63], %swap3A_66 {strides = array<i32>} : memref<320x256xf32, #tpu.memory_space<vmem>>, vector<1x16xf32>,
      %get3A_67 = arith.index_cast %squeeze3A : i32 to index
      %get3A_68 = arith.constant 16 : index
      %get3A_69 = tpu.vector_load %arg11[%get3A_67, %get3A_68] {strides = array<i32>} : memref<320x256xf32, #tpu.memory_space<vmem>>, vector<1x16xf32>,
      %get3A_70 = vector.shape_cast %get3A_69 : vector<1x16xf32> to vector<16xf32>
      %get3A_71 = arith.index_cast %while3A_50 : i32 to index
      %get3A_72 = arith.constant 16 : index
      %get3A_73 = tpu.vector_load %arg10[%get3A_71, %get3A_72] {strides = array<i32>} : memref<128x256xf32, #tpu.memory_space<vmem>>, vector<1x16xf32>,
      %get3A_74 = vector.shape_cast %get3A_73 : vector<1x16xf32> to vector<16xf32>
      %add3A_75 = arith.addf %get3A_70, %get3A_74 : vector<16xf32>
      %swap3A_76 = arith.index_cast %squeeze3A : i32 to index
      %swap3A_77 = arith.constant 16 : index
      %swap3A_78 = tpu.vector_load %arg11[%swap3A_76, %swap3A_77] {strides = array<i32>} : memref<320x256xf32, #tpu.memory_space<vmem>>, vector<1x16xf32>,
      %swap3A_79 = vector.shape_cast %swap3A_78 : vector<1x16xf32> to vector<16xf32>
      %swap3A_80 = vector.shape_cast %add3A_75 : vector<16xf32> to vector<1x16xf32>
      tpu.vector_store %arg11[%swap3A_76, %swap3A_77], %swap3A_80 {strides = array<i32>} : memref<320x256xf32, #tpu.memory_space<vmem>>, vector<1x16xf32>,
      %get3A_81 = arith.index_cast %squeeze3A : i32 to index
      %get3A_82 = arith.constant 32 : index
      %get3A_83 = tpu.vector_load %arg11[%get3A_81, %get3A_82] {strides = array<i32>} : memref<320x256xf32, #tpu.memory_space<vmem>>, vector<1x16xf32>,
      %get3A_84 = vector.shape_cast %get3A_83 : vector<1x16xf32> to vector<16xf32>
      %get3A_85 = arith.index_cast %while3A_50 : i32 to index
      %get3A_86 = arith.constant 32 : index
      %get3A_87 = tpu.vector_load %arg10[%get3A_85, %get3A_86] {strides = array<i32>} : memref<128x256xf32, #tpu.memory_space<vmem>>, vector<1x16xf32>,
      %get3A_88 = vector.shape_cast %get3A_87 : vector<1x16xf32> to vector<16xf32>
      %add3A_89 = arith.addf %get3A_84, %get3A_88 : vector<16xf32>
      %swap3A_90 = arith.index_cast %squeeze3A : i32 to index
      %swap3A_91 = arith.constant 32 : index
      %swap3A_92 = tpu.vector_load %arg11[%swap3A_90, %swap3A_91] {strides = array<i32>} : memref<320x256xf32, #tpu.memory_space<vmem>>, vector<1x16xf32>,
      %swap3A_93 = vector.shape_cast %swap3A_92 : vector<1x16xf32> to vector<16xf32>
      %swap3A_94 = vector.shape_cast %add3A_89 : vector<16xf32> to vector<1x16xf32>
      tpu.vector_store %arg11[%swap3A_90, %swap3A_91], %swap3A_94 {strides = array<i32>} : memref<320x256xf32, #tpu.memory_space<vmem>>, vector<1x16xf32>,
      %get3A_95 = arith.index_cast %squeeze3A : i32 to index
      %get3A_96 = arith.constant 48 : index
      %get3A_97 = tpu.vector_load %arg11[%get3A_95, %get3A_96] {strides = array<i32>} : memref<320x256xf32, #tpu.memory_space<vmem>>, vector<1x16xf32>,
      %get3A_98 = vector.shape_cast %get3A_97 : vector<1x16xf32> to vector<16xf32>
      %get3A_99 = arith.index_cast %while3A_50 : i32 to index
      %get3A_100 = arith.constant 48 : index
      %get3A_101 = tpu.vector_load %arg10[%get3A_99, %get3A_100] {strides = array<i32>} : memref<128x256xf32, #tpu.memory_space<vmem>>, vector<1x16xf32>,
      %get3A_102 = vector.shape_cast %get3A_101 : vector<1x16xf32> to vector<16xf32>
      %add3A_103 = arith.addf %get3A_98, %get3A_102 : vector<16xf32>
      %swap3A_104 = arith.index_cast %squeeze3A : i32 to index
      %swap3A_105 = arith.constant 48 : index
      %swap3A_106 = tpu.vector_load %arg11[%swap3A_104, %swap3A_105] {strides = array<i32>} : memref<320x256xf32, #tpu.memory_space<vmem>>, vector<1x16xf32>,
      %swap3A_107 = vector.shape_cast %swap3A_106 : vector<1x16xf32> to vector<16xf32>
      %swap3A_108 = vector.shape_cast %add3A_103 : vector<16xf32> to vector<1x16xf32>
      tpu.vector_store %arg11[%swap3A_104, %swap3A_105], %swap3A_108 {strides = array<i32>} : memref<320x256xf32, #tpu.memory_space<vmem>>, vector<1x16xf32>,
      %get3A_109 = arith.index_cast %squeeze3A : i32 to index
      %get3A_110 = arith.constant 64 : index
      %get3A_111 = tpu.vector_load %arg11[%get3A_109, %get3A_110] {strides = array<i32>} : memref<320x256xf32, #tpu.memory_space<vmem>>, vector<1x16xf32>,
      %get3A_112 = vector.shape_cast %get3A_111 : vector<1x16xf32> to vector<16xf32>
      %get3A_113 = arith.index_cast %while3A_50 : i32 to index
      %get3A_114 = arith.constant 64 : index
      %get3A_115 = tpu.vector_load %arg10[%get3A_113, %get3A_114] {strides = array<i32>} : memref<128x256xf32, #tpu.memory_space<vmem>>, vector<1x16xf32>,
      %get3A_116 = vector.shape_cast %get3A_115 : vector<1x16xf32> to vector<16xf32>
      %add3A_117 = arith.addf %get3A_112, %get3A_116 : vector<16xf32>
      %swap3A_118 = arith.index_cast %squeeze3A : i32 to index
      %swap3A_119 = arith.constant 64 : index
      %swap3A_120 = tpu.vector_load %arg11[%swap3A_118, %swap3A_119] {strides = array<i32>} : memref<320x256xf32, #tpu.memory_space<vmem>>, vector<1x16xf32>,
      %swap3A_121 = vector.shape_cast %swap3A_120 : vector<1x16xf32> to vector<16xf32>
      %swap3A_122 = vector.shape_cast %add3A_117 : vector<16xf32> to vector<1x16xf32>
      tpu.vector_store %arg11[%swap3A_118, %swap3A_119], %swap3A_122 {strides = array<i32>} : memref<320x256xf32, #tpu.memory_space<vmem>>, vector<1x16xf32>,
      %get3A_123 = arith.index_cast %squeeze3A : i32 to index
      %get3A_124 = arith.constant 80 : index
      %get3A_125 = tpu.vector_load %arg11[%get3A_123, %get3A_124] {strides = array<i32>} : memref<320x256xf32, #tpu.memory_space<vmem>>, vector<1x16xf32>,
      %get3A_126 = vector.shape_cast %get3A_125 : vector<1x16xf32> to vector<16xf32>
      %get3A_127 = arith.index_cast %while3A_50 : i32 to index
      %get3A_128 = arith.constant 80 : index
      %get3A_129 = tpu.vector_load %arg10[%get3A_127, %get3A_128] {strides = array<i32>} : memref<128x256xf32, #tpu.memory_space<vmem>>, vector<1x16xf32>,
      %get3A_130 = vector.shape_cast %get3A_129 : vector<1x16xf32> to vector<16xf32>
      %add3A_131 = arith.addf %get3A_126, %get3A_130 : vector<16xf32>
      %swap3A_132 = arith.index_cast %squeeze3A : i32 to index
      %swap3A_133 = arith.constant 80 : index
      %swap3A_134 = tpu.vector_load %arg11[%swap3A_132, %swap3A_133] {strides = array<i32>} : memref<320x256xf32, #tpu.memory_space<vmem>>, vector<1x16xf32>,
      %swap3A_135 = vector.shape_cast %swap3A_134 : vector<1x16xf32> to vector<16xf32>
      %swap3A_136 = vector.shape_cast %add3A_131 : vector<16xf32> to vector<1x16xf32>
      tpu.vector_store %arg11[%swap3A_132, %swap3A_133], %swap3A_136 {strides = array<i32>} : memref<320x256xf32, #tpu.memory_space<vmem>>, vector<1x16xf32>,
      %get3A_137 = arith.index_cast %squeeze3A : i32 to index
      %get3A_138 = arith.constant 96 : index
      %get3A_139 = tpu.vector_load %arg11[%get3A_137, %get3A_138] {strides = array<i32>} : memref<320x256xf32, #tpu.memory_space<vmem>>, vector<1x16xf32>,
      %get3A_140 = vector.shape_cast %get3A_139 : vector<1x16xf32> to vector<16xf32>
      %get3A_141 = arith.index_cast %while3A_50 : i32 to index
      %get3A_142 = arith.constant 96 : index
      %get3A_143 = tpu.vector_load %arg10[%get3A_141, %get3A_142] {strides = array<i32>} : memref<128x256xf32, #tpu.memory_space<vmem>>, vector<1x16xf32>,
      %get3A_144 = vector.shape_cast %get3A_143 : vector<1x16xf32> to vector<16xf32>
      %add3A_145 = arith.addf %get3A_140, %get3A_144 : vector<16xf32>
      %swap3A_146 = arith.index_cast %squeeze3A : i32 to index
      %swap3A_147 = arith.constant 96 : index
      %swap3A_148 = tpu.vector_load %arg11[%swap3A_146, %swap3A_147] {strides = array<i32>} : memref<320x256xf32, #tpu.memory_space<vmem>>, vector<1x16xf32>,
      %swap3A_149 = vector.shape_cast %swap3A_148 : vector<1x16xf32> to vector<16xf32>
      %swap3A_150 = vector.shape_cast %add3A_145 : vector<16xf32> to vector<1x16xf32>
      tpu.vector_store %arg11[%swap3A_146, %swap3A_147], %swap3A_150 {strides = array<i32>} : memref<320x256xf32, #tpu.memory_space<vmem>>, vector<1x16xf32>,
      %get3A_151 = arith.index_cast %squeeze3A : i32 to index
      %get3A_152 = arith.constant 112 : index
      %get3A_153 = tpu.vector_load %arg11[%get3A_151, %get3A_152] {strides = array<i32>} : memref<320x256xf32, #tpu.memory_space<vmem>>, vector<1x16xf32>,
      %get3A_154 = vector.shape_cast %get3A_153 : vector<1x16xf32> to vector<16xf32>
      %get3A_155 = arith.index_cast %while3A_50 : i32 to index
      %get3A_156 = arith.constant 112 : index
      %get3A_157 = tpu.vector_load %arg10[%get3A_155, %get3A_156] {strides = array<i32>} : memref<128x256xf32, #tpu.memory_space<vmem>>, vector<1x16xf32>,
      %get3A_158 = vector.shape_cast %get3A_157 : vector<1x16xf32> to vector<16xf32>
      %add3A_159 = arith.addf %get3A_154, %get3A_158 : vector<16xf32>
      %swap3A_160 = arith.index_cast %squeeze3A : i32 to index
      %swap3A_161 = arith.constant 112 : index
      %swap3A_162 = tpu.vector_load %arg11[%swap3A_160, %swap3A_161] {strides = array<i32>} : memref<320x256xf32, #tpu.memory_space<vmem>>, vector<1x16xf32>,
      %swap3A_163 = vector.shape_cast %swap3A_162 : vector<1x16xf32> to vector<16xf32>
      %swap3A_164 = vector.shape_cast %add3A_159 : vector<16xf32> to vector<1x16xf32>
      tpu.vector_store %arg11[%swap3A_160, %swap3A_161], %swap3A_164 {strides = array<i32>} : memref<320x256xf32, #tpu.memory_space<vmem>>, vector<1x16xf32>,
      %get3A_165 = arith.index_cast %squeeze3A : i32 to index
      %get3A_166 = arith.constant 128 : index
      %get3A_167 = tpu.vector_load %arg11[%get3A_165, %get3A_166] {strides = array<i32>} : memref<320x256xf32, #tpu.memory_space<vmem>>, vector<1x16xf32>,
      %get3A_168 = vector.shape_cast %get3A_167 : vector<1x16xf32> to vector<16xf32>
      %get3A_169 = arith.index_cast %while3A_50 : i32 to index
      %get3A_170 = arith.constant 128 : index
      %get3A_171 = tpu.vector_load %arg10[%get3A_169, %get3A_170] {strides = array<i32>} : memref<128x256xf32, #tpu.memory_space<vmem>>, vector<1x16xf32>,
      %get3A_172 = vector.shape_cast %get3A_171 : vector<1x16xf32> to vector<16xf32>
      %add3A_173 = arith.addf %get3A_168, %get3A_172 : vector<16xf32>
      %swap3A_174 = arith.index_cast %squeeze3A : i32 to index
      %swap3A_175 = arith.constant 128 : index
      %swap3A_176 = tpu.vector_load %arg11[%swap3A_174, %swap3A_175] {strides = array<i32>} : memref<320x256xf32, #tpu.memory_space<vmem>>, vector<1x16xf32>,
      %swap3A_177 = vector.shape_cast %swap3A_176 : vector<1x16xf32> to vector<16xf32>
      %swap3A_178 = vector.shape_cast %add3A_173 : vector<16xf32> to vector<1x16xf32>
      tpu.vector_store %arg11[%swap3A_174, %swap3A_175], %swap3A_178 {strides = array<i32>} : memref<320x256xf32, #tpu.memory_space<vmem>>, vector<1x16xf32>,
      %get3A_179 = arith.index_cast %squeeze3A : i32 to index
      %get3A_180 = arith.constant 144 : index
      %get3A_181 = tpu.vector_load %arg11[%get3A_179, %get3A_180] {strides = array<i32>} : memref<320x256xf32, #tpu.memory_space<vmem>>, vector<1x16xf32>,
      %get3A_182 = vector.shape_cast %get3A_181 : vector<1x16xf32> to vector<16xf32>
      %get3A_183 = arith.index_cast %while3A_50 : i32 to index
      %get3A_184 = arith.constant 144 : index
      %get3A_185 = tpu.vector_load %arg10[%get3A_183, %get3A_184] {strides = array<i32>} : memref<128x256xf32, #tpu.memory_space<vmem>>, vector<1x16xf32>,
      %get3A_186 = vector.shape_cast %get3A_185 : vector<1x16xf32> to vector<16xf32>
      %add3A_187 = arith.addf %get3A_182, %get3A_186 : vector<16xf32>
      %swap3A_188 = arith.index_cast %squeeze3A : i32 to index
      %swap3A_189 = arith.constant 144 : index
      %swap3A_190 = tpu.vector_load %arg11[%swap3A_188, %swap3A_189] {strides = array<i32>} : memref<320x256xf32, #tpu.memory_space<vmem>>, vector<1x16xf32>,
      %swap3A_191 = vector.shape_cast %swap3A_190 : vector<1x16xf32> to vector<16xf32>
      %swap3A_192 = vector.shape_cast %add3A_187 : vector<16xf32> to vector<1x16xf32>
      tpu.vector_store %arg11[%swap3A_188, %swap3A_189], %swap3A_192 {strides = array<i32>} : memref<320x256xf32, #tpu.memory_space<vmem>>, vector<1x16xf32>,
      %get3A_193 = arith.index_cast %squeeze3A : i32 to index
      %get3A_194 = arith.constant 160 : index
      %get3A_195 = tpu.vector_load %arg11[%get3A_193, %get3A_194] {strides = array<i32>} : memref<320x256xf32, #tpu.memory_space<vmem>>, vector<1x16xf32>,
      %get3A_196 = vector.shape_cast %get3A_195 : vector<1x16xf32> to vector<16xf32>
      %get3A_197 = arith.index_cast %while3A_50 : i32 to index
      %get3A_198 = arith.constant 160 : index
      %get3A_199 = tpu.vector_load %arg10[%get3A_197, %get3A_198] {strides = array<i32>} : memref<128x256xf32, #tpu.memory_space<vmem>>, vector<1x16xf32>,
      %get3A_200 = vector.shape_cast %get3A_199 : vector<1x16xf32> to vector<16xf32>
      %add3A_201 = arith.addf %get3A_196, %get3A_200 : vector<16xf32>
      %swap3A_202 = arith.index_cast %squeeze3A : i32 to index
      %swap3A_203 = arith.constant 160 : index
      %swap3A_204 = tpu.vector_load %arg11[%swap3A_202, %swap3A_203] {strides = array<i32>} : memref<320x256xf32, #tpu.memory_space<vmem>>, vector<1x16xf32>,
      %swap3A_205 = vector.shape_cast %swap3A_204 : vector<1x16xf32> to vector<16xf32>
      %swap3A_206 = vector.shape_cast %add3A_201 : vector<16xf32> to vector<1x16xf32>
      tpu.vector_store %arg11[%swap3A_202, %swap3A_203], %swap3A_206 {strides = array<i32>} : memref<320x256xf32, #tpu.memory_space<vmem>>, vector<1x16xf32>,
      %get3A_207 = arith.index_cast %squeeze3A : i32 to index
      %get3A_208 = arith.constant 176 : index
      %get3A_209 = tpu.vector_load %arg11[%get3A_207, %get3A_208] {strides = array<i32>} : memref<320x256xf32, #tpu.memory_space<vmem>>, vector<1x16xf32>,
      %get3A_210 = vector.shape_cast %get3A_209 : vector<1x16xf32> to vector<16xf32>
      %get3A_211 = arith.index_cast %while3A_50 : i32 to index
      %get3A_212 = arith.constant 176 : index
      %get3A_213 = tpu.vector_load %arg10[%get3A_211, %get3A_212] {strides = array<i32>} : memref<128x256xf32, #tpu.memory_space<vmem>>, vector<1x16xf32>,
      %get3A_214 = vector.shape_cast %get3A_213 : vector<1x16xf32> to vector<16xf32>
      %add3A_215 = arith.addf %get3A_210, %get3A_214 : vector<16xf32>
      %swap3A_216 = arith.index_cast %squeeze3A : i32 to index
      %swap3A_217 = arith.constant 176 : index
      %swap3A_218 = tpu.vector_load %arg11[%swap3A_216, %swap3A_217] {strides = array<i32>} : memref<320x256xf32, #tpu.memory_space<vmem>>, vector<1x16xf32>,
      %swap3A_219 = vector.shape_cast %swap3A_218 : vector<1x16xf32> to vector<16xf32>
      %swap3A_220 = vector.shape_cast %add3A_215 : vector<16xf32> to vector<1x16xf32>
      tpu.vector_store %arg11[%swap3A_216, %swap3A_217], %swap3A_220 {strides = array<i32>} : memref<320x256xf32, #tpu.memory_space<vmem>>, vector<1x16xf32>,
      %get3A_221 = arith.index_cast %squeeze3A : i32 to index
      %get3A_222 = arith.constant 192 : index
      %get3A_223 = tpu.vector_load %arg11[%get3A_221, %get3A_222] {strides = array<i32>} : memref<320x256xf32, #tpu.memory_space<vmem>>, vector<1x16xf32>,
      %get3A_224 = vector.shape_cast %get3A_223 : vector<1x16xf32> to vector<16xf32>
      %get3A_225 = arith.index_cast %while3A_50 : i32 to index
      %get3A_226 = arith.constant 192 : index
      %get3A_227 = tpu.vector_load %arg10[%get3A_225, %get3A_226] {strides = array<i32>} : memref<128x256xf32, #tpu.memory_space<vmem>>, vector<1x16xf32>,
      %get3A_228 = vector.shape_cast %get3A_227 : vector<1x16xf32> to vector<16xf32>
      %add3A_229 = arith.addf %get3A_224, %get3A_228 : vector<16xf32>
      %swap3A_230 = arith.index_cast %squeeze3A : i32 to index
      %swap3A_231 = arith.constant 192 : index
      %swap3A_232 = tpu.vector_load %arg11[%swap3A_230, %swap3A_231] {strides = array<i32>} : memref<320x256xf32, #tpu.memory_space<vmem>>, vector<1x16xf32>,
      %swap3A_233 = vector.shape_cast %swap3A_232 : vector<1x16xf32> to vector<16xf32>
      %swap3A_234 = vector.shape_cast %add3A_229 : vector<16xf32> to vector<1x16xf32>
      tpu.vector_store %arg11[%swap3A_230, %swap3A_231], %swap3A_234 {strides = array<i32>} : memref<320x256xf32, #tpu.memory_space<vmem>>, vector<1x16xf32>,
      %get3A_235 = arith.index_cast %squeeze3A : i32 to index
      %get3A_236 = arith.constant 208 : index
      %get3A_237 = tpu.vector_load %arg11[%get3A_235, %get3A_236] {strides = array<i32>} : memref<320x256xf32, #tpu.memory_space<vmem>>, vector<1x16xf32>,
      %get3A_238 = vector.shape_cast %get3A_237 : vector<1x16xf32> to vector<16xf32>
      %get3A_239 = arith.index_cast %while3A_50 : i32 to index
      %get3A_240 = arith.constant 208 : index
      %get3A_241 = tpu.vector_load %arg10[%get3A_239, %get3A_240] {strides = array<i32>} : memref<128x256xf32, #tpu.memory_space<vmem>>, vector<1x16xf32>,
      %get3A_242 = vector.shape_cast %get3A_241 : vector<1x16xf32> to vector<16xf32>
      %add3A_243 = arith.addf %get3A_238, %get3A_242 : vector<16xf32>
      %swap3A_244 = arith.index_cast %squeeze3A : i32 to index
      %swap3A_245 = arith.constant 208 : index
      %swap3A_246 = tpu.vector_load %arg11[%swap3A_244, %swap3A_245] {strides = array<i32>} : memref<320x256xf32, #tpu.memory_space<vmem>>, vector<1x16xf32>,
      %swap3A_247 = vector.shape_cast %swap3A_246 : vector<1x16xf32> to vector<16xf32>
      %swap3A_248 = vector.shape_cast %add3A_243 : vector<16xf32> to vector<1x16xf32>
      tpu.vector_store %arg11[%swap3A_244, %swap3A_245], %swap3A_248 {strides = array<i32>} : memref<320x256xf32, #tpu.memory_space<vmem>>, vector<1x16xf32>,
      %get3A_249 = arith.index_cast %squeeze3A : i32 to index
      %get3A_250 = arith.constant 224 : index
      %get3A_251 = tpu.vector_load %arg11[%get3A_249, %get3A_250] {strides = array<i32>} : memref<320x256xf32, #tpu.memory_space<vmem>>, vector<1x16xf32>,
      %get3A_252 = vector.shape_cast %get3A_251 : vector<1x16xf32> to vector<16xf32>
      %get3A_253 = arith.index_cast %while3A_50 : i32 to index
      %get3A_254 = arith.constant 224 : index
      %get3A_255 = tpu.vector_load %arg10[%get3A_253, %get3A_254] {strides = array<i32>} : memref<128x256xf32, #tpu.memory_space<vmem>>, vector<1x16xf32>,
      %get3A_256 = vector.shape_cast %get3A_255 : vector<1x16xf32> to vector<16xf32>
      %add3A_257 = arith.addf %get3A_252, %get3A_256 : vector<16xf32>
      %swap3A_258 = arith.index_cast %squeeze3A : i32 to index
      %swap3A_259 = arith.constant 224 : index
      %swap3A_260 = tpu.vector_load %arg11[%swap3A_258, %swap3A_259] {strides = array<i32>} : memref<320x256xf32, #tpu.memory_space<vmem>>, vector<1x16xf32>,
      %swap3A_261 = vector.shape_cast %swap3A_260 : vector<1x16xf32> to vector<16xf32>
      %swap3A_262 = vector.shape_cast %add3A_257 : vector<16xf32> to vector<1x16xf32>
      tpu.vector_store %arg11[%swap3A_258, %swap3A_259], %swap3A_262 {strides = array<i32>} : memref<320x256xf32, #tpu.memory_space<vmem>>, vector<1x16xf32>,
      %get3A_263 = arith.index_cast %squeeze3A : i32 to index
      %get3A_264 = arith.constant 240 : index
      %get3A_265 = tpu.vector_load %arg11[%get3A_263, %get3A_264] {strides = array<i32>} : memref<320x256xf32, #tpu.memory_space<vmem>>, vector<1x16xf32>,
      %get3A_266 = vector.shape_cast %get3A_265 : vector<1x16xf32> to vector<16xf32>
      %get3A_267 = arith.index_cast %while3A_50 : i32 to index
      %get3A_268 = arith.constant 240 : index
      %get3A_269 = tpu.vector_load %arg10[%get3A_267, %get3A_268] {strides = array<i32>} : memref<128x256xf32, #tpu.memory_space<vmem>>, vector<1x16xf32>,
      %get3A_270 = vector.shape_cast %get3A_269 : vector<1x16xf32> to vector<16xf32>
      %add3A_271 = arith.addf %get3A_266, %get3A_270 : vector<16xf32>
      %swap3A_272 = arith.index_cast %squeeze3A : i32 to index
      %swap3A_273 = arith.constant 240 : index
      %swap3A_274 = tpu.vector_load %arg11[%swap3A_272, %swap3A_273] {strides = array<i32>} : memref<320x256xf32, #tpu.memory_space<vmem>>, vector<1x16xf32>,
      %swap3A_275 = vector.shape_cast %swap3A_274 : vector<1x16xf32> to vector<16xf32>
      %swap3A_276 = vector.shape_cast %add3A_271 : vector<16xf32> to vector<1x16xf32>
      tpu.vector_store %arg11[%swap3A_272, %swap3A_273], %swap3A_276 {strides = array<i32>} : memref<320x256xf32, #tpu.memory_space<vmem>>, vector<1x16xf32>,
      %while3A_277 = arith.constant 0 : i32
      scf.yield %while3A_277 : i32
    }
    %while3A_41 = arith.constant 1 : i32
    %while3A_42 = scf.for %while3A_50 = %while3A_38 to %while3A_34 step %while3A_41 iter_args(%while3A_51 = %while3A_40) -> (i32)  : i32 {
      %get3A = arith.index_cast %while3A_50 : i32 to index
      %get3A_52 = tpu.vector_load %arg9[%get3A] {strides = array<i32>} : memref<208xi32, #tpu.memory_space<vmem>>, vector<16xi32>,
      %get3A_53 = vector.shape_cast %get3A_52 : vector<16xi32> to vector<16xi32>
      %slice3A = vector.extract_strided_slice %get3A_53 {offsets = [0], sizes = [1], strides = [1]} : vector<16xi32> to vector<1xi32>
      %squeeze3A = vector.extract %slice3A[0] : i32 from vector<1xi32>
      %get3A_54 = arith.index_cast %squeeze3A : i32 to index
      %get3A_55 = arith.constant 0 : index
      %get3A_56 = tpu.vector_load %arg11[%get3A_54, %get3A_55] {strides = array<i32>} : memref<320x256xf32, #tpu.memory_space<vmem>>, vector<1x16xf32>,
      %get3A_57 = vector.shape_cast %get3A_56 : vector<1x16xf32> to vector<16xf32>
      %get3A_58 = arith.index_cast %while3A_50 : i32 to index
      %get3A_59 = arith.constant 0 : index
      %get3A_60 = tpu.vector_load %arg10[%get3A_58, %get3A_59] {strides = array<i32>} : memref<128x256xf32, #tpu.memory_space<vmem>>, vector<1x16xf32>,
      %get3A_61 = vector.shape_cast %get3A_60 : vector<1x16xf32> to vector<16xf32>
      %add3A_62 = arith.addf %get3A_57, %get3A_61 : vector<16xf32>
      %swap3A = arith.index_cast %squeeze3A : i32 to index
      %swap3A_63 = arith.constant 0 : index
      %swap3A_64 = tpu.vector_load %arg11[%swap3A, %swap3A_63] {strides = array<i32>} : memref<320x256xf32, #tpu.memory_space<vmem>>, vector<1x16xf32>,
      %swap3A_65 = vector.shape_cast %swap3A_64 : vector<1x16xf32> to vector<16xf32>
      %swap3A_66 = vector.shape_cast %add3A_62 : vector<16xf32> to vector<1x16xf32>
      tpu.vector_store %arg11[%swap3A, %swap3A_63], %swap3A_66 {strides = array<i32>} : memref<320x256xf32, #tpu.memory_space<vmem>>, vector<1x16xf32>,
      %get3A_67 = arith.index_cast %squeeze3A : i32 to index
      %get3A_68 = arith.constant 16 : index
      %get3A_69 = tpu.vector_load %arg11[%get3A_67, %get3A_68] {strides = array<i32>} : memref<320x256xf32, #tpu.memory_space<vmem>>, vector<1x16xf32>,
      %get3A_70 = vector.shape_cast %get3A_69 : vector<1x16xf32> to vector<16xf32>
      %get3A_71 = arith.index_cast %while3A_50 : i32 to index
      %get3A_72 = arith.constant 16 : index
      %get3A_73 = tpu.vector_load %arg10[%get3A_71, %get3A_72] {strides = array<i32>} : memref<128x256xf32, #tpu.memory_space<vmem>>, vector<1x16xf32>,
      %get3A_74 = vector.shape_cast %get3A_73 : vector<1x16xf32> to vector<16xf32>
      %add3A_75 = arith.addf %get3A_70, %get3A_74 : vector<16xf32>
      %swap3A_76 = arith.index_cast %squeeze3A : i32 to index
      %swap3A_77 = arith.constant 16 : index
      %swap3A_78 = tpu.vector_load %arg11[%swap3A_76, %swap3A_77] {strides = array<i32>} : memref<320x256xf32, #tpu.memory_space<vmem>>, vector<1x16xf32>,
      %swap3A_79 = vector.shape_cast %swap3A_78 : vector<1x16xf32> to vector<16xf32>
      %swap3A_80 = vector.shape_cast %add3A_75 : vector<16xf32> to vector<1x16xf32>
      tpu.vector_store %arg11[%swap3A_76, %swap3A_77], %swap3A_80 {strides = array<i32>} : memref<320x256xf32, #tpu.memory_space<vmem>>, vector<1x16xf32>,
      %get3A_81 = arith.index_cast %squeeze3A : i32 to index
      %get3A_82 = arith.constant 32 : index
      %get3A_83 = tpu.vector_load %arg11[%get3A_81, %get3A_82] {strides = array<i32>} : memref<320x256xf32, #tpu.memory_space<vmem>>, vector<1x16xf32>,
      %get3A_84 = vector.shape_cast %get3A_83 : vector<1x16xf32> to vector<16xf32>
      %get3A_85 = arith.index_cast %while3A_50 : i32 to index
      %get3A_86 = arith.constant 32 : index
      %get3A_87 = tpu.vector_load %arg10[%get3A_85, %get3A_86] {strides = array<i32>} : memref<128x256xf32, #tpu.memory_space<vmem>>, vector<1x16xf32>,
      %get3A_88 = vector.shape_cast %get3A_87 : vector<1x16xf32> to vector<16xf32>
      %add3A_89 = arith.addf %get3A_84, %get3A_88 : vector<16xf32>
      %swap3A_90 = arith.index_cast %squeeze3A : i32 to index
      %swap3A_91 = arith.constant 32 : index
      %swap3A_92 = tpu.vector_load %arg11[%swap3A_90, %swap3A_91] {strides = array<i32>} : memref<320x256xf32, #tpu.memory_space<vmem>>, vector<1x16xf32>,
      %swap3A_93 = vector.shape_cast %swap3A_92 : vector<1x16xf32> to vector<16xf32>
      %swap3A_94 = vector.shape_cast %add3A_89 : vector<16xf32> to vector<1x16xf32>
      tpu.vector_store %arg11[%swap3A_90, %swap3A_91], %swap3A_94 {strides = array<i32>} : memref<320x256xf32, #tpu.memory_space<vmem>>, vector<1x16xf32>,
      %get3A_95 = arith.index_cast %squeeze3A : i32 to index
      %get3A_96 = arith.constant 48 : index
      %get3A_97 = tpu.vector_load %arg11[%get3A_95, %get3A_96] {strides = array<i32>} : memref<320x256xf32, #tpu.memory_space<vmem>>, vector<1x16xf32>,
      %get3A_98 = vector.shape_cast %get3A_97 : vector<1x16xf32> to vector<16xf32>
      %get3A_99 = arith.index_cast %while3A_50 : i32 to index
      %get3A_100 = arith.constant 48 : index
      %get3A_101 = tpu.vector_load %arg10[%get3A_99, %get3A_100] {strides = array<i32>} : memref<128x256xf32, #tpu.memory_space<vmem>>, vector<1x16xf32>,
      %get3A_102 = vector.shape_cast %get3A_101 : vector<1x16xf32> to vector<16xf32>
      %add3A_103 = arith.addf %get3A_98, %get3A_102 : vector<16xf32>
      %swap3A_104 = arith.index_cast %squeeze3A : i32 to index
      %swap3A_105 = arith.constant 48 : index
      %swap3A_106 = tpu.vector_load %arg11[%swap3A_104, %swap3A_105] {strides = array<i32>} : memref<320x256xf32, #tpu.memory_space<vmem>>, vector<1x16xf32>,
      %swap3A_107 = vector.shape_cast %swap3A_106 : vector<1x16xf32> to vector<16xf32>
      %swap3A_108 = vector.shape_cast %add3A_103 : vector<16xf32> to vector<1x16xf32>
      tpu.vector_store %arg11[%swap3A_104, %swap3A_105], %swap3A_108 {strides = array<i32>} : memref<320x256xf32, #tpu.memory_space<vmem>>, vector<1x16xf32>,
      %get3A_109 = arith.index_cast %squeeze3A : i32 to index
      %get3A_110 = arith.constant 64 : index
      %get3A_111 = tpu.vector_load %arg11[%get3A_109, %get3A_110] {strides = array<i32>} : memref<320x256xf32, #tpu.memory_space<vmem>>, vector<1x16xf32>,
      %get3A_112 = vector.shape_cast %get3A_111 : vector<1x16xf32> to vector<16xf32>
      %get3A_113 = arith.index_cast %while3A_50 : i32 to index
      %get3A_114 = arith.constant 64 : index
      %get3A_115 = tpu.vector_load %arg10[%get3A_113, %get3A_114] {strides = array<i32>} : memref<128x256xf32, #tpu.memory_space<vmem>>, vector<1x16xf32>,
      %get3A_116 = vector.shape_cast %get3A_115 : vector<1x16xf32> to vector<16xf32>
      %add3A_117 = arith.addf %get3A_112, %get3A_116 : vector<16xf32>
      %swap3A_118 = arith.index_cast %squeeze3A : i32 to index
      %swap3A_119 = arith.constant 64 : index
      %swap3A_120 = tpu.vector_load %arg11[%swap3A_118, %swap3A_119] {strides = array<i32>} : memref<320x256xf32, #tpu.memory_space<vmem>>, vector<1x16xf32>,
      %swap3A_121 = vector.shape_cast %swap3A_120 : vector<1x16xf32> to vector<16xf32>
      %swap3A_122 = vector.shape_cast %add3A_117 : vector<16xf32> to vector<1x16xf32>
      tpu.vector_store %arg11[%swap3A_118, %swap3A_119], %swap3A_122 {strides = array<i32>} : memref<320x256xf32, #tpu.memory_space<vmem>>, vector<1x16xf32>,
      %get3A_123 = arith.index_cast %squeeze3A : i32 to index
      %get3A_124 = arith.constant 80 : index
      %get3A_125 = tpu.vector_load %arg11[%get3A_123, %get3A_124] {strides = array<i32>} : memref<320x256xf32, #tpu.memory_space<vmem>>, vector<1x16xf32>,
      %get3A_126 = vector.shape_cast %get3A_125 : vector<1x16xf32> to vector<16xf32>
      %get3A_127 = arith.index_cast %while3A_50 : i32 to index
      %get3A_128 = arith.constant 80 : index
      %get3A_129 = tpu.vector_load %arg10[%get3A_127, %get3A_128] {strides = array<i32>} : memref<128x256xf32, #tpu.memory_space<vmem>>, vector<1x16xf32>,
      %get3A_130 = vector.shape_cast %get3A_129 : vector<1x16xf32> to vector<16xf32>
      %add3A_131 = arith.addf %get3A_126, %get3A_130 : vector<16xf32>
      %swap3A_132 = arith.index_cast %squeeze3A : i32 to index
      %swap3A_133 = arith.constant 80 : index
      %swap3A_134 = tpu.vector_load %arg11[%swap3A_132, %swap3A_133] {strides = array<i32>} : memref<320x256xf32, #tpu.memory_space<vmem>>, vector<1x16xf32>,
      %swap3A_135 = vector.shape_cast %swap3A_134 : vector<1x16xf32> to vector<16xf32>
      %swap3A_136 = vector.shape_cast %add3A_131 : vector<16xf32> to vector<1x16xf32>
      tpu.vector_store %arg11[%swap3A_132, %swap3A_133], %swap3A_136 {strides = array<i32>} : memref<320x256xf32, #tpu.memory_space<vmem>>, vector<1x16xf32>,
      %get3A_137 = arith.index_cast %squeeze3A : i32 to index
      %get3A_138 = arith.constant 96 : index
      %get3A_139 = tpu.vector_load %arg11[%get3A_137, %get3A_138] {strides = array<i32>} : memref<320x256xf32, #tpu.memory_space<vmem>>, vector<1x16xf32>,
      %get3A_140 = vector.shape_cast %get3A_139 : vector<1x16xf32> to vector<16xf32>
      %get3A_141 = arith.index_cast %while3A_50 : i32 to index
      %get3A_142 = arith.constant 96 : index
      %get3A_143 = tpu.vector_load %arg10[%get3A_141, %get3A_142] {strides = array<i32>} : memref<128x256xf32, #tpu.memory_space<vmem>>, vector<1x16xf32>,
      %get3A_144 = vector.shape_cast %get3A_143 : vector<1x16xf32> to vector<16xf32>
      %add3A_145 = arith.addf %get3A_140, %get3A_144 : vector<16xf32>
      %swap3A_146 = arith.index_cast %squeeze3A : i32 to index
      %swap3A_147 = arith.constant 96 : index
      %swap3A_148 = tpu.vector_load %arg11[%swap3A_146, %swap3A_147] {strides = array<i32>} : memref<320x256xf32, #tpu.memory_space<vmem>>, vector<1x16xf32>,
      %swap3A_149 = vector.shape_cast %swap3A_148 : vector<1x16xf32> to vector<16xf32>
      %swap3A_150 = vector.shape_cast %add3A_145 : vector<16xf32> to vector<1x16xf32>
      tpu.vector_store %arg11[%swap3A_146, %swap3A_147], %swap3A_150 {strides = array<i32>} : memref<320x256xf32, #tpu.memory_space<vmem>>, vector<1x16xf32>,
      %get3A_151 = arith.index_cast %squeeze3A : i32 to index
      %get3A_152 = arith.constant 112 : index
      %get3A_153 = tpu.vector_load %arg11[%get3A_151, %get3A_152] {strides = array<i32>} : memref<320x256xf32, #tpu.memory_space<vmem>>, vector<1x16xf32>,
      %get3A_154 = vector.shape_cast %get3A_153 : vector<1x16xf32> to vector<16xf32>
      %get3A_155 = arith.index_cast %while3A_50 : i32 to index
      %get3A_156 = arith.constant 112 : index
      %get3A_157 = tpu.vector_load %arg10[%get3A_155, %get3A_156] {strides = array<i32>} : memref<128x256xf32, #tpu.memory_space<vmem>>, vector<1x16xf32>,
      %get3A_158 = vector.shape_cast %get3A_157 : vector<1x16xf32> to vector<16xf32>
      %add3A_159 = arith.addf %get3A_154, %get3A_158 : vector<16xf32>
      %swap3A_160 = arith.index_cast %squeeze3A : i32 to index
      %swap3A_161 = arith.constant 112 : index
      %swap3A_162 = tpu.vector_load %arg11[%swap3A_160, %swap3A_161] {strides = array<i32>} : memref<320x256xf32, #tpu.memory_space<vmem>>, vector<1x16xf32>,
      %swap3A_163 = vector.shape_cast %swap3A_162 : vector<1x16xf32> to vector<16xf32>
      %swap3A_164 = vector.shape_cast %add3A_159 : vector<16xf32> to vector<1x16xf32>
      tpu.vector_store %arg11[%swap3A_160, %swap3A_161], %swap3A_164 {strides = array<i32>} : memref<320x256xf32, #tpu.memory_space<vmem>>, vector<1x16xf32>,
      %get3A_165 = arith.index_cast %squeeze3A : i32 to index
      %get3A_166 = arith.constant 128 : index
      %get3A_167 = tpu.vector_load %arg11[%get3A_165, %get3A_166] {strides = array<i32>} : memref<320x256xf32, #tpu.memory_space<vmem>>, vector<1x16xf32>,
      %get3A_168 = vector.shape_cast %get3A_167 : vector<1x16xf32> to vector<16xf32>
      %get3A_169 = arith.index_cast %while3A_50 : i32 to index
      %get3A_170 = arith.constant 128 : index
      %get3A_171 = tpu.vector_load %arg10[%get3A_169, %get3A_170] {strides = array<i32>} : memref<128x256xf32, #tpu.memory_space<vmem>>, vector<1x16xf32>,
      %get3A_172 = vector.shape_cast %get3A_171 : vector<1x16xf32> to vector<16xf32>
      %add3A_173 = arith.addf %get3A_168, %get3A_172 : vector<16xf32>
      %swap3A_174 = arith.index_cast %squeeze3A : i32 to index
      %swap3A_175 = arith.constant 128 : index
      %swap3A_176 = tpu.vector_load %arg11[%swap3A_174, %swap3A_175] {strides = array<i32>} : memref<320x256xf32, #tpu.memory_space<vmem>>, vector<1x16xf32>,
      %swap3A_177 = vector.shape_cast %swap3A_176 : vector<1x16xf32> to vector<16xf32>
      %swap3A_178 = vector.shape_cast %add3A_173 : vector<16xf32> to vector<1x16xf32>
      tpu.vector_store %arg11[%swap3A_174, %swap3A_175], %swap3A_178 {strides = array<i32>} : memref<320x256xf32, #tpu.memory_space<vmem>>, vector<1x16xf32>,
      %get3A_179 = arith.index_cast %squeeze3A : i32 to index
      %get3A_180 = arith.constant 144 : index
      %get3A_181 = tpu.vector_load %arg11[%get3A_179, %get3A_180] {strides = array<i32>} : memref<320x256xf32, #tpu.memory_space<vmem>>, vector<1x16xf32>,
      %get3A_182 = vector.shape_cast %get3A_181 : vector<1x16xf32> to vector<16xf32>
      %get3A_183 = arith.index_cast %while3A_50 : i32 to index
      %get3A_184 = arith.constant 144 : index
      %get3A_185 = tpu.vector_load %arg10[%get3A_183, %get3A_184] {strides = array<i32>} : memref<128x256xf32, #tpu.memory_space<vmem>>, vector<1x16xf32>,
      %get3A_186 = vector.shape_cast %get3A_185 : vector<1x16xf32> to vector<16xf32>
      %add3A_187 = arith.addf %get3A_182, %get3A_186 : vector<16xf32>
      %swap3A_188 = arith.index_cast %squeeze3A : i32 to index
      %swap3A_189 = arith.constant 144 : index
      %swap3A_190 = tpu.vector_load %arg11[%swap3A_188, %swap3A_189] {strides = array<i32>} : memref<320x256xf32, #tpu.memory_space<vmem>>, vector<1x16xf32>,
      %swap3A_191 = vector.shape_cast %swap3A_190 : vector<1x16xf32> to vector<16xf32>
      %swap3A_192 = vector.shape_cast %add3A_187 : vector<16xf32> to vector<1x16xf32>
      tpu.vector_store %arg11[%swap3A_188, %swap3A_189], %swap3A_192 {strides = array<i32>} : memref<320x256xf32, #tpu.memory_space<vmem>>, vector<1x16xf32>,
      %get3A_193 = arith.index_cast %squeeze3A : i32 to index
      %get3A_194 = arith.constant 160 : index
      %get3A_195 = tpu.vector_load %arg11[%get3A_193, %get3A_194] {strides = array<i32>} : memref<320x256xf32, #tpu.memory_space<vmem>>, vector<1x16xf32>,
      %get3A_196 = vector.shape_cast %get3A_195 : vector<1x16xf32> to vector<16xf32>
      %get3A_197 = arith.index_cast %while3A_50 : i32 to index
      %get3A_198 = arith.constant 160 : index
      %get3A_199 = tpu.vector_load %arg10[%get3A_197, %get3A_198] {strides = array<i32>} : memref<128x256xf32, #tpu.memory_space<vmem>>, vector<1x16xf32>,
      %get3A_200 = vector.shape_cast %get3A_199 : vector<1x16xf32> to vector<16xf32>
      %add3A_201 = arith.addf %get3A_196, %get3A_200 : vector<16xf32>
      %swap3A_202 = arith.index_cast %squeeze3A : i32 to index
      %swap3A_203 = arith.constant 160 : index
      %swap3A_204 = tpu.vector_load %arg11[%swap3A_202, %swap3A_203] {strides = array<i32>} : memref<320x256xf32, #tpu.memory_space<vmem>>, vector<1x16xf32>,
      %swap3A_205 = vector.shape_cast %swap3A_204 : vector<1x16xf32> to vector<16xf32>
      %swap3A_206 = vector.shape_cast %add3A_201 : vector<16xf32> to vector<1x16xf32>
      tpu.vector_store %arg11[%swap3A_202, %swap3A_203], %swap3A_206 {strides = array<i32>} : memref<320x256xf32, #tpu.memory_space<vmem>>, vector<1x16xf32>,
      %get3A_207 = arith.index_cast %squeeze3A : i32 to index
      %get3A_208 = arith.constant 176 : index
      %get3A_209 = tpu.vector_load %arg11[%get3A_207, %get3A_208] {strides = array<i32>} : memref<320x256xf32, #tpu.memory_space<vmem>>, vector<1x16xf32>,
      %get3A_210 = vector.shape_cast %get3A_209 : vector<1x16xf32> to vector<16xf32>
      %get3A_211 = arith.index_cast %while3A_50 : i32 to index
      %get3A_212 = arith.constant 176 : index
      %get3A_213 = tpu.vector_load %arg10[%get3A_211, %get3A_212] {strides = array<i32>} : memref<128x256xf32, #tpu.memory_space<vmem>>, vector<1x16xf32>,
      %get3A_214 = vector.shape_cast %get3A_213 : vector<1x16xf32> to vector<16xf32>
      %add3A_215 = arith.addf %get3A_210, %get3A_214 : vector<16xf32>
      %swap3A_216 = arith.index_cast %squeeze3A : i32 to index
      %swap3A_217 = arith.constant 176 : index
      %swap3A_218 = tpu.vector_load %arg11[%swap3A_216, %swap3A_217] {strides = array<i32>} : memref<320x256xf32, #tpu.memory_space<vmem>>, vector<1x16xf32>,
      %swap3A_219 = vector.shape_cast %swap3A_218 : vector<1x16xf32> to vector<16xf32>
      %swap3A_220 = vector.shape_cast %add3A_215 : vector<16xf32> to vector<1x16xf32>
      tpu.vector_store %arg11[%swap3A_216, %swap3A_217], %swap3A_220 {strides = array<i32>} : memref<320x256xf32, #tpu.memory_space<vmem>>, vector<1x16xf32>,
      %get3A_221 = arith.index_cast %squeeze3A : i32 to index
      %get3A_222 = arith.constant 192 : index
      %get3A_223 = tpu.vector_load %arg11[%get3A_221, %get3A_222] {strides = array<i32>} : memref<320x256xf32, #tpu.memory_space<vmem>>, vector<1x16xf32>,
      %get3A_224 = vector.shape_cast %get3A_223 : vector<1x16xf32> to vector<16xf32>
      %get3A_225 = arith.index_cast %while3A_50 : i32 to index
      %get3A_226 = arith.constant 192 : index
      %get3A_227 = tpu.vector_load %arg10[%get3A_225, %get3A_226] {strides = array<i32>} : memref<128x256xf32, #tpu.memory_space<vmem>>, vector<1x16xf32>,
      %get3A_228 = vector.shape_cast %get3A_227 : vector<1x16xf32> to vector<16xf32>
      %add3A_229 = arith.addf %get3A_224, %get3A_228 : vector<16xf32>
      %swap3A_230 = arith.index_cast %squeeze3A : i32 to index
      %swap3A_231 = arith.constant 192 : index
      %swap3A_232 = tpu.vector_load %arg11[%swap3A_230, %swap3A_231] {strides = array<i32>} : memref<320x256xf32, #tpu.memory_space<vmem>>, vector<1x16xf32>,
      %swap3A_233 = vector.shape_cast %swap3A_232 : vector<1x16xf32> to vector<16xf32>
      %swap3A_234 = vector.shape_cast %add3A_229 : vector<16xf32> to vector<1x16xf32>
      tpu.vector_store %arg11[%swap3A_230, %swap3A_231], %swap3A_234 {strides = array<i32>} : memref<320x256xf32, #tpu.memory_space<vmem>>, vector<1x16xf32>,
      %get3A_235 = arith.index_cast %squeeze3A : i32 to index
      %get3A_236 = arith.constant 208 : index
      %get3A_237 = tpu.vector_load %arg11[%get3A_235, %get3A_236] {strides = array<i32>} : memref<320x256xf32, #tpu.memory_space<vmem>>, vector<1x16xf32>,
      %get3A_238 = vector.shape_cast %get3A_237 : vector<1x16xf32> to vector<16xf32>
      %get3A_239 = arith.index_cast %while3A_50 : i32 to index
      %get3A_240 = arith.constant 208 : index
      %get3A_241 = tpu.vector_load %arg10[%get3A_239, %get3A_240] {strides = array<i32>} : memref<128x256xf32, #tpu.memory_space<vmem>>, vector<1x16xf32>,
      %get3A_242 = vector.shape_cast %get3A_241 : vector<1x16xf32> to vector<16xf32>
      %add3A_243 = arith.addf %get3A_238, %get3A_242 : vector<16xf32>
      %swap3A_244 = arith.index_cast %squeeze3A : i32 to index
      %swap3A_245 = arith.constant 208 : index
      %swap3A_246 = tpu.vector_load %arg11[%swap3A_244, %swap3A_245] {strides = array<i32>} : memref<320x256xf32, #tpu.memory_space<vmem>>, vector<1x16xf32>,
      %swap3A_247 = vector.shape_cast %swap3A_246 : vector<1x16xf32> to vector<16xf32>
      %swap3A_248 = vector.shape_cast %add3A_243 : vector<16xf32> to vector<1x16xf32>
      tpu.vector_store %arg11[%swap3A_244, %swap3A_245], %swap3A_248 {strides = array<i32>} : memref<320x256xf32, #tpu.memory_space<vmem>>, vector<1x16xf32>,
      %get3A_249 = arith.index_cast %squeeze3A : i32 to index
      %get3A_250 = arith.constant 224 : index
      %get3A_251 = tpu.vector_load %arg11[%get3A_249, %get3A_250] {strides = array<i32>} : memref<320x256xf32, #tpu.memory_space<vmem>>, vector<1x16xf32>,
      %get3A_252 = vector.shape_cast %get3A_251 : vector<1x16xf32> to vector<16xf32>
      %get3A_253 = arith.index_cast %while3A_50 : i32 to index
      %get3A_254 = arith.constant 224 : index
      %get3A_255 = tpu.vector_load %arg10[%get3A_253, %get3A_254] {strides = array<i32>} : memref<128x256xf32, #tpu.memory_space<vmem>>, vector<1x16xf32>,
      %get3A_256 = vector.shape_cast %get3A_255 : vector<1x16xf32> to vector<16xf32>
      %add3A_257 = arith.addf %get3A_252, %get3A_256 : vector<16xf32>
      %swap3A_258 = arith.index_cast %squeeze3A : i32 to index
      %swap3A_259 = arith.constant 224 : index
      %swap3A_260 = tpu.vector_load %arg11[%swap3A_258, %swap3A_259] {strides = array<i32>} : memref<320x256xf32, #tpu.memory_space<vmem>>, vector<1x16xf32>,
      %swap3A_261 = vector.shape_cast %swap3A_260 : vector<1x16xf32> to vector<16xf32>
      %swap3A_262 = vector.shape_cast %add3A_257 : vector<16xf32> to vector<1x16xf32>
      tpu.vector_store %arg11[%swap3A_258, %swap3A_259], %swap3A_262 {strides = array<i32>} : memref<320x256xf32, #tpu.memory_space<vmem>>, vector<1x16xf32>,
      %get3A_263 = arith.index_cast %squeeze3A : i32 to index
      %get3A_264 = arith.constant 240 : index
      %get3A_265 = tpu.vector_load %arg11[%get3A_263, %get3A_264] {strides = array<i32>} : memref<320x256xf32, #tpu.memory_space<vmem>>, vector<1x16xf32>,
      %get3A_266 = vector.shape_cast %get3A_265 : vector<1x16xf32> to vector<16xf32>
      %get3A_267 = arith.index_cast %while3A_50 : i32 to index
      %get3A_268 = arith.constant 240 : index
      %get3A_269 = tpu.vector_load %arg10[%get3A_267, %get3A_268] {strides = array<i32>} : memref<128x256xf32, #tpu.memory_space<vmem>>, vector<1x16xf32>,
      %get3A_270 = vector.shape_cast %get3A_269 : vector<1x16xf32> to vector<16xf32>
      %add3A_271 = arith.addf %get3A_266, %get3A_270 : vector<16xf32>
      %swap3A_272 = arith.index_cast %squeeze3A : i32 to index
      %swap3A_273 = arith.constant 240 : index
      %swap3A_274 = tpu.vector_load %arg11[%swap3A_272, %swap3A_273] {strides = array<i32>} : memref<320x256xf32, #tpu.memory_space<vmem>>, vector<1x16xf32>,
      %swap3A_275 = vector.shape_cast %swap3A_274 : vector<1x16xf32> to vector<16xf32>
      %swap3A_276 = vector.shape_cast %add3A_271 : vector<16xf32> to vector<1x16xf32>
      tpu.vector_store %arg11[%swap3A_272, %swap3A_273], %swap3A_276 {strides = array<i32>} : memref<320x256xf32, #tpu.memory_space<vmem>>, vector<1x16xf32>,
      %while3A_277 = arith.constant 0 : i32
      scf.yield %while3A_277 : i32
    }
    %scan3A_43 = arith.constant 0 : i32
    %scan3A_44 = arith.constant 0 : i32
    %scan3A_45 = arith.constant 10 : i32
    %scan3A_46 = arith.addi %scan3A_44, %scan3A_45 : i32
    %scan3A_47 = arith.constant 1 : i32
    %scan3A_48 = scf.for %scan3A_50 = %scan3A_44 to %scan3A_46 step %scan3A_47 iter_args(%scan3A_51 = %scan3A_43) -> (i32)  : i32 {
      %mul3A_52 = arith.constant 32 : i32
      %mul3A_53 = arith.muli %scan3A_50, %mul3A_52 : i32
      %mul3A_54 = arith.constant 32 : i32
      %mul3A_55 = arith.muli %scan3A_50, %mul3A_54 : i32
      %add3A_56 = arith.addi %mul3A_2, %mul3A_55 : i32
      "tpu.region"() ({
        %run_scoped3A = tpu.sem_alloc : memref<!tpu.dma_semaphore, #tpu.memory_space<semaphore_mem>>
        %dma_start3A_58 = arith.constant 0 : i32
        %dma_start3A_59 = tpu.memref_slice %arg11[%mul3A_53, %dma_start3A_58] : memref<320x256xf32, #tpu.memory_space<vmem>> -> memref<32x256xf32, #tpu.memory_space<vmem>>
        %dma_start3A_60 = arith.constant 0 : i32
        %dma_start3A_61 = tpu.memref_slice %arg5[%add3A_56, %dma_start3A_60] : memref<10240x256xf32, #tpu.memory_space<hbm>> -> memref<32x256xf32, #tpu.memory_space<hbm>>
        %dma_start3A_62 = arith.constant 0 : i32
        %dma_start3A_63 = tpu.memref_slice %arg5[%add3A_56, %dma_start3A_62] : memref<10240x256xf32, #tpu.memory_space<hbm>> -> memref<32x256xf32, #tpu.memory_space<hbm>>
        %dma_start3A_64 = arith.constant 0 : i32
        %dma_start3A_65 = tpu.memref_slice %arg11[%mul3A_53, %dma_start3A_64] : memref<320x256xf32, #tpu.memory_space<vmem>> -> memref<32x256xf32, #tpu.memory_space<vmem>>
        tpu.enqueue_dma source(%dma_start3A_65 : memref<32x256xf32, #tpu.memory_space<vmem>>) target(%dma_start3A_63 : memref<32x256xf32, #tpu.memory_space<hbm>>) target_semaphore(%run_scoped3A : memref<!tpu.dma_semaphore, #tpu.memory_space<semaphore_mem>>)
        %dma_wait3A_66 = arith.constant 0 : i32
        %dma_wait3A_67 = tpu.memref_slice %arg11[%mul3A_53, %dma_wait3A_66] : memref<320x256xf32, #tpu.memory_space<vmem>> -> memref<32x256xf32, #tpu.memory_space<vmem>>
        %dma_wait3A_68 = arith.constant 0 : i32
        %dma_wait3A_69 = tpu.memref_slice %arg5[%add3A_56, %dma_wait3A_68] : memref<10240x256xf32, #tpu.memory_space<hbm>> -> memref<32x256xf32, #tpu.memory_space<hbm>>
        %dma_wait3A_70 = arith.constant 0 : i32
        %dma_wait3A_71 = tpu.memref_slice %arg5[%add3A_56, %dma_wait3A_70] : memref<10240x256xf32, #tpu.memory_space<hbm>> -> memref<32x256xf32, #tpu.memory_space<hbm>>
        %dma_wait3A_72 = arith.constant 0 : i32
        %dma_wait3A_73 = tpu.memref_slice %arg11[%mul3A_53, %dma_wait3A_72] : memref<320x256xf32, #tpu.memory_space<vmem>> -> memref<32x256xf32, #tpu.memory_space<vmem>>
        tpu.wait_dma2 semaphore(%run_scoped3A : memref<!tpu.dma_semaphore, #tpu.memory_space<semaphore_mem>>) src(%dma_wait3A_73 : memref<32x256xf32, #tpu.memory_space<vmem>>) dst(%dma_wait3A_71 : memref<32x256xf32, #tpu.memory_space<hbm>>)
        tpu.yield
      }) : () -> ()
      %scan3A_57 = arith.constant 0 : i32
      scf.yield %scan3A_57 : i32
    }
    %scan3A_49 = arith.constant 10 : i32
    return
  }
}

module attributes {stable_mosaic.version = 14 : i64} {
  func.func @_mm_body(%arg0: i32, %arg1: memref<256x256xf32, #tpu.memory_space<vmem>>, %arg2: memref<256x256xf32, #tpu.memory_space<vmem>>, %arg3: memref<256x256xf32, #tpu.memory_space<vmem>>, %arg4: memref<256x256xf32, #tpu.memory_space<vmem>>, %arg5: memref<256x256xf32, #tpu.memory_space<vmem>>) attributes {dimension_semantics = [#tpu.dimension_semantics<arbitrary>], iteration_bounds = array<i64: 40>, scalar_prefetch = 0 : i64, scratch_operands = 0 : i64, tpu.core_type = #tpu.core_type<tc>, window_params = [{transform_indices = @transform_0, window_bounds = array<i64: 256, 256>}, {pipeline_mode = #tpu.pipeline_mode<synchronous>, transform_indices = @transform_1, window_bounds = array<i64: 256, 256>}, {transform_indices = @transform_2, window_bounds = array<i64: 256, 256>}, {transform_indices = @transform_3, window_bounds = array<i64: 256, 256>}, {transform_indices = @transform_4, window_bounds = array<i64: 256, 256>}]} {
    %get3A = arith.constant 0 : index
    %get3A_0 = arith.constant 0 : index
    %get3A_1 = vector.load %arg3[%get3A, %get3A_0] : memref<256x256xf32, #tpu.memory_space<vmem>>, vector<256x1xf32>
    %add3A = arith.constant 1.000000e+00 : f32
    %add3A_2 = vector.broadcast %add3A : f32 to vector<256x1xf32>
    %add3A_3 = arith.addf %get3A_1, %add3A_2 : vector<256x1xf32>
    %rsqrt3A = math.rsqrt %add3A_3 : vector<256x1xf32>
    %get3A_4 = arith.constant 0 : index
    %get3A_5 = arith.constant 0 : index
    %get3A_6 = vector.load %arg1[%get3A_4, %get3A_5] : memref<256x256xf32, #tpu.memory_space<vmem>>, vector<256x256xf32>
    %get3A_7 = arith.constant 0 : index
    %get3A_8 = arith.constant 0 : index
    %get3A_9 = vector.load %arg2[%get3A_7, %get3A_8] : memref<256x256xf32, #tpu.memory_space<vmem>>, vector<256x256xf32>
    %dot_general3A = arith.constant dense<0.000000e+00> : vector<256x256xf32>
    %dot_general3A_10 = tpu.matmul %get3A_6, %get3A_9, %dot_general3A {dimension_numbers = #tpu.dot_dimension_numbers<[1], [0], [0], [1], [0, 0, 1, 1], [], []>, transpose_lhs_hint = false} : vector<256x256xf32>, vector<256x256xf32>, vector<256x256xf32> -> vector<256x256xf32>
    %mul3A = vector.broadcast %rsqrt3A : vector<256x1xf32> to vector<256x256xf32>
    %mul3A_11 = arith.mulf %dot_general3A_10, %mul3A : vector<256x256xf32>
    %swap3A = arith.constant 0 : index
    %swap3A_12 = arith.constant 0 : index
    %swap3A_13 = vector.load %arg4[%swap3A, %swap3A_12] : memref<256x256xf32, #tpu.memory_space<vmem>>, vector<256x256xf32>
    tpu.vector_store %arg4[%swap3A, %swap3A_12], %mul3A_11 {strides = array<i32>} : memref<256x256xf32, #tpu.memory_space<vmem>>, vector<256x256xf32>,
    %broadcast_in_dim3A = vector.shape_cast %rsqrt3A : vector<256x1xf32> to vector<256x1xf32>
    %broadcast_in_dim3A_14 = vector.broadcast %broadcast_in_dim3A : vector<256x1xf32> to vector<256x256xf32>
    %swap3A_15 = arith.constant 0 : index
    %swap3A_16 = arith.constant 0 : index
    %swap3A_17 = vector.load %arg5[%swap3A_15, %swap3A_16] : memref<256x256xf32, #tpu.memory_space<vmem>>, vector<256x256xf32>
    tpu.vector_store %arg5[%swap3A_15, %swap3A_16], %broadcast_in_dim3A_14 {strides = array<i32>} : memref<256x256xf32, #tpu.memory_space<vmem>>, vector<256x256xf32>,
    return
  }
  func.func @transform_0(%arg0: i32) -> (i32, i32) {
    %c0_i32 = arith.constant 0 : i32
    %c0_i32_0 = arith.constant 0 : i32
    return %arg0, %c0_i32 : i32, i32
  }
  func.func @transform_1(%arg0: i32) -> (i32, i32) {
    %c0_i32 = arith.constant 0 : i32
    %c0_i32_0 = arith.constant 0 : i32
    %c0_i32_1 = arith.constant 0 : i32
    return %c0_i32, %c0_i32_0 : i32, i32
  }
  func.func @transform_2(%arg0: i32) -> (i32, i32) {
    %c0_i32 = arith.constant 0 : i32
    %c0_i32_0 = arith.constant 0 : i32
    return %arg0, %c0_i32 : i32, i32
  }
  func.func @transform_3(%arg0: i32) -> (i32, i32) {
    %c0_i32 = arith.constant 0 : i32
    %c0_i32_0 = arith.constant 0 : i32
    return %arg0, %c0_i32 : i32, i32
  }
  func.func @transform_4(%arg0: i32) -> (i32, i32) {
    %c0_i32 = arith.constant 0 : i32
    %c0_i32_0 = arith.constant 0 : i32
    return %arg0, %c0_i32 : i32, i32
  }
}

module attributes {stable_mosaic.version = 14 : i64} {
  func.func @_fin_body(%arg0: i32, %arg1: memref<256x256xf32, #tpu.memory_space<vmem>>, %arg2: memref<256x256xf32, #tpu.memory_space<vmem>>, %arg3: memref<256x256xf32, #tpu.memory_space<vmem>>, %arg4: memref<256xf32, #tpu.memory_space<vmem>>, %arg5: memref<256x256xf32, #tpu.memory_space<vmem>>) attributes {dimension_semantics = [#tpu.dimension_semantics<arbitrary>], iteration_bounds = array<i64: 40>, scalar_prefetch = 0 : i64, scratch_operands = 0 : i64, tpu.core_type = #tpu.core_type<tc>, window_params = [{transform_indices = @transform_0, window_bounds = array<i64: 256, 256>}, {transform_indices = @transform_1, window_bounds = array<i64: 256, 256>}, {transform_indices = @transform_2, window_bounds = array<i64: 256, 256>}, {pipeline_mode = #tpu.pipeline_mode<synchronous>, transform_indices = @transform_3, window_bounds = array<i64: 256>}, {transform_indices = @transform_4, window_bounds = array<i64: 256, 256>}]} {
    %get3A = arith.constant 0 : index
    %get3A_0 = arith.constant 0 : index
    %get3A_1 = vector.load %arg1[%get3A, %get3A_0] : memref<256x256xf32, #tpu.memory_space<vmem>>, vector<256x256xf32>
    %get3A_2 = arith.constant 0 : index
    %get3A_3 = arith.constant 0 : index
    %get3A_4 = vector.load %arg2[%get3A_2, %get3A_3] : memref<256x256xf32, #tpu.memory_space<vmem>>, vector<256x256xf32>
    %add3A = arith.addf %get3A_1, %get3A_4 : vector<256x256xf32>
    %get3A_5 = arith.constant 0 : index
    %get3A_6 = arith.constant 0 : index
    %get3A_7 = vector.load %arg3[%get3A_5, %get3A_6] : memref<256x256xf32, #tpu.memory_space<vmem>>, vector<256x256xf32>
    %mul3A = arith.mulf %add3A, %get3A_7 : vector<256x256xf32>
    %get3A_8 = arith.constant 0 : index
    %get3A_9 = vector.load %arg4[%get3A_8] : memref<256xf32, #tpu.memory_space<vmem>>, vector<256xf32>
    %broadcast_in_dim3A = vector.shape_cast %get3A_9 : vector<256xf32> to vector<1x256xf32>
    %add3A_10 = vector.broadcast %broadcast_in_dim3A : vector<1x256xf32> to vector<256x256xf32>
    %add3A_11 = arith.addf %mul3A, %add3A_10 : vector<256x256xf32>
    %swap3A = arith.constant 0 : index
    %swap3A_12 = arith.constant 0 : index
    %swap3A_13 = vector.load %arg5[%swap3A, %swap3A_12] : memref<256x256xf32, #tpu.memory_space<vmem>>, vector<256x256xf32>
    tpu.vector_store %arg5[%swap3A, %swap3A_12], %add3A_11 {strides = array<i32>} : memref<256x256xf32, #tpu.memory_space<vmem>>, vector<256x256xf32>,
    return
  }
  func.func @transform_0(%arg0: i32) -> (i32, i32) {
    %c0_i32 = arith.constant 0 : i32
    %c0_i32_0 = arith.constant 0 : i32
    return %arg0, %c0_i32 : i32, i32
  }
  func.func @transform_1(%arg0: i32) -> (i32, i32) {
    %c0_i32 = arith.constant 0 : i32
    %c0_i32_0 = arith.constant 0 : i32
    return %arg0, %c0_i32 : i32, i32
  }
  func.func @transform_2(%arg0: i32) -> (i32, i32) {
    %c0_i32 = arith.constant 0 : i32
    %c0_i32_0 = arith.constant 0 : i32
    return %arg0, %c0_i32 : i32, i32
  }
  func.func @transform_3(%arg0: i32) -> i32 {
    %c0_i32 = arith.constant 0 : i32
    %c0_i32_0 = arith.constant 0 : i32
    return %c0_i32 : i32
  }
  func.func @transform_4(%arg0: i32) -> (i32, i32) {
    %c0_i32 = arith.constant 0 : i32
    %c0_i32_0 = arith.constant 0 : i32
    return %arg0, %c0_i32 : i32, i32
  }
}

</mosaic_0001>

<sc_bundles>
// kernel: kernel.6.cloned.1.call-start
scs
__scs_entry_jumppad:
0x0: {  	(pc) =	sbr.rel $0x88, $3  }
0x1: {  	(tag) =	ssettag $0x0;
	lr =	simm.s32 $0x1  }
0x2: {  	[smem:$0x3F9D] =	sst lr;
	_ =	strace $0xD0000000  }
0x3: {  	_ = 	snop  }
0x4: {  	_ = 	snop  }
0x5: {  	_ = 	snop  }
0x6: {  	_ = 	snop  }
0x7: {  	_ = 	snop  }
__scs_overlays_trampoline_lowered:
0x8: {  	[smem:$0x3FAC] =	sst s0  }
0x9: {  	[smem:$0x3FAD] =	sst s1  }
0xa: {  	[smem:$0x3FAE] =	sst s2  }
0xb: {  	[smem:$0x3FAF] =	sst s3  }
0xc: {  	[smem:$0x3FB0] =	sst s4  }
0xd: {  	[smem:$0x3FB1] =	sst s5  }
0xe: {  	[smem:$0x3FB2] =	sst s6  }
0xf: {  	[smem:$0x3FB3] =	sst s7  }
0x10: {  	[smem:$0x3FB4] =	sst s8  }
0x11: {  	[smem:$0x3FB5] =	sst s9;
	s0 =	simm.s32 @!p0 $0x0  }
0x12: {  	s1 =	sld [smem:$0x3F9B];
	s0 =	simm.s32 @p0 $0x1  }
0x13: {  	[smem:$0x3FB6] =	sst s0;
	s0 =	simm.s32 @!p1 $0x0  }
0x14: {  	s2 =	sld [smem:$0x3F9A];
	s0 =	simm.s32 @p1 $0x1  }
0x15: {  	[smem:$0x3FB7] =	sst s0;
	s0 =	simm.s32 @!p2 $0x0  }
0x16: {  	s3 =	sld [smem:$0x3FDB];
	s0 =	simm.s32 @p2 $0x1  }
0x17: {  	s4 =	simm.s32 $0x1BF5;
	[smem:$0x3FB9] =	sst s0  }
0x18: {  	s0 =	sld [smem:$0x3F9C];
	_ =	swait.ge [sflag:s4], $0x0  }
0x19: {  	s7 =	sld [smem:$0x3F9D]  }
0x1a: {  	s8 =	sadd.s32 $0xFFFFE003, lr  }
0x1b: {  	s9 =	sadd.s32 $0xFFFFFEF7, lr;
	s5 =	simm.s32 $0xFFFFFFFF;
	p2 =	slt.u32 s8, $0xFFFFF086  }
0x1c: {  	p1 =	slt.u32 s9, $0xF7A;
	s5 =	simm.s32 @!p2 $0x0  }
0x1d: {  	s5 =	simm.s32 @p1 $0x1;
	p0 =	seq.s32 s7, s2  }
0x1e: {  	s7 =	smul.u32 @!p0 $0xF7A, s2;
	p2 =	seq.s32 @!p0 s5, $0x0  }
0x1f: {  	s9 =	smul.u32 $0xF7A, s1;
	s8 =	simm.s32 @!p0 $0x1BF5;
	p2 =	por !p2, p0  }
0x20: {  	[sflag:s8] =	ssyncset.s32 @!p0 $0xFFFFF086;
	s6 =	sadd.s32 @!p0 s3, s7;
	s7 =	simm.s32 @!p0 $0x108  }
0x21: {  	s3 =	sadd.s32 s3, s9;
	s6 =	sadd.s32 @!p0 $0x88, s6;
	s7 =	simm.s32 @p2 $0x1082  }
0x22: {  	[simem:s7], [sflag:s8] =	dma.local @!p0 [hbm:s6], $0xF7A  }
0x23: {  	s9 =	sor.u32 $0xD0000000, s2;
	s6 =	simm.s32 $0x108;
	_ =	swait.ge @!p0 [sflag:s8], $0x0  }
0x24: {  	s3 =	sadd.s32 $0x88, s3;
	s6 =	simm.s32 @!p1 $0x1082;
	[sflag:s4] =	ssyncset.s32 $0xFFFFF086  }
0x25: {  	[simem:s6], [sflag:s4] =	dma.local [hbm:s3], $0xF7A  }
0x26: {  	[smem:$0x3F9D] =	sst s1;
	(tag) =	ssettag s2;
	_ =	strace s9  }
0x27: {  	s1 =	sld [smem:$0x3FAD]  }
0x28: {  	s2 =	sld [smem:$0x3FAE]  }
0x29: {  	s4 =	sld [smem:$0x3FB0]  }
0x2a: {  	p0 =	seq.s32 s5, $0x0;
	s5 =	sld [smem:$0x3FB1]  }
0x2b: {  	s6 =	sld [smem:$0x3FB2]  }
0x2c: {  	s7 =	sld [smem:$0x3FB3]  }
0x2d: {  	s3 =	simm.s32 $0x108;
	s8 =	sld [smem:$0x3FB4]  }
0x2e: {  	s3 =	simm.s32 @!p0 $0x1082;
	s9 =	sld [smem:$0x3FB5]  }
0x2f: {  	lr =	sadd.s32 s0, s3;
	s0 =	sld [smem:$0x3FAC]  }
0x30: {  	s3 =	sld [smem:$0x3FAF]  }
0x31: {  	[smem:$0x3FB8] =	sst s10  }
0x32: {  	s10 =	sld [smem:$0x3FB6];
	_ =	sdelay $0x3  }
0x33: {  	p0 =	seq.s32 s10, $0x1;
	s10 =	sld [smem:$0x3FB8];
	_ =	sdelay $0x3  }
0x34: {  	[smem:$0x3FB8] =	sst s10  }
0x35: {  	s10 =	sld [smem:$0x3FB7];
	_ =	sdelay $0x3  }
0x36: {  	p1 =	seq.s32 s10, $0x1;
	s10 =	sld [smem:$0x3FB8];
	_ =	sdelay $0x3  }
0x37: {  	[smem:$0x3FB8] =	sst s10  }
0x38: {  	s10 =	sld [smem:$0x3FB9]  }
0x39: {  	_ = 	snop;
	(pc) =	sbr.ind lr, $3  }
0x3a: {  	_ = 	snop  }
0x3b: {  	_ = 	snop  }
0x3c: {  	p2 =	seq.s32 s10, $0x1;
	s10 =	sld [smem:$0x3FB8]  }
0x3d: {  	_ =	shalt  }
0x3e: {  	_ =	shalt  }
0x3f: {  	_ =	shalt  }
0x40: {  	_ =	shalt  }
0x41: {  	_ =	shalt  }
0x42: {  	_ =	shalt  }
0x43: {  	_ =	shalt  }
0x44: {  	_ =	shalt  }
0x45: {  	_ =	shalt  }
0x46: {  	_ =	shalt  }
0x47: {  	_ =	shalt  }
0x48: {  	_ =	shalt  }
0x49: {  	_ =	shalt  }
0x4a: {  	_ =	shalt  }
0x4b: {  	_ =	shalt  }
0x4c: {  	_ =	shalt  }
0x4d: {  	_ =	shalt  }
0x4e: {  	_ =	shalt  }
0x4f: {  	_ =	shalt  }
0x50: {  	_ =	shalt  }
0x51: {  	_ =	shalt  }
0x52: {  	_ =	shalt  }
0x53: {  	_ =	shalt  }
0x54: {  	_ =	shalt  }
0x55: {  	_ =	shalt  }
0x56: {  	_ =	shalt  }
0x57: {  	_ =	shalt  }
0x58: {  	_ =	shalt  }
0x59: {  	_ =	shalt  }
0x5a: {  	_ =	shalt  }
0x5b: {  	_ =	shalt  }
0x5c: {  	_ =	shalt  }
0x5d: {  	_ =	shalt  }
0x5e: {  	_ =	shalt  }
0x5f: {  	_ =	shalt  }
0x60: {  	_ =	shalt  }
0x61: {  	_ =	shalt  }
0x62: {  	_ =	shalt  }
0x63: {  	_ =	shalt  }
0x64: {  	_ =	shalt  }
0x65: {  	_ =	shalt  }
0x66: {  	_ =	shalt  }
0x67: {  	_ =	shalt  }
0x68: {  	_ =	shalt  }
0x69: {  	_ =	shalt  }
0x6a: {  	_ =	shalt  }
0x6b: {  	_ =	shalt  }
0x6c: {  	_ =	shalt  }
0x6d: {  	_ =	shalt  }
0x6e: {  	_ =	shalt  }
0x6f: {  	_ =	shalt  }
0x70: {  	_ =	shalt  }
0x71: {  	_ =	shalt  }
0x72: {  	_ =	shalt  }
0x73: {  	_ =	shalt  }
0x74: {  	_ =	shalt  }
0x75: {  	_ =	shalt  }
0x76: {  	_ =	shalt  }
0x77: {  	_ =	shalt  }
0x78: {  	_ =	shalt  }
0x79: {  	_ =	shalt  }
0x7a: {  	_ =	shalt  }
0x7b: {  	_ =	shalt  }
0x7c: {  	_ =	shalt  }
0x7d: {  	_ =	shalt  }
0x7e: {  	_ =	shalt  }
0x7f: {  	_ =	shalt  }
0x80: {  	_ =	shalt  }
0x81: {  	_ =	shalt  }
0x82: {  	_ =	shalt  }
0x83: {  	_ =	shalt  }
0x84: {  	_ =	shalt  }
0x85: {  	_ =	shalt  }
0x86: {  	_ =	shalt  }
0x87: {  	_ =	shalt  }
.Lfunc_end0:
.L_simem_size_0:
called_computation_lowered:
.L_overlay_start_0:
0x88: {  	s2 =	sld [smem:$0x3FD9]  }
0x89: {  	s3 =	sld [smem:$0x3FFE];
	_ =	sdelay $0x1  }
0x8a: {  	s1 =	srdreg.scid  }
0x8b: {  	s0 =	sand.u32 $0x1, s1  }
0x8c: {  	s14 =	sshll.u32 s0, $0xA;
	s2 =	sadd.s32 s3, s2  }
0x8d: {  	s2 =	sadd.s32 s2, s14  }
0x8e: {  	[smem:$0x3FC4] =	sst s2  }
0x8f: {  	_ = 	snop  }
0x90: {  	s2 =	sld [smem:$0x3FD0];
	_ =	sdelay $0x2  }
0x91: {  	s15 =	simm.s32 $0xA;
	s4 =	simm.s32 $0x10  }
0x92: {  	[smem:s4], [sflag:s15] =	dma.local [hbm:s2], $0x1  }
0x93: {  	_ =	swait.eq [sflag:s15], $0x1  }
0x94: {  	[sflag:s15] =	ssyncset.done $0x0  }
0x95: {  	[sflag:s15] =	ssyncadd.s32 $0xFFFFFFFF  }
0x96: {  	s16 =	sld [smem:$0x10];
	(tm) =	ssettm $0x1  }
0x97: {  	s17 =	sld [smem:$0x3FFB];
	_ =	sdelay $0x3  }
0x98: {  	_ =	strace s17  }
0x99: {  	s3 =	sld [smem:$0x3FFC];
	_ =	sdelay $0x3  }
0x9a: {  	_ =	strace s3  }
0x9b: {  	s3 =	sld [smem:$0x3FFD];
	_ =	sdelay $0x3  }
0x9c: {  	_ =	strace s3  }
0x9d: {  	_ =	strace $0x8FFFFFFF  }
0x9e: {  	s18 =	sld [smem:$0x3FDB];
	_ =	sdelay $0x1  }
0x9f: {  	s19 =	simm.s32 $_scs_section_size  }
0xa0: {  	s5 =	simm.s32 $_size__tile_overlayer_lowered;
	s6 =	simm.s32 $_tile_overlayer_lowered  }
0xa1: {  	s22 =	simm.s32 $0x1BFF;
	s21 =	sshll.u32 s6, $0x1;
	s3 =	sadd.s32 s19, s18  }
0xa2: {  	s7 =	simm.s32 $0x0;
	s20 =	sshll.u32 s5, $0x1;
	s5 =	sadd.s32 s21, s3  }
0xa3: {  	[timem:s7], [sflag:s22] =	dma.local [hbm:s5], s20  }
0xa4: {  	_ =	swait.ge [sflag:s22], s20  }
0xa5: {  	s4 =	ssub.s32 $0x0, s20;
	[sflag:s22] =	ssyncset.done $0x0  }
0xa6: {  	[sflag:s22] =	ssyncadd.s32 s4;
	_ =	sdelay $0x1  }
0xa7: {  	s23 =	simm.s32 $0x1B8B  }
0xa8: {  	_ =	swait.ge [sflag:s23], $0x1  }
0xa9: {  	[sflag:s23] =	ssyncset.done $0x0  }
0xaa: {  	s25 =	simm.s32 $0x1B8E;
	s24 =	sld [smem:$0x3FFE];
	[sflag:s23] =	ssyncadd.s32 $0xFFFFFFFF  }
0xab: {  	s26 =	simm.s32 $execute0_lowered;
	[smem:$0x3FD2] =	sst s25  }
0xac: {  	s5 =	sshll.u32 s26, $0x1;
	_ =	strace $0x80000046;
	[dreg:$0x1] =	wrdreg $0xFFFFFFFF  }
0xad: {  	s28 =	simm.s32 $_size_execute0_lowered;
	s3 =	sadd.s32 s3, s5;
	[dreg:$0x0] =	wrdreg $0x0  }
0xae: {  	s5 =	sshll.u32 s28, $0x1;
	[dreg:$0x2] =	wrdreg s3  }
0xaf: {  	[dreg:$0x3] =	wrdreg s5  }
0xb0: {  	[dreg:$0x4] =	wrdreg $0xC0  }
0xb1: {  	_ =	task [dreg:s7], $0x5FFFF  }
0xb2: {  	[dreg:$0x1] =	wrdreg $0xFFFFFFFF  }
0xb3: {  	[dreg:$0x0] =	wrdreg $0x60  }
0xb4: {  	[dreg:$0x2] =	wrdreg s16  }
0xb5: {  	[dreg:$0x3] =	wrdreg s24  }
0xb6: {  	[dreg:$0x4] =	wrdreg $0x9  }
0xb7: {  	_ =	task.clear_ibuf [dreg:s7], $0x5FFFF;
	_ =	strace $0x90000046  }
0xb8: {  	s29 =	simm.s32 $0x9;
	_ =	strace $0x80000048  }
0xb9: {  	_ =	swait.ge [sflag:s29], $0x1  }
0xba: {  	[sflag:s29] =	ssyncadd.s32 $0xFFFFFFFF  }
0xbb: {  	_ =	strace $0x90000048  }
0xbc: {  	_ =	sfence  }
0xbd: {  	s30 =	sld [smem:$0x0];
	_ =	sdelay $0x2  }
0xbe: {  	s31 =	sshll.u32 s1, $0xD;
	s1 =	sshrl.u32 s1, $0x2  }
0xbf: {  	s3 =	sand.u32 $0x4000, s31;
	s1 =	sadd.s32 s1, s30  }
0xc0: {  	s0 =	sor.u32 s3, s0;
	s1 =	sshll.u32 s1, $0x11  }
0xc1: {  	s0 =	sor.u32 s1, s0  }
0xc2: {  	s0 =	sadd.s32 $0x8F2B, s0  }
0xc3: {  	[sflag:s0] =	ssyncadd.remote.s32 $0x1  }
0xc4: {  	_ =	sfence.sel $0xFFFF  }
0xc5: {  	[dreg:$0x0] =	wrdreg $0xFFFFFFFF;
	(pc) =	sbr.abs _section_cstart, $3  }
0xc6: {  	[dreg:$0x1] =	wrdreg $0xFFFFFFFF  }
0xc7: {  	_ =	task.clear_ibuf [dreg:s7], $0x2FFFF;
	_ =	strace $0x9FFFFFFF  }
0xc8: {  	(tm) =	ssettm $0x7FFFFFFF  }
0xc9: {  	_ =	shalt  }
tec
execute0_lowered:
.L_overlay_start_1:
0x0: {  	(tag) =	ssettag $0x1  }
0x1: {  	v0 =	vimm.s32 $0xEFCDAB89;
	v2 =	vimm.s32 $0x67452301;
	v1 =	vimm.f32 $0.0e+00  }
0x2: {  	v5 =	vimm.s32 $0xDCFE98BA;
	v6 =	vimm.s32 $0x54761032;
	v7 =	vimm.s32 $0xBA98FEDC  }
0x3: {  	v8 =	vimm.s32 $0xFEDCBA98;
	v9 =	vimm.s32 $0x32107654;
	v10 =	vimm.s32 $0x76543210  }
0x4: {  	v3 =	vunpack.c.l.s4.s8 v0;
	v4 =	vunpack.c.l.s4.s8 v2;
	v5 =	vunpack.c.l.s4.s8 v5  }
0x5: {  	s0 =	srdreg.scid;
	v6 =	vunpack.c.l.s4.s8 v6;
	v8 =	vunpack.c.l.s4.s8 v8;
	v7 =	vunpack.c.l.s4.s8 v7  }
0x6: {  	s6 =	rddreg [dreg:$0x1];
	s4 =	sand.u32 $0x1, s0;
	v9 =	vunpack.c.l.s4.s8 v9;
	v10 =	vunpack.c.l.s4.s8 v10;
	v3 =	vunpack.c.0.s8.s32 v3  }
0x7: {  	s2 =	rddreg [dreg:$0x2];
	s0 =	stileid.u32;
	s1 =	sshll.u32 s4, $0x4;
	v4 =	vunpack.c.0.s8.s32 v4;
	v5 =	vunpack.c.0.s8.s32 v5;
	v6 =	vunpack.c.0.s8.s32 v6  }
0x8: {  	s3 =	simm.s32 $0x0;
	s4 =	ssub.s32 $0x2, s4;
	s5 =	sor.u32 s0, s1;
	v8 =	vunpack.c.0.s8.s32 v8;
	v7 =	vunpack.c.0.s8.s32 v7;
	v9 =	vunpack.c.0.s8.s32 v9  }
0x9: {  	s8 =	simm.s32 $0x580;
	v2 =	vimm.s32 $0x0;
	s7 =	sshrl.u32 s4, $0x1;
	v10 =	vunpack.c.0.s8.s32 v10;
	s1 =	smul.u32 $0x140, s5;
	v3 =	vcombine.low v4, v3  }
0xa: {  	s9 =	simm.s32 $0x0;
	[smem:$0x7FF] =	sst s3;
	s7 =	ssub.s32 s4, s7;
	v4 =	vcombine.low v6, v5;
	v6 =	vand.u32 $0xF, v8;
	v5 =	vcombine.low v9, v7  }
0xb: {  	s4 =	sadd.s32 $0x1C00, s6;
	s5 =	smul.u32 $0x14000, s5;
	s6 =	smax.u32 s7, $0x1;
	v7 =	vlaneseq.u32;
	v0 =	vmov s1;
	v6 =	vcombine.low v6, v10  }
0xc: {  	s7 =	simm.s32 $0x1;
	s1 =	rddreg [dreg:$0x0];
	_ =	strace $0x80000047;
	v8 =	vor.u32 $0x10, v7;
	v9 =	vor.u32 $0x20, v7;
	v10 =	vor.u32 $0x30, v7  }
.LBB2_1:
0xd: {  	[tilespmem:$0x400] =	vst v1  }
0xe: {  	[tilespmem:$0x410] =	vst v1  }
0xf: {  	[tilespmem:$0x420] =	vst v1  }
0x10: {  	[tilespmem:$0x430] =	vst v1  }
0x11: {  	[tilespmem:$0x440] =	vst v1  }
0x12: {  	[tilespmem:$0x450] =	vst v1  }
0x13: {  	[tilespmem:$0x460] =	vst v1  }
0x14: {  	[tilespmem:$0x470] =	vst v1  }
0x15: {  	[tilespmem:$0x480] =	vst v1  }
0x16: {  	[tilespmem:$0x490] =	vst v1  }
0x17: {  	[tilespmem:$0x4A0] =	vst v1  }
0x18: {  	[tilespmem:$0x4B0] =	vst v1  }
0x19: {  	[tilespmem:$0x4C0] =	vst v1  }
0x1a: {  	[tilespmem:$0x4D0] =	vst v1  }
0x1b: {  	[tilespmem:$0x4E0] =	vst v1  }
.Ltmp0:
0x1c: {  	[tilespmem:$0x4F0] =	vst v1;
	(pc) =	sbr.rel .LBB2_2-.Ltmp0, $4  }
0x1d: {  	[tilespmem:$0x500] =	vst v1  }
0x1e: {  	[tilespmem:$0x510] =	vst v1  }
0x1f: {  	[tilespmem:$0x520] =	vst v1  }
0x20: {  	[tilespmem:$0x530] =	vst v1;
	s10 =	simm.s32 $0x0  }
.LBB2_12:
0x21: {  	s10 =	sadd.s32 $0x1, s10  }
0x22: {  	p0 =	sne.s32 s10, $0xA0  }
.Ltmp1:
0x23: {  	_ = 	snop;
	(pc) =	sbr.rel @!p0 .LBB2_13-.Ltmp1, $2  }
0x24: {  	_ =	sdelay $0x2  }
0x25: {  	s11 =	simm.s32 $0x0  }
.LBB2_2:
0x26: {  	s11 =	sshll.u32 s10, $0x7  }
.Ltmp2:
0x27: {  	s12 =	sadd.s32 s1, s11;
	s11 =	simm.s32 $0x0;
	(pc) =	sbr.rel .LBB2_3-.Ltmp2, $4  }
0x28: {  	[tilespmem:s11], [sflag:$0x1] =	stream.linear.gather [hbm4b:s12+s11], $0x400, $0x38;
	[tilespmem:$0x2580] =	vst v63  }
0x29: {  	_ =	swait.ge [sflag:s7], $0x400  }
0x2a: {  	[sflag:s7] =	ssyncset.done $0x0  }
0x2b: {  	[sflag:s7] =	ssyncadd.s32 $0xFFFFFC00  }
.LBB2_5:
0x2c: {  	_ = 	snop  }
.LBB2_10:
0x2d: {  	vm0 =	vlt.s32 v16, v17  }
0x2e: {  	v11 =	vsel vm0, v16, v17  }
0x2f: {  	v12 =	vperm.xlane v11, v6;
	_ =	sdelay $0x1  }
0x30: {  	vm0 =	vlt.s32 v11, v12  }
0x31: {  	v11 =	vsel vm0, v11, v12  }
0x32: {  	(v2sf) =	vpush v11, $0x0;
	_ =	sdelay $0x1  }
0x33: {  	s13 =	sand.u32 @p0 $0x3F, s14  }
0x34: {  	p2 =	slt.s32 @p0 s14, $0x1;
	p3 =	sne.s32 @p0 s13, $0x0  }
0x35: {  	s13 =	sshra.s32 @p0 s14, $0x1F;
	p2 =	por @p0 !p2, !p3  }
0x36: {  	s13 =	sshrl.u32 @p0 s13, $0x1A;
	p2 =	por @p0 !p2, !p2  }
0x37: {  	s13 =	sadd.s32 @p0 s13, s14;
	s14 =	simm.s32 $0x1;
	p2 =	por !p2, !p0  }
0x38: {  	s13 =	sshra.s32 @p0 s13, $0x6;
	s14 =	simm.s32 @p2 $0x0  }
0x39: {  	s13 =	ssub.s32 @p0 s13, s14  }
0x3a: {  	s14 =	sshra.s32 @p0 s13, $0x1F  }
0x3b: {  	s14 =	sshrl.u32 @p0 s14, $0x1C  }
0x3c: {  	s14 =	sadd.s32 @p0 s14, s13  }
0x3d: {  	s16 =	sand.u32 @p0 $0xFFFFFFF0, s14  }
0x3e: {  	p2 =	slt.s32 @p0 s13, $0x1;
	p3 =	sne.s32 @p0 s13, s16  }
0x3f: {  	p2 =	por @p0 !p2, !p3  }
0x40: {  	p2 =	por @p0 !p2, !p2;
	s15 =	spop (v2sf)  }
0x41: {  	s14 =	sshrl.u32 @p0 s14, $0x4;
	p2 =	por !p2, !p0;
	s17 =	sand.u32 $0x3F, s15  }
0x42: {  	p4 =	slt.s32 s15, $0x1;
	s26 =	sshra.s32 s15, $0x1F;
	p5 =	sne.s32 s17, $0x0  }
0x43: {  	s17 =	simm.s32 $0x1;
	s16 =	sshrl.u32 s26, $0x1A;
	p4 =	por !p4, !p5  }
0x44: {  	s15 =	sadd.s32 s16, s15;
	s16 =	simm.s32 $0x1;
	p3 =	por !p4, !p4  }
0x45: {  	s17 =	simm.s32 @p2 $0x0;
	s15 =	sshra.s32 s15, $0x6;
	s16 =	simm.s32 @!p3 $0x0  }
0x46: {  	s14 =	ssub.s32 @p0 s14, s17;
	s15 =	ssub.s32 s15, s16  }
0x47: {  	s14 =	sshll.u32 @p0 s14, $0x6;
	s16 =	sshra.s32 s15, $0x1F  }
0x48: {  	[tilespmem:s12+$0x400] =	vst @p1 v15;
	s12 =	sshra.s32 @p0 s14, $0x2;
	s28 =	sshrl.u32 s16, $0x1C  }
0x49: {  	v11 =	vld @p0 [tilespmem:s12+$0x400];
	s14 =	sadd.s32 s28, s15  }
0x4a: {  	s13 =	sand.u32 @p0 $0xF, s13;
	s29 =	sand.u32 $0xFFFFFFF0, s14  }
0x4b: {  	v12 =	vmov @p0 s13;
	p5 =	slt.s32 s15, $0x1;
	p6 =	sne.s32 s15, s29  }
0x4c: {  	vm0 =	veq.s32 @p0 v12, v7;
	p1 =	por !p5, !p6  }
0x4d: {  	s13 =	simm.s32 $0x1;
	v12 =	vsel @p0 vm0, $0x3F800000, v1;
	p1 =	por !p1, !p1  }
0x4e: {  	s14 =	sshrl.u32 s14, $0x4;
	v11 =	vadd.f32 @p0 v12, v11;
	s13 =	simm.s32 @!p1 $0x0  }
0x4f: {  	s13 =	ssub.s32 s14, s13  }
0x50: {  	s12 =	smov.u32 @p0 s12;
	v11 =	vpsel p0, v11, v0;
	s13 =	sshll.u32 s13, $0x6  }
0x51: {  	[tilespmem:s12+$0x400] =	vst @p0 v11;
	s30 =	sshra.s32 s13, $0x2  }
0x52: {  	v11 =	vld [tilespmem:s30+$0x400]  }
0x53: {  	s31 =	sand.u32 $0xF, s15  }
0x54: {  	v63 =	vmov s31  }
0x55: {  	vm15 =	veq.s32 v63, v7  }
0x56: {  	v12 =	vsel vm15, $0x3F800000, v1  }
0x57: {  	v11 =	vadd.f32 v12, v11;
	_ =	sdelay $0x1  }
0x58: {  	[tilespmem:s30+$0x400] =	vst v11  }
.LBB2_11:
0x59: {  	s11 =	sadd.s32 $0x1, s11  }
0x5a: {  	p0 =	sne.s32 s11, $0x10  }
.Ltmp3:
0x5b: {  	_ = 	snop;
	(pc) =	sbr.rel @!p0 .LBB2_12-.Ltmp3, $1  }
0x5c: {  	_ =	sdelay $0x3  }
.LBB2_3:
0x5d: {  	s12 =	sshll.u32 s11, $0x6  }
0x5e: {  	s12 =	sand.u32 $0x3C0, s12  }
0x5f: {  	v11 =	vld [tilespmem:s12+$0x0]  }
0x60: {  	v12 =	vld [tilespmem:s12+$0x10]  }
0x61: {  	v13 =	vld [tilespmem:s12+$0x20]  }
0x62: {  	v14 =	vld [tilespmem:s12+$0x30];
	_ =	sdelay $0x3  }
0x63: {  	v11 =	vsub.s32 v11, v0;
	v12 =	vsub.s32 v12, v0;
	v13 =	vsub.s32 v13, v0  }
0x64: {  	v14 =	vsub.s32 v14, v0;
	vm3 =	vlt.u32 v11, $0x140;
	vm0 =	vlt.u32 v12, $0x140  }
0x65: {  	vm1 =	vlt.u32 v13, $0x140;
	v15 =	vsel vm3, $0x1, v2;
	v16 =	vsel vm0, $0x1, v2  }
0x66: {  	vm2 =	vlt.u32 v14, $0x140;
	v62 =	vsel vm1, $0x1, v2;
	v15 =	vadd.s32 v15, v16  }
0x67: {  	v63 =	vsel vm2, $0x1, v2;
	v15 =	vadd.s32 v62, v15  }
0x68: {  	v15 =	vadd.s32 v63, v15  }
0x69: {  	v16 =	vperm.xlane v15, v3;
	_ =	sdelay $0x1  }
0x6a: {  	v15 =	vadd.s32 v16, v15  }
0x6b: {  	v16 =	vperm.xlane v15, v4;
	_ =	sdelay $0x1  }
0x6c: {  	v15 =	vadd.s32 v16, v15  }
0x6d: {  	v16 =	vperm.xlane v15, v5;
	_ =	sdelay $0x1  }
0x6e: {  	v15 =	vadd.s32 v16, v15  }
0x6f: {  	v16 =	vperm.xlane v15, v6;
	_ =	sdelay $0x1  }
0x70: {  	v15 =	vadd.s32 v16, v15  }
0x71: {  	(v2sf) =	vpush v15, $0x0;
	_ =	sdelay $0xe  }
0x72: {  	s12 =	spop (v2sf)  }
0x73: {  	p0 =	slt.s32 s12, $0x1  }
.Ltmp4:
0x74: {  	_ = 	snop;
	(pc) =	sbr.rel @p0 .LBB2_11-.Ltmp4, $1  }
0x75: {  	_ =	sdelay $0x3  }
0x76: {  	v11 =	vshll.u32 v11, $0x6;
	v12 =	vshll.u32 v12, $0x6;
	v13 =	vshll.u32 v13, $0x6  }
0x77: {  	v14 =	vshll.u32 v14, $0x6;
	v11 =	vor.u32 v7, v11;
	v12 =	vor.u32 v8, v12  }
0x78: {  	v13 =	vor.u32 v9, v13;
	v14 =	vor.u32 v10, v14;
	v11 =	vnsel vm3, $0x40000000, v11  }
0x79: {  	v12 =	vnsel vm0, $0x40000000, v12;
	v13 =	vnsel vm1, $0x40000000, v13;
	v14 =	vnsel vm2, $0x40000000, v14  }
0x7a: {  	vm0 =	vlt.s32 v11, v12;
	vm1 =	vlt.s32 v13, v14  }
0x7b: {  	v15 =	vsel vm0, v11, v12;
	v16 =	vsel vm1, v13, v14  }
0x7c: {  	vm0 =	vlt.s32 v15, v16  }
0x7d: {  	v15 =	vsel vm0, v15, v16  }
0x7e: {  	v16 =	vperm.xlane v15, v3;
	_ =	sdelay $0x1  }
0x7f: {  	vm0 =	vlt.s32 v15, v16  }
0x80: {  	v15 =	vsel vm0, v15, v16  }
0x81: {  	p2 =	sne.s32 s12, $0x1;
	v16 =	vperm.xlane v15, v4  }
.Ltmp5:
0x82: {  	_ = 	snop;
	(pc) =	sbr.rel @!p2 .LBB2_5-.Ltmp5, $4  }
0x83: {  	vm0 =	vlt.s32 v15, v16  }
0x84: {  	v16 =	vsel vm0, v15, v16  }
0x85: {  	v17 =	vperm.xlane v16, v5  }
0x86: {  	s12 =	sadd.s32 $0xFFFFFFFF, s12;
	p0 =	por $0x0, $0x0;
	p1 =	por $0x0, $0x0  }
0x87: {  	vm0 =	vlt.s32 v16, v17  }
0x88: {  	v15 =	vsel vm0, v16, v17  }
0x89: {  	v16 =	vperm.xlane v15, v6;
	_ =	sdelay $0x1  }
0x8a: {  	vm0 =	vlt.s32 v15, v16  }
0x8b: {  	v15 =	vsel vm0, v15, v16  }
0x8c: {  	vm0 =	veq.s32 v11, v15;
	vm1 =	veq.s32 v12, v15;
	(v2sf) =	vpush v15, $0x0  }
0x8d: {  	vm13 =	veq.s32 v13, v15;
	vm2 =	veq.s32 v14, v15;
	v11 =	vsel vm0, $0x40000000, v11  }
0x8e: {  	v12 =	vsel vm1, $0x40000000, v12;
	v13 =	vsel vm13, $0x40000000, v13;
	v14 =	vsel vm2, $0x40000000, v14  }
0x8f: {  	vm14 =	vlt.s32 v11, v12;
	vm15 =	vlt.s32 v13, v14  }
0x90: {  	v15 =	vsel vm14, v11, v12;
	v16 =	vsel vm15, v13, v14  }
0x91: {  	vm0 =	vlt.s32 v15, v16  }
0x92: {  	v15 =	vsel vm0, v15, v16  }
0x93: {  	v16 =	vperm.xlane v15, v3;
	_ =	sdelay $0x1  }
0x94: {  	vm0 =	vlt.s32 v15, v16  }
0x95: {  	v15 =	vsel vm0, v15, v16  }
0x96: {  	p2 =	sne.s32 s12, $0x1;
	v16 =	vperm.xlane v15, v4  }
.Ltmp6:
0x97: {  	_ = 	snop;
	(pc) =	sbr.rel @!p2 .LBB2_7-.Ltmp6, $4  }
0x98: {  	vm0 =	vlt.s32 v15, v16  }
0x99: {  	v16 =	vsel vm0, v15, v16  }
0x9a: {  	v17 =	vperm.xlane v16, v5  }
0x9b: {  	s13 =	sadd.s32 $0xFFFFFFFF, s12;
	p0 =	por $0x1, $0x1;
	s14 =	spop (v2sf)  }
0x9c: {  	s12 =	sand.u32 $0x3F, s14;
	vm0 =	vlt.s32 v16, v17  }
0x9d: {  	s15 =	sshra.s32 s14, $0x1F;
	p1 =	slt.s32 s14, $0x1;
	p2 =	sne.s32 s12, $0x0;
	v15 =	vsel vm0, v16, v17  }
0x9e: {  	s30 =	sshrl.u32 s15, $0x1A;
	p1 =	por !p1, !p2;
	v16 =	vperm.xlane v15, v6  }
0x9f: {  	s12 =	sadd.s32 s30, s14;
	s14 =	simm.s32 $0x1;
	p1 =	por !p1, !p1  }
0xa0: {  	s12 =	sshra.s32 s12, $0x6;
	s14 =	simm.s32 @!p1 $0x0;
	vm0 =	vlt.s32 v15, v16  }
0xa1: {  	s14 =	ssub.s32 s12, s14;
	v15 =	vsel vm0, v15, v16  }
0xa2: {  	s12 =	sshra.s32 s14, $0x1F;
	vm0 =	veq.s32 v11, v15;
	vm1 =	veq.s32 v12, v15;
	(v2sf) =	vpush v15, $0x0  }
0xa3: {  	vm11 =	veq.s32 v13, v15;
	vm2 =	veq.s32 v14, v15;
	s12 =	sshrl.u32 s12, $0x1C;
	v11 =	vsel vm0, $0x40000000, v11  }
0xa4: {  	v12 =	vsel vm1, $0x40000000, v12;
	v13 =	vsel vm11, $0x40000000, v13;
	v14 =	vsel vm2, $0x40000000, v14;
	s12 =	sadd.s32 s12, s14  }
0xa5: {  	vm12 =	vlt.s32 v11, v12;
	vm13 =	vlt.s32 v13, v14;
	s31 =	sand.u32 $0xFFFFFFF0, s12  }
0xa6: {  	p5 =	slt.s32 s14, $0x1;
	v15 =	vsel vm12, v11, v12;
	v16 =	vsel vm13, v13, v14;
	p6 =	sne.s32 s14, s31  }
0xa7: {  	vm0 =	vlt.s32 v15, v16;
	p1 =	por !p5, !p6  }
0xa8: {  	s15 =	simm.s32 $0x1;
	v15 =	vsel vm0, v15, v16;
	p1 =	por !p1, !p1  }
0xa9: {  	s12 =	sshrl.u32 s12, $0x4;
	v16 =	vperm.xlane v15, v3;
	s15 =	simm.s32 @!p1 $0x0  }
0xaa: {  	s12 =	ssub.s32 s12, s15  }
0xab: {  	vm0 =	vlt.s32 v15, v16;
	s12 =	sshll.u32 s12, $0x6  }
0xac: {  	v15 =	vsel vm0, v15, v16;
	s12 =	sshra.s32 s12, $0x2  }
0xad: {  	p2 =	sne.s32 s13, $0x1;
	v16 =	vperm.xlane v15, v4;
	v18 =	vld [tilespmem:s12+$0x400]  }
.Ltmp7:
0xae: {  	s14 =	sand.u32 $0xF, s14;
	(pc) =	sbr.rel @!p2 .LBB2_10-.Ltmp7, $4  }
0xaf: {  	v17 =	vmov s14;
	vm15 =	vlt.s32 v15, v16  }
0xb0: {  	vm14 =	veq.s32 v17, v7;
	v16 =	vsel vm15, v15, v16  }
0xb1: {  	v15 =	vsel vm14, $0x3F800000, v1;
	v17 =	vperm.xlane v16, v5  }
0xb2: {  	s13 =	sadd.s32 $0xFFFFFFFF, s13;
	p1 =	por $0x1, $0x1;
	s14 =	spop (v2sf);
	v15 =	vadd.f32 v15, v18  }
.LBB2_9:
0xb3: {  	p2 =	sne.s32 s13, $0x1;
	s13 =	sadd.s32 $0xFFFFFFFF, s13;
	s15 =	sand.u32 $0x3F, s14  }
0xb4: {  	vm0 =	vlt.s32 v16, v17;
	s16 =	sshra.s32 s14, $0x1F;
	p3 =	slt.s32 s14, $0x1;
	p4 =	sne.s32 s15, $0x0;
	[tilespmem:s12+$0x400] =	vst v15  }
0xb5: {  	v15 =	vsel vm0, v16, v17;
	s12 =	sshrl.u32 s16, $0x1A;
	p3 =	por !p3, !p4  }
0xb6: {  	v16 =	vperm.xlane v15, v6;
	s12 =	sadd.s32 s12, s14;
	s14 =	simm.s32 $0x1;
	p3 =	por !p3, !p3  }
0xb7: {  	s12 =	sshra.s32 s12, $0x6;
	s14 =	simm.s32 @!p3 $0x0  }
0xb8: {  	vm0 =	vlt.s32 v15, v16;
	s12 =	ssub.s32 s12, s14  }
0xb9: {  	v15 =	vsel vm0, v15, v16;
	s14 =	sshra.s32 s12, $0x1F;
	s15 =	sand.u32 $0xF, s12  }
0xba: {  	vm0 =	veq.s32 v11, v15;
	vm1 =	veq.s32 v12, v15;
	(v2sf) =	vpush v15, $0x0;
	s14 =	sshrl.u32 s14, $0x1C  }
0xbb: {  	vm2 =	veq.s32 v14, v15;
	v11 =	vsel vm0, $0x40000000, v11;
	vm0 =	veq.s32 v13, v15;
	s14 =	sadd.s32 s14, s12  }
0xbc: {  	v12 =	vsel vm1, $0x40000000, v12;
	v14 =	vsel vm2, $0x40000000, v14;
	v13 =	vsel vm0, $0x40000000, v13;
	s16 =	sand.u32 $0xFFFFFFF0, s14  }
0xbd: {  	p3 =	slt.s32 s12, $0x1;
	v15 =	vmov s15;
	vm0 =	vlt.s32 v11, v12;
	vm1 =	vlt.s32 v13, v14;
	p4 =	sne.s32 s12, s16  }
0xbe: {  	v16 =	vsel vm0, v11, v12;
	vm0 =	veq.s32 v15, v7;
	v17 =	vsel vm1, v13, v14;
	p3 =	por !p3, !p4  }
0xbf: {  	s12 =	sshrl.u32 s14, $0x4;
	s14 =	simm.s32 $0x1;
	vm1 =	vlt.s32 v16, v17;
	p3 =	por !p3, !p3  }
0xc0: {  	v15 =	vsel vm1, v16, v17;
	s14 =	simm.s32 @!p3 $0x0  }
0xc1: {  	v16 =	vperm.xlane v15, v3;
	s12 =	ssub.s32 s12, s14  }
0xc2: {  	s12 =	sshll.u32 s12, $0x6  }
0xc3: {  	vm1 =	vlt.s32 v15, v16;
	s12 =	sshra.s32 s12, $0x2  }
0xc4: {  	v15 =	vsel vm1, v15, v16;
	v18 =	vld [tilespmem:s12+$0x400]  }
.Ltmp8:
0xc5: {  	v16 =	vperm.xlane v15, v4;
	(pc) =	sbr.rel @p2 .LBB2_9-.Ltmp8, $4  }
0xc6: {  	_ = 	snop  }
0xc7: {  	vm1 =	vlt.s32 v15, v16  }
0xc8: {  	v16 =	vsel vm1, v15, v16;
	v15 =	vsel vm0, $0x3F800000, v1  }
0xc9: {  	v17 =	vperm.xlane v16, v5;
	s14 =	spop (v2sf);
	v15 =	vadd.f32 v15, v18  }
.Ltmp9:
0xca: {  	_ = 	snop;
	(pc) =	sbr.rel .LBB2_10-.Ltmp9, $1  }
0xcb: {  	_ =	sdelay $0x3  }
.LBB2_7:
.Ltmp10:
0xcc: {  	(pc) =	sbr.rel .LBB2_10-.Ltmp10, $2  }
0xcd: {  	_ =	sdelay $0x2  }
0xce: {  	_ = 	snop  }
.LBB2_13:
0xcf: {  	s10 =	simm.s32 $0x0;
	s12 =	simm.s32 $0x0  }
.LBB2_14:
0xd0: {  	s13 =	sadd.s32 $0x0, s10;
	s14 =	sand.u32 $0xF, s11  }
0xd1: {  	p0 =	seq.s32 s13, $0x0;
	p1 =	sne.s32 s14, $0x0  }
0xd2: {  	p0 =	por !p0, !p1  }
0xd3: {  	s15 =	simm.s32 $0x1;
	p0 =	por !p0, !p0  }
0xd4: {  	s13 =	sshrl.u32 s13, $0x4;
	s15 =	simm.s32 @!p0 $0x0  }
0xd5: {  	s13 =	ssub.s32 s13, s15  }
0xd6: {  	s13 =	sshll.u32 s13, $0x6  }
0xd7: {  	s13 =	sshra.s32 s13, $0x2  }
0xd8: {  	v11 =	vld [tilespmem:s13+$0x400];
	_ =	sdelay $0x2  }
0xd9: {  	v12 =	vmov s14  }
0xda: {  	vm0 =	veq.s32 v12, v7  }
0xdb: {  	v11 =	vnsel vm0, $0x0, v11  }
0xdc: {  	v63 =	vperm.xlane v11, v3;
	_ =	sdelay $0x1  }
0xdd: {  	v11 =	vadd.f32 v63, v11;
	_ =	sdelay $0x1  }
0xde: {  	v12 =	vperm.xlane v11, v4;
	_ =	sdelay $0x1  }
0xdf: {  	v11 =	vadd.f32 v12, v11;
	_ =	sdelay $0x1  }
0xe0: {  	v12 =	vperm.xlane v11, v5;
	_ =	sdelay $0x1  }
0xe1: {  	v11 =	vadd.f32 v12, v11;
	_ =	sdelay $0x1  }
0xe2: {  	v12 =	vperm.xlane v11, v6;
	_ =	sdelay $0x1  }
0xe3: {  	s30 =	sand.u32 $0x1800, s11;
	s31 =	sand.u32 $0x380, s11;
	v11 =	vadd.f32 v12, v11  }
0xe4: {  	s17 =	sor.u32 s31, s30  }
0xe5: {  	[tilespmem:s17+$0x580] =	vst v11  }
0xe6: {  	[tilespmem:s17+$0x590] =	vst v11  }
0xe7: {  	[tilespmem:s17+$0x5A0] =	vst v11  }
0xe8: {  	[tilespmem:s17+$0x5B0] =	vst v11  }
0xe9: {  	[tilespmem:s17+$0x5C0] =	vst v11  }
0xea: {  	[tilespmem:s17+$0x5D0] =	vst v11  }
0xeb: {  	[tilespmem:s17+$0x5E0] =	vst v11  }
0xec: {  	s19 =	sadd.s32 $0x1, s10;
	s16 =	simm.s32 $0x100;
	s15 =	simm.s32 $0x1;
	[tilespmem:s17+$0x5F0] =	vst v11  }
0xed: {  	s14 =	simm.s32 $0x0;
	s18 =	sand.u32 $0xF, s15;
	s13 =	simm.s32 $0x80;
	[tilespmem:s17+$0x980] =	vst v11  }
.LBB2_15:
0xee: {  	p0 =	sne.s32 s16, $0xF80;
	p1 =	seq.s32 s19, $0x0;
	p2 =	sne.s32 s18, $0x0;
	[tilespmem:s17+$0x990] =	vst v11  }
0xef: {  	p1 =	por !p1, !p2;
	[tilespmem:s17+$0x9A0] =	vst v11  }
0xf0: {  	s20 =	simm.s32 $0x1;
	p1 =	por !p1, !p1;
	[tilespmem:s17+$0x9B0] =	vst v11  }
0xf1: {  	s19 =	sshrl.u32 s19, $0x4;
	s20 =	simm.s32 @!p1 $0x0;
	[tilespmem:s17+$0x9C0] =	vst v11  }
0xf2: {  	s19 =	ssub.s32 s19, s20;
	[tilespmem:s17+$0x9D0] =	vst v11  }
0xf3: {  	s19 =	sshll.u32 s19, $0x6;
	[tilespmem:s17+$0x9E0] =	vst v11  }
0xf4: {  	s19 =	sshra.s32 s19, $0x2;
	[tilespmem:s17+$0x9F0] =	vst v11  }
0xf5: {  	v11 =	vld [tilespmem:s19+$0x400];
	_ =	sdelay $0x2  }
0xf6: {  	v12 =	vmov s18  }
0xf7: {  	vm0 =	veq.s32 v12, v7  }
0xf8: {  	v11 =	vnsel vm0, $0x0, v11  }
0xf9: {  	v12 =	vperm.xlane v11, v3;
	_ =	sdelay $0x1  }
0xfa: {  	v11 =	vadd.f32 v12, v11;
	_ =	sdelay $0x1  }
0xfb: {  	v12 =	vperm.xlane v11, v4;
	_ =	sdelay $0x1  }
0xfc: {  	v11 =	vadd.f32 v12, v11;
	_ =	sdelay $0x1  }
0xfd: {  	v12 =	vperm.xlane v11, v5;
	_ =	sdelay $0x1  }
0xfe: {  	v11 =	vadd.f32 v12, v11;
	_ =	sdelay $0x1  }
0xff: {  	v12 =	vperm.xlane v11, v6  }
0x100: {  	s14 =	sadd.s32 $0x100, s14  }
0x101: {  	s18 =	sand.u32 $0x380, s13;
	s13 =	smov.u32 s16;
	s17 =	sand.u32 $0x1800, s14;
	v11 =	vadd.f32 v12, v11  }
0x102: {  	s17 =	sor.u32 s18, s17  }
0x103: {  	[tilespmem:s17+$0x580] =	vst v11  }
0x104: {  	[tilespmem:s17+$0x590] =	vst v11  }
0x105: {  	[tilespmem:s17+$0x5A0] =	vst v11  }
0x106: {  	[tilespmem:s17+$0x5B0] =	vst v11  }
.Ltmp11:
0x107: {  	[tilespmem:s17+$0x5C0] =	vst v11;
	(pc) =	sbr.rel @p0 .LBB2_15-.Ltmp11, $4  }
0x108: {  	[tilespmem:s17+$0x5D0] =	vst v11  }
0x109: {  	[tilespmem:s17+$0x5E0] =	vst v11  }
0x10a: {  	s15 =	sadd.s32 $0x1, s15;
	[tilespmem:s17+$0x5F0] =	vst v11  }
0x10b: {  	s16 =	sadd.s32 $0x80, s16;
	s19 =	sadd.s32 s15, s10;
	s18 =	sand.u32 $0xF, s15;
	[tilespmem:s17+$0x980] =	vst v11  }
0x10c: {  	p0 =	seq.s32 s19, $0x0;
	p1 =	sne.s32 s18, $0x0;
	[tilespmem:s17+$0x990] =	vst v11  }
0x10d: {  	[tilespmem:s17+$0x9A0] =	vst v11;
	p0 =	por !p0, !p1  }
0x10e: {  	[tilespmem:s17+$0x9B0] =	vst v11;
	s15 =	simm.s32 $0x1;
	p0 =	por !p0, !p0  }
0x10f: {  	s16 =	sshrl.u32 s19, $0x4;
	[tilespmem:s17+$0x9C0] =	vst v11;
	s15 =	simm.s32 @!p0 $0x0  }
0x110: {  	[tilespmem:s17+$0x9D0] =	vst v11;
	s15 =	ssub.s32 s16, s15  }
0x111: {  	[tilespmem:s17+$0x9E0] =	vst v11;
	s15 =	sshll.u32 s15, $0x6  }
0x112: {  	[tilespmem:s17+$0x9F0] =	vst v11;
	s15 =	sshra.s32 s15, $0x2  }
0x113: {  	v11 =	vld [tilespmem:s15+$0x400];
	_ =	sdelay $0x2  }
0x114: {  	v12 =	vmov s18  }
0x115: {  	vm0 =	veq.s32 v12, v7  }
0x116: {  	v11 =	vnsel vm0, $0x0, v11  }
0x117: {  	v63 =	vperm.xlane v11, v3;
	_ =	sdelay $0x1  }
0x118: {  	v11 =	vadd.f32 v63, v11;
	_ =	sdelay $0x1  }
0x119: {  	v12 =	vperm.xlane v11, v4;
	_ =	sdelay $0x1  }
0x11a: {  	v11 =	vadd.f32 v12, v11;
	_ =	sdelay $0x1  }
0x11b: {  	v12 =	vperm.xlane v11, v5;
	_ =	sdelay $0x1  }
0x11c: {  	v11 =	vadd.f32 v12, v11;
	_ =	sdelay $0x1  }
0x11d: {  	v12 =	vperm.xlane v11, v6  }
0x11e: {  	s14 =	sadd.s32 $0x100, s14  }
0x11f: {  	s13 =	sand.u32 $0x380, s13;
	s14 =	sand.u32 $0x1800, s14;
	v11 =	vadd.f32 v12, v11  }
0x120: {  	s13 =	sor.u32 s13, s14  }
0x121: {  	[tilespmem:s13+$0x580] =	vst v11  }
0x122: {  	[tilespmem:s13+$0x590] =	vst v11  }
0x123: {  	[tilespmem:s13+$0x5A0] =	vst v11  }
0x124: {  	[tilespmem:s13+$0x5B0] =	vst v11  }
0x125: {  	[tilespmem:s13+$0x5C0] =	vst v11  }
0x126: {  	[tilespmem:s13+$0x5D0] =	vst v11  }
0x127: {  	[tilespmem:s13+$0x5E0] =	vst v11  }
0x128: {  	[tilespmem:s13+$0x5F0] =	vst v11  }
0x129: {  	[tilespmem:s13+$0x980] =	vst v11  }
0x12a: {  	[tilespmem:s13+$0x990] =	vst v11  }
0x12b: {  	[tilespmem:s13+$0x9A0] =	vst v11  }
0x12c: {  	[tilespmem:s13+$0x9B0] =	vst v11  }
0x12d: {  	s30 =	sshll.u32 s12, $0xD;
	[tilespmem:s13+$0x9C0] =	vst v11  }
0x12e: {  	s12 =	sadd.s32 $0x1, s12;
	s14 =	sadd.s32 s5, s30;
	[tilespmem:s13+$0x9D0] =	vst v11  }
0x12f: {  	s14 =	sshrl.u32 s14, $0x3;
	p0 =	sne.s32 s12, $0xA;
	[tilespmem:s13+$0x9E0] =	vst v11  }
.Ltmp12:
0x130: {  	s31 =	sadd.s32 s4, s14;
	[tilespmem:s13+$0x9F0] =	vst v11;
	(pc) =	sbr.rel @p0 .LBB2_14-.Ltmp12, $4  }
0x131: {  	[hbm4b:s31+s3] =	stream.linear.scatter [tilespmem:s8], [sflag:$0x1], $0x2000, $0x38;
	[tilespmem:$0x2580] =	vst v63  }
0x132: {  	_ =	swait.ge [sflag:s7], $0x2000  }
0x133: {  	[sflag:s7] =	ssyncset.done $0x0  }
0x134: {  	s10 =	sadd.s32 $0x20, s10;
	[sflag:s7] =	ssyncadd.s32 $0xFFFFE000  }
0x135: {  	s9 =	sadd.s32 $0x1, s9  }
0x136: {  	p0 =	sne.s32 s9, s6  }
.Ltmp13:
0x137: {  	_ = 	snop;
	(pc) =	sbr.rel @p0 .LBB2_1-.Ltmp13, $1  }
0x138: {  	_ =	sdelay $0x3  }
0x139: {  	_ =	sfence.sel $0x180000  }
0x13a: {  	[bflag:$0x0] =	sbarrier.arrive $0xFFFF  }
0x13b: {  	p0 =	sne.s32 s0, $0x0;
	_ =	strace $0x90000047  }
0x13c: {  	s0 =	sadd.s32 @!p0 $0x100000, s2;
	[bflag:$0x2] =	sbarrier.arrive $0xFFFF  }
0x13d: {  	[sflag:s0] =	ssyncadd.tile.s32 @!p0 $0x1;
	_ =	shalt  }
.Lfunc_end2:
_tile_overlayer_lowered:
.L_overlay_start_2:
0x13e: {  	(tag) =	ssettag $0x2  }
0x13f: {  	s0 =	rddreg [dreg:$0x0];
	s2 =	stileid.u32  }
0x140: {  	s1 =	rddreg [dreg:$0x1];
	p0 =	sne.s32 s2, $0x0  }
0x141: {  	s3 =	rddreg [dreg:$0x2];
	[bflag:$0x3] =	sbarrier.arrive $0xFFFF;
	s2 =	simm.s32 @!p0 $0x1C01  }
0x142: {  	[timem:s3], [sflag:s2] =	dma.local @!p0 [hbm:s0], s1  }
0x143: {  	s0 =	simm.s32 @!p0 $0x1  }
0x144: {  	_ =	swait.ge @!p0 [sflag:s0], s1  }
0x145: {  	s1 =	ssub.s32 @!p0 $0x0, s1;
	[sflag:s0] =	ssyncset.done @!p0 $0x0  }
0x146: {  	[sflag:s0] =	ssyncadd.s32 @!p0 s1  }
0x147: {  	[bflag:$0x3] =	sbarrier.arrive $0xFFFF  }
0x148: {  	_ =	shalt  }

// kernel: kernel.9.cloned.1.call-start
scs
__scs_entry_jumppad:
0x0: {  	(pc) =	sbr.rel $0x88, $3  }
0x1: {  	(tag) =	ssettag $0x0;
	lr =	simm.s32 $0x1  }
0x2: {  	[smem:$0x3F9D] =	sst lr;
	_ =	strace $0xD0000000  }
0x3: {  	_ = 	snop  }
0x4: {  	_ = 	snop  }
0x5: {  	_ = 	snop  }
0x6: {  	_ = 	snop  }
0x7: {  	_ = 	snop  }
__scs_overlays_trampoline_lowered:
0x8: {  	[smem:$0x3FAC] =	sst s0  }
0x9: {  	[smem:$0x3FAD] =	sst s1  }
0xa: {  	[smem:$0x3FAE] =	sst s2  }
0xb: {  	[smem:$0x3FAF] =	sst s3  }
0xc: {  	[smem:$0x3FB0] =	sst s4  }
0xd: {  	[smem:$0x3FB1] =	sst s5  }
0xe: {  	[smem:$0x3FB2] =	sst s6  }
0xf: {  	[smem:$0x3FB3] =	sst s7  }
0x10: {  	[smem:$0x3FB4] =	sst s8  }
0x11: {  	[smem:$0x3FB5] =	sst s9;
	s0 =	simm.s32 @!p0 $0x0  }
0x12: {  	s1 =	sld [smem:$0x3F9B];
	s0 =	simm.s32 @p0 $0x1  }
0x13: {  	[smem:$0x3FB6] =	sst s0;
	s0 =	simm.s32 @!p1 $0x0  }
0x14: {  	s2 =	sld [smem:$0x3F9A];
	s0 =	simm.s32 @p1 $0x1  }
0x15: {  	[smem:$0x3FB7] =	sst s0;
	s0 =	simm.s32 @!p2 $0x0  }
0x16: {  	s3 =	sld [smem:$0x3FDB];
	s0 =	simm.s32 @p2 $0x1  }
0x17: {  	s4 =	simm.s32 $0x1BF5;
	[smem:$0x3FB9] =	sst s0  }
0x18: {  	s0 =	sld [smem:$0x3F9C];
	_ =	swait.ge [sflag:s4], $0x0  }
0x19: {  	s7 =	sld [smem:$0x3F9D]  }
0x1a: {  	s8 =	sadd.s32 $0xFFFFE003, lr  }
0x1b: {  	s9 =	sadd.s32 $0xFFFFFEF7, lr;
	s5 =	simm.s32 $0xFFFFFFFF;
	p2 =	slt.u32 s8, $0xFFFFF086  }
0x1c: {  	p1 =	slt.u32 s9, $0xF7A;
	s5 =	simm.s32 @!p2 $0x0  }
0x1d: {  	s5 =	simm.s32 @p1 $0x1;
	p0 =	seq.s32 s7, s2  }
0x1e: {  	s7 =	smul.u32 @!p0 $0xF7A, s2;
	p2 =	seq.s32 @!p0 s5, $0x0  }
0x1f: {  	s9 =	smul.u32 $0xF7A, s1;
	s8 =	simm.s32 @!p0 $0x1BF5;
	p2 =	por !p2, p0  }
0x20: {  	[sflag:s8] =	ssyncset.s32 @!p0 $0xFFFFF086;
	s6 =	sadd.s32 @!p0 s3, s7;
	s7 =	simm.s32 @!p0 $0x108  }
0x21: {  	s3 =	sadd.s32 s3, s9;
	s6 =	sadd.s32 @!p0 $0x88, s6;
	s7 =	simm.s32 @p2 $0x1082  }
0x22: {  	[simem:s7], [sflag:s8] =	dma.local @!p0 [hbm:s6], $0xF7A  }
0x23: {  	s9 =	sor.u32 $0xD0000000, s2;
	s6 =	simm.s32 $0x108;
	_ =	swait.ge @!p0 [sflag:s8], $0x0  }
0x24: {  	s3 =	sadd.s32 $0x88, s3;
	s6 =	simm.s32 @!p1 $0x1082;
	[sflag:s4] =	ssyncset.s32 $0xFFFFF086  }
0x25: {  	[simem:s6], [sflag:s4] =	dma.local [hbm:s3], $0xF7A  }
0x26: {  	[smem:$0x3F9D] =	sst s1;
	(tag) =	ssettag s2;
	_ =	strace s9  }
0x27: {  	s1 =	sld [smem:$0x3FAD]  }
0x28: {  	s2 =	sld [smem:$0x3FAE]  }
0x29: {  	s4 =	sld [smem:$0x3FB0]  }
0x2a: {  	p0 =	seq.s32 s5, $0x0;
	s5 =	sld [smem:$0x3FB1]  }
0x2b: {  	s6 =	sld [smem:$0x3FB2]  }
0x2c: {  	s7 =	sld [smem:$0x3FB3]  }
0x2d: {  	s3 =	simm.s32 $0x108;
	s8 =	sld [smem:$0x3FB4]  }
0x2e: {  	s3 =	simm.s32 @!p0 $0x1082;
	s9 =	sld [smem:$0x3FB5]  }
0x2f: {  	lr =	sadd.s32 s0, s3;
	s0 =	sld [smem:$0x3FAC]  }
0x30: {  	s3 =	sld [smem:$0x3FAF]  }
0x31: {  	[smem:$0x3FB8] =	sst s10  }
0x32: {  	s10 =	sld [smem:$0x3FB6];
	_ =	sdelay $0x3  }
0x33: {  	p0 =	seq.s32 s10, $0x1;
	s10 =	sld [smem:$0x3FB8];
	_ =	sdelay $0x3  }
0x34: {  	[smem:$0x3FB8] =	sst s10  }
0x35: {  	s10 =	sld [smem:$0x3FB7];
	_ =	sdelay $0x3  }
0x36: {  	p1 =	seq.s32 s10, $0x1;
	s10 =	sld [smem:$0x3FB8];
	_ =	sdelay $0x3  }
0x37: {  	[smem:$0x3FB8] =	sst s10  }
0x38: {  	s10 =	sld [smem:$0x3FB9]  }
0x39: {  	_ = 	snop;
	(pc) =	sbr.ind lr, $3  }
0x3a: {  	_ = 	snop  }
0x3b: {  	_ = 	snop  }
0x3c: {  	p2 =	seq.s32 s10, $0x1;
	s10 =	sld [smem:$0x3FB8]  }
0x3d: {  	_ =	shalt  }
0x3e: {  	_ =	shalt  }
0x3f: {  	_ =	shalt  }
0x40: {  	_ =	shalt  }
0x41: {  	_ =	shalt  }
0x42: {  	_ =	shalt  }
0x43: {  	_ =	shalt  }
0x44: {  	_ =	shalt  }
0x45: {  	_ =	shalt  }
0x46: {  	_ =	shalt  }
0x47: {  	_ =	shalt  }
0x48: {  	_ =	shalt  }
0x49: {  	_ =	shalt  }
0x4a: {  	_ =	shalt  }
0x4b: {  	_ =	shalt  }
0x4c: {  	_ =	shalt  }
0x4d: {  	_ =	shalt  }
0x4e: {  	_ =	shalt  }
0x4f: {  	_ =	shalt  }
0x50: {  	_ =	shalt  }
0x51: {  	_ =	shalt  }
0x52: {  	_ =	shalt  }
0x53: {  	_ =	shalt  }
0x54: {  	_ =	shalt  }
0x55: {  	_ =	shalt  }
0x56: {  	_ =	shalt  }
0x57: {  	_ =	shalt  }
0x58: {  	_ =	shalt  }
0x59: {  	_ =	shalt  }
0x5a: {  	_ =	shalt  }
0x5b: {  	_ =	shalt  }
0x5c: {  	_ =	shalt  }
0x5d: {  	_ =	shalt  }
0x5e: {  	_ =	shalt  }
0x5f: {  	_ =	shalt  }
0x60: {  	_ =	shalt  }
0x61: {  	_ =	shalt  }
0x62: {  	_ =	shalt  }
0x63: {  	_ =	shalt  }
0x64: {  	_ =	shalt  }
0x65: {  	_ =	shalt  }
0x66: {  	_ =	shalt  }
0x67: {  	_ =	shalt  }
0x68: {  	_ =	shalt  }
0x69: {  	_ =	shalt  }
0x6a: {  	_ =	shalt  }
0x6b: {  	_ =	shalt  }
0x6c: {  	_ =	shalt  }
0x6d: {  	_ =	shalt  }
0x6e: {  	_ =	shalt  }
0x6f: {  	_ =	shalt  }
0x70: {  	_ =	shalt  }
0x71: {  	_ =	shalt  }
0x72: {  	_ =	shalt  }
0x73: {  	_ =	shalt  }
0x74: {  	_ =	shalt  }
0x75: {  	_ =	shalt  }
0x76: {  	_ =	shalt  }
0x77: {  	_ =	shalt  }
0x78: {  	_ =	shalt  }
0x79: {  	_ =	shalt  }
0x7a: {  	_ =	shalt  }
0x7b: {  	_ =	shalt  }
0x7c: {  	_ =	shalt  }
0x7d: {  	_ =	shalt  }
0x7e: {  	_ =	shalt  }
0x7f: {  	_ =	shalt  }
0x80: {  	_ =	shalt  }
0x81: {  	_ =	shalt  }
0x82: {  	_ =	shalt  }
0x83: {  	_ =	shalt  }
0x84: {  	_ =	shalt  }
0x85: {  	_ =	shalt  }
0x86: {  	_ =	shalt  }
0x87: {  	_ =	shalt  }
.Lfunc_end0:
.L_simem_size_0:
called_computation.1_lowered:
.L_overlay_start_0:
0x88: {  	s2 =	sld [smem:$0x3FD9]  }
0x89: {  	s3 =	sld [smem:$0x3FFE];
	_ =	sdelay $0x1  }
0x8a: {  	s1 =	srdreg.scid  }
0x8b: {  	s0 =	sand.u32 $0x1, s1  }
0x8c: {  	s14 =	sshll.u32 s0, $0xA;
	s2 =	sadd.s32 s3, s2  }
0x8d: {  	s2 =	sadd.s32 s2, s14  }
0x8e: {  	[smem:$0x3FC4] =	sst s2  }
0x8f: {  	_ = 	snop  }
0x90: {  	s2 =	sld [smem:$0x3FD0];
	_ =	sdelay $0x2  }
0x91: {  	s15 =	simm.s32 $0xA;
	s4 =	simm.s32 $0x10  }
0x92: {  	[smem:s4], [sflag:s15] =	dma.local [hbm:s2], $0x1  }
0x93: {  	_ =	swait.eq [sflag:s15], $0x1  }
0x94: {  	[sflag:s15] =	ssyncset.done $0x0  }
0x95: {  	s16 =	sld [smem:$0x10];
	[sflag:s15] =	ssyncadd.s32 $0xFFFFFFFF  }
0x96: {  	s17 =	sld [smem:$0x11];
	(tm) =	ssettm $0x1  }
0x97: {  	s18 =	sld [smem:$0x3FFB];
	_ =	sdelay $0x3  }
0x98: {  	_ =	strace s18  }
0x99: {  	s4 =	sld [smem:$0x3FFC];
	_ =	sdelay $0x3  }
0x9a: {  	_ =	strace s4  }
0x9b: {  	s4 =	sld [smem:$0x3FFD];
	_ =	sdelay $0x3  }
0x9c: {  	_ =	strace s4  }
0x9d: {  	_ =	strace $0x8FFFFFFF  }
0x9e: {  	s19 =	sld [smem:$0x3FDB];
	_ =	sdelay $0x1  }
0x9f: {  	s5 =	simm.s32 $_scs_section_size  }
0xa0: {  	s6 =	simm.s32 $_size__tile_overlayer_lowered;
	s7 =	simm.s32 $_tile_overlayer_lowered  }
0xa1: {  	s22 =	simm.s32 $0x1BFF;
	s21 =	sshll.u32 s7, $0x1;
	s4 =	sadd.s32 s5, s19  }
0xa2: {  	s8 =	simm.s32 $0x0;
	s20 =	sshll.u32 s6, $0x1;
	s6 =	sadd.s32 s21, s4  }
0xa3: {  	[timem:s8], [sflag:s22] =	dma.local [hbm:s6], s20  }
0xa4: {  	_ =	swait.ge [sflag:s22], s20  }
0xa5: {  	s5 =	ssub.s32 $0x0, s20;
	[sflag:s22] =	ssyncset.done $0x0  }
0xa6: {  	[sflag:s22] =	ssyncadd.s32 s5;
	_ =	sdelay $0x1  }
0xa7: {  	s23 =	simm.s32 $0x1B8B  }
0xa8: {  	_ =	swait.ge [sflag:s23], $0x1  }
0xa9: {  	[sflag:s23] =	ssyncset.done $0x0  }
0xaa: {  	s25 =	simm.s32 $0x1B8E;
	s24 =	sld [smem:$0x3FFE];
	[sflag:s23] =	ssyncadd.s32 $0xFFFFFFFF  }
0xab: {  	s26 =	simm.s32 $execute0_lowered;
	[smem:$0x3FD2] =	sst s25  }
0xac: {  	s6 =	sshll.u32 s26, $0x1;
	_ =	strace $0x80000049;
	[dreg:$0x1] =	wrdreg $0xFFFFFFFF  }
0xad: {  	s28 =	simm.s32 $_size_execute0_lowered;
	s4 =	sadd.s32 s4, s6;
	[dreg:$0x0] =	wrdreg $0x0  }
0xae: {  	s6 =	sshll.u32 s28, $0x1;
	[dreg:$0x2] =	wrdreg s4  }
0xaf: {  	[dreg:$0x3] =	wrdreg s6  }
0xb0: {  	[dreg:$0x4] =	wrdreg $0xC0  }
0xb1: {  	_ =	task [dreg:s8], $0x5FFFF  }
0xb2: {  	[dreg:$0x1] =	wrdreg $0xFFFFFFFF  }
0xb3: {  	[dreg:$0x0] =	wrdreg $0x60  }
0xb4: {  	[dreg:$0x2] =	wrdreg s24  }
0xb5: {  	[dreg:$0x3] =	wrdreg s17  }
0xb6: {  	[dreg:$0x4] =	wrdreg s16  }
0xb7: {  	[dreg:$0x5] =	wrdreg $0x9  }
0xb8: {  	_ =	task.clear_ibuf [dreg:s8], $0x6FFFF;
	_ =	strace $0x90000049  }
0xb9: {  	s29 =	simm.s32 $0x9;
	_ =	strace $0x8000004B  }
0xba: {  	_ =	swait.ge [sflag:s29], $0x1  }
0xbb: {  	[sflag:s29] =	ssyncadd.s32 $0xFFFFFFFF  }
0xbc: {  	_ =	strace $0x9000004B  }
0xbd: {  	_ =	sfence  }
0xbe: {  	s30 =	sld [smem:$0x0];
	_ =	sdelay $0x2  }
0xbf: {  	s31 =	sshll.u32 s1, $0xD;
	s1 =	sshrl.u32 s1, $0x2  }
0xc0: {  	s3 =	sand.u32 $0x4000, s31;
	s1 =	sadd.s32 s1, s30  }
0xc1: {  	s0 =	sor.u32 s3, s0;
	s1 =	sshll.u32 s1, $0x11  }
0xc2: {  	s0 =	sor.u32 s1, s0  }
0xc3: {  	s0 =	sadd.s32 $0x8F2B, s0  }
0xc4: {  	[sflag:s0] =	ssyncadd.remote.s32 $0x1  }
0xc5: {  	_ =	sfence.sel $0xFFFF  }
0xc6: {  	[dreg:$0x0] =	wrdreg $0xFFFFFFFF;
	(pc) =	sbr.abs _section_cstart, $3  }
0xc7: {  	[dreg:$0x1] =	wrdreg $0xFFFFFFFF  }
0xc8: {  	_ =	task.clear_ibuf [dreg:s8], $0x2FFFF;
	_ =	strace $0x9FFFFFFF  }
0xc9: {  	(tm) =	ssettm $0x7FFFFFFF  }
tec
execute0_lowered:
.L_overlay_start_1:
0x0: {  	(tag) =	ssettag $0x1  }
0x1: {  	s1 =	srdreg.scid  }
0x2: {  	s1 =	sand.u32 $0x1, s1  }
0x3: {  	s3 =	stileid.u32;
	s2 =	sshll.u32 s1, $0x4  }
0x4: {  	s0 =	rddreg [dreg:$0x0];
	s2 =	sor.u32 s3, s2  }
0x5: {  	s10 =	simm.s32 $0x0;
	s1 =	ssub.s32 $0x2, s1;
	s4 =	smul.u32 $0x14000, s2  }
0x6: {  	v1 =	vimm.s32 $0xEFCDAB89;
	s28 =	simm.s32 $0x4200;
	s29 =	simm.s32 $0x4A00;
	s16 =	sshrl.u32 s1, $0x1  }
0x7: {  	v2 =	vimm.s32 $0x67452301;
	v5 =	vimm.s32 $0xDCFE98BA;
	[smem:$0x7FF] =	sst s10;
	s1 =	ssub.s32 s1, s16;
	s4 =	sshrl.u32 s4, $0x3  }
0x8: {  	v6 =	vimm.s32 $0x54761032;
	v7 =	vimm.s32 $0xBA98FEDC;
	s5 =	sadd.s32 $0x1C00, s0;
	s26 =	smax.u32 s1, $0x1;
	s0 =	sadd.s32 s4, s0  }
0x9: {  	v8 =	vimm.s32 $0x32107654;
	_ =	strace $0x8000004A;
	[dreg:$0xe] =	wrdreg s26;
	s17 =	sadd.s32 $0xA1C00, s0  }
0xa: {  	v9 =	vimm.s32 $0xFEDCBA98;
	v10 =	vimm.s32 $0x76543210;
	s30 =	simm.s32 $0x5200;
	s18 =	sadd.s32 $0xA2000, s0;
	[dreg:$0x4] =	wrdreg s17  }
0xb: {  	s31 =	simm.s32 $0x5A00;
	vm0 =	vmmov $0xffff;
	v3 =	vunpack.c.l.s4.s8 v1;
	v4 =	vunpack.c.l.s4.s8 v2;
	s19 =	sadd.s32 $0xA2400, s0;
	[dreg:$0x5] =	wrdreg s18  }
0xc: {  	s6 =	simm.s32 $0x7200;
	v1 =	vimm.f32 $0.0e+00;
	v2 =	vimm.s32 $0x0;
	v5 =	vunpack.c.l.s4.s8 v5;
	s20 =	sadd.s32 $0xA2800, s0;
	[dreg:$0x6] =	wrdreg s19  }
0xd: {  	s7 =	simm.s32 $0x7A00;
	v6 =	vunpack.c.l.s4.s8 v6;
	v7 =	vunpack.c.l.s4.s8 v7;
	v8 =	vunpack.c.l.s4.s8 v8;
	s21 =	sadd.s32 $0xA2C00, s0;
	[dreg:$0x7] =	wrdreg s20  }
0xe: {  	s8 =	simm.s32 $0x8200;
	v9 =	vunpack.c.l.s4.s8 v9;
	v10 =	vunpack.c.l.s4.s8 v10;
	v3 =	vunpack.c.0.s8.s32 v3;
	s22 =	sadd.s32 $0xA3000, s0;
	[dreg:$0x8] =	wrdreg s21  }
0xf: {  	s9 =	simm.s32 $0x0;
	v4 =	vunpack.c.0.s8.s32 v4;
	v5 =	vunpack.c.0.s8.s32 v5;
	v6 =	vunpack.c.0.s8.s32 v6;
	s23 =	sadd.s32 $0xA3400, s0;
	[dreg:$0x9] =	wrdreg s22  }
0x10: {  	v7 =	vunpack.c.0.s8.s32 v7;
	v8 =	vunpack.c.0.s8.s32 v8;
	v9 =	vunpack.c.0.s8.s32 v9;
	s2 =	smul.u32 $0x140, s2;
	s24 =	sadd.s32 $0xA3800, s0;
	[dreg:$0xa] =	wrdreg s23  }
.Ltmp0:
0x11: {  	v10 =	vunpack.c.0.s8.s32 v10;
	v3 =	vcombine.low v4, v3;
	v4 =	vcombine.low v6, v5;
	s25 =	sadd.s32 $0xA3C00, s0;
	[dreg:$0xb] =	wrdreg s24;
	(pc) =	sbr.rel .LBB2_1-.Ltmp0, $4  }
0x12: {  	s1 =	simm.s32 $0x6A00;
	v5 =	vcombine.low v8, v7;
	v7 =	vand.u32 $0xF, v9;
	v6 =	vlaneseq.u32;
	s0 =	sadd.s32 $0xA4000, s0;
	[dreg:$0xc] =	wrdreg s25  }
0x13: {  	v0 =	vmov s2;
	s26 =	simm.s32 $0x3A00;
	v7 =	vcombine.low v7, v10;
	v8 =	vor.u32 $0x10, v6;
	[dreg:$0xd] =	wrdreg s0;
	s19 =	simm.s32 $0x1  }
0x14: {  	v9 =	vor.u32 $0x20, v6;
	v10 =	vor.u32 $0x30, v6;
	v12 =	vshrl.u32 v6, $0x3;
	s21 =	simm.s32 $0x1200;
	s22 =	simm.s32 $0x1A00;
	s23 =	simm.s32 $0x2200  }
0x15: {  	v11 =	vand.u32 $0x7, v6;
	v13 =	vor.u32 $0x8, v6;
	v12 =	vmul.u32 $0x8, v12;
	s24 =	simm.s32 $0x2A00;
	s25 =	simm.s32 $0x3200;
	s0 =	simm.s32 $0x6200  }
.LBB2_25:
0x16: {  	[tilespmem:s13+$0x8E70] =	vst v14;
	s9 =	rddreg [dreg:$0xf]  }
.LBB2_21:
0x17: {  	s10 =	simm.s32 $0x0;
	s2 =	rddreg [dreg:$0x4];
	s3 =	simm.s32 $0x8A00  }
0x18: {  	[hbm4b:s2+s10] =	stream.linear.scatter [tilespmem:s3], [sflag:$0x2], $0x2000, $0x38;
	[tilespmem:$0x1CA00] =	vst v63  }
0x19: {  	s3 =	simm.s32 $0x2  }
0x1a: {  	_ =	swait.ge [sflag:s3], $0x2000  }
0x1b: {  	[sflag:s3] =	ssyncset.done $0x0  }
0x1c: {  	s4 =	simm.s32 $0xAA00;
	s11 =	rddreg [dreg:$0x5];
	[sflag:s3] =	ssyncadd.s32 $0xFFFFE000  }
0x1d: {  	[hbm4b:s11+s10] =	stream.linear.scatter [tilespmem:s4], [sflag:$0x2], $0x2000, $0x38;
	[tilespmem:$0x1CA00] =	vst v63  }
0x1e: {  	_ =	swait.ge [sflag:s3], $0x2000  }
0x1f: {  	[sflag:s3] =	ssyncset.done $0x0  }
0x20: {  	s13 =	simm.s32 $0xCA00;
	s12 =	rddreg [dreg:$0x6];
	[sflag:s3] =	ssyncadd.s32 $0xFFFFE000  }
0x21: {  	[hbm4b:s12+s10] =	stream.linear.scatter [tilespmem:s13], [sflag:$0x2], $0x2000, $0x38;
	[tilespmem:$0x1CA00] =	vst v63  }
0x22: {  	_ =	swait.ge [sflag:s3], $0x2000  }
0x23: {  	[sflag:s3] =	ssyncset.done $0x0  }
0x24: {  	s15 =	simm.s32 $0xEA00;
	s14 =	rddreg [dreg:$0x7];
	[sflag:s3] =	ssyncadd.s32 $0xFFFFE000  }
0x25: {  	[hbm4b:s14+s10] =	stream.linear.scatter [tilespmem:s15], [sflag:$0x2], $0x2000, $0x38;
	[tilespmem:$0x1CA00] =	vst v63  }
0x26: {  	_ =	swait.ge [sflag:s3], $0x2000  }
0x27: {  	[sflag:s3] =	ssyncset.done $0x0  }
0x28: {  	s17 =	simm.s32 $0x10A00;
	s16 =	rddreg [dreg:$0x8];
	[sflag:s3] =	ssyncadd.s32 $0xFFFFE000  }
0x29: {  	[hbm4b:s16+s10] =	stream.linear.scatter [tilespmem:s17], [sflag:$0x2], $0x2000, $0x38;
	[tilespmem:$0x1CA00] =	vst v63  }
0x2a: {  	_ =	swait.ge [sflag:s3], $0x2000  }
0x2b: {  	[sflag:s3] =	ssyncset.done $0x0  }
0x2c: {  	s20 =	simm.s32 $0x12A00;
	s18 =	rddreg [dreg:$0x9];
	[sflag:s3] =	ssyncadd.s32 $0xFFFFE000  }
0x2d: {  	[hbm4b:s18+s10] =	stream.linear.scatter [tilespmem:s20], [sflag:$0x2], $0x2000, $0x38;
	[tilespmem:$0x1CA00] =	vst v63  }
0x2e: {  	_ =	swait.ge [sflag:s3], $0x2000  }
0x2f: {  	[sflag:s3] =	ssyncset.done $0x0  }
0x30: {  	s12 =	simm.s32 $0x14A00;
	s11 =	rddreg [dreg:$0xa];
	[sflag:s3] =	ssyncadd.s32 $0xFFFFE000  }
0x31: {  	[hbm4b:s11+s10] =	stream.linear.scatter [tilespmem:s12], [sflag:$0x2], $0x2000, $0x38;
	[tilespmem:$0x1CA00] =	vst v63  }
0x32: {  	_ =	swait.ge [sflag:s3], $0x2000  }
0x33: {  	[sflag:s3] =	ssyncset.done $0x0  }
0x34: {  	s14 =	simm.s32 $0x16A00;
	s13 =	rddreg [dreg:$0xb];
	[sflag:s3] =	ssyncadd.s32 $0xFFFFE000  }
0x35: {  	[hbm4b:s13+s10] =	stream.linear.scatter [tilespmem:s14], [sflag:$0x2], $0x2000, $0x38;
	[tilespmem:$0x1CA00] =	vst v63  }
0x36: {  	_ =	swait.ge [sflag:s3], $0x2000  }
0x37: {  	[sflag:s3] =	ssyncset.done $0x0  }
0x38: {  	s16 =	simm.s32 $0x18A00;
	s15 =	rddreg [dreg:$0xc];
	[sflag:s3] =	ssyncadd.s32 $0xFFFFE000  }
0x39: {  	[hbm4b:s15+s10] =	stream.linear.scatter [tilespmem:s16], [sflag:$0x2], $0x2000, $0x38;
	[tilespmem:$0x1CA00] =	vst v63  }
0x3a: {  	_ =	swait.ge [sflag:s3], $0x2000  }
0x3b: {  	[sflag:s3] =	ssyncset.done $0x0  }
0x3c: {  	s18 =	simm.s32 $0x1AA00;
	s17 =	rddreg [dreg:$0xd];
	[sflag:s3] =	ssyncadd.s32 $0xFFFFE000  }
0x3d: {  	[hbm4b:s17+s10] =	stream.linear.scatter [tilespmem:s18], [sflag:$0x2], $0x2000, $0x38;
	[tilespmem:$0x1CA00] =	vst v63  }
0x3e: {  	_ =	swait.ge [sflag:s3], $0x2000  }
0x3f: {  	s9 =	sadd.s32 $0x1, s9;
	s20 =	rddreg [dreg:$0xe]  }
0x40: {  	p0 =	seq.s32 s9, s20  }
.Ltmp1:
0x41: {  	_ = 	snop;
	(pc) =	sbr.rel @p0 .LBB2_22-.Ltmp1, $3  }
0x42: {  	_ =	sdelay $0x1  }
0x43: {  	[sflag:s3] =	ssyncset.done $0x0  }
0x44: {  	[sflag:s3] =	ssyncadd.s32 $0xFFFFE000  }
.LBB2_1:
0x45: {  	s2 =	simm.s32 $0x0  }
0x46: {  	s4 =	sand.u32 $0x400, s10;
	s18 =	simm.s32 $0x0;
	s2 =	sand.u32 $0x1F800, s2  }
0x47: {  	[dreg:$0xf] =	wrdreg s9;
	s9 =	sand.u32 $0x380, s18;
	s2 =	sor.u32 s4, s2  }
0x48: {  	s20 =	sand.u32 $0x70, s10;
	s2 =	sor.u32 s9, s2  }
0x49: {  	s4 =	sor.u32 s20, s2  }
0x4a: {  	s9 =	simm.s32 $0x0;
	s2 =	simm.s32 $0x1;
	[tilespmem:s4+$0x8A00] =	vst v1;
	s4 =	simm.s32 $0x80  }
.LBB2_2:
0x4b: {  	s10 =	sshll.u32 s2, $0x4;
	p0 =	sne.s32 s2, $0x13FF  }
0x4c: {  	s11 =	smov.u32 s2;
	s2 =	sadd.s32 $0x1, s2;
	s12 =	sand.u32 $0x400, s4  }
.Ltmp2:
0x4d: {  	s10 =	sand.u32 $0x1F800, s10;
	s11 =	sshll.u32 s11, $0x3;
	(pc) =	sbr.rel @p0 .LBB2_2-.Ltmp2, $4  }
0x4e: {  	s9 =	sadd.s32 $0x10, s9;
	s11 =	sand.u32 $0x380, s11;
	s10 =	sor.u32 s12, s10  }
0x4f: {  	s12 =	sand.u32 $0x70, s9;
	s10 =	sor.u32 s11, s10  }
0x50: {  	s10 =	sor.u32 s12, s10  }
0x51: {  	s4 =	sadd.s32 $0x80, s4;
	[tilespmem:s10+$0x8A00] =	vst v1  }
0x52: {  	[tilespmem:$0x800] =	vst v2  }
0x53: {  	[tilespmem:$0x810] =	vst v2  }
0x54: {  	[tilespmem:$0x820] =	vst v2  }
0x55: {  	[tilespmem:$0x830] =	vst v2  }
0x56: {  	[tilespmem:$0x840] =	vst v2  }
0x57: {  	[tilespmem:$0x850] =	vst v2  }
0x58: {  	[tilespmem:$0x860] =	vst v2  }
0x59: {  	[tilespmem:$0x870] =	vst v2  }
.Ltmp3:
0x5a: {  	[tilespmem:$0x880] =	vst v2;
	(pc) =	sbr.rel .LBB2_4-.Ltmp3, $4  }
0x5b: {  	[tilespmem:$0x890] =	vst v2  }
0x5c: {  	[tilespmem:$0x8A0] =	vst v2  }
0x5d: {  	[tilespmem:$0x8B0] =	vst v2  }
0x5e: {  	[tilespmem:$0x8C0] =	vst v2;
	s10 =	simm.s32 $0x0;
	s12 =	simm.s32 $0x0  }
.LBB2_19:
0x5f: {  	s12 =	sadd.s32 $0x1, s12  }
0x60: {  	p0 =	sne.s32 s12, $0xA0  }
.Ltmp4:
0x61: {  	_ = 	snop;
	(pc) =	sbr.rel @!p0 .LBB2_20-.Ltmp4, $1  }
0x62: {  	_ =	sdelay $0x3  }
.LBB2_4:
0x63: {  	s2 =	sshll.u32 s12, $0x7;
	s3 =	rddreg [dreg:$0x1]  }
0x64: {  	s9 =	simm.s32 $0x0;
	s17 =	simm.s32 $0x2;
	s4 =	sadd.s32 s3, s2  }
0x65: {  	[tilespmem:s9], [sflag:$0x2] =	stream.linear.gather [hbm4b:s4+s9], $0x400, $0x38;
	[tilespmem:$0x1CA00] =	vst v63  }
0x66: {  	_ =	swait.ge [sflag:s17], $0x400  }
0x67: {  	[sflag:s17] =	ssyncset.done $0x0  }
0x68: {  	[sflag:s17] =	ssyncadd.s32 $0xFFFFFC00  }
0x69: {  	s18 =	rddreg [dreg:$0x2]  }
.Ltmp5:
0x6a: {  	s20 =	simm.s32 $0x400;
	s2 =	sadd.s32 s18, s2;
	(pc) =	sbr.rel .LBB2_5-.Ltmp5, $4  }
0x6b: {  	[tilespmem:s20], [sflag:$0x2] =	stream.linear.gather [hbm4b:s2+s9], $0x400, $0x38;
	[tilespmem:$0x1CA00] =	vst v63  }
0x6c: {  	_ =	swait.ge [sflag:s17], $0x400  }
0x6d: {  	[sflag:s17] =	ssyncset.done $0x0  }
0x6e: {  	s13 =	simm.s32 $0x0;
	[sflag:s17] =	ssyncadd.s32 $0xFFFFFC00  }
.LBB2_18:
0x6f: {  	s13 =	sadd.s32 $0x1, s13  }
0x70: {  	p0 =	sne.s32 s13, $0x10  }
.Ltmp6:
0x71: {  	_ = 	snop;
	(pc) =	sbr.rel @!p0 .LBB2_19-.Ltmp6, $1  }
0x72: {  	_ =	sdelay $0x3  }
.LBB2_5:
0x73: {  	s4 =	sshll.u32 s13, $0x6  }
0x74: {  	v14 =	vld [tilespmem:s4+$0x400]  }
0x75: {  	v15 =	vld [tilespmem:s4+$0x410]  }
0x76: {  	v17 =	vld [tilespmem:s4+$0x420]  }
0x77: {  	v18 =	vld [tilespmem:s4+$0x430];
	_ =	sdelay $0x3  }
0x78: {  	v14 =	vsub.s32 v14, v0;
	v16 =	vsub.s32 v15, v0;
	v15 =	vsub.s32 v17, v0  }
0x79: {  	v17 =	vsub.s32 v18, v0;
	vm4 =	vlt.u32 v14, $0x140;
	vm1 =	vlt.u32 v16, $0x140  }
0x7a: {  	vm2 =	vlt.u32 v15, $0x140;
	v18 =	vsel vm4, $0x1, v2;
	v19 =	vsel vm1, $0x1, v2  }
0x7b: {  	vm3 =	vlt.u32 v17, $0x140;
	v18 =	vadd.s32 v18, v19;
	v19 =	vsel vm2, $0x1, v2  }
0x7c: {  	v18 =	vadd.s32 v19, v18;
	v19 =	vsel vm3, $0x1, v2  }
0x7d: {  	v18 =	vadd.s32 v19, v18  }
0x7e: {  	v19 =	vperm.xlane v18, v3;
	_ =	sdelay $0x1  }
0x7f: {  	v18 =	vadd.s32 v19, v18  }
0x80: {  	v19 =	vperm.xlane v18, v4;
	_ =	sdelay $0x1  }
0x81: {  	v18 =	vadd.s32 v19, v18  }
0x82: {  	v19 =	vperm.xlane v18, v5;
	_ =	sdelay $0x1  }
0x83: {  	v18 =	vadd.s32 v19, v18  }
0x84: {  	v19 =	vperm.xlane v18, v7;
	_ =	sdelay $0x1  }
0x85: {  	v18 =	vadd.s32 v19, v18  }
0x86: {  	(v2sf) =	vpush v18, $0x0;
	_ =	sdelay $0xe  }
0x87: {  	s2 =	spop (v2sf)  }
0x88: {  	p0 =	slt.s32 s2, $0x1  }
.Ltmp7:
0x89: {  	_ = 	snop;
	(pc) =	sbr.rel @p0 .LBB2_14-.Ltmp7, $1  }
0x8a: {  	_ =	sdelay $0x3  }
0x8b: {  	v18 =	vld [tilespmem:s4+$0x0];
	s9 =	sor.u32 $0x20, s4  }
0x8c: {  	s14 =	sor.u32 $0x10, s4;
	v19 =	vld [tilespmem:s9+$0x0]  }
0x8d: {  	s18 =	sor.u32 $0x30, s4;
	v20 =	vld [tilespmem:s14+$0x0]  }
0x8e: {  	v21 =	vld [tilespmem:s18+$0x0];
	_ =	sdelay $0x1  }
0x8f: {  	v14 =	vshll.u32 v14, $0x6;
	v16 =	vshll.u32 v16, $0x6  }
0x90: {  	v15 =	vshll.u32 v15, $0x6;
	v17 =	vshll.u32 v17, $0x6;
	v18 =	vshll.u32 v18, $0xF  }
0x91: {  	v14 =	vadd.s32 v14, v18;
	v18 =	vshll.u32 v20, $0xF;
	v19 =	vshll.u32 v19, $0xF  }
0x92: {  	v20 =	vshll.u32 v21, $0xF;
	v14 =	vor.u32 v6, v14;
	v16 =	vadd.s32 v16, v18  }
0x93: {  	v15 =	vadd.s32 v15, v19;
	v17 =	vadd.s32 v17, v20;
	v14 =	vnsel vm4, $0x40000000, v14  }
0x94: {  	v16 =	vor.u32 v8, v16;
	v15 =	vor.u32 v9, v15;
	v17 =	vor.u32 v10, v17  }
0x95: {  	p2 =	sne.s32 s2, $0x1;
	v16 =	vnsel vm1, $0x40000000, v16;
	v15 =	vnsel vm2, $0x40000000, v15;
	v17 =	vnsel vm3, $0x40000000, v17  }
.Ltmp8:
0x96: {  	vm1 =	vlt.s32 v14, v16;
	vm2 =	vlt.s32 v15, v17;
	(pc) =	sbr.rel @!p2 .LBB2_7-.Ltmp8, $4  }
0x97: {  	v18 =	vsel vm1, v14, v16;
	v19 =	vsel vm2, v15, v17  }
0x98: {  	s20 =	sshll.u32 s10, $0x2;
	s10 =	sadd.s32 s10, s2;
	vm1 =	vlt.s32 v18, v19  }
0x99: {  	s2 =	sadd.s32 $0xFFFFFFFF, s2;
	p0 =	por $0x0, $0x0;
	s4 =	sshra.s32 s20, $0x2;
	v20 =	vsel vm1, v18, v19  }
0x9a: {  	p1 =	por $0x0, $0x0;
	s20 =	sadd.s32 $0x900, s4;
	s15 =	sadd.s32 $0x800, s4;
	v21 =	vperm.xlane v20, v3  }
0x9b: {  	_ = 	snop  }
0x9c: {  	vm1 =	vlt.s32 v20, v21  }
0x9d: {  	v18 =	vsel vm1, v20, v21  }
0x9e: {  	v19 =	vperm.xlane v18, v4;
	_ =	sdelay $0x1  }
0x9f: {  	vm1 =	vlt.s32 v18, v19  }
0xa0: {  	v18 =	vsel vm1, v18, v19  }
0xa1: {  	v19 =	vperm.xlane v18, v5;
	_ =	sdelay $0x1  }
0xa2: {  	vm1 =	vlt.s32 v18, v19  }
0xa3: {  	v18 =	vsel vm1, v18, v19  }
0xa4: {  	v19 =	vperm.xlane v18, v7;
	_ =	sdelay $0x1  }
0xa5: {  	vm1 =	vlt.s32 v18, v19  }
0xa6: {  	v19 =	vsel vm1, v18, v19  }
0xa7: {  	vm1 =	veq.s32 v14, v19;
	vm2 =	veq.s32 v15, v19  }
0xa8: {  	vm3 =	veq.s32 v16, v19;
	v18 =	vsel vm2, $0x40000000, v15;
	vm2 =	veq.s32 v17, v19  }
0xa9: {  	p2 =	sne.s32 s2, $0x1;
	v15 =	vsel vm1, $0x40000000, v14;
	v16 =	vsel vm3, $0x40000000, v16;
	v17 =	vsel vm2, $0x40000000, v17  }
.Ltmp9:
0xaa: {  	vm1 =	vlt.s32 v15, v16;
	vm2 =	vlt.s32 v18, v17;
	(pc) =	sbr.rel @!p2 .LBB2_9-.Ltmp9, $4  }
0xab: {  	v14 =	vsel vm1, v15, v16;
	v20 =	vsel vm2, v18, v17  }
0xac: {  	vm1 =	vlt.s32 v14, v20  }
0xad: {  	v20 =	vsel vm1, v14, v20  }
0xae: {  	s2 =	sadd.s32 $0xFFFFFFFF, s2;
	p0 =	por $0x1, $0x1;
	(v2sf) =	vpush v19, $0x0;
	v21 =	vperm.xlane v20, v3  }
0xaf: {  	_ =	sdelay $0x7  }
0xb0: {  	vm1 =	vlt.s32 v20, v21  }
0xb1: {  	v14 =	vsel vm1, v20, v21  }
0xb2: {  	v19 =	vperm.xlane v14, v4;
	_ =	sdelay $0x1  }
0xb3: {  	vm1 =	vlt.s32 v14, v19  }
0xb4: {  	v14 =	vsel vm1, v14, v19  }
0xb5: {  	v19 =	vperm.xlane v14, v5;
	s4 =	spop (v2sf)  }
0xb6: {  	s9 =	sand.u32 $0x3F, s4  }
0xb7: {  	vm1 =	vlt.s32 v14, v19;
	s17 =	sshra.s32 s4, $0x1F;
	p1 =	slt.s32 s4, $0x1;
	p2 =	sne.s32 s9, $0x0  }
0xb8: {  	v14 =	vsel vm1, v14, v19;
	s17 =	sshrl.u32 s17, $0x1A;
	p1 =	por !p1, !p2  }
0xb9: {  	v19 =	vperm.xlane v14, v7;
	s9 =	simm.s32 $0x1;
	s4 =	sadd.s32 s17, s4;
	p1 =	por !p1, !p1  }
0xba: {  	s4 =	sshra.s32 s4, $0x6;
	s9 =	simm.s32 @!p1 $0x0  }
0xbb: {  	vm1 =	vlt.s32 v14, v19;
	s4 =	ssub.s32 s4, s9  }
0xbc: {  	v19 =	vsel vm1, v14, v19;
	s9 =	sshra.s32 s4, $0x1F  }
0xbd: {  	vm1 =	veq.s32 v15, v19;
	vm2 =	veq.s32 v18, v19;
	(v2sf) =	vpush v19, $0x0;
	s9 =	sshrl.u32 s9, $0x17  }
0xbe: {  	vm3 =	veq.s32 v16, v19;
	v14 =	vsel vm2, $0x40000000, v18;
	vm2 =	veq.s32 v17, v19;
	s9 =	sadd.s32 s9, s4  }
0xbf: {  	v15 =	vsel vm1, $0x40000000, v15;
	v16 =	vsel vm3, $0x40000000, v16;
	v17 =	vsel vm2, $0x40000000, v17;
	s18 =	sand.u32 $0xFFFFFE00, s9  }
0xc0: {  	vm1 =	vlt.s32 v15, v16;
	p2 =	sne.s32 s2, $0x1;
	vm2 =	vlt.s32 v14, v17;
	p5 =	slt.s32 s4, $0x1;
	p6 =	sne.s32 s4, s18  }
.Ltmp10:
0xc1: {  	v18 =	vsel vm1, v15, v16;
	v20 =	vsel vm2, v14, v17;
	p1 =	por !p5, !p6;
	(pc) =	sbr.rel @!p2 .LBB2_11-.Ltmp10, $4  }
0xc2: {  	s17 =	simm.s32 $0x1;
	vm1 =	vlt.s32 v18, v20;
	p1 =	por !p1, !p1  }
0xc3: {  	v20 =	vsel vm1, v18, v20;
	s9 =	sshra.s32 s9, $0x9;
	s4 =	sand.u32 $0x1FF, s4;
	s17 =	simm.s32 @!p1 $0x0  }
0xc4: {  	s2 =	sadd.s32 $0xFFFFFFFF, s2;
	v21 =	vperm.xlane v20, v3;
	v18 =	vmov s4;
	s4 =	smov.u32 s15;
	s9 =	ssub.s32 s9, s17  }
0xc5: {  	p1 =	por $0x1, $0x1;
	s17 =	smov.u32 s20;
	v19 =	vmov s9;
	s9 =	smov.u32 s20  }
.LBB2_12:
0xc6: {  	p2 =	sne.s32 s2, $0x1;
	vm1 =	vlt.s32 v20, v21;
	[tilespmem:s4+$0x0] =	vst v19;
	s17 =	sadd.s32 $0x1, s17;
	s4 =	sadd.s32 $0x1, s4  }
0xc7: {  	s2 =	sadd.s32 $0xFFFFFFFF, s2;
	v19 =	vsel vm1, v20, v21;
	[tilespmem:s9+$0x0] =	vst v18;
	s9 =	smov.u32 s17  }
0xc8: {  	v18 =	vperm.xlane v19, v4;
	_ =	sdelay $0x1  }
0xc9: {  	vm1 =	vlt.s32 v19, v18  }
0xca: {  	v18 =	vsel vm1, v19, v18  }
0xcb: {  	v19 =	vperm.xlane v18, v5;
	s3 =	spop (v2sf)  }
0xcc: {  	s16 =	sshra.s32 s3, $0x1F;
	p3 =	slt.s32 s3, $0x1;
	s11 =	sand.u32 $0x3F, s3  }
0xcd: {  	vm1 =	vlt.s32 v18, v19;
	s16 =	sshrl.u32 s16, $0x1A;
	p4 =	sne.s32 s11, $0x0  }
0xce: {  	v18 =	vsel vm1, v18, v19;
	s3 =	sadd.s32 s16, s3;
	p3 =	por !p3, !p4  }
0xcf: {  	s11 =	simm.s32 $0x1;
	v19 =	vperm.xlane v18, v7;
	s3 =	sshra.s32 s3, $0x6;
	p3 =	por !p3, !p3  }
0xd0: {  	s11 =	simm.s32 @!p3 $0x0  }
0xd1: {  	vm1 =	vlt.s32 v18, v19;
	s3 =	ssub.s32 s3, s11  }
0xd2: {  	v18 =	vsel vm1, v18, v19;
	s11 =	sshra.s32 s3, $0x1F;
	s16 =	sand.u32 $0x1FF, s3  }
0xd3: {  	vm1 =	veq.s32 v15, v18;
	vm2 =	veq.s32 v14, v18;
	(v2sf) =	vpush v18, $0x0;
	s11 =	sshrl.u32 s11, $0x17  }
0xd4: {  	vm3 =	veq.s32 v16, v18;
	v14 =	vsel vm2, $0x40000000, v14;
	vm2 =	veq.s32 v17, v18;
	s11 =	sadd.s32 s11, s3  }
0xd5: {  	p3 =	slt.s32 s3, $0x1;
	v15 =	vsel vm1, $0x40000000, v15;
	v16 =	vsel vm3, $0x40000000, v16;
	v17 =	vsel vm2, $0x40000000, v17;
	s18 =	sand.u32 $0xFFFFFE00, s11  }
0xd6: {  	vm1 =	vlt.s32 v15, v16;
	vm2 =	vlt.s32 v14, v17;
	p4 =	sne.s32 s3, s18  }
.Ltmp11:
0xd7: {  	v18 =	vsel vm1, v15, v16;
	v19 =	vsel vm2, v14, v17;
	p3 =	por !p3, !p4;
	(pc) =	sbr.rel @p2 .LBB2_12-.Ltmp11, $4  }
0xd8: {  	s3 =	sshra.s32 s11, $0x9;
	s11 =	simm.s32 $0x1;
	vm1 =	vlt.s32 v18, v19;
	p3 =	por !p3, !p3  }
0xd9: {  	v20 =	vsel vm1, v18, v19;
	s11 =	simm.s32 @!p3 $0x0  }
0xda: {  	v21 =	vperm.xlane v20, v3;
	s3 =	ssub.s32 s3, s11  }
0xdb: {  	v18 =	vmov s16;
	v19 =	vmov s3  }
.LBB2_13:
0xdc: {  	vm1 =	vlt.s32 v20, v21  }
0xdd: {  	v14 =	vsel vm1, v20, v21  }
0xde: {  	v15 =	vperm.xlane v14, v4;
	_ =	sdelay $0x1  }
0xdf: {  	vm1 =	vlt.s32 v14, v15  }
0xe0: {  	v14 =	vsel vm1, v14, v15  }
0xe1: {  	v15 =	vperm.xlane v14, v5;
	_ =	sdelay $0x1  }
0xe2: {  	vm1 =	vlt.s32 v14, v15  }
0xe3: {  	v14 =	vsel vm1, v14, v15  }
0xe4: {  	v15 =	vperm.xlane v14, v7;
	_ =	sdelay $0x1  }
0xe5: {  	vm1 =	vlt.s32 v14, v15  }
0xe6: {  	v14 =	vsel vm1, v14, v15  }
0xe7: {  	(v2sf) =	vpush v14, $0x0;
	_ =	sdelay $0x7  }
0xe8: {  	s2 =	spop @p0 (v2sf)  }
0xe9: {  	s3 =	sand.u32 @p0 $0x3F, s2  }
0xea: {  	p2 =	slt.s32 @p0 s2, $0x1;
	p3 =	sne.s32 @p0 s3, $0x0  }
0xeb: {  	s3 =	sshra.s32 @p0 s2, $0x1F;
	p2 =	por @p0 !p2, !p3  }
0xec: {  	s3 =	sshrl.u32 @p0 s3, $0x1A;
	p2 =	por @p0 !p2, !p2  }
0xed: {  	s2 =	sadd.s32 @p0 s3, s2;
	s3 =	simm.s32 $0x1;
	p2 =	por !p2, !p0  }
0xee: {  	s2 =	sshra.s32 @p0 s2, $0x6;
	s3 =	simm.s32 @p2 $0x0  }
0xef: {  	s2 =	ssub.s32 @p0 s2, s3;
	s11 =	spop (v2sf)  }
0xf0: {  	s3 =	sshra.s32 @p0 s2, $0x1F;
	s14 =	sand.u32 $0x3F, s11  }
0xf1: {  	s16 =	sshra.s32 s11, $0x1F;
	p3 =	slt.s32 s11, $0x1;
	p4 =	sne.s32 s14, $0x0  }
0xf2: {  	s3 =	sshrl.u32 @p0 s3, $0x17;
	s16 =	sshrl.u32 s16, $0x1A;
	p2 =	por !p3, !p4  }
0xf3: {  	s11 =	sadd.s32 s16, s11;
	s16 =	simm.s32 $0x1;
	p2 =	por !p2, !p2  }
0xf4: {  	s3 =	sadd.s32 @p0 s3, s2;
	s11 =	sshra.s32 s11, $0x6;
	s16 =	simm.s32 @!p2 $0x0  }
0xf5: {  	s14 =	smov.u32 s20;
	p2 =	slt.s32 @p0 s2, $0x1;
	s11 =	ssub.s32 s11, s16  }
0xf6: {  	s16 =	sadd.s32 @p1 $0x1, s17;
	s17 =	sand.u32 @p0 $0xFFFFFE00, s3;
	s18 =	sshra.s32 s11, $0x1F  }
0xf7: {  	s3 =	sshra.s32 @p0 s3, $0x9;
	p3 =	sne.s32 @p0 s2, s17;
	s17 =	sshrl.u32 s18, $0x17  }
0xf8: {  	s14 =	smov.u32 @p1 s16;
	p2 =	por @p0 !p2, !p3;
	s17 =	sadd.s32 s17, s11  }
0xf9: {  	p6 =	slt.s32 s11, $0x1;
	p2 =	por @p0 !p2, !p2;
	s16 =	sand.u32 $0xFFFFFE00, s17  }
0xfa: {  	p2 =	por !p2, !p0;
	p5 =	sne.s32 s11, s16;
	s16 =	simm.s32 $0x1  }
0xfb: {  	s2 =	sand.u32 @p0 $0x1FF, s2;
	s18 =	sadd.s32 @p1 $0x1, s4;
	s16 =	simm.s32 @p2 $0x0  }
0xfc: {  	[tilespmem:s4+$0x0] =	vst @p1 v19;
	s4 =	simm.s32 $0x1;
	p2 =	por !p6, !p5;
	s3 =	ssub.s32 @p0 s3, s16  }
0xfd: {  	s17 =	sshra.s32 s17, $0x9;
	p2 =	por !p2, !p2;
	v14 =	vmov @p0 s3;
	s3 =	smov.u32 s15  }
0xfe: {  	[tilespmem:s9+$0x0] =	vst @p1 v18;
	v15 =	vmov @p0 s2;
	s16 =	smov.u32 @p0 s14;
	s4 =	simm.s32 @!p2 $0x0;
	v14 =	vpsel p0, v14, v0;
	s3 =	smov.u32 @p1 s18  }
0xff: {  	v15 =	vpsel p0, v15, v0;
	s9 =	smov.u32 @p0 s16;
	s2 =	ssub.s32 s17, s4;
	[tilespmem:s3+$0x0] =	vst @p0 v14;
	s3 =	sadd.s32 @p0 $0x1, s3  }
0x100: {  	s4 =	sadd.s32 @p0 $0x1, s14;
	s18 =	sand.u32 $0x1FF, s11;
	v14 =	vmov s2;
	[tilespmem:s9+$0x0] =	vst @p0 v15;
	s15 =	smov.u32 @p0 s3  }
0x101: {  	s20 =	smov.u32 @p0 s4;
	v15 =	vmov s18;
	[tilespmem:s15+$0x0] =	vst v14  }
0x102: {  	[tilespmem:s20+$0x0] =	vst v15  }
.LBB2_14:
0x103: {  	p0 =	slt.s32 s10, $0x80  }
.Ltmp12:
0x104: {  	_ = 	snop;
	(pc) =	sbr.rel @p0 .LBB2_18-.Ltmp12, $1  }
0x105: {  	_ =	sdelay $0x3  }
0x106: {  	v14 =	vld [tilespmem:$0x800];
	_ =	sdelay $0x4  }
0x107: {  	v15 =	vshll.u32 v14, $0x1  }
0x108: {  	v14 =	vand.u32 $0x7, v14;
	v15 =	vand.u32 $0xFFFFFFF0, v15  }
0x109: {  	v14 =	vor.u32 v14, v15  }
0x10a: {  	v15 =	vperm.xlane v14, v11;
	_ =	sdelay $0x1  }
0x10b: {  	v14 =	vperm.xlane v14, v13;
	v15 =	vadd.s32 v12, v15;
	_ =	sdelay $0x1  }
0x10c: {  	v14 =	vadd.s32 v12, v14;
	_ =	sdelay $0x1  }
0x10d: {  	s14 =	simm.s32 $0x0;
	s2 =	simm.s32 $0xA00  }
0x10e: {  	[tilespmem:s2], [sflag:$0x1] =	stream.indirect_vreg.gather [hbm4b:s5+s14], $0x80, v15, vm0, $0xb8;
	[tilespmem:$0x1CA00] =	vst v63  }
0x10f: {  	_ = 	snop  }
0x110: {  	[tilespmem:s21], [sflag:$0x1] =	stream.indirect_vreg.gather [hbm4b:s5+s14], $0x80, v14, vm0, $0xb8;
	[tilespmem:$0x1CA00] =	vst v63  }
0x111: {  	v14 =	vld [tilespmem:$0x810];
	_ =	sdelay $0x4  }
0x112: {  	v15 =	vshll.u32 v14, $0x1  }
0x113: {  	v14 =	vand.u32 $0x7, v14;
	v15 =	vand.u32 $0xFFFFFFF0, v15  }
0x114: {  	v14 =	vor.u32 v14, v15  }
0x115: {  	v15 =	vperm.xlane v14, v11;
	_ =	sdelay $0x1  }
0x116: {  	v14 =	vperm.xlane v14, v13;
	v15 =	vadd.s32 v12, v15;
	_ =	sdelay $0x1  }
0x117: {  	v14 =	vadd.s32 v12, v14;
	_ =	sdelay $0x2  }
0x118: {  	[tilespmem:s22], [sflag:$0x1] =	stream.indirect_vreg.gather [hbm4b:s5+s14], $0x80, v15, vm0, $0xb8;
	[tilespmem:$0x1CA00] =	vst v63  }
0x119: {  	_ = 	snop  }
0x11a: {  	[tilespmem:s23], [sflag:$0x1] =	stream.indirect_vreg.gather [hbm4b:s5+s14], $0x80, v14, vm0, $0xb8;
	[tilespmem:$0x1CA00] =	vst v63  }
0x11b: {  	v14 =	vld [tilespmem:$0x820];
	_ =	sdelay $0x4  }
0x11c: {  	v15 =	vshll.u32 v14, $0x1  }
0x11d: {  	v14 =	vand.u32 $0x7, v14;
	v15 =	vand.u32 $0xFFFFFFF0, v15  }
0x11e: {  	v14 =	vor.u32 v14, v15  }
0x11f: {  	v15 =	vperm.xlane v14, v11;
	_ =	sdelay $0x1  }
0x120: {  	v14 =	vperm.xlane v14, v13;
	v15 =	vadd.s32 v12, v15;
	_ =	sdelay $0x1  }
0x121: {  	v14 =	vadd.s32 v12, v14;
	_ =	sdelay $0x2  }
0x122: {  	[tilespmem:s24], [sflag:$0x1] =	stream.indirect_vreg.gather [hbm4b:s5+s14], $0x80, v15, vm0, $0xb8;
	[tilespmem:$0x1CA00] =	vst v63  }
0x123: {  	_ = 	snop  }
0x124: {  	[tilespmem:s25], [sflag:$0x1] =	stream.indirect_vreg.gather [hbm4b:s5+s14], $0x80, v14, vm0, $0xb8;
	[tilespmem:$0x1CA00] =	vst v63  }
0x125: {  	v14 =	vld [tilespmem:$0x830];
	_ =	sdelay $0x4  }
0x126: {  	v15 =	vshll.u32 v14, $0x1  }
0x127: {  	v14 =	vand.u32 $0x7, v14;
	v15 =	vand.u32 $0xFFFFFFF0, v15  }
0x128: {  	v14 =	vor.u32 v14, v15  }
0x129: {  	v15 =	vperm.xlane v14, v11;
	_ =	sdelay $0x1  }
0x12a: {  	v14 =	vperm.xlane v14, v13;
	v15 =	vadd.s32 v12, v15;
	_ =	sdelay $0x1  }
0x12b: {  	v14 =	vadd.s32 v12, v14;
	_ =	sdelay $0x2  }
0x12c: {  	[tilespmem:s26], [sflag:$0x1] =	stream.indirect_vreg.gather [hbm4b:s5+s14], $0x80, v15, vm0, $0xb8;
	[tilespmem:$0x1CA00] =	vst v63  }
0x12d: {  	_ = 	snop  }
0x12e: {  	[tilespmem:s28], [sflag:$0x1] =	stream.indirect_vreg.gather [hbm4b:s5+s14], $0x80, v14, vm0, $0xb8;
	[tilespmem:$0x1CA00] =	vst v63  }
0x12f: {  	v14 =	vld [tilespmem:$0x840];
	_ =	sdelay $0x4  }
0x130: {  	v15 =	vshll.u32 v14, $0x1  }
0x131: {  	v14 =	vand.u32 $0x7, v14;
	v15 =	vand.u32 $0xFFFFFFF0, v15  }
0x132: {  	v14 =	vor.u32 v14, v15  }
0x133: {  	v15 =	vperm.xlane v14, v11;
	_ =	sdelay $0x1  }
0x134: {  	v14 =	vperm.xlane v14, v13;
	v15 =	vadd.s32 v12, v15;
	_ =	sdelay $0x1  }
0x135: {  	v14 =	vadd.s32 v12, v14;
	_ =	sdelay $0x2  }
0x136: {  	[tilespmem:s29], [sflag:$0x1] =	stream.indirect_vreg.gather [hbm4b:s5+s14], $0x80, v15, vm0, $0xb8;
	[tilespmem:$0x1CA00] =	vst v63  }
0x137: {  	_ = 	snop  }
0x138: {  	[tilespmem:s30], [sflag:$0x1] =	stream.indirect_vreg.gather [hbm4b:s5+s14], $0x80, v14, vm0, $0xb8;
	[tilespmem:$0x1CA00] =	vst v63  }
0x139: {  	v14 =	vld [tilespmem:$0x850];
	_ =	sdelay $0x4  }
0x13a: {  	v15 =	vshll.u32 v14, $0x1  }
0x13b: {  	v14 =	vand.u32 $0x7, v14;
	v15 =	vand.u32 $0xFFFFFFF0, v15  }
0x13c: {  	v14 =	vor.u32 v14, v15  }
0x13d: {  	v15 =	vperm.xlane v14, v11;
	_ =	sdelay $0x1  }
0x13e: {  	v14 =	vperm.xlane v14, v13;
	v15 =	vadd.s32 v12, v15;
	_ =	sdelay $0x1  }
0x13f: {  	v14 =	vadd.s32 v12, v14;
	_ =	sdelay $0x2  }
0x140: {  	[tilespmem:s31], [sflag:$0x1] =	stream.indirect_vreg.gather [hbm4b:s5+s14], $0x80, v15, vm0, $0xb8;
	[tilespmem:$0x1CA00] =	vst v63  }
0x141: {  	_ = 	snop  }
0x142: {  	[tilespmem:s0], [sflag:$0x1] =	stream.indirect_vreg.gather [hbm4b:s5+s14], $0x80, v14, vm0, $0xb8;
	[tilespmem:$0x1CA00] =	vst v63  }
0x143: {  	v14 =	vld [tilespmem:$0x860];
	_ =	sdelay $0x4  }
0x144: {  	v15 =	vshll.u32 v14, $0x1  }
0x145: {  	v14 =	vand.u32 $0x7, v14;
	v15 =	vand.u32 $0xFFFFFFF0, v15  }
0x146: {  	v14 =	vor.u32 v14, v15  }
0x147: {  	v15 =	vperm.xlane v14, v11;
	_ =	sdelay $0x1  }
0x148: {  	v14 =	vperm.xlane v14, v13;
	v15 =	vadd.s32 v12, v15;
	_ =	sdelay $0x1  }
0x149: {  	v14 =	vadd.s32 v12, v14;
	_ =	sdelay $0x2  }
0x14a: {  	[tilespmem:s1], [sflag:$0x1] =	stream.indirect_vreg.gather [hbm4b:s5+s14], $0x80, v15, vm0, $0xb8;
	[tilespmem:$0x1CA00] =	vst v63  }
0x14b: {  	_ = 	snop  }
0x14c: {  	[tilespmem:s6], [sflag:$0x1] =	stream.indirect_vreg.gather [hbm4b:s5+s14], $0x80, v14, vm0, $0xb8;
	[tilespmem:$0x1CA00] =	vst v63  }
0x14d: {  	v14 =	vld [tilespmem:$0x870];
	_ =	sdelay $0x4  }
0x14e: {  	v15 =	vshll.u32 v14, $0x1  }
0x14f: {  	v14 =	vand.u32 $0x7, v14;
	v15 =	vand.u32 $0xFFFFFFF0, v15  }
0x150: {  	v14 =	vor.u32 v14, v15  }
0x151: {  	v15 =	vperm.xlane v14, v11;
	_ =	sdelay $0x1  }
0x152: {  	v14 =	vperm.xlane v14, v13;
	v15 =	vadd.s32 v12, v15;
	_ =	sdelay $0x1  }
0x153: {  	v14 =	vadd.s32 v12, v14;
	_ =	sdelay $0x2  }
0x154: {  	[tilespmem:s7], [sflag:$0x1] =	stream.indirect_vreg.gather [hbm4b:s5+s14], $0x80, v15, vm0, $0xb8;
	[tilespmem:$0x1CA00] =	vst v63  }
0x155: {  	_ = 	snop  }
0x156: {  	[tilespmem:s8], [sflag:$0x1] =	stream.indirect_vreg.gather [hbm4b:s5+s14], $0x80, v14, vm0, $0xb8;
	[tilespmem:$0x1CA00] =	vst v63  }
0x157: {  	_ =	swait.ge [sflag:s19], $0x8000  }
0x158: {  	[sflag:s19] =	ssyncset.done $0x0  }
0x159: {  	s15 =	simm.s32 $0x900;
	[sflag:s19] =	ssyncadd.s32 $0xFFFF8000  }
0x15a: {  	v14 =	vld [tilespmem:s15+$0x0];
	_ =	sdelay $0x4  }
0x15b: {  	(v2sf) =	vpush v14, $0x0;
	_ =	sdelay $0xe  }
0x15c: {  	s20 =	sand.u32 $0x380, s14;
	s3 =	spop (v2sf)  }
0x15d: {  	s9 =	sand.u32 $0x7800, s14;
	s4 =	sshll.u32 s3, $0x8;
	s3 =	sshll.u32 s3, $0x7  }
0x15e: {  	s2 =	sor.u32 s20, s9;
	s4 =	sand.u32 $0xFFFFF800, s4;
	s3 =	sand.u32 $0x380, s3  }
0x15f: {  	v14 =	vld [tilespmem:s2+$0xA00];
	s17 =	sor.u32 s3, s4  }
0x160: {  	v15 =	vld [tilespmem:s17+$0x8A00];
	_ =	sdelay $0x4  }
0x161: {  	v14 =	vadd.f32 v14, v15;
	_ =	sdelay $0x1  }
0x162: {  	[tilespmem:s17+$0x8A00] =	vst v14;
	v14 =	vld [tilespmem:s17+$0x8A10]  }
0x163: {  	v15 =	vld [tilespmem:s2+$0xA10];
	_ =	sdelay $0x4  }
0x164: {  	v14 =	vadd.f32 v15, v14;
	_ =	sdelay $0x1  }
0x165: {  	[tilespmem:s17+$0x8A10] =	vst v14;
	v14 =	vld [tilespmem:s17+$0x8A20]  }
0x166: {  	v15 =	vld [tilespmem:s2+$0xA20];
	_ =	sdelay $0x4  }
0x167: {  	v14 =	vadd.f32 v15, v14;
	_ =	sdelay $0x1  }
0x168: {  	[tilespmem:s17+$0x8A20] =	vst v14;
	v14 =	vld [tilespmem:s17+$0x8A30]  }
0x169: {  	v15 =	vld [tilespmem:s2+$0xA30];
	_ =	sdelay $0x4  }
0x16a: {  	v14 =	vadd.f32 v15, v14;
	_ =	sdelay $0x1  }
0x16b: {  	[tilespmem:s17+$0x8A30] =	vst v14;
	v14 =	vld [tilespmem:s17+$0x8A40]  }
0x16c: {  	v15 =	vld [tilespmem:s2+$0xA40];
	_ =	sdelay $0x4  }
0x16d: {  	v14 =	vadd.f32 v15, v14;
	_ =	sdelay $0x1  }
0x16e: {  	[tilespmem:s17+$0x8A40] =	vst v14;
	v14 =	vld [tilespmem:s17+$0x8A50]  }
0x16f: {  	v15 =	vld [tilespmem:s2+$0xA50];
	_ =	sdelay $0x4  }
0x170: {  	v14 =	vadd.f32 v15, v14;
	_ =	sdelay $0x1  }
0x171: {  	[tilespmem:s17+$0x8A50] =	vst v14;
	v14 =	vld [tilespmem:s17+$0x8A60]  }
0x172: {  	v15 =	vld [tilespmem:s2+$0xA60];
	_ =	sdelay $0x4  }
0x173: {  	v14 =	vadd.f32 v15, v14;
	_ =	sdelay $0x1  }
0x174: {  	[tilespmem:s17+$0x8A60] =	vst v14;
	v14 =	vld [tilespmem:s17+$0x8A70]  }
0x175: {  	v15 =	vld [tilespmem:s2+$0xA70];
	_ =	sdelay $0x4  }
0x176: {  	v14 =	vadd.f32 v15, v14;
	_ =	sdelay $0x1  }
0x177: {  	[tilespmem:s17+$0x8A70] =	vst v14;
	v14 =	vld [tilespmem:s17+$0x8E00]  }
0x178: {  	v15 =	vld [tilespmem:s2+$0xE00];
	_ =	sdelay $0x4  }
0x179: {  	v14 =	vadd.f32 v15, v14;
	_ =	sdelay $0x1  }
0x17a: {  	[tilespmem:s17+$0x8E00] =	vst v14;
	v14 =	vld [tilespmem:s17+$0x8E10]  }
0x17b: {  	v15 =	vld [tilespmem:s2+$0xE10];
	_ =	sdelay $0x4  }
0x17c: {  	v14 =	vadd.f32 v15, v14;
	_ =	sdelay $0x1  }
0x17d: {  	[tilespmem:s17+$0x8E10] =	vst v14;
	v14 =	vld [tilespmem:s17+$0x8E20]  }
0x17e: {  	v15 =	vld [tilespmem:s2+$0xE20];
	_ =	sdelay $0x4  }
0x17f: {  	v14 =	vadd.f32 v15, v14;
	_ =	sdelay $0x1  }
0x180: {  	[tilespmem:s17+$0x8E20] =	vst v14;
	v14 =	vld [tilespmem:s17+$0x8E30]  }
0x181: {  	v15 =	vld [tilespmem:s2+$0xE30];
	_ =	sdelay $0x4  }
0x182: {  	v14 =	vadd.f32 v15, v14;
	_ =	sdelay $0x1  }
0x183: {  	[tilespmem:s17+$0x8E30] =	vst v14;
	v14 =	vld [tilespmem:s17+$0x8E40]  }
0x184: {  	v15 =	vld [tilespmem:s2+$0xE40];
	_ =	sdelay $0x4  }
0x185: {  	v14 =	vadd.f32 v15, v14;
	_ =	sdelay $0x1  }
0x186: {  	[tilespmem:s17+$0x8E40] =	vst v14;
	v14 =	vld [tilespmem:s17+$0x8E50]  }
0x187: {  	v15 =	vld [tilespmem:s2+$0xE50];
	_ =	sdelay $0x4  }
0x188: {  	v14 =	vadd.f32 v15, v14;
	_ =	sdelay $0x1  }
0x189: {  	[tilespmem:s17+$0x8E50] =	vst v14;
	v14 =	vld [tilespmem:s17+$0x8E60]  }
0x18a: {  	v15 =	vld [tilespmem:s2+$0xE60];
	_ =	sdelay $0x4  }
0x18b: {  	v14 =	vadd.f32 v15, v14;
	_ =	sdelay $0x1  }
0x18c: {  	[tilespmem:s17+$0x8E60] =	vst v14;
	v14 =	vld [tilespmem:s17+$0x8E70]  }
0x18d: {  	v15 =	vld [tilespmem:s2+$0xE70];
	_ =	sdelay $0x4  }
0x18e: {  	s4 =	simm.s32 $0x100;
	v14 =	vadd.f32 v15, v14  }
.LBB2_16:
0x18f: {  	p0 =	sne.s32 s4, $0x7F00;
	s14 =	sadd.s32 $0x80, s14;
	s15 =	sadd.s32 $0x1, s15  }
0x190: {  	s2 =	smov.u32 s4;
	s4 =	sadd.s32 $0x100, s4;
	[tilespmem:s17+$0x8E70] =	vst v14  }
0x191: {  	v14 =	vld [tilespmem:s15+$0x0];
	_ =	sdelay $0x4  }
0x192: {  	(v2sf) =	vpush v14, $0x0;
	_ =	sdelay $0xe  }
0x193: {  	s3 =	sand.u32 $0x380, s14;
	s9 =	spop (v2sf)  }
0x194: {  	s2 =	sand.u32 $0x7800, s2;
	s11 =	sshll.u32 s9, $0x8;
	s9 =	sshll.u32 s9, $0x7  }
0x195: {  	s11 =	sand.u32 $0xFFFFF800, s11;
	s16 =	sand.u32 $0x380, s9;
	s9 =	sor.u32 s3, s2  }
0x196: {  	s17 =	sor.u32 s16, s11;
	v14 =	vld [tilespmem:s9+$0xA00]  }
0x197: {  	v15 =	vld [tilespmem:s17+$0x8A00];
	_ =	sdelay $0x4  }
0x198: {  	v14 =	vadd.f32 v14, v15;
	_ =	sdelay $0x1  }
0x199: {  	[tilespmem:s17+$0x8A00] =	vst v14;
	v14 =	vld [tilespmem:s17+$0x8A10]  }
0x19a: {  	v15 =	vld [tilespmem:s9+$0xA10];
	_ =	sdelay $0x4  }
0x19b: {  	v14 =	vadd.f32 v15, v14;
	_ =	sdelay $0x1  }
0x19c: {  	[tilespmem:s17+$0x8A10] =	vst v14;
	v14 =	vld [tilespmem:s17+$0x8A20]  }
0x19d: {  	v15 =	vld [tilespmem:s9+$0xA20];
	_ =	sdelay $0x4  }
0x19e: {  	v14 =	vadd.f32 v15, v14;
	_ =	sdelay $0x1  }
0x19f: {  	[tilespmem:s17+$0x8A20] =	vst v14;
	v14 =	vld [tilespmem:s17+$0x8A30]  }
0x1a0: {  	v15 =	vld [tilespmem:s9+$0xA30];
	_ =	sdelay $0x4  }
0x1a1: {  	v14 =	vadd.f32 v15, v14;
	_ =	sdelay $0x1  }
0x1a2: {  	[tilespmem:s17+$0x8A30] =	vst v14;
	v14 =	vld [tilespmem:s17+$0x8A40]  }
0x1a3: {  	v15 =	vld [tilespmem:s9+$0xA40];
	_ =	sdelay $0x4  }
0x1a4: {  	v14 =	vadd.f32 v15, v14;
	_ =	sdelay $0x1  }
0x1a5: {  	[tilespmem:s17+$0x8A40] =	vst v14;
	v14 =	vld [tilespmem:s17+$0x8A50]  }
0x1a6: {  	v15 =	vld [tilespmem:s9+$0xA50];
	_ =	sdelay $0x4  }
0x1a7: {  	v14 =	vadd.f32 v15, v14;
	_ =	sdelay $0x1  }
0x1a8: {  	[tilespmem:s17+$0x8A50] =	vst v14;
	v14 =	vld [tilespmem:s17+$0x8A60]  }
0x1a9: {  	v15 =	vld [tilespmem:s9+$0xA60];
	_ =	sdelay $0x4  }
0x1aa: {  	v14 =	vadd.f32 v15, v14;
	_ =	sdelay $0x1  }
0x1ab: {  	[tilespmem:s17+$0x8A60] =	vst v14;
	v14 =	vld [tilespmem:s17+$0x8A70]  }
0x1ac: {  	v15 =	vld [tilespmem:s9+$0xA70];
	_ =	sdelay $0x4  }
0x1ad: {  	v14 =	vadd.f32 v15, v14;
	_ =	sdelay $0x1  }
0x1ae: {  	[tilespmem:s17+$0x8A70] =	vst v14;
	v14 =	vld [tilespmem:s17+$0x8E00]  }
0x1af: {  	v15 =	vld [tilespmem:s9+$0xE00];
	_ =	sdelay $0x4  }
0x1b0: {  	v14 =	vadd.f32 v15, v14;
	_ =	sdelay $0x1  }
0x1b1: {  	[tilespmem:s17+$0x8E00] =	vst v14;
	v14 =	vld [tilespmem:s17+$0x8E10]  }
0x1b2: {  	v15 =	vld [tilespmem:s9+$0xE10];
	_ =	sdelay $0x4  }
0x1b3: {  	v14 =	vadd.f32 v15, v14;
	_ =	sdelay $0x1  }
0x1b4: {  	[tilespmem:s17+$0x8E10] =	vst v14;
	v14 =	vld [tilespmem:s17+$0x8E20]  }
0x1b5: {  	v15 =	vld [tilespmem:s9+$0xE20];
	_ =	sdelay $0x4  }
0x1b6: {  	v14 =	vadd.f32 v15, v14;
	_ =	sdelay $0x1  }
0x1b7: {  	[tilespmem:s17+$0x8E20] =	vst v14;
	v14 =	vld [tilespmem:s17+$0x8E30]  }
0x1b8: {  	v15 =	vld [tilespmem:s9+$0xE30];
	_ =	sdelay $0x4  }
0x1b9: {  	v14 =	vadd.f32 v15, v14;
	_ =	sdelay $0x1  }
0x1ba: {  	[tilespmem:s17+$0x8E30] =	vst v14;
	v14 =	vld [tilespmem:s17+$0x8E40]  }
0x1bb: {  	v15 =	vld [tilespmem:s9+$0xE40];
	_ =	sdelay $0x4  }
0x1bc: {  	v14 =	vadd.f32 v15, v14;
	_ =	sdelay $0x1  }
0x1bd: {  	[tilespmem:s17+$0x8E40] =	vst v14;
	v14 =	vld [tilespmem:s17+$0x8E50]  }
0x1be: {  	v15 =	vld [tilespmem:s9+$0xE50];
	_ =	sdelay $0x4  }
0x1bf: {  	v14 =	vadd.f32 v15, v14;
	_ =	sdelay $0x1  }
0x1c0: {  	[tilespmem:s17+$0x8E50] =	vst v14;
	v14 =	vld [tilespmem:s17+$0x8E60]  }
0x1c1: {  	v15 =	vld [tilespmem:s9+$0xE60];
	_ =	sdelay $0x4  }
0x1c2: {  	v14 =	vadd.f32 v15, v14;
	_ =	sdelay $0x1  }
0x1c3: {  	[tilespmem:s17+$0x8E60] =	vst v14;
	v14 =	vld [tilespmem:s17+$0x8E70]  }
0x1c4: {  	v15 =	vld [tilespmem:s9+$0xE70]  }
.Ltmp13:
0x1c5: {  	(pc) =	sbr.rel @p0 .LBB2_16-.Ltmp13, $2  }
0x1c6: {  	_ =	sdelay $0x2  }
0x1c7: {  	v14 =	vadd.f32 v15, v14  }
0x1c8: {  	_ = 	snop  }
0x1c9: {  	[tilespmem:s17+$0x8E70] =	vst v14  }
0x1ca: {  	v14 =	vld [tilespmem:$0x880]  }
0x1cb: {  	v15 =	vld [tilespmem:$0x980]  }
0x1cc: {  	v16 =	vld [tilespmem:$0x890]  }
0x1cd: {  	v17 =	vld [tilespmem:$0x990]  }
0x1ce: {  	v18 =	vld [tilespmem:$0x8A0]  }
0x1cf: {  	v63 =	vld [tilespmem:$0x9B0];
	[tilespmem:$0x800] =	vst v14  }
0x1d0: {  	v14 =	vld [tilespmem:$0x9A0];
	[tilespmem:$0x900] =	vst v15  }
0x1d1: {  	v15 =	vld [tilespmem:$0x8B0];
	[tilespmem:$0x810] =	vst v16  }
.Ltmp14:
0x1d2: {  	[tilespmem:$0x910] =	vst v17;
	(pc) =	sbr.rel .LBB2_18-.Ltmp14, $4  }
0x1d3: {  	[tilespmem:$0x820] =	vst v18  }
0x1d4: {  	[tilespmem:$0x930] =	vst v63  }
0x1d5: {  	[tilespmem:$0x920] =	vst v14  }
0x1d6: {  	s10 =	sadd.s32 $0xFFFFFF80, s10;
	[tilespmem:$0x830] =	vst v15  }
.LBB2_7:
.Ltmp15:
0x1d7: {  	(pc) =	sbr.rel .LBB2_13-.Ltmp15, $2  }
0x1d8: {  	_ =	sdelay $0x2  }
0x1d9: {  	s4 =	smov.u32 s15;
	s17 =	smov.u32 s20  }
.LBB2_9:
.Ltmp16:
0x1da: {  	(pc) =	sbr.rel .LBB2_13-.Ltmp16, $2  }
0x1db: {  	_ =	sdelay $0x2  }
0x1dc: {  	s4 =	smov.u32 s15;
	s17 =	smov.u32 s20  }
.LBB2_11:
.Ltmp17:
0x1dd: {  	(pc) =	sbr.rel .LBB2_13-.Ltmp17, $2  }
0x1de: {  	_ =	sdelay $0x2  }
0x1df: {  	s4 =	smov.u32 s15;
	s17 =	smov.u32 s20;
	s9 =	smov.u32 s20  }
.LBB2_20:
0x1e0: {  	v14 =	vld [tilespmem:$0x800];
	_ =	sdelay $0x4  }
0x1e1: {  	v15 =	vshll.u32 v14, $0x1  }
0x1e2: {  	v14 =	vand.u32 $0x7, v14;
	v15 =	vand.u32 $0xFFFFFFF0, v15  }
0x1e3: {  	v14 =	vor.u32 v14, v15  }
0x1e4: {  	v15 =	vperm.xlane v14, v11;
	_ =	sdelay $0x1  }
0x1e5: {  	v14 =	vperm.xlane v14, v13;
	v15 =	vadd.s32 v12, v15;
	_ =	sdelay $0x1  }
0x1e6: {  	v14 =	vadd.s32 v12, v14;
	_ =	sdelay $0x1  }
0x1e7: {  	s11 =	simm.s32 $0x0;
	s2 =	simm.s32 $0xA00  }
0x1e8: {  	[tilespmem:s2], [sflag:$0x1] =	stream.indirect_vreg.gather [hbm4b:s5+s11], $0x80, v15, vm0, $0xb8;
	[tilespmem:$0x1CA00] =	vst v63  }
0x1e9: {  	_ = 	snop  }
0x1ea: {  	[tilespmem:s21], [sflag:$0x1] =	stream.indirect_vreg.gather [hbm4b:s5+s11], $0x80, v14, vm0, $0xb8;
	[tilespmem:$0x1CA00] =	vst v63  }
0x1eb: {  	v14 =	vld [tilespmem:$0x810];
	_ =	sdelay $0x4  }
0x1ec: {  	v15 =	vshll.u32 v14, $0x1  }
0x1ed: {  	v14 =	vand.u32 $0x7, v14;
	v15 =	vand.u32 $0xFFFFFFF0, v15  }
0x1ee: {  	v14 =	vor.u32 v14, v15  }
0x1ef: {  	v15 =	vperm.xlane v14, v11;
	_ =	sdelay $0x1  }
0x1f0: {  	v14 =	vperm.xlane v14, v13;
	v15 =	vadd.s32 v12, v15;
	_ =	sdelay $0x1  }
0x1f1: {  	v14 =	vadd.s32 v12, v14;
	_ =	sdelay $0x2  }
0x1f2: {  	[tilespmem:s22], [sflag:$0x1] =	stream.indirect_vreg.gather [hbm4b:s5+s11], $0x80, v15, vm0, $0xb8;
	[tilespmem:$0x1CA00] =	vst v63  }
0x1f3: {  	_ = 	snop  }
0x1f4: {  	[tilespmem:s23], [sflag:$0x1] =	stream.indirect_vreg.gather [hbm4b:s5+s11], $0x80, v14, vm0, $0xb8;
	[tilespmem:$0x1CA00] =	vst v63  }
0x1f5: {  	v14 =	vld [tilespmem:$0x820];
	_ =	sdelay $0x4  }
0x1f6: {  	v15 =	vshll.u32 v14, $0x1  }
0x1f7: {  	v14 =	vand.u32 $0x7, v14;
	v15 =	vand.u32 $0xFFFFFFF0, v15  }
0x1f8: {  	v14 =	vor.u32 v14, v15  }
0x1f9: {  	v15 =	vperm.xlane v14, v11;
	_ =	sdelay $0x1  }
0x1fa: {  	v14 =	vperm.xlane v14, v13;
	v15 =	vadd.s32 v12, v15;
	_ =	sdelay $0x1  }
0x1fb: {  	v14 =	vadd.s32 v12, v14;
	_ =	sdelay $0x2  }
0x1fc: {  	[tilespmem:s24], [sflag:$0x1] =	stream.indirect_vreg.gather [hbm4b:s5+s11], $0x80, v15, vm0, $0xb8;
	[tilespmem:$0x1CA00] =	vst v63  }
0x1fd: {  	_ = 	snop  }
0x1fe: {  	[tilespmem:s25], [sflag:$0x1] =	stream.indirect_vreg.gather [hbm4b:s5+s11], $0x80, v14, vm0, $0xb8;
	[tilespmem:$0x1CA00] =	vst v63  }
0x1ff: {  	v14 =	vld [tilespmem:$0x830];
	_ =	sdelay $0x4  }
0x200: {  	v15 =	vshll.u32 v14, $0x1  }
0x201: {  	v14 =	vand.u32 $0x7, v14;
	v15 =	vand.u32 $0xFFFFFFF0, v15  }
0x202: {  	v14 =	vor.u32 v14, v15  }
0x203: {  	v15 =	vperm.xlane v14, v11;
	_ =	sdelay $0x1  }
0x204: {  	v14 =	vperm.xlane v14, v13;
	v15 =	vadd.s32 v12, v15;
	_ =	sdelay $0x1  }
0x205: {  	v14 =	vadd.s32 v12, v14;
	_ =	sdelay $0x2  }
0x206: {  	[tilespmem:s26], [sflag:$0x1] =	stream.indirect_vreg.gather [hbm4b:s5+s11], $0x80, v15, vm0, $0xb8;
	[tilespmem:$0x1CA00] =	vst v63  }
0x207: {  	_ = 	snop  }
0x208: {  	[tilespmem:s28], [sflag:$0x1] =	stream.indirect_vreg.gather [hbm4b:s5+s11], $0x80, v14, vm0, $0xb8;
	[tilespmem:$0x1CA00] =	vst v63  }
0x209: {  	v14 =	vld [tilespmem:$0x840];
	_ =	sdelay $0x4  }
0x20a: {  	v15 =	vshll.u32 v14, $0x1  }
0x20b: {  	v14 =	vand.u32 $0x7, v14;
	v15 =	vand.u32 $0xFFFFFFF0, v15  }
0x20c: {  	v14 =	vor.u32 v14, v15  }
0x20d: {  	v15 =	vperm.xlane v14, v11;
	_ =	sdelay $0x1  }
0x20e: {  	v14 =	vperm.xlane v14, v13;
	v15 =	vadd.s32 v12, v15;
	_ =	sdelay $0x1  }
0x20f: {  	v14 =	vadd.s32 v12, v14;
	_ =	sdelay $0x2  }
0x210: {  	[tilespmem:s29], [sflag:$0x1] =	stream.indirect_vreg.gather [hbm4b:s5+s11], $0x80, v15, vm0, $0xb8;
	[tilespmem:$0x1CA00] =	vst v63  }
0x211: {  	_ = 	snop  }
0x212: {  	[tilespmem:s30], [sflag:$0x1] =	stream.indirect_vreg.gather [hbm4b:s5+s11], $0x80, v14, vm0, $0xb8;
	[tilespmem:$0x1CA00] =	vst v63  }
0x213: {  	v14 =	vld [tilespmem:$0x850];
	_ =	sdelay $0x4  }
0x214: {  	v15 =	vshll.u32 v14, $0x1  }
0x215: {  	v14 =	vand.u32 $0x7, v14;
	v15 =	vand.u32 $0xFFFFFFF0, v15  }
0x216: {  	v14 =	vor.u32 v14, v15  }
0x217: {  	v15 =	vperm.xlane v14, v11;
	_ =	sdelay $0x1  }
0x218: {  	v14 =	vperm.xlane v14, v13;
	v15 =	vadd.s32 v12, v15;
	_ =	sdelay $0x1  }
0x219: {  	v14 =	vadd.s32 v12, v14;
	_ =	sdelay $0x2  }
0x21a: {  	[tilespmem:s31], [sflag:$0x1] =	stream.indirect_vreg.gather [hbm4b:s5+s11], $0x80, v15, vm0, $0xb8;
	[tilespmem:$0x1CA00] =	vst v63  }
0x21b: {  	_ = 	snop  }
0x21c: {  	[tilespmem:s0], [sflag:$0x1] =	stream.indirect_vreg.gather [hbm4b:s5+s11], $0x80, v14, vm0, $0xb8;
	[tilespmem:$0x1CA00] =	vst v63  }
0x21d: {  	v14 =	vld [tilespmem:$0x860];
	_ =	sdelay $0x4  }
0x21e: {  	v15 =	vshll.u32 v14, $0x1  }
0x21f: {  	v14 =	vand.u32 $0x7, v14;
	v15 =	vand.u32 $0xFFFFFFF0, v15  }
0x220: {  	v14 =	vor.u32 v14, v15  }
0x221: {  	v15 =	vperm.xlane v14, v11;
	_ =	sdelay $0x1  }
0x222: {  	v14 =	vperm.xlane v14, v13;
	v15 =	vadd.s32 v12, v15;
	_ =	sdelay $0x1  }
0x223: {  	v14 =	vadd.s32 v12, v14;
	_ =	sdelay $0x2  }
0x224: {  	[tilespmem:s1], [sflag:$0x1] =	stream.indirect_vreg.gather [hbm4b:s5+s11], $0x80, v15, vm0, $0xb8;
	[tilespmem:$0x1CA00] =	vst v63  }
0x225: {  	_ = 	snop  }
0x226: {  	[tilespmem:s6], [sflag:$0x1] =	stream.indirect_vreg.gather [hbm4b:s5+s11], $0x80, v14, vm0, $0xb8;
	[tilespmem:$0x1CA00] =	vst v63  }
0x227: {  	v14 =	vld [tilespmem:$0x870];
	_ =	sdelay $0x4  }
0x228: {  	v15 =	vshll.u32 v14, $0x1  }
0x229: {  	v14 =	vand.u32 $0x7, v14;
	v15 =	vand.u32 $0xFFFFFFF0, v15  }
0x22a: {  	v14 =	vor.u32 v14, v15  }
0x22b: {  	v15 =	vperm.xlane v14, v11;
	_ =	sdelay $0x1  }
0x22c: {  	v14 =	vperm.xlane v14, v13;
	v15 =	vadd.s32 v12, v15;
	_ =	sdelay $0x1  }
0x22d: {  	v14 =	vadd.s32 v12, v14;
	_ =	sdelay $0x1  }
0x22e: {  	p0 =	sgt.s32 s10, $0x0  }
0x22f: {  	[tilespmem:s7], [sflag:$0x1] =	stream.indirect_vreg.gather [hbm4b:s5+s11], $0x80, v15, vm0, $0xb8;
	[tilespmem:$0x1CA00] =	vst v63  }
.Ltmp18:
0x230: {  	_ = 	snop;
	(pc) =	sbr.rel @!p0 .LBB2_21-.Ltmp18, $4  }
0x231: {  	[tilespmem:s8], [sflag:$0x1] =	stream.indirect_vreg.gather [hbm4b:s5+s11], $0x80, v14, vm0, $0xb8;
	[tilespmem:$0x1CA00] =	vst v63  }
0x232: {  	_ =	swait.ge [sflag:s19], $0x8000  }
0x233: {  	[sflag:s19] =	ssyncset.done $0x0  }
0x234: {  	s12 =	simm.s32 $0x900;
	s9 =	rddreg [dreg:$0xf];
	[sflag:s19] =	ssyncadd.s32 $0xFFFF8000  }
0x235: {  	v14 =	vld [tilespmem:s12+$0x0];
	_ =	sdelay $0x4  }
0x236: {  	(v2sf) =	vpush v14, $0x0;
	_ =	sdelay $0xe  }
0x237: {  	s2 =	sand.u32 $0x380, s11;
	s3 =	spop (v2sf)  }
0x238: {  	s9 =	sand.u32 $0xFFFFF800, s11;
	s4 =	sshll.u32 s3, $0x8;
	s3 =	sshll.u32 s3, $0x7  }
0x239: {  	s2 =	sor.u32 s2, s9;
	s4 =	sand.u32 $0xFFFFF800, s4;
	s3 =	sand.u32 $0x380, s3  }
0x23a: {  	v14 =	vld [tilespmem:s2+$0xA00];
	s13 =	sor.u32 s3, s4  }
0x23b: {  	v15 =	vld [tilespmem:s13+$0x8A00];
	_ =	sdelay $0x4  }
0x23c: {  	v14 =	vadd.f32 v14, v15;
	_ =	sdelay $0x1  }
0x23d: {  	[tilespmem:s13+$0x8A00] =	vst v14;
	v14 =	vld [tilespmem:s13+$0x8A10]  }
0x23e: {  	v15 =	vld [tilespmem:s2+$0xA10];
	_ =	sdelay $0x4  }
0x23f: {  	v14 =	vadd.f32 v15, v14;
	_ =	sdelay $0x1  }
0x240: {  	[tilespmem:s13+$0x8A10] =	vst v14;
	v14 =	vld [tilespmem:s13+$0x8A20]  }
0x241: {  	v15 =	vld [tilespmem:s2+$0xA20];
	_ =	sdelay $0x4  }
0x242: {  	v14 =	vadd.f32 v15, v14;
	_ =	sdelay $0x1  }
0x243: {  	[tilespmem:s13+$0x8A20] =	vst v14;
	v14 =	vld [tilespmem:s13+$0x8A30]  }
0x244: {  	v15 =	vld [tilespmem:s2+$0xA30];
	_ =	sdelay $0x4  }
0x245: {  	v14 =	vadd.f32 v15, v14;
	_ =	sdelay $0x1  }
0x246: {  	[tilespmem:s13+$0x8A30] =	vst v14;
	v14 =	vld [tilespmem:s13+$0x8A40]  }
0x247: {  	v15 =	vld [tilespmem:s2+$0xA40];
	_ =	sdelay $0x4  }
0x248: {  	v14 =	vadd.f32 v15, v14;
	_ =	sdelay $0x1  }
0x249: {  	[tilespmem:s13+$0x8A40] =	vst v14;
	v14 =	vld [tilespmem:s13+$0x8A50]  }
0x24a: {  	v15 =	vld [tilespmem:s2+$0xA50];
	_ =	sdelay $0x4  }
0x24b: {  	v14 =	vadd.f32 v15, v14;
	_ =	sdelay $0x1  }
0x24c: {  	[tilespmem:s13+$0x8A50] =	vst v14;
	v14 =	vld [tilespmem:s13+$0x8A60]  }
0x24d: {  	v15 =	vld [tilespmem:s2+$0xA60];
	_ =	sdelay $0x4  }
0x24e: {  	v14 =	vadd.f32 v15, v14;
	_ =	sdelay $0x1  }
0x24f: {  	[tilespmem:s13+$0x8A60] =	vst v14;
	v14 =	vld [tilespmem:s13+$0x8A70]  }
0x250: {  	v15 =	vld [tilespmem:s2+$0xA70];
	_ =	sdelay $0x4  }
0x251: {  	v14 =	vadd.f32 v15, v14;
	_ =	sdelay $0x1  }
0x252: {  	[tilespmem:s13+$0x8A70] =	vst v14;
	v14 =	vld [tilespmem:s13+$0x8E00]  }
0x253: {  	v15 =	vld [tilespmem:s2+$0xE00];
	_ =	sdelay $0x4  }
0x254: {  	v14 =	vadd.f32 v15, v14;
	_ =	sdelay $0x1  }
0x255: {  	[tilespmem:s13+$0x8E00] =	vst v14;
	v14 =	vld [tilespmem:s13+$0x8E10]  }
0x256: {  	v15 =	vld [tilespmem:s2+$0xE10];
	_ =	sdelay $0x4  }
0x257: {  	v14 =	vadd.f32 v15, v14;
	_ =	sdelay $0x1  }
0x258: {  	[tilespmem:s13+$0x8E10] =	vst v14;
	v14 =	vld [tilespmem:s13+$0x8E20]  }
0x259: {  	v15 =	vld [tilespmem:s2+$0xE20];
	_ =	sdelay $0x4  }
0x25a: {  	v14 =	vadd.f32 v15, v14;
	_ =	sdelay $0x1  }
0x25b: {  	[tilespmem:s13+$0x8E20] =	vst v14;
	v14 =	vld [tilespmem:s13+$0x8E30]  }
0x25c: {  	v15 =	vld [tilespmem:s2+$0xE30];
	_ =	sdelay $0x4  }
0x25d: {  	v14 =	vadd.f32 v15, v14;
	_ =	sdelay $0x1  }
0x25e: {  	[tilespmem:s13+$0x8E30] =	vst v14;
	v14 =	vld [tilespmem:s13+$0x8E40]  }
0x25f: {  	v15 =	vld [tilespmem:s2+$0xE40];
	_ =	sdelay $0x4  }
0x260: {  	v14 =	vadd.f32 v15, v14;
	_ =	sdelay $0x1  }
0x261: {  	[tilespmem:s13+$0x8E40] =	vst v14;
	v14 =	vld [tilespmem:s13+$0x8E50]  }
0x262: {  	v15 =	vld [tilespmem:s2+$0xE50];
	_ =	sdelay $0x4  }
0x263: {  	v14 =	vadd.f32 v15, v14;
	_ =	sdelay $0x1  }
0x264: {  	[tilespmem:s13+$0x8E50] =	vst v14;
	v14 =	vld [tilespmem:s13+$0x8E60]  }
0x265: {  	v15 =	vld [tilespmem:s2+$0xE60];
	_ =	sdelay $0x4  }
0x266: {  	v14 =	vadd.f32 v15, v14;
	_ =	sdelay $0x1  }
0x267: {  	[tilespmem:s13+$0x8E60] =	vst v14;
	v14 =	vld [tilespmem:s13+$0x8E70]  }
0x268: {  	v15 =	vld [tilespmem:s2+$0xE70]  }
0x269: {  	p0 =	seq.s32 s10, $0x1  }
.Ltmp19:
0x26a: {  	_ = 	snop;
	(pc) =	sbr.rel @p0 .LBB2_25-.Ltmp19, $3  }
0x26b: {  	_ =	sdelay $0x1  }
0x26c: {  	v14 =	vadd.f32 v15, v14  }
0x26d: {  	s10 =	sadd.s32 $0xFFFFFFFF, s10;
	s14 =	simm.s32 $0x0  }
.LBB2_24:
0x26e: {  	s11 =	sadd.s32 $0x80, s11;
	s14 =	sadd.s32 $0x100, s14;
	s12 =	sadd.s32 $0x1, s12  }
0x26f: {  	p0 =	seq.s32 s10, $0x1;
	s10 =	sadd.s32 $0xFFFFFFFF, s10;
	[tilespmem:s13+$0x8E70] =	vst v14  }
0x270: {  	v14 =	vld [tilespmem:s12+$0x0];
	_ =	sdelay $0x4  }
0x271: {  	(v2sf) =	vpush v14, $0x0;
	_ =	sdelay $0xe  }
0x272: {  	s2 =	sand.u32 $0x380, s11;
	s3 =	spop (v2sf)  }
0x273: {  	s9 =	sand.u32 $0xFFFFF800, s14;
	s4 =	sshll.u32 s3, $0x8;
	s3 =	sshll.u32 s3, $0x7  }
0x274: {  	s13 =	sand.u32 $0xFFFFF800, s4;
	s3 =	sand.u32 $0x380, s3;
	s4 =	sor.u32 s2, s9  }
0x275: {  	s13 =	sor.u32 s3, s13;
	v14 =	vld [tilespmem:s4+$0xA00]  }
0x276: {  	v15 =	vld [tilespmem:s13+$0x8A00];
	_ =	sdelay $0x4  }
0x277: {  	v14 =	vadd.f32 v14, v15;
	_ =	sdelay $0x1  }
0x278: {  	[tilespmem:s13+$0x8A00] =	vst v14;
	v14 =	vld [tilespmem:s13+$0x8A10]  }
0x279: {  	v15 =	vld [tilespmem:s4+$0xA10];
	_ =	sdelay $0x4  }
0x27a: {  	v14 =	vadd.f32 v15, v14;
	_ =	sdelay $0x1  }
0x27b: {  	[tilespmem:s13+$0x8A10] =	vst v14;
	v14 =	vld [tilespmem:s13+$0x8A20]  }
0x27c: {  	v15 =	vld [tilespmem:s4+$0xA20];
	_ =	sdelay $0x4  }
0x27d: {  	v14 =	vadd.f32 v15, v14;
	_ =	sdelay $0x1  }
0x27e: {  	[tilespmem:s13+$0x8A20] =	vst v14;
	v14 =	vld [tilespmem:s13+$0x8A30]  }
0x27f: {  	v15 =	vld [tilespmem:s4+$0xA30];
	_ =	sdelay $0x4  }
0x280: {  	v14 =	vadd.f32 v15, v14;
	_ =	sdelay $0x1  }
0x281: {  	[tilespmem:s13+$0x8A30] =	vst v14;
	v14 =	vld [tilespmem:s13+$0x8A40]  }
0x282: {  	v15 =	vld [tilespmem:s4+$0xA40];
	_ =	sdelay $0x4  }
0x283: {  	v14 =	vadd.f32 v15, v14;
	_ =	sdelay $0x1  }
0x284: {  	[tilespmem:s13+$0x8A40] =	vst v14;
	v14 =	vld [tilespmem:s13+$0x8A50]  }
0x285: {  	v15 =	vld [tilespmem:s4+$0xA50];
	_ =	sdelay $0x4  }
0x286: {  	v14 =	vadd.f32 v15, v14;
	_ =	sdelay $0x1  }
0x287: {  	[tilespmem:s13+$0x8A50] =	vst v14;
	v14 =	vld [tilespmem:s13+$0x8A60]  }
0x288: {  	v15 =	vld [tilespmem:s4+$0xA60];
	_ =	sdelay $0x4  }
0x289: {  	v14 =	vadd.f32 v15, v14;
	_ =	sdelay $0x1  }
0x28a: {  	[tilespmem:s13+$0x8A60] =	vst v14;
	v14 =	vld [tilespmem:s13+$0x8A70]  }
0x28b: {  	v15 =	vld [tilespmem:s4+$0xA70];
	_ =	sdelay $0x4  }
0x28c: {  	v14 =	vadd.f32 v15, v14;
	_ =	sdelay $0x1  }
0x28d: {  	[tilespmem:s13+$0x8A70] =	vst v14;
	v14 =	vld [tilespmem:s13+$0x8E00]  }
0x28e: {  	v15 =	vld [tilespmem:s4+$0xE00];
	_ =	sdelay $0x4  }
0x28f: {  	v14 =	vadd.f32 v15, v14;
	_ =	sdelay $0x1  }
0x290: {  	[tilespmem:s13+$0x8E00] =	vst v14;
	v14 =	vld [tilespmem:s13+$0x8E10]  }
0x291: {  	v15 =	vld [tilespmem:s4+$0xE10];
	_ =	sdelay $0x4  }
0x292: {  	v14 =	vadd.f32 v15, v14;
	_ =	sdelay $0x1  }
0x293: {  	[tilespmem:s13+$0x8E10] =	vst v14;
	v14 =	vld [tilespmem:s13+$0x8E20]  }
0x294: {  	v15 =	vld [tilespmem:s4+$0xE20];
	_ =	sdelay $0x4  }
0x295: {  	v14 =	vadd.f32 v15, v14;
	_ =	sdelay $0x1  }
0x296: {  	[tilespmem:s13+$0x8E20] =	vst v14;
	v14 =	vld [tilespmem:s13+$0x8E30]  }
0x297: {  	v15 =	vld [tilespmem:s4+$0xE30];
	_ =	sdelay $0x4  }
0x298: {  	v14 =	vadd.f32 v15, v14;
	_ =	sdelay $0x1  }
0x299: {  	[tilespmem:s13+$0x8E30] =	vst v14;
	v14 =	vld [tilespmem:s13+$0x8E40]  }
0x29a: {  	v15 =	vld [tilespmem:s4+$0xE40];
	_ =	sdelay $0x4  }
0x29b: {  	v14 =	vadd.f32 v15, v14;
	_ =	sdelay $0x1  }
0x29c: {  	[tilespmem:s13+$0x8E40] =	vst v14;
	v14 =	vld [tilespmem:s13+$0x8E50]  }
0x29d: {  	v15 =	vld [tilespmem:s4+$0xE50];
	_ =	sdelay $0x4  }
0x29e: {  	v14 =	vadd.f32 v15, v14;
	_ =	sdelay $0x1  }
0x29f: {  	[tilespmem:s13+$0x8E50] =	vst v14;
	v14 =	vld [tilespmem:s13+$0x8E60]  }
0x2a0: {  	v15 =	vld [tilespmem:s4+$0xE60];
	_ =	sdelay $0x4  }
0x2a1: {  	v14 =	vadd.f32 v15, v14;
	_ =	sdelay $0x1  }
0x2a2: {  	[tilespmem:s13+$0x8E60] =	vst v14;
	v14 =	vld [tilespmem:s13+$0x8E70]  }
0x2a3: {  	v15 =	vld [tilespmem:s4+$0xE70]  }
.Ltmp20:
0x2a4: {  	(pc) =	sbr.rel @!p0 .LBB2_24-.Ltmp20, $2  }
0x2a5: {  	_ =	sdelay $0x2  }
0x2a6: {  	v14 =	vadd.f32 v15, v14  }
.Ltmp21:
0x2a7: {  	_ = 	snop;
	(pc) =	sbr.rel .LBB2_25-.Ltmp21, $1  }
0x2a8: {  	_ =	sdelay $0x3  }
.LBB2_22:
0x2a9: {  	_ =	sfence.sel $0x180000  }
0x2aa: {  	[bflag:$0x0] =	sbarrier.arrive $0xFFFF  }
0x2ab: {  	_ =	strace $0x9000004A  }
0x2ac: {  	s0 =	stileid.u32;
	[bflag:$0x2] =	sbarrier.arrive $0xFFFF  }
0x2ad: {  	p0 =	sne.s32 s0, $0x0;
	s0 =	rddreg [dreg:$0x3]  }
0x2ae: {  	s0 =	sadd.s32 @!p0 $0x100000, s0  }
0x2af: {  	[sflag:s0] =	ssyncadd.tile.s32 @!p0 $0x1;
	_ =	shalt  }
.Lfunc_end2:
_tile_overlayer_lowered:
.L_overlay_start_2:
0x2b0: {  	(tag) =	ssettag $0x2  }
0x2b1: {  	s0 =	rddreg [dreg:$0x0];
	s2 =	stileid.u32  }
0x2b2: {  	s1 =	rddreg [dreg:$0x1];
	p0 =	sne.s32 s2, $0x0  }
0x2b3: {  	s3 =	rddreg [dreg:$0x2];
	[bflag:$0x3] =	sbarrier.arrive $0xFFFF;
	s2 =	simm.s32 @!p0 $0x1C02  }
0x2b4: {  	[timem:s3], [sflag:s2] =	dma.local @!p0 [hbm:s0], s1  }
0x2b5: {  	s0 =	simm.s32 @!p0 $0x2  }
0x2b6: {  	_ =	swait.ge @!p0 [sflag:s0], s1  }
0x2b7: {  	s1 =	ssub.s32 @!p0 $0x0, s1;
	[sflag:s0] =	ssyncset.done @!p0 $0x0  }
0x2b8: {  	[sflag:s0] =	ssyncadd.s32 @!p0 s1  }
0x2b9: {  	[bflag:$0x3] =	sbarrier.arrive $0xFFFF  }
0x2ba: {  	_ =	shalt  }

</sc_bundles>
